<compile_context>
chip_gen: v7x
topology: tpu7x:2x2x1
jax: 0.10.2.dev20260603
libtpu: 0.0.44.dev20260713+nightly
codegen_flags: <defaults>
</compile_context>

<pallas_src>
import functools
import math

import jax
import jax.numpy as jnp
from jax import lax
from jax.experimental import pallas as pl
from jax.experimental.pallas import tpu as pltpu
from jax.experimental.pallas import tpu_sc as plsc

EMB_DIM = 64
SCALE = math.sqrt(EMB_DIM)

NUM_CORES = 2
NUM_SUBCORES = 16
NUM_WORKERS = NUM_CORES * NUM_SUBCORES
CHUNK = 128
LANES = 16
NBUF = 4


TBLK = 32768


def _transpose_scale(wt):
    v = wt.shape[1]

    def tbody(in_ref, out_ref):
        out_ref[...] = in_ref[...].T * SCALE

    return pl.pallas_call(
        tbody,
        grid=(pl.cdiv(v, TBLK),),
        in_specs=[pl.BlockSpec((EMB_DIM, TBLK), lambda i: (0, i))],
        out_specs=pl.BlockSpec((TBLK, EMB_DIM), lambda i: (i, 0)),
        out_shape=jax.ShapeDtypeStruct((v, EMB_DIM), jnp.float32),
    )(wt)


@functools.partial(jax.jit, static_argnames=("n_chunks",))
def _embed(idx, table_p, n_chunks):
    n_per_w = n_chunks * CHUNK
    n_total = NUM_WORKERS * n_per_w

    mesh = plsc.VectorSubcoreMesh(
        core_axis_name="c", subcore_axis_name="s",
        num_cores=NUM_CORES, num_subcores=NUM_SUBCORES,
    )

    @functools.partial(
        pl.kernel,
        out_type=jax.ShapeDtypeStruct((n_total, EMB_DIM), jnp.float32),
        mesh=mesh,
        scratch_types=[
            pltpu.VMEM((n_chunks, CHUNK), jnp.int32),
            pltpu.VMEM((NBUF, CHUNK, EMB_DIM), jnp.float32),
            [pltpu.SemaphoreType.DMA] * NBUF,
            [pltpu.SemaphoreType.DMA] * NBUF,
        ],
    )
    def body(idx_hbm, table_hbm, out_hbm, idx_v, g_v, gsems, osems):
        wid = lax.axis_index("s") * NUM_CORES + lax.axis_index("c")
        base = wid * n_per_w
        pltpu.sync_copy(idx_hbm.at[wid], idx_v)

        def fire_gather(t, bb):
            def grp_dma(g, carry):
                t16 = idx_v[t, pl.ds(g * LANES, LANES)]
                for i in range(LANES):
                    pltpu.async_copy(
                        table_hbm.at[t16[i]],
                        g_v.at[bb, g * LANES + i], gsems[bb])
                return carry
            lax.fori_loop(0, CHUNK // LANES, grp_dma, 0)

        for u in range(NBUF - 1):
            fire_gather(u, u)

        def chunk_step(t, carry):
            b = lax.rem(t, NBUF)

            def per_buf(bb):
                pltpu.make_async_copy(
                    table_hbm.at[pl.ds(0, CHUNK)], g_v.at[bb],
                    gsems[bb]).wait()

                pltpu.async_copy(
                    g_v.at[bb],
                    out_hbm.at[pl.ds(base + t * CHUNK, CHUNK)], osems[bb])

                @pl.when(t + NBUF - 1 < n_chunks)
                def _():
                    bp = (bb - 1) % NBUF

                    @pl.when(t >= 1)
                    def _():
                        pltpu.make_async_copy(
                            g_v.at[bp],
                            out_hbm.at[
                                pl.ds(base + (t - 1) * CHUNK, CHUNK)],
                            osems[bp]).wait()
                    fire_gather(t + NBUF - 1, bp)

            for bb in range(NBUF):
                @pl.when(b == bb)
                def _(bb=bb):
                    per_buf(bb)
            return carry

        lax.fori_loop(0, n_chunks, chunk_step, 0)

        for k in range(NBUF):
            u = n_chunks - NBUF + k
            bu = u % NBUF
            pltpu.make_async_copy(
                g_v.at[bu],
                out_hbm.at[pl.ds(base + u * CHUNK, CHUNK)],
                osems[bu]).wait()

    return body(idx, table_p)


def kernel(tokens, embedding_weight):
    b, s = tokens.shape
    n = b * s
    assert n % (NUM_WORKERS * CHUNK) == 0
    n_chunks = n // (NUM_WORKERS * CHUNK)
    assert n_chunks >= NBUF
    idx = tokens.reshape(NUM_WORKERS, n_chunks, CHUNK).astype(jnp.int32)
    table_p = _transpose_scale(embedding_weight.T)
    out = _embed(idx, table_p, n_chunks)
    return out.reshape(b, s, EMB_DIM)

# --- scband reference (transcript-rebuilt; emitter-appended) ---
"""Pipeline reference for scband-token-embedder-22832046146359 (READ-ONLY COPY).

The authoritative reference and input builder live on the scoring server;
editing this copy changes nothing except your own understanding.
"""

import math
import jax, jax.numpy as jnp
import numpy as np

VOCAB_SIZE = 1000000
EMB_DIM = 64

def setup_inputs(seed: int = 0) -> dict:
    key = jax.random.key(seed)
    k_tok, k_emb = jax.random.split(key)
    tokens = jax.random.randint(k_tok, (4096, 200), 0, VOCAB_SIZE, dtype=jnp.int64 if jax.config.jax_enable_x64 else jnp.int32)
    embedding_weight = jax.random.normal(k_emb, (VOCAB_SIZE, EMB_DIM), dtype=jnp.float32)
    return {"tokens": tokens, "embedding_weight": embedding_weight}

def reference(tokens, embedding_weight):
    # Out = embedding(tokens) * sqrt(emb_dim)
    emb = jnp.take(embedding_weight, tokens, axis=0)
    return emb * math.sqrt(EMB_DIM)

if __name__ == "__main__":
    import jax
    _d = setup_inputs()
    print(jax.jit(kernel)(*tuple(_d.values())))

</pallas_src>

<mosaic_0001>
#map = affine_map<(d0, d1) -> (0, 0, 0)>
#map1 = affine_map<(d0, d1) -> (0, 0)>
module attributes {stable_mosaic.version = 14 : i64} {
  func.func @body(%arg0: i32, %arg1: i32, %arg2: memref<32x200x128xi32, #tpu.memory_space<hbm>>, %arg3: memref<1000000x64xf32, #tpu.memory_space<hbm>>, %arg4: memref<819200x64xf32, #tpu.memory_space<hbm>>, %arg5: memref<200x128xi32, #tpu.memory_space<vmem>>, %arg6: memref<4x128x64xf32, #tpu.memory_space<vmem>>, %arg7: memref<!tpu.dma_semaphore, #tpu.memory_space<semaphore_mem>>, %arg8: memref<!tpu.dma_semaphore, #tpu.memory_space<semaphore_mem>>, %arg9: memref<!tpu.dma_semaphore, #tpu.memory_space<semaphore_mem>>, %arg10: memref<!tpu.dma_semaphore, #tpu.memory_space<semaphore_mem>>, %arg11: memref<!tpu.dma_semaphore, #tpu.memory_space<semaphore_mem>>, %arg12: memref<!tpu.dma_semaphore, #tpu.memory_space<semaphore_mem>>, %arg13: memref<!tpu.dma_semaphore, #tpu.memory_space<semaphore_mem>>, %arg14: memref<!tpu.dma_semaphore, #tpu.memory_space<semaphore_mem>>) attributes {dimension_semantics = [#tpu.dimension_semantics<core_parallel>, #tpu.dimension_semantics<subcore_parallel>], iteration_bounds = array<i64: 2, 16>, scalar_prefetch = 0 : i64, scratch_operands = 10 : i64, tpu.core_type = #tpu.core_type<sc_vector_subcore>, window_params = [{transform_indices = #map}, {transform_indices = #map1}, {transform_indices = #map1}]} {
    %mul3A = arith.constant 2 : i32
    %mul3A_0 = arith.muli %arg1, %mul3A : i32
    %add3A = arith.addi %mul3A_0, %arg0 : i32
    %mul3A_1 = arith.constant 25600 : i32
    %mul3A_2 = arith.muli %add3A, %mul3A_1 : i32
    "tpu.region"() ({
      %run_scoped3A = tpu.sem_alloc : memref<!tpu.dma_semaphore, #tpu.memory_space<semaphore_mem>>
      %dma_start3A = arith.constant 0 : i32
      %dma_start3A_85 = arith.constant 0 : i32
      %dma_start3A_86 = tpu.memref_slice %arg2[%add3A, %dma_start3A, %dma_start3A_85] : memref<32x200x128xi32, #tpu.memory_space<hbm>> -> memref<1x200x128xi32, #tpu.memory_space<hbm>>
      %dma_start3A_87 = tpu.memref_squeeze %dma_start3A_86 : memref<1x200x128xi32, #tpu.memory_space<hbm>> -> memref<200x128xi32, #tpu.memory_space<hbm>>
      %dma_start3A_88 = arith.constant 0 : i32
      %dma_start3A_89 = arith.constant 0 : i32
      %dma_start3A_90 = tpu.memref_slice %arg2[%add3A, %dma_start3A_88, %dma_start3A_89] : memref<32x200x128xi32, #tpu.memory_space<hbm>> -> memref<1x200x128xi32, #tpu.memory_space<hbm>>
      %dma_start3A_91 = tpu.memref_squeeze %dma_start3A_90 : memref<1x200x128xi32, #tpu.memory_space<hbm>> -> memref<200x128xi32, #tpu.memory_space<hbm>>
      tpu.enqueue_dma source(%dma_start3A_91 : memref<200x128xi32, #tpu.memory_space<hbm>>) target(%arg5 : memref<200x128xi32, #tpu.memory_space<vmem>>) target_semaphore(%run_scoped3A : memref<!tpu.dma_semaphore, #tpu.memory_space<semaphore_mem>>)
      %dma_wait3A_92 = arith.constant 0 : i32
      %dma_wait3A_93 = arith.constant 0 : i32
      %dma_wait3A_94 = tpu.memref_slice %arg2[%add3A, %dma_wait3A_92, %dma_wait3A_93] : memref<32x200x128xi32, #tpu.memory_space<hbm>> -> memref<1x200x128xi32, #tpu.memory_space<hbm>>
      %dma_wait3A_95 = tpu.memref_squeeze %dma_wait3A_94 : memref<1x200x128xi32, #tpu.memory_space<hbm>> -> memref<200x128xi32, #tpu.memory_space<hbm>>
      %dma_wait3A_96 = arith.constant 0 : i32
      %dma_wait3A_97 = arith.constant 0 : i32
      %dma_wait3A_98 = tpu.memref_slice %arg2[%add3A, %dma_wait3A_96, %dma_wait3A_97] : memref<32x200x128xi32, #tpu.memory_space<hbm>> -> memref<1x200x128xi32, #tpu.memory_space<hbm>>
      %dma_wait3A_99 = tpu.memref_squeeze %dma_wait3A_98 : memref<1x200x128xi32, #tpu.memory_space<hbm>> -> memref<200x128xi32, #tpu.memory_space<hbm>>
      tpu.wait_dma2 semaphore(%run_scoped3A : memref<!tpu.dma_semaphore, #tpu.memory_space<semaphore_mem>>) src(%dma_wait3A_99 : memref<200x128xi32, #tpu.memory_space<hbm>>) dst(%arg5 : memref<200x128xi32, #tpu.memory_space<vmem>>)
      tpu.yield
    }) : () -> ()
    %scan3A = arith.constant 0 : i32
    %scan3A_3 = arith.constant 0 : i32
    %scan3A_4 = arith.constant 8 : i32
    %scan3A_5 = arith.addi %scan3A_3, %scan3A_4 : i32
    %scan3A_6 = arith.constant 1 : i32
    scf.for %scan3A_85 = %scan3A_3 to %scan3A_5 step %scan3A_6  : i32 {
      %mul3A_86 = arith.constant 16 : i32
      %mul3A_87 = arith.muli %scan3A_85, %mul3A_86 : i32
      %get3A = arith.constant 0 : i32
      %get3A_88 = arith.index_cast %get3A : i32 to index
      %get3A_89 = arith.index_cast %mul3A_87 : i32 to index
      %get3A_90 = tpu.vector_load %arg5[%get3A_88, %get3A_89] {strides = array<i32>} : memref<200x128xi32, #tpu.memory_space<vmem>>, vector<1x16xi32>,
      %get3A_91 = vector.shape_cast %get3A_90 : vector<1x16xi32> to vector<16xi32>
      %slice3A = vector.extract_strided_slice %get3A_91 {offsets = [0], sizes = [1], strides = [1]} : vector<16xi32> to vector<1xi32>
      %squeeze3A = vector.extract %slice3A[0] : i32 from vector<1xi32>
      %mul3A_92 = arith.constant 16 : i32
      %mul3A_93 = arith.muli %scan3A_85, %mul3A_92 : i32
      %add3A_94 = arith.constant 0 : i32
      %add3A_95 = arith.addi %mul3A_93, %add3A_94 : i32
      %dma_start3A = arith.constant 0 : i32
      %dma_start3A_96 = arith.constant 0 : i32
      %dma_start3A_97 = tpu.memref_slice %arg6[%dma_start3A, %add3A_95, %dma_start3A_96] : memref<4x128x64xf32, #tpu.memory_space<vmem>> -> memref<1x1x64xf32, #tpu.memory_space<vmem>>
      %dma_start3A_98 = tpu.memref_squeeze %dma_start3A_97 : memref<1x1x64xf32, #tpu.memory_space<vmem>> -> memref<64xf32, #tpu.memory_space<vmem>>
      %dma_start3A_99 = arith.constant 0 : i32
      %dma_start3A_100 = tpu.memref_slice %arg3[%squeeze3A, %dma_start3A_99] : memref<1000000x64xf32, #tpu.memory_space<hbm>> -> memref<1x64xf32, #tpu.memory_space<hbm>>
      %dma_start3A_101 = tpu.memref_squeeze %dma_start3A_100 : memref<1x64xf32, #tpu.memory_space<hbm>> -> memref<64xf32, #tpu.memory_space<hbm>>
      %dma_start3A_102 = arith.constant 0 : i32
      %dma_start3A_103 = tpu.memref_slice %arg6[%dma_start3A, %add3A_95, %dma_start3A_102] : memref<4x128x64xf32, #tpu.memory_space<vmem>> -> memref<1x1x64xf32, #tpu.memory_space<vmem>>
      %dma_start3A_104 = tpu.memref_squeeze %dma_start3A_103 : memref<1x1x64xf32, #tpu.memory_space<vmem>> -> memref<64xf32, #tpu.memory_space<vmem>>
      %dma_start3A_105 = arith.constant 0 : i32
      %dma_start3A_106 = tpu.memref_slice %arg3[%squeeze3A, %dma_start3A_105] : memref<1000000x64xf32, #tpu.memory_space<hbm>> -> memref<1x64xf32, #tpu.memory_space<hbm>>
      %dma_start3A_107 = tpu.memref_squeeze %dma_start3A_106 : memref<1x64xf32, #tpu.memory_space<hbm>> -> memref<64xf32, #tpu.memory_space<hbm>>
      tpu.enqueue_dma source(%dma_start3A_107 : memref<64xf32, #tpu.memory_space<hbm>>) target(%dma_start3A_104 : memref<64xf32, #tpu.memory_space<vmem>>) target_semaphore(%arg7 : memref<!tpu.dma_semaphore, #tpu.memory_space<semaphore_mem>>)
      %slice3A_108 = vector.extract_strided_slice %get3A_91 {offsets = [1], sizes = [1], strides = [1]} : vector<16xi32> to vector<1xi32>
      %squeeze3A_109 = vector.extract %slice3A_108[0] : i32 from vector<1xi32>
      %mul3A_110 = arith.constant 16 : i32
      %mul3A_111 = arith.muli %scan3A_85, %mul3A_110 : i32
      %add3A_112 = arith.constant 1 : i32
      %add3A_113 = arith.addi %mul3A_111, %add3A_112 : i32
      %dma_start3A_114 = arith.constant 0 : i32
      %dma_start3A_115 = arith.constant 0 : i32
      %dma_start3A_116 = tpu.memref_slice %arg6[%dma_start3A_114, %add3A_113, %dma_start3A_115] : memref<4x128x64xf32, #tpu.memory_space<vmem>> -> memref<1x1x64xf32, #tpu.memory_space<vmem>>
      %dma_start3A_117 = tpu.memref_squeeze %dma_start3A_116 : memref<1x1x64xf32, #tpu.memory_space<vmem>> -> memref<64xf32, #tpu.memory_space<vmem>>
      %dma_start3A_118 = arith.constant 0 : i32
      %dma_start3A_119 = tpu.memref_slice %arg3[%squeeze3A_109, %dma_start3A_118] : memref<1000000x64xf32, #tpu.memory_space<hbm>> -> memref<1x64xf32, #tpu.memory_space<hbm>>
      %dma_start3A_120 = tpu.memref_squeeze %dma_start3A_119 : memref<1x64xf32, #tpu.memory_space<hbm>> -> memref<64xf32, #tpu.memory_space<hbm>>
      %dma_start3A_121 = arith.constant 0 : i32
      %dma_start3A_122 = tpu.memref_slice %arg6[%dma_start3A_114, %add3A_113, %dma_start3A_121] : memref<4x128x64xf32, #tpu.memory_space<vmem>> -> memref<1x1x64xf32, #tpu.memory_space<vmem>>
      %dma_start3A_123 = tpu.memref_squeeze %dma_start3A_122 : memref<1x1x64xf32, #tpu.memory_space<vmem>> -> memref<64xf32, #tpu.memory_space<vmem>>
      %dma_start3A_124 = arith.constant 0 : i32
      %dma_start3A_125 = tpu.memref_slice %arg3[%squeeze3A_109, %dma_start3A_124] : memref<1000000x64xf32, #tpu.memory_space<hbm>> -> memref<1x64xf32, #tpu.memory_space<hbm>>
      %dma_start3A_126 = tpu.memref_squeeze %dma_start3A_125 : memref<1x64xf32, #tpu.memory_space<hbm>> -> memref<64xf32, #tpu.memory_space<hbm>>
      tpu.enqueue_dma source(%dma_start3A_126 : memref<64xf32, #tpu.memory_space<hbm>>) target(%dma_start3A_123 : memref<64xf32, #tpu.memory_space<vmem>>) target_semaphore(%arg7 : memref<!tpu.dma_semaphore, #tpu.memory_space<semaphore_mem>>)
      %slice3A_127 = vector.extract_strided_slice %get3A_91 {offsets = [2], sizes = [1], strides = [1]} : vector<16xi32> to vector<1xi32>
      %squeeze3A_128 = vector.extract %slice3A_127[0] : i32 from vector<1xi32>
      %mul3A_129 = arith.constant 16 : i32
      %mul3A_130 = arith.muli %scan3A_85, %mul3A_129 : i32
      %add3A_131 = arith.constant 2 : i32
      %add3A_132 = arith.addi %mul3A_130, %add3A_131 : i32
      %dma_start3A_133 = arith.constant 0 : i32
      %dma_start3A_134 = arith.constant 0 : i32
      %dma_start3A_135 = tpu.memref_slice %arg6[%dma_start3A_133, %add3A_132, %dma_start3A_134] : memref<4x128x64xf32, #tpu.memory_space<vmem>> -> memref<1x1x64xf32, #tpu.memory_space<vmem>>
      %dma_start3A_136 = tpu.memref_squeeze %dma_start3A_135 : memref<1x1x64xf32, #tpu.memory_space<vmem>> -> memref<64xf32, #tpu.memory_space<vmem>>
      %dma_start3A_137 = arith.constant 0 : i32
      %dma_start3A_138 = tpu.memref_slice %arg3[%squeeze3A_128, %dma_start3A_137] : memref<1000000x64xf32, #tpu.memory_space<hbm>> -> memref<1x64xf32, #tpu.memory_space<hbm>>
      %dma_start3A_139 = tpu.memref_squeeze %dma_start3A_138 : memref<1x64xf32, #tpu.memory_space<hbm>> -> memref<64xf32, #tpu.memory_space<hbm>>
      %dma_start3A_140 = arith.constant 0 : i32
      %dma_start3A_141 = tpu.memref_slice %arg6[%dma_start3A_133, %add3A_132, %dma_start3A_140] : memref<4x128x64xf32, #tpu.memory_space<vmem>> -> memref<1x1x64xf32, #tpu.memory_space<vmem>>
      %dma_start3A_142 = tpu.memref_squeeze %dma_start3A_141 : memref<1x1x64xf32, #tpu.memory_space<vmem>> -> memref<64xf32, #tpu.memory_space<vmem>>
      %dma_start3A_143 = arith.constant 0 : i32
      %dma_start3A_144 = tpu.memref_slice %arg3[%squeeze3A_128, %dma_start3A_143] : memref<1000000x64xf32, #tpu.memory_space<hbm>> -> memref<1x64xf32, #tpu.memory_space<hbm>>
      %dma_start3A_145 = tpu.memref_squeeze %dma_start3A_144 : memref<1x64xf32, #tpu.memory_space<hbm>> -> memref<64xf32, #tpu.memory_space<hbm>>
      tpu.enqueue_dma source(%dma_start3A_145 : memref<64xf32, #tpu.memory_space<hbm>>) target(%dma_start3A_142 : memref<64xf32, #tpu.memory_space<vmem>>) target_semaphore(%arg7 : memref<!tpu.dma_semaphore, #tpu.memory_space<semaphore_mem>>)
      %slice3A_146 = vector.extract_strided_slice %get3A_91 {offsets = [3], sizes = [1], strides = [1]} : vector<16xi32> to vector<1xi32>
      %squeeze3A_147 = vector.extract %slice3A_146[0] : i32 from vector<1xi32>
      %mul3A_148 = arith.constant 16 : i32
      %mul3A_149 = arith.muli %scan3A_85, %mul3A_148 : i32
      %add3A_150 = arith.constant 3 : i32
      %add3A_151 = arith.addi %mul3A_149, %add3A_150 : i32
      %dma_start3A_152 = arith.constant 0 : i32
      %dma_start3A_153 = arith.constant 0 : i32
      %dma_start3A_154 = tpu.memref_slice %arg6[%dma_start3A_152, %add3A_151, %dma_start3A_153] : memref<4x128x64xf32, #tpu.memory_space<vmem>> -> memref<1x1x64xf32, #tpu.memory_space<vmem>>
      %dma_start3A_155 = tpu.memref_squeeze %dma_start3A_154 : memref<1x1x64xf32, #tpu.memory_space<vmem>> -> memref<64xf32, #tpu.memory_space<vmem>>
      %dma_start3A_156 = arith.constant 0 : i32
      %dma_start3A_157 = tpu.memref_slice %arg3[%squeeze3A_147, %dma_start3A_156] : memref<1000000x64xf32, #tpu.memory_space<hbm>> -> memref<1x64xf32, #tpu.memory_space<hbm>>
      %dma_start3A_158 = tpu.memref_squeeze %dma_start3A_157 : memref<1x64xf32, #tpu.memory_space<hbm>> -> memref<64xf32, #tpu.memory_space<hbm>>
      %dma_start3A_159 = arith.constant 0 : i32
      %dma_start3A_160 = tpu.memref_slice %arg6[%dma_start3A_152, %add3A_151, %dma_start3A_159] : memref<4x128x64xf32, #tpu.memory_space<vmem>> -> memref<1x1x64xf32, #tpu.memory_space<vmem>>
      %dma_start3A_161 = tpu.memref_squeeze %dma_start3A_160 : memref<1x1x64xf32, #tpu.memory_space<vmem>> -> memref<64xf32, #tpu.memory_space<vmem>>
      %dma_start3A_162 = arith.constant 0 : i32
      %dma_start3A_163 = tpu.memref_slice %arg3[%squeeze3A_147, %dma_start3A_162] : memref<1000000x64xf32, #tpu.memory_space<hbm>> -> memref<1x64xf32, #tpu.memory_space<hbm>>
      %dma_start3A_164 = tpu.memref_squeeze %dma_start3A_163 : memref<1x64xf32, #tpu.memory_space<hbm>> -> memref<64xf32, #tpu.memory_space<hbm>>
      tpu.enqueue_dma source(%dma_start3A_164 : memref<64xf32, #tpu.memory_space<hbm>>) target(%dma_start3A_161 : memref<64xf32, #tpu.memory_space<vmem>>) target_semaphore(%arg7 : memref<!tpu.dma_semaphore, #tpu.memory_space<semaphore_mem>>)
      %slice3A_165 = vector.extract_strided_slice %get3A_91 {offsets = [4], sizes = [1], strides = [1]} : vector<16xi32> to vector<1xi32>
      %squeeze3A_166 = vector.extract %slice3A_165[0] : i32 from vector<1xi32>
      %mul3A_167 = arith.constant 16 : i32
      %mul3A_168 = arith.muli %scan3A_85, %mul3A_167 : i32
      %add3A_169 = arith.constant 4 : i32
      %add3A_170 = arith.addi %mul3A_168, %add3A_169 : i32
      %dma_start3A_171 = arith.constant 0 : i32
      %dma_start3A_172 = arith.constant 0 : i32
      %dma_start3A_173 = tpu.memref_slice %arg6[%dma_start3A_171, %add3A_170, %dma_start3A_172] : memref<4x128x64xf32, #tpu.memory_space<vmem>> -> memref<1x1x64xf32, #tpu.memory_space<vmem>>
      %dma_start3A_174 = tpu.memref_squeeze %dma_start3A_173 : memref<1x1x64xf32, #tpu.memory_space<vmem>> -> memref<64xf32, #tpu.memory_space<vmem>>
      %dma_start3A_175 = arith.constant 0 : i32
      %dma_start3A_176 = tpu.memref_slice %arg3[%squeeze3A_166, %dma_start3A_175] : memref<1000000x64xf32, #tpu.memory_space<hbm>> -> memref<1x64xf32, #tpu.memory_space<hbm>>
      %dma_start3A_177 = tpu.memref_squeeze %dma_start3A_176 : memref<1x64xf32, #tpu.memory_space<hbm>> -> memref<64xf32, #tpu.memory_space<hbm>>
      %dma_start3A_178 = arith.constant 0 : i32
      %dma_start3A_179 = tpu.memref_slice %arg6[%dma_start3A_171, %add3A_170, %dma_start3A_178] : memref<4x128x64xf32, #tpu.memory_space<vmem>> -> memref<1x1x64xf32, #tpu.memory_space<vmem>>
      %dma_start3A_180 = tpu.memref_squeeze %dma_start3A_179 : memref<1x1x64xf32, #tpu.memory_space<vmem>> -> memref<64xf32, #tpu.memory_space<vmem>>
      %dma_start3A_181 = arith.constant 0 : i32
      %dma_start3A_182 = tpu.memref_slice %arg3[%squeeze3A_166, %dma_start3A_181] : memref<1000000x64xf32, #tpu.memory_space<hbm>> -> memref<1x64xf32, #tpu.memory_space<hbm>>
      %dma_start3A_183 = tpu.memref_squeeze %dma_start3A_182 : memref<1x64xf32, #tpu.memory_space<hbm>> -> memref<64xf32, #tpu.memory_space<hbm>>
      tpu.enqueue_dma source(%dma_start3A_183 : memref<64xf32, #tpu.memory_space<hbm>>) target(%dma_start3A_180 : memref<64xf32, #tpu.memory_space<vmem>>) target_semaphore(%arg7 : memref<!tpu.dma_semaphore, #tpu.memory_space<semaphore_mem>>)
      %slice3A_184 = vector.extract_strided_slice %get3A_91 {offsets = [5], sizes = [1], strides = [1]} : vector<16xi32> to vector<1xi32>
      %squeeze3A_185 = vector.extract %slice3A_184[0] : i32 from vector<1xi32>
      %mul3A_186 = arith.constant 16 : i32
      %mul3A_187 = arith.muli %scan3A_85, %mul3A_186 : i32
      %add3A_188 = arith.constant 5 : i32
      %add3A_189 = arith.addi %mul3A_187, %add3A_188 : i32
      %dma_start3A_190 = arith.constant 0 : i32
      %dma_start3A_191 = arith.constant 0 : i32
      %dma_start3A_192 = tpu.memref_slice %arg6[%dma_start3A_190, %add3A_189, %dma_start3A_191] : memref<4x128x64xf32, #tpu.memory_space<vmem>> -> memref<1x1x64xf32, #tpu.memory_space<vmem>>
      %dma_start3A_193 = tpu.memref_squeeze %dma_start3A_192 : memref<1x1x64xf32, #tpu.memory_space<vmem>> -> memref<64xf32, #tpu.memory_space<vmem>>
      %dma_start3A_194 = arith.constant 0 : i32
      %dma_start3A_195 = tpu.memref_slice %arg3[%squeeze3A_185, %dma_start3A_194] : memref<1000000x64xf32, #tpu.memory_space<hbm>> -> memref<1x64xf32, #tpu.memory_space<hbm>>
      %dma_start3A_196 = tpu.memref_squeeze %dma_start3A_195 : memref<1x64xf32, #tpu.memory_space<hbm>> -> memref<64xf32, #tpu.memory_space<hbm>>
      %dma_start3A_197 = arith.constant 0 : i32
      %dma_start3A_198 = tpu.memref_slice %arg6[%dma_start3A_190, %add3A_189, %dma_start3A_197] : memref<4x128x64xf32, #tpu.memory_space<vmem>> -> memref<1x1x64xf32, #tpu.memory_space<vmem>>
      %dma_start3A_199 = tpu.memref_squeeze %dma_start3A_198 : memref<1x1x64xf32, #tpu.memory_space<vmem>> -> memref<64xf32, #tpu.memory_space<vmem>>
      %dma_start3A_200 = arith.constant 0 : i32
      %dma_start3A_201 = tpu.memref_slice %arg3[%squeeze3A_185, %dma_start3A_200] : memref<1000000x64xf32, #tpu.memory_space<hbm>> -> memref<1x64xf32, #tpu.memory_space<hbm>>
      %dma_start3A_202 = tpu.memref_squeeze %dma_start3A_201 : memref<1x64xf32, #tpu.memory_space<hbm>> -> memref<64xf32, #tpu.memory_space<hbm>>
      tpu.enqueue_dma source(%dma_start3A_202 : memref<64xf32, #tpu.memory_space<hbm>>) target(%dma_start3A_199 : memref<64xf32, #tpu.memory_space<vmem>>) target_semaphore(%arg7 : memref<!tpu.dma_semaphore, #tpu.memory_space<semaphore_mem>>)
      %slice3A_203 = vector.extract_strided_slice %get3A_91 {offsets = [6], sizes = [1], strides = [1]} : vector<16xi32> to vector<1xi32>
      %squeeze3A_204 = vector.extract %slice3A_203[0] : i32 from vector<1xi32>
      %mul3A_205 = arith.constant 16 : i32
      %mul3A_206 = arith.muli %scan3A_85, %mul3A_205 : i32
      %add3A_207 = arith.constant 6 : i32
      %add3A_208 = arith.addi %mul3A_206, %add3A_207 : i32
      %dma_start3A_209 = arith.constant 0 : i32
      %dma_start3A_210 = arith.constant 0 : i32
      %dma_start3A_211 = tpu.memref_slice %arg6[%dma_start3A_209, %add3A_208, %dma_start3A_210] : memref<4x128x64xf32, #tpu.memory_space<vmem>> -> memref<1x1x64xf32, #tpu.memory_space<vmem>>
      %dma_start3A_212 = tpu.memref_squeeze %dma_start3A_211 : memref<1x1x64xf32, #tpu.memory_space<vmem>> -> memref<64xf32, #tpu.memory_space<vmem>>
      %dma_start3A_213 = arith.constant 0 : i32
      %dma_start3A_214 = tpu.memref_slice %arg3[%squeeze3A_204, %dma_start3A_213] : memref<1000000x64xf32, #tpu.memory_space<hbm>> -> memref<1x64xf32, #tpu.memory_space<hbm>>
      %dma_start3A_215 = tpu.memref_squeeze %dma_start3A_214 : memref<1x64xf32, #tpu.memory_space<hbm>> -> memref<64xf32, #tpu.memory_space<hbm>>
      %dma_start3A_216 = arith.constant 0 : i32
      %dma_start3A_217 = tpu.memref_slice %arg6[%dma_start3A_209, %add3A_208, %dma_start3A_216] : memref<4x128x64xf32, #tpu.memory_space<vmem>> -> memref<1x1x64xf32, #tpu.memory_space<vmem>>
      %dma_start3A_218 = tpu.memref_squeeze %dma_start3A_217 : memref<1x1x64xf32, #tpu.memory_space<vmem>> -> memref<64xf32, #tpu.memory_space<vmem>>
      %dma_start3A_219 = arith.constant 0 : i32
      %dma_start3A_220 = tpu.memref_slice %arg3[%squeeze3A_204, %dma_start3A_219] : memref<1000000x64xf32, #tpu.memory_space<hbm>> -> memref<1x64xf32, #tpu.memory_space<hbm>>
      %dma_start3A_221 = tpu.memref_squeeze %dma_start3A_220 : memref<1x64xf32, #tpu.memory_space<hbm>> -> memref<64xf32, #tpu.memory_space<hbm>>
      tpu.enqueue_dma source(%dma_start3A_221 : memref<64xf32, #tpu.memory_space<hbm>>) target(%dma_start3A_218 : memref<64xf32, #tpu.memory_space<vmem>>) target_semaphore(%arg7 : memref<!tpu.dma_semaphore, #tpu.memory_space<semaphore_mem>>)
      %slice3A_222 = vector.extract_strided_slice %get3A_91 {offsets = [7], sizes = [1], strides = [1]} : vector<16xi32> to vector<1xi32>
      %squeeze3A_223 = vector.extract %slice3A_222[0] : i32 from vector<1xi32>
      %mul3A_224 = arith.constant 16 : i32
      %mul3A_225 = arith.muli %scan3A_85, %mul3A_224 : i32
      %add3A_226 = arith.constant 7 : i32
      %add3A_227 = arith.addi %mul3A_225, %add3A_226 : i32
      %dma_start3A_228 = arith.constant 0 : i32
      %dma_start3A_229 = arith.constant 0 : i32
      %dma_start3A_230 = tpu.memref_slice %arg6[%dma_start3A_228, %add3A_227, %dma_start3A_229] : memref<4x128x64xf32, #tpu.memory_space<vmem>> -> memref<1x1x64xf32, #tpu.memory_space<vmem>>
      %dma_start3A_231 = tpu.memref_squeeze %dma_start3A_230 : memref<1x1x64xf32, #tpu.memory_space<vmem>> -> memref<64xf32, #tpu.memory_space<vmem>>
      %dma_start3A_232 = arith.constant 0 : i32
      %dma_start3A_233 = tpu.memref_slice %arg3[%squeeze3A_223, %dma_start3A_232] : memref<1000000x64xf32, #tpu.memory_space<hbm>> -> memref<1x64xf32, #tpu.memory_space<hbm>>
      %dma_start3A_234 = tpu.memref_squeeze %dma_start3A_233 : memref<1x64xf32, #tpu.memory_space<hbm>> -> memref<64xf32, #tpu.memory_space<hbm>>
      %dma_start3A_235 = arith.constant 0 : i32
      %dma_start3A_236 = tpu.memref_slice %arg6[%dma_start3A_228, %add3A_227, %dma_start3A_235] : memref<4x128x64xf32, #tpu.memory_space<vmem>> -> memref<1x1x64xf32, #tpu.memory_space<vmem>>
      %dma_start3A_237 = tpu.memref_squeeze %dma_start3A_236 : memref<1x1x64xf32, #tpu.memory_space<vmem>> -> memref<64xf32, #tpu.memory_space<vmem>>
      %dma_start3A_238 = arith.constant 0 : i32
      %dma_start3A_239 = tpu.memref_slice %arg3[%squeeze3A_223, %dma_start3A_238] : memref<1000000x64xf32, #tpu.memory_space<hbm>> -> memref<1x64xf32, #tpu.memory_space<hbm>>
      %dma_start3A_240 = tpu.memref_squeeze %dma_start3A_239 : memref<1x64xf32, #tpu.memory_space<hbm>> -> memref<64xf32, #tpu.memory_space<hbm>>
      tpu.enqueue_dma source(%dma_start3A_240 : memref<64xf32, #tpu.memory_space<hbm>>) target(%dma_start3A_237 : memref<64xf32, #tpu.memory_space<vmem>>) target_semaphore(%arg7 : memref<!tpu.dma_semaphore, #tpu.memory_space<semaphore_mem>>)
      %slice3A_241 = vector.extract_strided_slice %get3A_91 {offsets = [8], sizes = [1], strides = [1]} : vector<16xi32> to vector<1xi32>
      %squeeze3A_242 = vector.extract %slice3A_241[0] : i32 from vector<1xi32>
      %mul3A_243 = arith.constant 16 : i32
      %mul3A_244 = arith.muli %scan3A_85, %mul3A_243 : i32
      %add3A_245 = arith.constant 8 : i32
      %add3A_246 = arith.addi %mul3A_244, %add3A_245 : i32
      %dma_start3A_247 = arith.constant 0 : i32
      %dma_start3A_248 = arith.constant 0 : i32
      %dma_start3A_249 = tpu.memref_slice %arg6[%dma_start3A_247, %add3A_246, %dma_start3A_248] : memref<4x128x64xf32, #tpu.memory_space<vmem>> -> memref<1x1x64xf32, #tpu.memory_space<vmem>>
      %dma_start3A_250 = tpu.memref_squeeze %dma_start3A_249 : memref<1x1x64xf32, #tpu.memory_space<vmem>> -> memref<64xf32, #tpu.memory_space<vmem>>
      %dma_start3A_251 = arith.constant 0 : i32
      %dma_start3A_252 = tpu.memref_slice %arg3[%squeeze3A_242, %dma_start3A_251] : memref<1000000x64xf32, #tpu.memory_space<hbm>> -> memref<1x64xf32, #tpu.memory_space<hbm>>
      %dma_start3A_253 = tpu.memref_squeeze %dma_start3A_252 : memref<1x64xf32, #tpu.memory_space<hbm>> -> memref<64xf32, #tpu.memory_space<hbm>>
      %dma_start3A_254 = arith.constant 0 : i32
      %dma_start3A_255 = tpu.memref_slice %arg6[%dma_start3A_247, %add3A_246, %dma_start3A_254] : memref<4x128x64xf32, #tpu.memory_space<vmem>> -> memref<1x1x64xf32, #tpu.memory_space<vmem>>
      %dma_start3A_256 = tpu.memref_squeeze %dma_start3A_255 : memref<1x1x64xf32, #tpu.memory_space<vmem>> -> memref<64xf32, #tpu.memory_space<vmem>>
      %dma_start3A_257 = arith.constant 0 : i32
      %dma_start3A_258 = tpu.memref_slice %arg3[%squeeze3A_242, %dma_start3A_257] : memref<1000000x64xf32, #tpu.memory_space<hbm>> -> memref<1x64xf32, #tpu.memory_space<hbm>>
      %dma_start3A_259 = tpu.memref_squeeze %dma_start3A_258 : memref<1x64xf32, #tpu.memory_space<hbm>> -> memref<64xf32, #tpu.memory_space<hbm>>
      tpu.enqueue_dma source(%dma_start3A_259 : memref<64xf32, #tpu.memory_space<hbm>>) target(%dma_start3A_256 : memref<64xf32, #tpu.memory_space<vmem>>) target_semaphore(%arg7 : memref<!tpu.dma_semaphore, #tpu.memory_space<semaphore_mem>>)
      %slice3A_260 = vector.extract_strided_slice %get3A_91 {offsets = [9], sizes = [1], strides = [1]} : vector<16xi32> to vector<1xi32>
      %squeeze3A_261 = vector.extract %slice3A_260[0] : i32 from vector<1xi32>
      %mul3A_262 = arith.constant 16 : i32
      %mul3A_263 = arith.muli %scan3A_85, %mul3A_262 : i32
      %add3A_264 = arith.constant 9 : i32
      %add3A_265 = arith.addi %mul3A_263, %add3A_264 : i32
      %dma_start3A_266 = arith.constant 0 : i32
      %dma_start3A_267 = arith.constant 0 : i32
      %dma_start3A_268 = tpu.memref_slice %arg6[%dma_start3A_266, %add3A_265, %dma_start3A_267] : memref<4x128x64xf32, #tpu.memory_space<vmem>> -> memref<1x1x64xf32, #tpu.memory_space<vmem>>
      %dma_start3A_269 = tpu.memref_squeeze %dma_start3A_268 : memref<1x1x64xf32, #tpu.memory_space<vmem>> -> memref<64xf32, #tpu.memory_space<vmem>>
      %dma_start3A_270 = arith.constant 0 : i32
      %dma_start3A_271 = tpu.memref_slice %arg3[%squeeze3A_261, %dma_start3A_270] : memref<1000000x64xf32, #tpu.memory_space<hbm>> -> memref<1x64xf32, #tpu.memory_space<hbm>>
      %dma_start3A_272 = tpu.memref_squeeze %dma_start3A_271 : memref<1x64xf32, #tpu.memory_space<hbm>> -> memref<64xf32, #tpu.memory_space<hbm>>
      %dma_start3A_273 = arith.constant 0 : i32
      %dma_start3A_274 = tpu.memref_slice %arg6[%dma_start3A_266, %add3A_265, %dma_start3A_273] : memref<4x128x64xf32, #tpu.memory_space<vmem>> -> memref<1x1x64xf32, #tpu.memory_space<vmem>>
      %dma_start3A_275 = tpu.memref_squeeze %dma_start3A_274 : memref<1x1x64xf32, #tpu.memory_space<vmem>> -> memref<64xf32, #tpu.memory_space<vmem>>
      %dma_start3A_276 = arith.constant 0 : i32
      %dma_start3A_277 = tpu.memref_slice %arg3[%squeeze3A_261, %dma_start3A_276] : memref<1000000x64xf32, #tpu.memory_space<hbm>> -> memref<1x64xf32, #tpu.memory_space<hbm>>
      %dma_start3A_278 = tpu.memref_squeeze %dma_start3A_277 : memref<1x64xf32, #tpu.memory_space<hbm>> -> memref<64xf32, #tpu.memory_space<hbm>>
      tpu.enqueue_dma source(%dma_start3A_278 : memref<64xf32, #tpu.memory_space<hbm>>) target(%dma_start3A_275 : memref<64xf32, #tpu.memory_space<vmem>>) target_semaphore(%arg7 : memref<!tpu.dma_semaphore, #tpu.memory_space<semaphore_mem>>)
      %slice3A_279 = vector.extract_strided_slice %get3A_91 {offsets = [10], sizes = [1], strides = [1]} : vector<16xi32> to vector<1xi32>
      %squeeze3A_280 = vector.extract %slice3A_279[0] : i32 from vector<1xi32>
      %mul3A_281 = arith.constant 16 : i32
      %mul3A_282 = arith.muli %scan3A_85, %mul3A_281 : i32
      %add3A_283 = arith.constant 10 : i32
      %add3A_284 = arith.addi %mul3A_282, %add3A_283 : i32
      %dma_start3A_285 = arith.constant 0 : i32
      %dma_start3A_286 = arith.constant 0 : i32
      %dma_start3A_287 = tpu.memref_slice %arg6[%dma_start3A_285, %add3A_284, %dma_start3A_286] : memref<4x128x64xf32, #tpu.memory_space<vmem>> -> memref<1x1x64xf32, #tpu.memory_space<vmem>>
      %dma_start3A_288 = tpu.memref_squeeze %dma_start3A_287 : memref<1x1x64xf32, #tpu.memory_space<vmem>> -> memref<64xf32, #tpu.memory_space<vmem>>
      %dma_start3A_289 = arith.constant 0 : i32
      %dma_start3A_290 = tpu.memref_slice %arg3[%squeeze3A_280, %dma_start3A_289] : memref<1000000x64xf32, #tpu.memory_space<hbm>> -> memref<1x64xf32, #tpu.memory_space<hbm>>
      %dma_start3A_291 = tpu.memref_squeeze %dma_start3A_290 : memref<1x64xf32, #tpu.memory_space<hbm>> -> memref<64xf32, #tpu.memory_space<hbm>>
      %dma_start3A_292 = arith.constant 0 : i32
      %dma_start3A_293 = tpu.memref_slice %arg6[%dma_start3A_285, %add3A_284, %dma_start3A_292] : memref<4x128x64xf32, #tpu.memory_space<vmem>> -> memref<1x1x64xf32, #tpu.memory_space<vmem>>
      %dma_start3A_294 = tpu.memref_squeeze %dma_start3A_293 : memref<1x1x64xf32, #tpu.memory_space<vmem>> -> memref<64xf32, #tpu.memory_space<vmem>>
      %dma_start3A_295 = arith.constant 0 : i32
      %dma_start3A_296 = tpu.memref_slice %arg3[%squeeze3A_280, %dma_start3A_295] : memref<1000000x64xf32, #tpu.memory_space<hbm>> -> memref<1x64xf32, #tpu.memory_space<hbm>>
      %dma_start3A_297 = tpu.memref_squeeze %dma_start3A_296 : memref<1x64xf32, #tpu.memory_space<hbm>> -> memref<64xf32, #tpu.memory_space<hbm>>
      tpu.enqueue_dma source(%dma_start3A_297 : memref<64xf32, #tpu.memory_space<hbm>>) target(%dma_start3A_294 : memref<64xf32, #tpu.memory_space<vmem>>) target_semaphore(%arg7 : memref<!tpu.dma_semaphore, #tpu.memory_space<semaphore_mem>>)
      %slice3A_298 = vector.extract_strided_slice %get3A_91 {offsets = [11], sizes = [1], strides = [1]} : vector<16xi32> to vector<1xi32>
      %squeeze3A_299 = vector.extract %slice3A_298[0] : i32 from vector<1xi32>
      %mul3A_300 = arith.constant 16 : i32
      %mul3A_301 = arith.muli %scan3A_85, %mul3A_300 : i32
      %add3A_302 = arith.constant 11 : i32
      %add3A_303 = arith.addi %mul3A_301, %add3A_302 : i32
      %dma_start3A_304 = arith.constant 0 : i32
      %dma_start3A_305 = arith.constant 0 : i32
      %dma_start3A_306 = tpu.memref_slice %arg6[%dma_start3A_304, %add3A_303, %dma_start3A_305] : memref<4x128x64xf32, #tpu.memory_space<vmem>> -> memref<1x1x64xf32, #tpu.memory_space<vmem>>
      %dma_start3A_307 = tpu.memref_squeeze %dma_start3A_306 : memref<1x1x64xf32, #tpu.memory_space<vmem>> -> memref<64xf32, #tpu.memory_space<vmem>>
      %dma_start3A_308 = arith.constant 0 : i32
      %dma_start3A_309 = tpu.memref_slice %arg3[%squeeze3A_299, %dma_start3A_308] : memref<1000000x64xf32, #tpu.memory_space<hbm>> -> memref<1x64xf32, #tpu.memory_space<hbm>>
      %dma_start3A_310 = tpu.memref_squeeze %dma_start3A_309 : memref<1x64xf32, #tpu.memory_space<hbm>> -> memref<64xf32, #tpu.memory_space<hbm>>
      %dma_start3A_311 = arith.constant 0 : i32
      %dma_start3A_312 = tpu.memref_slice %arg6[%dma_start3A_304, %add3A_303, %dma_start3A_311] : memref<4x128x64xf32, #tpu.memory_space<vmem>> -> memref<1x1x64xf32, #tpu.memory_space<vmem>>
      %dma_start3A_313 = tpu.memref_squeeze %dma_start3A_312 : memref<1x1x64xf32, #tpu.memory_space<vmem>> -> memref<64xf32, #tpu.memory_space<vmem>>
      %dma_start3A_314 = arith.constant 0 : i32
      %dma_start3A_315 = tpu.memref_slice %arg3[%squeeze3A_299, %dma_start3A_314] : memref<1000000x64xf32, #tpu.memory_space<hbm>> -> memref<1x64xf32, #tpu.memory_space<hbm>>
      %dma_start3A_316 = tpu.memref_squeeze %dma_start3A_315 : memref<1x64xf32, #tpu.memory_space<hbm>> -> memref<64xf32, #tpu.memory_space<hbm>>
      tpu.enqueue_dma source(%dma_start3A_316 : memref<64xf32, #tpu.memory_space<hbm>>) target(%dma_start3A_313 : memref<64xf32, #tpu.memory_space<vmem>>) target_semaphore(%arg7 : memref<!tpu.dma_semaphore, #tpu.memory_space<semaphore_mem>>)
      %slice3A_317 = vector.extract_strided_slice %get3A_91 {offsets = [12], sizes = [1], strides = [1]} : vector<16xi32> to vector<1xi32>
      %squeeze3A_318 = vector.extract %slice3A_317[0] : i32 from vector<1xi32>
      %mul3A_319 = arith.constant 16 : i32
      %mul3A_320 = arith.muli %scan3A_85, %mul3A_319 : i32
      %add3A_321 = arith.constant 12 : i32
      %add3A_322 = arith.addi %mul3A_320, %add3A_321 : i32
      %dma_start3A_323 = arith.constant 0 : i32
      %dma_start3A_324 = arith.constant 0 : i32
      %dma_start3A_325 = tpu.memref_slice %arg6[%dma_start3A_323, %add3A_322, %dma_start3A_324] : memref<4x128x64xf32, #tpu.memory_space<vmem>> -> memref<1x1x64xf32, #tpu.memory_space<vmem>>
      %dma_start3A_326 = tpu.memref_squeeze %dma_start3A_325 : memref<1x1x64xf32, #tpu.memory_space<vmem>> -> memref<64xf32, #tpu.memory_space<vmem>>
      %dma_start3A_327 = arith.constant 0 : i32
      %dma_start3A_328 = tpu.memref_slice %arg3[%squeeze3A_318, %dma_start3A_327] : memref<1000000x64xf32, #tpu.memory_space<hbm>> -> memref<1x64xf32, #tpu.memory_space<hbm>>
      %dma_start3A_329 = tpu.memref_squeeze %dma_start3A_328 : memref<1x64xf32, #tpu.memory_space<hbm>> -> memref<64xf32, #tpu.memory_space<hbm>>
      %dma_start3A_330 = arith.constant 0 : i32
      %dma_start3A_331 = tpu.memref_slice %arg6[%dma_start3A_323, %add3A_322, %dma_start3A_330] : memref<4x128x64xf32, #tpu.memory_space<vmem>> -> memref<1x1x64xf32, #tpu.memory_space<vmem>>
      %dma_start3A_332 = tpu.memref_squeeze %dma_start3A_331 : memref<1x1x64xf32, #tpu.memory_space<vmem>> -> memref<64xf32, #tpu.memory_space<vmem>>
      %dma_start3A_333 = arith.constant 0 : i32
      %dma_start3A_334 = tpu.memref_slice %arg3[%squeeze3A_318, %dma_start3A_333] : memref<1000000x64xf32, #tpu.memory_space<hbm>> -> memref<1x64xf32, #tpu.memory_space<hbm>>
      %dma_start3A_335 = tpu.memref_squeeze %dma_start3A_334 : memref<1x64xf32, #tpu.memory_space<hbm>> -> memref<64xf32, #tpu.memory_space<hbm>>
      tpu.enqueue_dma source(%dma_start3A_335 : memref<64xf32, #tpu.memory_space<hbm>>) target(%dma_start3A_332 : memref<64xf32, #tpu.memory_space<vmem>>) target_semaphore(%arg7 : memref<!tpu.dma_semaphore, #tpu.memory_space<semaphore_mem>>)
      %slice3A_336 = vector.extract_strided_slice %get3A_91 {offsets = [13], sizes = [1], strides = [1]} : vector<16xi32> to vector<1xi32>
      %squeeze3A_337 = vector.extract %slice3A_336[0] : i32 from vector<1xi32>
      %mul3A_338 = arith.constant 16 : i32
      %mul3A_339 = arith.muli %scan3A_85, %mul3A_338 : i32
      %add3A_340 = arith.constant 13 : i32
      %add3A_341 = arith.addi %mul3A_339, %add3A_340 : i32
      %dma_start3A_342 = arith.constant 0 : i32
      %dma_start3A_343 = arith.constant 0 : i32
      %dma_start3A_344 = tpu.memref_slice %arg6[%dma_start3A_342, %add3A_341, %dma_start3A_343] : memref<4x128x64xf32, #tpu.memory_space<vmem>> -> memref<1x1x64xf32, #tpu.memory_space<vmem>>
      %dma_start3A_345 = tpu.memref_squeeze %dma_start3A_344 : memref<1x1x64xf32, #tpu.memory_space<vmem>> -> memref<64xf32, #tpu.memory_space<vmem>>
      %dma_start3A_346 = arith.constant 0 : i32
      %dma_start3A_347 = tpu.memref_slice %arg3[%squeeze3A_337, %dma_start3A_346] : memref<1000000x64xf32, #tpu.memory_space<hbm>> -> memref<1x64xf32, #tpu.memory_space<hbm>>
      %dma_start3A_348 = tpu.memref_squeeze %dma_start3A_347 : memref<1x64xf32, #tpu.memory_space<hbm>> -> memref<64xf32, #tpu.memory_space<hbm>>
      %dma_start3A_349 = arith.constant 0 : i32
      %dma_start3A_350 = tpu.memref_slice %arg6[%dma_start3A_342, %add3A_341, %dma_start3A_349] : memref<4x128x64xf32, #tpu.memory_space<vmem>> -> memref<1x1x64xf32, #tpu.memory_space<vmem>>
      %dma_start3A_351 = tpu.memref_squeeze %dma_start3A_350 : memref<1x1x64xf32, #tpu.memory_space<vmem>> -> memref<64xf32, #tpu.memory_space<vmem>>
      %dma_start3A_352 = arith.constant 0 : i32
      %dma_start3A_353 = tpu.memref_slice %arg3[%squeeze3A_337, %dma_start3A_352] : memref<1000000x64xf32, #tpu.memory_space<hbm>> -> memref<1x64xf32, #tpu.memory_space<hbm>>
      %dma_start3A_354 = tpu.memref_squeeze %dma_start3A_353 : memref<1x64xf32, #tpu.memory_space<hbm>> -> memref<64xf32, #tpu.memory_space<hbm>>
      tpu.enqueue_dma source(%dma_start3A_354 : memref<64xf32, #tpu.memory_space<hbm>>) target(%dma_start3A_351 : memref<64xf32, #tpu.memory_space<vmem>>) target_semaphore(%arg7 : memref<!tpu.dma_semaphore, #tpu.memory_space<semaphore_mem>>)
      %slice3A_355 = vector.extract_strided_slice %get3A_91 {offsets = [14], sizes = [1], strides = [1]} : vector<16xi32> to vector<1xi32>
      %squeeze3A_356 = vector.extract %slice3A_355[0] : i32 from vector<1xi32>
      %mul3A_357 = arith.constant 16 : i32
      %mul3A_358 = arith.muli %scan3A_85, %mul3A_357 : i32
      %add3A_359 = arith.constant 14 : i32
      %add3A_360 = arith.addi %mul3A_358, %add3A_359 : i32
      %dma_start3A_361 = arith.constant 0 : i32
      %dma_start3A_362 = arith.constant 0 : i32
      %dma_start3A_363 = tpu.memref_slice %arg6[%dma_start3A_361, %add3A_360, %dma_start3A_362] : memref<4x128x64xf32, #tpu.memory_space<vmem>> -> memref<1x1x64xf32, #tpu.memory_space<vmem>>
      %dma_start3A_364 = tpu.memref_squeeze %dma_start3A_363 : memref<1x1x64xf32, #tpu.memory_space<vmem>> -> memref<64xf32, #tpu.memory_space<vmem>>
      %dma_start3A_365 = arith.constant 0 : i32
      %dma_start3A_366 = tpu.memref_slice %arg3[%squeeze3A_356, %dma_start3A_365] : memref<1000000x64xf32, #tpu.memory_space<hbm>> -> memref<1x64xf32, #tpu.memory_space<hbm>>
      %dma_start3A_367 = tpu.memref_squeeze %dma_start3A_366 : memref<1x64xf32, #tpu.memory_space<hbm>> -> memref<64xf32, #tpu.memory_space<hbm>>
      %dma_start3A_368 = arith.constant 0 : i32
      %dma_start3A_369 = tpu.memref_slice %arg6[%dma_start3A_361, %add3A_360, %dma_start3A_368] : memref<4x128x64xf32, #tpu.memory_space<vmem>> -> memref<1x1x64xf32, #tpu.memory_space<vmem>>
      %dma_start3A_370 = tpu.memref_squeeze %dma_start3A_369 : memref<1x1x64xf32, #tpu.memory_space<vmem>> -> memref<64xf32, #tpu.memory_space<vmem>>
      %dma_start3A_371 = arith.constant 0 : i32
      %dma_start3A_372 = tpu.memref_slice %arg3[%squeeze3A_356, %dma_start3A_371] : memref<1000000x64xf32, #tpu.memory_space<hbm>> -> memref<1x64xf32, #tpu.memory_space<hbm>>
      %dma_start3A_373 = tpu.memref_squeeze %dma_start3A_372 : memref<1x64xf32, #tpu.memory_space<hbm>> -> memref<64xf32, #tpu.memory_space<hbm>>
      tpu.enqueue_dma source(%dma_start3A_373 : memref<64xf32, #tpu.memory_space<hbm>>) target(%dma_start3A_370 : memref<64xf32, #tpu.memory_space<vmem>>) target_semaphore(%arg7 : memref<!tpu.dma_semaphore, #tpu.memory_space<semaphore_mem>>)
      %slice3A_374 = vector.extract_strided_slice %get3A_91 {offsets = [15], sizes = [1], strides = [1]} : vector<16xi32> to vector<1xi32>
      %squeeze3A_375 = vector.extract %slice3A_374[0] : i32 from vector<1xi32>
      %mul3A_376 = arith.constant 16 : i32
      %mul3A_377 = arith.muli %scan3A_85, %mul3A_376 : i32
      %add3A_378 = arith.constant 15 : i32
      %add3A_379 = arith.addi %mul3A_377, %add3A_378 : i32
      %dma_start3A_380 = arith.constant 0 : i32
      %dma_start3A_381 = arith.constant 0 : i32
      %dma_start3A_382 = tpu.memref_slice %arg6[%dma_start3A_380, %add3A_379, %dma_start3A_381] : memref<4x128x64xf32, #tpu.memory_space<vmem>> -> memref<1x1x64xf32, #tpu.memory_space<vmem>>
      %dma_start3A_383 = tpu.memref_squeeze %dma_start3A_382 : memref<1x1x64xf32, #tpu.memory_space<vmem>> -> memref<64xf32, #tpu.memory_space<vmem>>
      %dma_start3A_384 = arith.constant 0 : i32
      %dma_start3A_385 = tpu.memref_slice %arg3[%squeeze3A_375, %dma_start3A_384] : memref<1000000x64xf32, #tpu.memory_space<hbm>> -> memref<1x64xf32, #tpu.memory_space<hbm>>
      %dma_start3A_386 = tpu.memref_squeeze %dma_start3A_385 : memref<1x64xf32, #tpu.memory_space<hbm>> -> memref<64xf32, #tpu.memory_space<hbm>>
      %dma_start3A_387 = arith.constant 0 : i32
      %dma_start3A_388 = tpu.memref_slice %arg6[%dma_start3A_380, %add3A_379, %dma_start3A_387] : memref<4x128x64xf32, #tpu.memory_space<vmem>> -> memref<1x1x64xf32, #tpu.memory_space<vmem>>
      %dma_start3A_389 = tpu.memref_squeeze %dma_start3A_388 : memref<1x1x64xf32, #tpu.memory_space<vmem>> -> memref<64xf32, #tpu.memory_space<vmem>>
      %dma_start3A_390 = arith.constant 0 : i32
      %dma_start3A_391 = tpu.memref_slice %arg3[%squeeze3A_375, %dma_start3A_390] : memref<1000000x64xf32, #tpu.memory_space<hbm>> -> memref<1x64xf32, #tpu.memory_space<hbm>>
      %dma_start3A_392 = tpu.memref_squeeze %dma_start3A_391 : memref<1x64xf32, #tpu.memory_space<hbm>> -> memref<64xf32, #tpu.memory_space<hbm>>
      tpu.enqueue_dma source(%dma_start3A_392 : memref<64xf32, #tpu.memory_space<hbm>>) target(%dma_start3A_389 : memref<64xf32, #tpu.memory_space<vmem>>) target_semaphore(%arg7 : memref<!tpu.dma_semaphore, #tpu.memory_space<semaphore_mem>>)
    }
    %scan3A_7 = arith.constant 8 : i32
    %scan3A_8 = arith.constant 0 : i32
    %scan3A_9 = arith.constant 0 : i32
    %scan3A_10 = arith.constant 8 : i32
    %scan3A_11 = arith.addi %scan3A_9, %scan3A_10 : i32
    %scan3A_12 = arith.constant 1 : i32
    scf.for %scan3A_85 = %scan3A_9 to %scan3A_11 step %scan3A_12  : i32 {
      %mul3A_86 = arith.constant 16 : i32
      %mul3A_87 = arith.muli %scan3A_85, %mul3A_86 : i32
      %get3A = arith.constant 1 : i32
      %get3A_88 = arith.index_cast %get3A : i32 to index
      %get3A_89 = arith.index_cast %mul3A_87 : i32 to index
      %get3A_90 = tpu.vector_load %arg5[%get3A_88, %get3A_89] {strides = array<i32>} : memref<200x128xi32, #tpu.memory_space<vmem>>, vector<1x16xi32>,
      %get3A_91 = vector.shape_cast %get3A_90 : vector<1x16xi32> to vector<16xi32>
      %slice3A = vector.extract_strided_slice %get3A_91 {offsets = [0], sizes = [1], strides = [1]} : vector<16xi32> to vector<1xi32>
      %squeeze3A = vector.extract %slice3A[0] : i32 from vector<1xi32>
      %mul3A_92 = arith.constant 16 : i32
      %mul3A_93 = arith.muli %scan3A_85, %mul3A_92 : i32
      %add3A_94 = arith.constant 0 : i32
      %add3A_95 = arith.addi %mul3A_93, %add3A_94 : i32
      %dma_start3A = arith.constant 1 : i32
      %dma_start3A_96 = arith.constant 0 : i32
      %dma_start3A_97 = tpu.memref_slice %arg6[%dma_start3A, %add3A_95, %dma_start3A_96] : memref<4x128x64xf32, #tpu.memory_space<vmem>> -> memref<1x1x64xf32, #tpu.memory_space<vmem>>
      %dma_start3A_98 = tpu.memref_squeeze %dma_start3A_97 : memref<1x1x64xf32, #tpu.memory_space<vmem>> -> memref<64xf32, #tpu.memory_space<vmem>>
      %dma_start3A_99 = arith.constant 0 : i32
      %dma_start3A_100 = tpu.memref_slice %arg3[%squeeze3A, %dma_start3A_99] : memref<1000000x64xf32, #tpu.memory_space<hbm>> -> memref<1x64xf32, #tpu.memory_space<hbm>>
      %dma_start3A_101 = tpu.memref_squeeze %dma_start3A_100 : memref<1x64xf32, #tpu.memory_space<hbm>> -> memref<64xf32, #tpu.memory_space<hbm>>
      %dma_start3A_102 = arith.constant 0 : i32
      %dma_start3A_103 = tpu.memref_slice %arg6[%dma_start3A, %add3A_95, %dma_start3A_102] : memref<4x128x64xf32, #tpu.memory_space<vmem>> -> memref<1x1x64xf32, #tpu.memory_space<vmem>>
      %dma_start3A_104 = tpu.memref_squeeze %dma_start3A_103 : memref<1x1x64xf32, #tpu.memory_space<vmem>> -> memref<64xf32, #tpu.memory_space<vmem>>
      %dma_start3A_105 = arith.constant 0 : i32
      %dma_start3A_106 = tpu.memref_slice %arg3[%squeeze3A, %dma_start3A_105] : memref<1000000x64xf32, #tpu.memory_space<hbm>> -> memref<1x64xf32, #tpu.memory_space<hbm>>
      %dma_start3A_107 = tpu.memref_squeeze %dma_start3A_106 : memref<1x64xf32, #tpu.memory_space<hbm>> -> memref<64xf32, #tpu.memory_space<hbm>>
      tpu.enqueue_dma source(%dma_start3A_107 : memref<64xf32, #tpu.memory_space<hbm>>) target(%dma_start3A_104 : memref<64xf32, #tpu.memory_space<vmem>>) target_semaphore(%arg8 : memref<!tpu.dma_semaphore, #tpu.memory_space<semaphore_mem>>)
      %slice3A_108 = vector.extract_strided_slice %get3A_91 {offsets = [1], sizes = [1], strides = [1]} : vector<16xi32> to vector<1xi32>
      %squeeze3A_109 = vector.extract %slice3A_108[0] : i32 from vector<1xi32>
      %mul3A_110 = arith.constant 16 : i32
      %mul3A_111 = arith.muli %scan3A_85, %mul3A_110 : i32
      %add3A_112 = arith.constant 1 : i32
      %add3A_113 = arith.addi %mul3A_111, %add3A_112 : i32
      %dma_start3A_114 = arith.constant 1 : i32
      %dma_start3A_115 = arith.constant 0 : i32
      %dma_start3A_116 = tpu.memref_slice %arg6[%dma_start3A_114, %add3A_113, %dma_start3A_115] : memref<4x128x64xf32, #tpu.memory_space<vmem>> -> memref<1x1x64xf32, #tpu.memory_space<vmem>>
      %dma_start3A_117 = tpu.memref_squeeze %dma_start3A_116 : memref<1x1x64xf32, #tpu.memory_space<vmem>> -> memref<64xf32, #tpu.memory_space<vmem>>
      %dma_start3A_118 = arith.constant 0 : i32
      %dma_start3A_119 = tpu.memref_slice %arg3[%squeeze3A_109, %dma_start3A_118] : memref<1000000x64xf32, #tpu.memory_space<hbm>> -> memref<1x64xf32, #tpu.memory_space<hbm>>
      %dma_start3A_120 = tpu.memref_squeeze %dma_start3A_119 : memref<1x64xf32, #tpu.memory_space<hbm>> -> memref<64xf32, #tpu.memory_space<hbm>>
      %dma_start3A_121 = arith.constant 0 : i32
      %dma_start3A_122 = tpu.memref_slice %arg6[%dma_start3A_114, %add3A_113, %dma_start3A_121] : memref<4x128x64xf32, #tpu.memory_space<vmem>> -> memref<1x1x64xf32, #tpu.memory_space<vmem>>
      %dma_start3A_123 = tpu.memref_squeeze %dma_start3A_122 : memref<1x1x64xf32, #tpu.memory_space<vmem>> -> memref<64xf32, #tpu.memory_space<vmem>>
      %dma_start3A_124 = arith.constant 0 : i32
      %dma_start3A_125 = tpu.memref_slice %arg3[%squeeze3A_109, %dma_start3A_124] : memref<1000000x64xf32, #tpu.memory_space<hbm>> -> memref<1x64xf32, #tpu.memory_space<hbm>>
      %dma_start3A_126 = tpu.memref_squeeze %dma_start3A_125 : memref<1x64xf32, #tpu.memory_space<hbm>> -> memref<64xf32, #tpu.memory_space<hbm>>
      tpu.enqueue_dma source(%dma_start3A_126 : memref<64xf32, #tpu.memory_space<hbm>>) target(%dma_start3A_123 : memref<64xf32, #tpu.memory_space<vmem>>) target_semaphore(%arg8 : memref<!tpu.dma_semaphore, #tpu.memory_space<semaphore_mem>>)
      %slice3A_127 = vector.extract_strided_slice %get3A_91 {offsets = [2], sizes = [1], strides = [1]} : vector<16xi32> to vector<1xi32>
      %squeeze3A_128 = vector.extract %slice3A_127[0] : i32 from vector<1xi32>
      %mul3A_129 = arith.constant 16 : i32
      %mul3A_130 = arith.muli %scan3A_85, %mul3A_129 : i32
      %add3A_131 = arith.constant 2 : i32
      %add3A_132 = arith.addi %mul3A_130, %add3A_131 : i32
      %dma_start3A_133 = arith.constant 1 : i32
      %dma_start3A_134 = arith.constant 0 : i32
      %dma_start3A_135 = tpu.memref_slice %arg6[%dma_start3A_133, %add3A_132, %dma_start3A_134] : memref<4x128x64xf32, #tpu.memory_space<vmem>> -> memref<1x1x64xf32, #tpu.memory_space<vmem>>
      %dma_start3A_136 = tpu.memref_squeeze %dma_start3A_135 : memref<1x1x64xf32, #tpu.memory_space<vmem>> -> memref<64xf32, #tpu.memory_space<vmem>>
      %dma_start3A_137 = arith.constant 0 : i32
      %dma_start3A_138 = tpu.memref_slice %arg3[%squeeze3A_128, %dma_start3A_137] : memref<1000000x64xf32, #tpu.memory_space<hbm>> -> memref<1x64xf32, #tpu.memory_space<hbm>>
      %dma_start3A_139 = tpu.memref_squeeze %dma_start3A_138 : memref<1x64xf32, #tpu.memory_space<hbm>> -> memref<64xf32, #tpu.memory_space<hbm>>
      %dma_start3A_140 = arith.constant 0 : i32
      %dma_start3A_141 = tpu.memref_slice %arg6[%dma_start3A_133, %add3A_132, %dma_start3A_140] : memref<4x128x64xf32, #tpu.memory_space<vmem>> -> memref<1x1x64xf32, #tpu.memory_space<vmem>>
      %dma_start3A_142 = tpu.memref_squeeze %dma_start3A_141 : memref<1x1x64xf32, #tpu.memory_space<vmem>> -> memref<64xf32, #tpu.memory_space<vmem>>
      %dma_start3A_143 = arith.constant 0 : i32
      %dma_start3A_144 = tpu.memref_slice %arg3[%squeeze3A_128, %dma_start3A_143] : memref<1000000x64xf32, #tpu.memory_space<hbm>> -> memref<1x64xf32, #tpu.memory_space<hbm>>
      %dma_start3A_145 = tpu.memref_squeeze %dma_start3A_144 : memref<1x64xf32, #tpu.memory_space<hbm>> -> memref<64xf32, #tpu.memory_space<hbm>>
      tpu.enqueue_dma source(%dma_start3A_145 : memref<64xf32, #tpu.memory_space<hbm>>) target(%dma_start3A_142 : memref<64xf32, #tpu.memory_space<vmem>>) target_semaphore(%arg8 : memref<!tpu.dma_semaphore, #tpu.memory_space<semaphore_mem>>)
      %slice3A_146 = vector.extract_strided_slice %get3A_91 {offsets = [3], sizes = [1], strides = [1]} : vector<16xi32> to vector<1xi32>
      %squeeze3A_147 = vector.extract %slice3A_146[0] : i32 from vector<1xi32>
      %mul3A_148 = arith.constant 16 : i32
      %mul3A_149 = arith.muli %scan3A_85, %mul3A_148 : i32
      %add3A_150 = arith.constant 3 : i32
      %add3A_151 = arith.addi %mul3A_149, %add3A_150 : i32
      %dma_start3A_152 = arith.constant 1 : i32
      %dma_start3A_153 = arith.constant 0 : i32
      %dma_start3A_154 = tpu.memref_slice %arg6[%dma_start3A_152, %add3A_151, %dma_start3A_153] : memref<4x128x64xf32, #tpu.memory_space<vmem>> -> memref<1x1x64xf32, #tpu.memory_space<vmem>>
      %dma_start3A_155 = tpu.memref_squeeze %dma_start3A_154 : memref<1x1x64xf32, #tpu.memory_space<vmem>> -> memref<64xf32, #tpu.memory_space<vmem>>
      %dma_start3A_156 = arith.constant 0 : i32
      %dma_start3A_157 = tpu.memref_slice %arg3[%squeeze3A_147, %dma_start3A_156] : memref<1000000x64xf32, #tpu.memory_space<hbm>> -> memref<1x64xf32, #tpu.memory_space<hbm>>
      %dma_start3A_158 = tpu.memref_squeeze %dma_start3A_157 : memref<1x64xf32, #tpu.memory_space<hbm>> -> memref<64xf32, #tpu.memory_space<hbm>>
      %dma_start3A_159 = arith.constant 0 : i32
      %dma_start3A_160 = tpu.memref_slice %arg6[%dma_start3A_152, %add3A_151, %dma_start3A_159] : memref<4x128x64xf32, #tpu.memory_space<vmem>> -> memref<1x1x64xf32, #tpu.memory_space<vmem>>
      %dma_start3A_161 = tpu.memref_squeeze %dma_start3A_160 : memref<1x1x64xf32, #tpu.memory_space<vmem>> -> memref<64xf32, #tpu.memory_space<vmem>>
      %dma_start3A_162 = arith.constant 0 : i32
      %dma_start3A_163 = tpu.memref_slice %arg3[%squeeze3A_147, %dma_start3A_162] : memref<1000000x64xf32, #tpu.memory_space<hbm>> -> memref<1x64xf32, #tpu.memory_space<hbm>>
      %dma_start3A_164 = tpu.memref_squeeze %dma_start3A_163 : memref<1x64xf32, #tpu.memory_space<hbm>> -> memref<64xf32, #tpu.memory_space<hbm>>
      tpu.enqueue_dma source(%dma_start3A_164 : memref<64xf32, #tpu.memory_space<hbm>>) target(%dma_start3A_161 : memref<64xf32, #tpu.memory_space<vmem>>) target_semaphore(%arg8 : memref<!tpu.dma_semaphore, #tpu.memory_space<semaphore_mem>>)
      %slice3A_165 = vector.extract_strided_slice %get3A_91 {offsets = [4], sizes = [1], strides = [1]} : vector<16xi32> to vector<1xi32>
      %squeeze3A_166 = vector.extract %slice3A_165[0] : i32 from vector<1xi32>
      %mul3A_167 = arith.constant 16 : i32
      %mul3A_168 = arith.muli %scan3A_85, %mul3A_167 : i32
      %add3A_169 = arith.constant 4 : i32
      %add3A_170 = arith.addi %mul3A_168, %add3A_169 : i32
      %dma_start3A_171 = arith.constant 1 : i32
      %dma_start3A_172 = arith.constant 0 : i32
      %dma_start3A_173 = tpu.memref_slice %arg6[%dma_start3A_171, %add3A_170, %dma_start3A_172] : memref<4x128x64xf32, #tpu.memory_space<vmem>> -> memref<1x1x64xf32, #tpu.memory_space<vmem>>
      %dma_start3A_174 = tpu.memref_squeeze %dma_start3A_173 : memref<1x1x64xf32, #tpu.memory_space<vmem>> -> memref<64xf32, #tpu.memory_space<vmem>>
      %dma_start3A_175 = arith.constant 0 : i32
      %dma_start3A_176 = tpu.memref_slice %arg3[%squeeze3A_166, %dma_start3A_175] : memref<1000000x64xf32, #tpu.memory_space<hbm>> -> memref<1x64xf32, #tpu.memory_space<hbm>>
      %dma_start3A_177 = tpu.memref_squeeze %dma_start3A_176 : memref<1x64xf32, #tpu.memory_space<hbm>> -> memref<64xf32, #tpu.memory_space<hbm>>
      %dma_start3A_178 = arith.constant 0 : i32
      %dma_start3A_179 = tpu.memref_slice %arg6[%dma_start3A_171, %add3A_170, %dma_start3A_178] : memref<4x128x64xf32, #tpu.memory_space<vmem>> -> memref<1x1x64xf32, #tpu.memory_space<vmem>>
      %dma_start3A_180 = tpu.memref_squeeze %dma_start3A_179 : memref<1x1x64xf32, #tpu.memory_space<vmem>> -> memref<64xf32, #tpu.memory_space<vmem>>
      %dma_start3A_181 = arith.constant 0 : i32
      %dma_start3A_182 = tpu.memref_slice %arg3[%squeeze3A_166, %dma_start3A_181] : memref<1000000x64xf32, #tpu.memory_space<hbm>> -> memref<1x64xf32, #tpu.memory_space<hbm>>
      %dma_start3A_183 = tpu.memref_squeeze %dma_start3A_182 : memref<1x64xf32, #tpu.memory_space<hbm>> -> memref<64xf32, #tpu.memory_space<hbm>>
      tpu.enqueue_dma source(%dma_start3A_183 : memref<64xf32, #tpu.memory_space<hbm>>) target(%dma_start3A_180 : memref<64xf32, #tpu.memory_space<vmem>>) target_semaphore(%arg8 : memref<!tpu.dma_semaphore, #tpu.memory_space<semaphore_mem>>)
      %slice3A_184 = vector.extract_strided_slice %get3A_91 {offsets = [5], sizes = [1], strides = [1]} : vector<16xi32> to vector<1xi32>
      %squeeze3A_185 = vector.extract %slice3A_184[0] : i32 from vector<1xi32>
      %mul3A_186 = arith.constant 16 : i32
      %mul3A_187 = arith.muli %scan3A_85, %mul3A_186 : i32
      %add3A_188 = arith.constant 5 : i32
      %add3A_189 = arith.addi %mul3A_187, %add3A_188 : i32
      %dma_start3A_190 = arith.constant 1 : i32
      %dma_start3A_191 = arith.constant 0 : i32
      %dma_start3A_192 = tpu.memref_slice %arg6[%dma_start3A_190, %add3A_189, %dma_start3A_191] : memref<4x128x64xf32, #tpu.memory_space<vmem>> -> memref<1x1x64xf32, #tpu.memory_space<vmem>>
      %dma_start3A_193 = tpu.memref_squeeze %dma_start3A_192 : memref<1x1x64xf32, #tpu.memory_space<vmem>> -> memref<64xf32, #tpu.memory_space<vmem>>
      %dma_start3A_194 = arith.constant 0 : i32
      %dma_start3A_195 = tpu.memref_slice %arg3[%squeeze3A_185, %dma_start3A_194] : memref<1000000x64xf32, #tpu.memory_space<hbm>> -> memref<1x64xf32, #tpu.memory_space<hbm>>
      %dma_start3A_196 = tpu.memref_squeeze %dma_start3A_195 : memref<1x64xf32, #tpu.memory_space<hbm>> -> memref<64xf32, #tpu.memory_space<hbm>>
      %dma_start3A_197 = arith.constant 0 : i32
      %dma_start3A_198 = tpu.memref_slice %arg6[%dma_start3A_190, %add3A_189, %dma_start3A_197] : memref<4x128x64xf32, #tpu.memory_space<vmem>> -> memref<1x1x64xf32, #tpu.memory_space<vmem>>
      %dma_start3A_199 = tpu.memref_squeeze %dma_start3A_198 : memref<1x1x64xf32, #tpu.memory_space<vmem>> -> memref<64xf32, #tpu.memory_space<vmem>>
      %dma_start3A_200 = arith.constant 0 : i32
      %dma_start3A_201 = tpu.memref_slice %arg3[%squeeze3A_185, %dma_start3A_200] : memref<1000000x64xf32, #tpu.memory_space<hbm>> -> memref<1x64xf32, #tpu.memory_space<hbm>>
      %dma_start3A_202 = tpu.memref_squeeze %dma_start3A_201 : memref<1x64xf32, #tpu.memory_space<hbm>> -> memref<64xf32, #tpu.memory_space<hbm>>
      tpu.enqueue_dma source(%dma_start3A_202 : memref<64xf32, #tpu.memory_space<hbm>>) target(%dma_start3A_199 : memref<64xf32, #tpu.memory_space<vmem>>) target_semaphore(%arg8 : memref<!tpu.dma_semaphore, #tpu.memory_space<semaphore_mem>>)
      %slice3A_203 = vector.extract_strided_slice %get3A_91 {offsets = [6], sizes = [1], strides = [1]} : vector<16xi32> to vector<1xi32>
      %squeeze3A_204 = vector.extract %slice3A_203[0] : i32 from vector<1xi32>
      %mul3A_205 = arith.constant 16 : i32
      %mul3A_206 = arith.muli %scan3A_85, %mul3A_205 : i32
      %add3A_207 = arith.constant 6 : i32
      %add3A_208 = arith.addi %mul3A_206, %add3A_207 : i32
      %dma_start3A_209 = arith.constant 1 : i32
      %dma_start3A_210 = arith.constant 0 : i32
      %dma_start3A_211 = tpu.memref_slice %arg6[%dma_start3A_209, %add3A_208, %dma_start3A_210] : memref<4x128x64xf32, #tpu.memory_space<vmem>> -> memref<1x1x64xf32, #tpu.memory_space<vmem>>
      %dma_start3A_212 = tpu.memref_squeeze %dma_start3A_211 : memref<1x1x64xf32, #tpu.memory_space<vmem>> -> memref<64xf32, #tpu.memory_space<vmem>>
      %dma_start3A_213 = arith.constant 0 : i32
      %dma_start3A_214 = tpu.memref_slice %arg3[%squeeze3A_204, %dma_start3A_213] : memref<1000000x64xf32, #tpu.memory_space<hbm>> -> memref<1x64xf32, #tpu.memory_space<hbm>>
      %dma_start3A_215 = tpu.memref_squeeze %dma_start3A_214 : memref<1x64xf32, #tpu.memory_space<hbm>> -> memref<64xf32, #tpu.memory_space<hbm>>
      %dma_start3A_216 = arith.constant 0 : i32
      %dma_start3A_217 = tpu.memref_slice %arg6[%dma_start3A_209, %add3A_208, %dma_start3A_216] : memref<4x128x64xf32, #tpu.memory_space<vmem>> -> memref<1x1x64xf32, #tpu.memory_space<vmem>>
      %dma_start3A_218 = tpu.memref_squeeze %dma_start3A_217 : memref<1x1x64xf32, #tpu.memory_space<vmem>> -> memref<64xf32, #tpu.memory_space<vmem>>
      %dma_start3A_219 = arith.constant 0 : i32
      %dma_start3A_220 = tpu.memref_slice %arg3[%squeeze3A_204, %dma_start3A_219] : memref<1000000x64xf32, #tpu.memory_space<hbm>> -> memref<1x64xf32, #tpu.memory_space<hbm>>
      %dma_start3A_221 = tpu.memref_squeeze %dma_start3A_220 : memref<1x64xf32, #tpu.memory_space<hbm>> -> memref<64xf32, #tpu.memory_space<hbm>>
      tpu.enqueue_dma source(%dma_start3A_221 : memref<64xf32, #tpu.memory_space<hbm>>) target(%dma_start3A_218 : memref<64xf32, #tpu.memory_space<vmem>>) target_semaphore(%arg8 : memref<!tpu.dma_semaphore, #tpu.memory_space<semaphore_mem>>)
      %slice3A_222 = vector.extract_strided_slice %get3A_91 {offsets = [7], sizes = [1], strides = [1]} : vector<16xi32> to vector<1xi32>
      %squeeze3A_223 = vector.extract %slice3A_222[0] : i32 from vector<1xi32>
      %mul3A_224 = arith.constant 16 : i32
      %mul3A_225 = arith.muli %scan3A_85, %mul3A_224 : i32
      %add3A_226 = arith.constant 7 : i32
      %add3A_227 = arith.addi %mul3A_225, %add3A_226 : i32
      %dma_start3A_228 = arith.constant 1 : i32
      %dma_start3A_229 = arith.constant 0 : i32
      %dma_start3A_230 = tpu.memref_slice %arg6[%dma_start3A_228, %add3A_227, %dma_start3A_229] : memref<4x128x64xf32, #tpu.memory_space<vmem>> -> memref<1x1x64xf32, #tpu.memory_space<vmem>>
      %dma_start3A_231 = tpu.memref_squeeze %dma_start3A_230 : memref<1x1x64xf32, #tpu.memory_space<vmem>> -> memref<64xf32, #tpu.memory_space<vmem>>
      %dma_start3A_232 = arith.constant 0 : i32
      %dma_start3A_233 = tpu.memref_slice %arg3[%squeeze3A_223, %dma_start3A_232] : memref<1000000x64xf32, #tpu.memory_space<hbm>> -> memref<1x64xf32, #tpu.memory_space<hbm>>
      %dma_start3A_234 = tpu.memref_squeeze %dma_start3A_233 : memref<1x64xf32, #tpu.memory_space<hbm>> -> memref<64xf32, #tpu.memory_space<hbm>>
      %dma_start3A_235 = arith.constant 0 : i32
      %dma_start3A_236 = tpu.memref_slice %arg6[%dma_start3A_228, %add3A_227, %dma_start3A_235] : memref<4x128x64xf32, #tpu.memory_space<vmem>> -> memref<1x1x64xf32, #tpu.memory_space<vmem>>
      %dma_start3A_237 = tpu.memref_squeeze %dma_start3A_236 : memref<1x1x64xf32, #tpu.memory_space<vmem>> -> memref<64xf32, #tpu.memory_space<vmem>>
      %dma_start3A_238 = arith.constant 0 : i32
      %dma_start3A_239 = tpu.memref_slice %arg3[%squeeze3A_223, %dma_start3A_238] : memref<1000000x64xf32, #tpu.memory_space<hbm>> -> memref<1x64xf32, #tpu.memory_space<hbm>>
      %dma_start3A_240 = tpu.memref_squeeze %dma_start3A_239 : memref<1x64xf32, #tpu.memory_space<hbm>> -> memref<64xf32, #tpu.memory_space<hbm>>
      tpu.enqueue_dma source(%dma_start3A_240 : memref<64xf32, #tpu.memory_space<hbm>>) target(%dma_start3A_237 : memref<64xf32, #tpu.memory_space<vmem>>) target_semaphore(%arg8 : memref<!tpu.dma_semaphore, #tpu.memory_space<semaphore_mem>>)
      %slice3A_241 = vector.extract_strided_slice %get3A_91 {offsets = [8], sizes = [1], strides = [1]} : vector<16xi32> to vector<1xi32>
      %squeeze3A_242 = vector.extract %slice3A_241[0] : i32 from vector<1xi32>
      %mul3A_243 = arith.constant 16 : i32
      %mul3A_244 = arith.muli %scan3A_85, %mul3A_243 : i32
      %add3A_245 = arith.constant 8 : i32
      %add3A_246 = arith.addi %mul3A_244, %add3A_245 : i32
      %dma_start3A_247 = arith.constant 1 : i32
      %dma_start3A_248 = arith.constant 0 : i32
      %dma_start3A_249 = tpu.memref_slice %arg6[%dma_start3A_247, %add3A_246, %dma_start3A_248] : memref<4x128x64xf32, #tpu.memory_space<vmem>> -> memref<1x1x64xf32, #tpu.memory_space<vmem>>
      %dma_start3A_250 = tpu.memref_squeeze %dma_start3A_249 : memref<1x1x64xf32, #tpu.memory_space<vmem>> -> memref<64xf32, #tpu.memory_space<vmem>>
      %dma_start3A_251 = arith.constant 0 : i32
      %dma_start3A_252 = tpu.memref_slice %arg3[%squeeze3A_242, %dma_start3A_251] : memref<1000000x64xf32, #tpu.memory_space<hbm>> -> memref<1x64xf32, #tpu.memory_space<hbm>>
      %dma_start3A_253 = tpu.memref_squeeze %dma_start3A_252 : memref<1x64xf32, #tpu.memory_space<hbm>> -> memref<64xf32, #tpu.memory_space<hbm>>
      %dma_start3A_254 = arith.constant 0 : i32
      %dma_start3A_255 = tpu.memref_slice %arg6[%dma_start3A_247, %add3A_246, %dma_start3A_254] : memref<4x128x64xf32, #tpu.memory_space<vmem>> -> memref<1x1x64xf32, #tpu.memory_space<vmem>>
      %dma_start3A_256 = tpu.memref_squeeze %dma_start3A_255 : memref<1x1x64xf32, #tpu.memory_space<vmem>> -> memref<64xf32, #tpu.memory_space<vmem>>
      %dma_start3A_257 = arith.constant 0 : i32
      %dma_start3A_258 = tpu.memref_slice %arg3[%squeeze3A_242, %dma_start3A_257] : memref<1000000x64xf32, #tpu.memory_space<hbm>> -> memref<1x64xf32, #tpu.memory_space<hbm>>
      %dma_start3A_259 = tpu.memref_squeeze %dma_start3A_258 : memref<1x64xf32, #tpu.memory_space<hbm>> -> memref<64xf32, #tpu.memory_space<hbm>>
      tpu.enqueue_dma source(%dma_start3A_259 : memref<64xf32, #tpu.memory_space<hbm>>) target(%dma_start3A_256 : memref<64xf32, #tpu.memory_space<vmem>>) target_semaphore(%arg8 : memref<!tpu.dma_semaphore, #tpu.memory_space<semaphore_mem>>)
      %slice3A_260 = vector.extract_strided_slice %get3A_91 {offsets = [9], sizes = [1], strides = [1]} : vector<16xi32> to vector<1xi32>
      %squeeze3A_261 = vector.extract %slice3A_260[0] : i32 from vector<1xi32>
      %mul3A_262 = arith.constant 16 : i32
      %mul3A_263 = arith.muli %scan3A_85, %mul3A_262 : i32
      %add3A_264 = arith.constant 9 : i32
      %add3A_265 = arith.addi %mul3A_263, %add3A_264 : i32
      %dma_start3A_266 = arith.constant 1 : i32
      %dma_start3A_267 = arith.constant 0 : i32
      %dma_start3A_268 = tpu.memref_slice %arg6[%dma_start3A_266, %add3A_265, %dma_start3A_267] : memref<4x128x64xf32, #tpu.memory_space<vmem>> -> memref<1x1x64xf32, #tpu.memory_space<vmem>>
      %dma_start3A_269 = tpu.memref_squeeze %dma_start3A_268 : memref<1x1x64xf32, #tpu.memory_space<vmem>> -> memref<64xf32, #tpu.memory_space<vmem>>
      %dma_start3A_270 = arith.constant 0 : i32
      %dma_start3A_271 = tpu.memref_slice %arg3[%squeeze3A_261, %dma_start3A_270] : memref<1000000x64xf32, #tpu.memory_space<hbm>> -> memref<1x64xf32, #tpu.memory_space<hbm>>
      %dma_start3A_272 = tpu.memref_squeeze %dma_start3A_271 : memref<1x64xf32, #tpu.memory_space<hbm>> -> memref<64xf32, #tpu.memory_space<hbm>>
      %dma_start3A_273 = arith.constant 0 : i32
      %dma_start3A_274 = tpu.memref_slice %arg6[%dma_start3A_266, %add3A_265, %dma_start3A_273] : memref<4x128x64xf32, #tpu.memory_space<vmem>> -> memref<1x1x64xf32, #tpu.memory_space<vmem>>
      %dma_start3A_275 = tpu.memref_squeeze %dma_start3A_274 : memref<1x1x64xf32, #tpu.memory_space<vmem>> -> memref<64xf32, #tpu.memory_space<vmem>>
      %dma_start3A_276 = arith.constant 0 : i32
      %dma_start3A_277 = tpu.memref_slice %arg3[%squeeze3A_261, %dma_start3A_276] : memref<1000000x64xf32, #tpu.memory_space<hbm>> -> memref<1x64xf32, #tpu.memory_space<hbm>>
      %dma_start3A_278 = tpu.memref_squeeze %dma_start3A_277 : memref<1x64xf32, #tpu.memory_space<hbm>> -> memref<64xf32, #tpu.memory_space<hbm>>
      tpu.enqueue_dma source(%dma_start3A_278 : memref<64xf32, #tpu.memory_space<hbm>>) target(%dma_start3A_275 : memref<64xf32, #tpu.memory_space<vmem>>) target_semaphore(%arg8 : memref<!tpu.dma_semaphore, #tpu.memory_space<semaphore_mem>>)
      %slice3A_279 = vector.extract_strided_slice %get3A_91 {offsets = [10], sizes = [1], strides = [1]} : vector<16xi32> to vector<1xi32>
      %squeeze3A_280 = vector.extract %slice3A_279[0] : i32 from vector<1xi32>
      %mul3A_281 = arith.constant 16 : i32
      %mul3A_282 = arith.muli %scan3A_85, %mul3A_281 : i32
      %add3A_283 = arith.constant 10 : i32
      %add3A_284 = arith.addi %mul3A_282, %add3A_283 : i32
      %dma_start3A_285 = arith.constant 1 : i32
      %dma_start3A_286 = arith.constant 0 : i32
      %dma_start3A_287 = tpu.memref_slice %arg6[%dma_start3A_285, %add3A_284, %dma_start3A_286] : memref<4x128x64xf32, #tpu.memory_space<vmem>> -> memref<1x1x64xf32, #tpu.memory_space<vmem>>
      %dma_start3A_288 = tpu.memref_squeeze %dma_start3A_287 : memref<1x1x64xf32, #tpu.memory_space<vmem>> -> memref<64xf32, #tpu.memory_space<vmem>>
      %dma_start3A_289 = arith.constant 0 : i32
      %dma_start3A_290 = tpu.memref_slice %arg3[%squeeze3A_280, %dma_start3A_289] : memref<1000000x64xf32, #tpu.memory_space<hbm>> -> memref<1x64xf32, #tpu.memory_space<hbm>>
      %dma_start3A_291 = tpu.memref_squeeze %dma_start3A_290 : memref<1x64xf32, #tpu.memory_space<hbm>> -> memref<64xf32, #tpu.memory_space<hbm>>
      %dma_start3A_292 = arith.constant 0 : i32
      %dma_start3A_293 = tpu.memref_slice %arg6[%dma_start3A_285, %add3A_284, %dma_start3A_292] : memref<4x128x64xf32, #tpu.memory_space<vmem>> -> memref<1x1x64xf32, #tpu.memory_space<vmem>>
      %dma_start3A_294 = tpu.memref_squeeze %dma_start3A_293 : memref<1x1x64xf32, #tpu.memory_space<vmem>> -> memref<64xf32, #tpu.memory_space<vmem>>
      %dma_start3A_295 = arith.constant 0 : i32
      %dma_start3A_296 = tpu.memref_slice %arg3[%squeeze3A_280, %dma_start3A_295] : memref<1000000x64xf32, #tpu.memory_space<hbm>> -> memref<1x64xf32, #tpu.memory_space<hbm>>
      %dma_start3A_297 = tpu.memref_squeeze %dma_start3A_296 : memref<1x64xf32, #tpu.memory_space<hbm>> -> memref<64xf32, #tpu.memory_space<hbm>>
      tpu.enqueue_dma source(%dma_start3A_297 : memref<64xf32, #tpu.memory_space<hbm>>) target(%dma_start3A_294 : memref<64xf32, #tpu.memory_space<vmem>>) target_semaphore(%arg8 : memref<!tpu.dma_semaphore, #tpu.memory_space<semaphore_mem>>)
      %slice3A_298 = vector.extract_strided_slice %get3A_91 {offsets = [11], sizes = [1], strides = [1]} : vector<16xi32> to vector<1xi32>
      %squeeze3A_299 = vector.extract %slice3A_298[0] : i32 from vector<1xi32>
      %mul3A_300 = arith.constant 16 : i32
      %mul3A_301 = arith.muli %scan3A_85, %mul3A_300 : i32
      %add3A_302 = arith.constant 11 : i32
      %add3A_303 = arith.addi %mul3A_301, %add3A_302 : i32
      %dma_start3A_304 = arith.constant 1 : i32
      %dma_start3A_305 = arith.constant 0 : i32
      %dma_start3A_306 = tpu.memref_slice %arg6[%dma_start3A_304, %add3A_303, %dma_start3A_305] : memref<4x128x64xf32, #tpu.memory_space<vmem>> -> memref<1x1x64xf32, #tpu.memory_space<vmem>>
      %dma_start3A_307 = tpu.memref_squeeze %dma_start3A_306 : memref<1x1x64xf32, #tpu.memory_space<vmem>> -> memref<64xf32, #tpu.memory_space<vmem>>
      %dma_start3A_308 = arith.constant 0 : i32
      %dma_start3A_309 = tpu.memref_slice %arg3[%squeeze3A_299, %dma_start3A_308] : memref<1000000x64xf32, #tpu.memory_space<hbm>> -> memref<1x64xf32, #tpu.memory_space<hbm>>
      %dma_start3A_310 = tpu.memref_squeeze %dma_start3A_309 : memref<1x64xf32, #tpu.memory_space<hbm>> -> memref<64xf32, #tpu.memory_space<hbm>>
      %dma_start3A_311 = arith.constant 0 : i32
      %dma_start3A_312 = tpu.memref_slice %arg6[%dma_start3A_304, %add3A_303, %dma_start3A_311] : memref<4x128x64xf32, #tpu.memory_space<vmem>> -> memref<1x1x64xf32, #tpu.memory_space<vmem>>
      %dma_start3A_313 = tpu.memref_squeeze %dma_start3A_312 : memref<1x1x64xf32, #tpu.memory_space<vmem>> -> memref<64xf32, #tpu.memory_space<vmem>>
      %dma_start3A_314 = arith.constant 0 : i32
      %dma_start3A_315 = tpu.memref_slice %arg3[%squeeze3A_299, %dma_start3A_314] : memref<1000000x64xf32, #tpu.memory_space<hbm>> -> memref<1x64xf32, #tpu.memory_space<hbm>>
      %dma_start3A_316 = tpu.memref_squeeze %dma_start3A_315 : memref<1x64xf32, #tpu.memory_space<hbm>> -> memref<64xf32, #tpu.memory_space<hbm>>
      tpu.enqueue_dma source(%dma_start3A_316 : memref<64xf32, #tpu.memory_space<hbm>>) target(%dma_start3A_313 : memref<64xf32, #tpu.memory_space<vmem>>) target_semaphore(%arg8 : memref<!tpu.dma_semaphore, #tpu.memory_space<semaphore_mem>>)
      %slice3A_317 = vector.extract_strided_slice %get3A_91 {offsets = [12], sizes = [1], strides = [1]} : vector<16xi32> to vector<1xi32>
      %squeeze3A_318 = vector.extract %slice3A_317[0] : i32 from vector<1xi32>
      %mul3A_319 = arith.constant 16 : i32
      %mul3A_320 = arith.muli %scan3A_85, %mul3A_319 : i32
      %add3A_321 = arith.constant 12 : i32
      %add3A_322 = arith.addi %mul3A_320, %add3A_321 : i32
      %dma_start3A_323 = arith.constant 1 : i32
      %dma_start3A_324 = arith.constant 0 : i32
      %dma_start3A_325 = tpu.memref_slice %arg6[%dma_start3A_323, %add3A_322, %dma_start3A_324] : memref<4x128x64xf32, #tpu.memory_space<vmem>> -> memref<1x1x64xf32, #tpu.memory_space<vmem>>
      %dma_start3A_326 = tpu.memref_squeeze %dma_start3A_325 : memref<1x1x64xf32, #tpu.memory_space<vmem>> -> memref<64xf32, #tpu.memory_space<vmem>>
      %dma_start3A_327 = arith.constant 0 : i32
      %dma_start3A_328 = tpu.memref_slice %arg3[%squeeze3A_318, %dma_start3A_327] : memref<1000000x64xf32, #tpu.memory_space<hbm>> -> memref<1x64xf32, #tpu.memory_space<hbm>>
      %dma_start3A_329 = tpu.memref_squeeze %dma_start3A_328 : memref<1x64xf32, #tpu.memory_space<hbm>> -> memref<64xf32, #tpu.memory_space<hbm>>
      %dma_start3A_330 = arith.constant 0 : i32
      %dma_start3A_331 = tpu.memref_slice %arg6[%dma_start3A_323, %add3A_322, %dma_start3A_330] : memref<4x128x64xf32, #tpu.memory_space<vmem>> -> memref<1x1x64xf32, #tpu.memory_space<vmem>>
      %dma_start3A_332 = tpu.memref_squeeze %dma_start3A_331 : memref<1x1x64xf32, #tpu.memory_space<vmem>> -> memref<64xf32, #tpu.memory_space<vmem>>
      %dma_start3A_333 = arith.constant 0 : i32
      %dma_start3A_334 = tpu.memref_slice %arg3[%squeeze3A_318, %dma_start3A_333] : memref<1000000x64xf32, #tpu.memory_space<hbm>> -> memref<1x64xf32, #tpu.memory_space<hbm>>
      %dma_start3A_335 = tpu.memref_squeeze %dma_start3A_334 : memref<1x64xf32, #tpu.memory_space<hbm>> -> memref<64xf32, #tpu.memory_space<hbm>>
      tpu.enqueue_dma source(%dma_start3A_335 : memref<64xf32, #tpu.memory_space<hbm>>) target(%dma_start3A_332 : memref<64xf32, #tpu.memory_space<vmem>>) target_semaphore(%arg8 : memref<!tpu.dma_semaphore, #tpu.memory_space<semaphore_mem>>)
      %slice3A_336 = vector.extract_strided_slice %get3A_91 {offsets = [13], sizes = [1], strides = [1]} : vector<16xi32> to vector<1xi32>
      %squeeze3A_337 = vector.extract %slice3A_336[0] : i32 from vector<1xi32>
      %mul3A_338 = arith.constant 16 : i32
      %mul3A_339 = arith.muli %scan3A_85, %mul3A_338 : i32
      %add3A_340 = arith.constant 13 : i32
      %add3A_341 = arith.addi %mul3A_339, %add3A_340 : i32
      %dma_start3A_342 = arith.constant 1 : i32
      %dma_start3A_343 = arith.constant 0 : i32
      %dma_start3A_344 = tpu.memref_slice %arg6[%dma_start3A_342, %add3A_341, %dma_start3A_343] : memref<4x128x64xf32, #tpu.memory_space<vmem>> -> memref<1x1x64xf32, #tpu.memory_space<vmem>>
      %dma_start3A_345 = tpu.memref_squeeze %dma_start3A_344 : memref<1x1x64xf32, #tpu.memory_space<vmem>> -> memref<64xf32, #tpu.memory_space<vmem>>
      %dma_start3A_346 = arith.constant 0 : i32
      %dma_start3A_347 = tpu.memref_slice %arg3[%squeeze3A_337, %dma_start3A_346] : memref<1000000x64xf32, #tpu.memory_space<hbm>> -> memref<1x64xf32, #tpu.memory_space<hbm>>
      %dma_start3A_348 = tpu.memref_squeeze %dma_start3A_347 : memref<1x64xf32, #tpu.memory_space<hbm>> -> memref<64xf32, #tpu.memory_space<hbm>>
      %dma_start3A_349 = arith.constant 0 : i32
      %dma_start3A_350 = tpu.memref_slice %arg6[%dma_start3A_342, %add3A_341, %dma_start3A_349] : memref<4x128x64xf32, #tpu.memory_space<vmem>> -> memref<1x1x64xf32, #tpu.memory_space<vmem>>
      %dma_start3A_351 = tpu.memref_squeeze %dma_start3A_350 : memref<1x1x64xf32, #tpu.memory_space<vmem>> -> memref<64xf32, #tpu.memory_space<vmem>>
      %dma_start3A_352 = arith.constant 0 : i32
      %dma_start3A_353 = tpu.memref_slice %arg3[%squeeze3A_337, %dma_start3A_352] : memref<1000000x64xf32, #tpu.memory_space<hbm>> -> memref<1x64xf32, #tpu.memory_space<hbm>>
      %dma_start3A_354 = tpu.memref_squeeze %dma_start3A_353 : memref<1x64xf32, #tpu.memory_space<hbm>> -> memref<64xf32, #tpu.memory_space<hbm>>
      tpu.enqueue_dma source(%dma_start3A_354 : memref<64xf32, #tpu.memory_space<hbm>>) target(%dma_start3A_351 : memref<64xf32, #tpu.memory_space<vmem>>) target_semaphore(%arg8 : memref<!tpu.dma_semaphore, #tpu.memory_space<semaphore_mem>>)
      %slice3A_355 = vector.extract_strided_slice %get3A_91 {offsets = [14], sizes = [1], strides = [1]} : vector<16xi32> to vector<1xi32>
      %squeeze3A_356 = vector.extract %slice3A_355[0] : i32 from vector<1xi32>
      %mul3A_357 = arith.constant 16 : i32
      %mul3A_358 = arith.muli %scan3A_85, %mul3A_357 : i32
      %add3A_359 = arith.constant 14 : i32
      %add3A_360 = arith.addi %mul3A_358, %add3A_359 : i32
      %dma_start3A_361 = arith.constant 1 : i32
      %dma_start3A_362 = arith.constant 0 : i32
      %dma_start3A_363 = tpu.memref_slice %arg6[%dma_start3A_361, %add3A_360, %dma_start3A_362] : memref<4x128x64xf32, #tpu.memory_space<vmem>> -> memref<1x1x64xf32, #tpu.memory_space<vmem>>
      %dma_start3A_364 = tpu.memref_squeeze %dma_start3A_363 : memref<1x1x64xf32, #tpu.memory_space<vmem>> -> memref<64xf32, #tpu.memory_space<vmem>>
      %dma_start3A_365 = arith.constant 0 : i32
      %dma_start3A_366 = tpu.memref_slice %arg3[%squeeze3A_356, %dma_start3A_365] : memref<1000000x64xf32, #tpu.memory_space<hbm>> -> memref<1x64xf32, #tpu.memory_space<hbm>>
      %dma_start3A_367 = tpu.memref_squeeze %dma_start3A_366 : memref<1x64xf32, #tpu.memory_space<hbm>> -> memref<64xf32, #tpu.memory_space<hbm>>
      %dma_start3A_368 = arith.constant 0 : i32
      %dma_start3A_369 = tpu.memref_slice %arg6[%dma_start3A_361, %add3A_360, %dma_start3A_368] : memref<4x128x64xf32, #tpu.memory_space<vmem>> -> memref<1x1x64xf32, #tpu.memory_space<vmem>>
      %dma_start3A_370 = tpu.memref_squeeze %dma_start3A_369 : memref<1x1x64xf32, #tpu.memory_space<vmem>> -> memref<64xf32, #tpu.memory_space<vmem>>
      %dma_start3A_371 = arith.constant 0 : i32
      %dma_start3A_372 = tpu.memref_slice %arg3[%squeeze3A_356, %dma_start3A_371] : memref<1000000x64xf32, #tpu.memory_space<hbm>> -> memref<1x64xf32, #tpu.memory_space<hbm>>
      %dma_start3A_373 = tpu.memref_squeeze %dma_start3A_372 : memref<1x64xf32, #tpu.memory_space<hbm>> -> memref<64xf32, #tpu.memory_space<hbm>>
      tpu.enqueue_dma source(%dma_start3A_373 : memref<64xf32, #tpu.memory_space<hbm>>) target(%dma_start3A_370 : memref<64xf32, #tpu.memory_space<vmem>>) target_semaphore(%arg8 : memref<!tpu.dma_semaphore, #tpu.memory_space<semaphore_mem>>)
      %slice3A_374 = vector.extract_strided_slice %get3A_91 {offsets = [15], sizes = [1], strides = [1]} : vector<16xi32> to vector<1xi32>
      %squeeze3A_375 = vector.extract %slice3A_374[0] : i32 from vector<1xi32>
      %mul3A_376 = arith.constant 16 : i32
      %mul3A_377 = arith.muli %scan3A_85, %mul3A_376 : i32
      %add3A_378 = arith.constant 15 : i32
      %add3A_379 = arith.addi %mul3A_377, %add3A_378 : i32
      %dma_start3A_380 = arith.constant 1 : i32
      %dma_start3A_381 = arith.constant 0 : i32
      %dma_start3A_382 = tpu.memref_slice %arg6[%dma_start3A_380, %add3A_379, %dma_start3A_381] : memref<4x128x64xf32, #tpu.memory_space<vmem>> -> memref<1x1x64xf32, #tpu.memory_space<vmem>>
      %dma_start3A_383 = tpu.memref_squeeze %dma_start3A_382 : memref<1x1x64xf32, #tpu.memory_space<vmem>> -> memref<64xf32, #tpu.memory_space<vmem>>
      %dma_start3A_384 = arith.constant 0 : i32
      %dma_start3A_385 = tpu.memref_slice %arg3[%squeeze3A_375, %dma_start3A_384] : memref<1000000x64xf32, #tpu.memory_space<hbm>> -> memref<1x64xf32, #tpu.memory_space<hbm>>
      %dma_start3A_386 = tpu.memref_squeeze %dma_start3A_385 : memref<1x64xf32, #tpu.memory_space<hbm>> -> memref<64xf32, #tpu.memory_space<hbm>>
      %dma_start3A_387 = arith.constant 0 : i32
      %dma_start3A_388 = tpu.memref_slice %arg6[%dma_start3A_380, %add3A_379, %dma_start3A_387] : memref<4x128x64xf32, #tpu.memory_space<vmem>> -> memref<1x1x64xf32, #tpu.memory_space<vmem>>
      %dma_start3A_389 = tpu.memref_squeeze %dma_start3A_388 : memref<1x1x64xf32, #tpu.memory_space<vmem>> -> memref<64xf32, #tpu.memory_space<vmem>>
      %dma_start3A_390 = arith.constant 0 : i32
      %dma_start3A_391 = tpu.memref_slice %arg3[%squeeze3A_375, %dma_start3A_390] : memref<1000000x64xf32, #tpu.memory_space<hbm>> -> memref<1x64xf32, #tpu.memory_space<hbm>>
      %dma_start3A_392 = tpu.memref_squeeze %dma_start3A_391 : memref<1x64xf32, #tpu.memory_space<hbm>> -> memref<64xf32, #tpu.memory_space<hbm>>
      tpu.enqueue_dma source(%dma_start3A_392 : memref<64xf32, #tpu.memory_space<hbm>>) target(%dma_start3A_389 : memref<64xf32, #tpu.memory_space<vmem>>) target_semaphore(%arg8 : memref<!tpu.dma_semaphore, #tpu.memory_space<semaphore_mem>>)
    }
    %scan3A_13 = arith.constant 8 : i32
    %scan3A_14 = arith.constant 0 : i32
    %scan3A_15 = arith.constant 0 : i32
    %scan3A_16 = arith.constant 8 : i32
    %scan3A_17 = arith.addi %scan3A_15, %scan3A_16 : i32
    %scan3A_18 = arith.constant 1 : i32
    scf.for %scan3A_85 = %scan3A_15 to %scan3A_17 step %scan3A_18  : i32 {
      %mul3A_86 = arith.constant 16 : i32
      %mul3A_87 = arith.muli %scan3A_85, %mul3A_86 : i32
      %get3A = arith.constant 2 : i32
      %get3A_88 = arith.index_cast %get3A : i32 to index
      %get3A_89 = arith.index_cast %mul3A_87 : i32 to index
      %get3A_90 = tpu.vector_load %arg5[%get3A_88, %get3A_89] {strides = array<i32>} : memref<200x128xi32, #tpu.memory_space<vmem>>, vector<1x16xi32>,
      %get3A_91 = vector.shape_cast %get3A_90 : vector<1x16xi32> to vector<16xi32>
      %slice3A = vector.extract_strided_slice %get3A_91 {offsets = [0], sizes = [1], strides = [1]} : vector<16xi32> to vector<1xi32>
      %squeeze3A = vector.extract %slice3A[0] : i32 from vector<1xi32>
      %mul3A_92 = arith.constant 16 : i32
      %mul3A_93 = arith.muli %scan3A_85, %mul3A_92 : i32
      %add3A_94 = arith.constant 0 : i32
      %add3A_95 = arith.addi %mul3A_93, %add3A_94 : i32
      %dma_start3A = arith.constant 2 : i32
      %dma_start3A_96 = arith.constant 0 : i32
      %dma_start3A_97 = tpu.memref_slice %arg6[%dma_start3A, %add3A_95, %dma_start3A_96] : memref<4x128x64xf32, #tpu.memory_space<vmem>> -> memref<1x1x64xf32, #tpu.memory_space<vmem>>
      %dma_start3A_98 = tpu.memref_squeeze %dma_start3A_97 : memref<1x1x64xf32, #tpu.memory_space<vmem>> -> memref<64xf32, #tpu.memory_space<vmem>>
      %dma_start3A_99 = arith.constant 0 : i32
      %dma_start3A_100 = tpu.memref_slice %arg3[%squeeze3A, %dma_start3A_99] : memref<1000000x64xf32, #tpu.memory_space<hbm>> -> memref<1x64xf32, #tpu.memory_space<hbm>>
      %dma_start3A_101 = tpu.memref_squeeze %dma_start3A_100 : memref<1x64xf32, #tpu.memory_space<hbm>> -> memref<64xf32, #tpu.memory_space<hbm>>
      %dma_start3A_102 = arith.constant 0 : i32
      %dma_start3A_103 = tpu.memref_slice %arg6[%dma_start3A, %add3A_95, %dma_start3A_102] : memref<4x128x64xf32, #tpu.memory_space<vmem>> -> memref<1x1x64xf32, #tpu.memory_space<vmem>>
      %dma_start3A_104 = tpu.memref_squeeze %dma_start3A_103 : memref<1x1x64xf32, #tpu.memory_space<vmem>> -> memref<64xf32, #tpu.memory_space<vmem>>
      %dma_start3A_105 = arith.constant 0 : i32
      %dma_start3A_106 = tpu.memref_slice %arg3[%squeeze3A, %dma_start3A_105] : memref<1000000x64xf32, #tpu.memory_space<hbm>> -> memref<1x64xf32, #tpu.memory_space<hbm>>
      %dma_start3A_107 = tpu.memref_squeeze %dma_start3A_106 : memref<1x64xf32, #tpu.memory_space<hbm>> -> memref<64xf32, #tpu.memory_space<hbm>>
      tpu.enqueue_dma source(%dma_start3A_107 : memref<64xf32, #tpu.memory_space<hbm>>) target(%dma_start3A_104 : memref<64xf32, #tpu.memory_space<vmem>>) target_semaphore(%arg9 : memref<!tpu.dma_semaphore, #tpu.memory_space<semaphore_mem>>)
      %slice3A_108 = vector.extract_strided_slice %get3A_91 {offsets = [1], sizes = [1], strides = [1]} : vector<16xi32> to vector<1xi32>
      %squeeze3A_109 = vector.extract %slice3A_108[0] : i32 from vector<1xi32>
      %mul3A_110 = arith.constant 16 : i32
      %mul3A_111 = arith.muli %scan3A_85, %mul3A_110 : i32
      %add3A_112 = arith.constant 1 : i32
      %add3A_113 = arith.addi %mul3A_111, %add3A_112 : i32
      %dma_start3A_114 = arith.constant 2 : i32
      %dma_start3A_115 = arith.constant 0 : i32
      %dma_start3A_116 = tpu.memref_slice %arg6[%dma_start3A_114, %add3A_113, %dma_start3A_115] : memref<4x128x64xf32, #tpu.memory_space<vmem>> -> memref<1x1x64xf32, #tpu.memory_space<vmem>>
      %dma_start3A_117 = tpu.memref_squeeze %dma_start3A_116 : memref<1x1x64xf32, #tpu.memory_space<vmem>> -> memref<64xf32, #tpu.memory_space<vmem>>
      %dma_start3A_118 = arith.constant 0 : i32
      %dma_start3A_119 = tpu.memref_slice %arg3[%squeeze3A_109, %dma_start3A_118] : memref<1000000x64xf32, #tpu.memory_space<hbm>> -> memref<1x64xf32, #tpu.memory_space<hbm>>
      %dma_start3A_120 = tpu.memref_squeeze %dma_start3A_119 : memref<1x64xf32, #tpu.memory_space<hbm>> -> memref<64xf32, #tpu.memory_space<hbm>>
      %dma_start3A_121 = arith.constant 0 : i32
      %dma_start3A_122 = tpu.memref_slice %arg6[%dma_start3A_114, %add3A_113, %dma_start3A_121] : memref<4x128x64xf32, #tpu.memory_space<vmem>> -> memref<1x1x64xf32, #tpu.memory_space<vmem>>
      %dma_start3A_123 = tpu.memref_squeeze %dma_start3A_122 : memref<1x1x64xf32, #tpu.memory_space<vmem>> -> memref<64xf32, #tpu.memory_space<vmem>>
      %dma_start3A_124 = arith.constant 0 : i32
      %dma_start3A_125 = tpu.memref_slice %arg3[%squeeze3A_109, %dma_start3A_124] : memref<1000000x64xf32, #tpu.memory_space<hbm>> -> memref<1x64xf32, #tpu.memory_space<hbm>>
      %dma_start3A_126 = tpu.memref_squeeze %dma_start3A_125 : memref<1x64xf32, #tpu.memory_space<hbm>> -> memref<64xf32, #tpu.memory_space<hbm>>
      tpu.enqueue_dma source(%dma_start3A_126 : memref<64xf32, #tpu.memory_space<hbm>>) target(%dma_start3A_123 : memref<64xf32, #tpu.memory_space<vmem>>) target_semaphore(%arg9 : memref<!tpu.dma_semaphore, #tpu.memory_space<semaphore_mem>>)
      %slice3A_127 = vector.extract_strided_slice %get3A_91 {offsets = [2], sizes = [1], strides = [1]} : vector<16xi32> to vector<1xi32>
      %squeeze3A_128 = vector.extract %slice3A_127[0] : i32 from vector<1xi32>
      %mul3A_129 = arith.constant 16 : i32
      %mul3A_130 = arith.muli %scan3A_85, %mul3A_129 : i32
      %add3A_131 = arith.constant 2 : i32
      %add3A_132 = arith.addi %mul3A_130, %add3A_131 : i32
      %dma_start3A_133 = arith.constant 2 : i32
      %dma_start3A_134 = arith.constant 0 : i32
      %dma_start3A_135 = tpu.memref_slice %arg6[%dma_start3A_133, %add3A_132, %dma_start3A_134] : memref<4x128x64xf32, #tpu.memory_space<vmem>> -> memref<1x1x64xf32, #tpu.memory_space<vmem>>
      %dma_start3A_136 = tpu.memref_squeeze %dma_start3A_135 : memref<1x1x64xf32, #tpu.memory_space<vmem>> -> memref<64xf32, #tpu.memory_space<vmem>>
      %dma_start3A_137 = arith.constant 0 : i32
      %dma_start3A_138 = tpu.memref_slice %arg3[%squeeze3A_128, %dma_start3A_137] : memref<1000000x64xf32, #tpu.memory_space<hbm>> -> memref<1x64xf32, #tpu.memory_space<hbm>>
      %dma_start3A_139 = tpu.memref_squeeze %dma_start3A_138 : memref<1x64xf32, #tpu.memory_space<hbm>> -> memref<64xf32, #tpu.memory_space<hbm>>
      %dma_start3A_140 = arith.constant 0 : i32
      %dma_start3A_141 = tpu.memref_slice %arg6[%dma_start3A_133, %add3A_132, %dma_start3A_140] : memref<4x128x64xf32, #tpu.memory_space<vmem>> -> memref<1x1x64xf32, #tpu.memory_space<vmem>>
      %dma_start3A_142 = tpu.memref_squeeze %dma_start3A_141 : memref<1x1x64xf32, #tpu.memory_space<vmem>> -> memref<64xf32, #tpu.memory_space<vmem>>
      %dma_start3A_143 = arith.constant 0 : i32
      %dma_start3A_144 = tpu.memref_slice %arg3[%squeeze3A_128, %dma_start3A_143] : memref<1000000x64xf32, #tpu.memory_space<hbm>> -> memref<1x64xf32, #tpu.memory_space<hbm>>
      %dma_start3A_145 = tpu.memref_squeeze %dma_start3A_144 : memref<1x64xf32, #tpu.memory_space<hbm>> -> memref<64xf32, #tpu.memory_space<hbm>>
      tpu.enqueue_dma source(%dma_start3A_145 : memref<64xf32, #tpu.memory_space<hbm>>) target(%dma_start3A_142 : memref<64xf32, #tpu.memory_space<vmem>>) target_semaphore(%arg9 : memref<!tpu.dma_semaphore, #tpu.memory_space<semaphore_mem>>)
      %slice3A_146 = vector.extract_strided_slice %get3A_91 {offsets = [3], sizes = [1], strides = [1]} : vector<16xi32> to vector<1xi32>
      %squeeze3A_147 = vector.extract %slice3A_146[0] : i32 from vector<1xi32>
      %mul3A_148 = arith.constant 16 : i32
      %mul3A_149 = arith.muli %scan3A_85, %mul3A_148 : i32
      %add3A_150 = arith.constant 3 : i32
      %add3A_151 = arith.addi %mul3A_149, %add3A_150 : i32
      %dma_start3A_152 = arith.constant 2 : i32
      %dma_start3A_153 = arith.constant 0 : i32
      %dma_start3A_154 = tpu.memref_slice %arg6[%dma_start3A_152, %add3A_151, %dma_start3A_153] : memref<4x128x64xf32, #tpu.memory_space<vmem>> -> memref<1x1x64xf32, #tpu.memory_space<vmem>>
      %dma_start3A_155 = tpu.memref_squeeze %dma_start3A_154 : memref<1x1x64xf32, #tpu.memory_space<vmem>> -> memref<64xf32, #tpu.memory_space<vmem>>
      %dma_start3A_156 = arith.constant 0 : i32
      %dma_start3A_157 = tpu.memref_slice %arg3[%squeeze3A_147, %dma_start3A_156] : memref<1000000x64xf32, #tpu.memory_space<hbm>> -> memref<1x64xf32, #tpu.memory_space<hbm>>
      %dma_start3A_158 = tpu.memref_squeeze %dma_start3A_157 : memref<1x64xf32, #tpu.memory_space<hbm>> -> memref<64xf32, #tpu.memory_space<hbm>>
      %dma_start3A_159 = arith.constant 0 : i32
      %dma_start3A_160 = tpu.memref_slice %arg6[%dma_start3A_152, %add3A_151, %dma_start3A_159] : memref<4x128x64xf32, #tpu.memory_space<vmem>> -> memref<1x1x64xf32, #tpu.memory_space<vmem>>
      %dma_start3A_161 = tpu.memref_squeeze %dma_start3A_160 : memref<1x1x64xf32, #tpu.memory_space<vmem>> -> memref<64xf32, #tpu.memory_space<vmem>>
      %dma_start3A_162 = arith.constant 0 : i32
      %dma_start3A_163 = tpu.memref_slice %arg3[%squeeze3A_147, %dma_start3A_162] : memref<1000000x64xf32, #tpu.memory_space<hbm>> -> memref<1x64xf32, #tpu.memory_space<hbm>>
      %dma_start3A_164 = tpu.memref_squeeze %dma_start3A_163 : memref<1x64xf32, #tpu.memory_space<hbm>> -> memref<64xf32, #tpu.memory_space<hbm>>
      tpu.enqueue_dma source(%dma_start3A_164 : memref<64xf32, #tpu.memory_space<hbm>>) target(%dma_start3A_161 : memref<64xf32, #tpu.memory_space<vmem>>) target_semaphore(%arg9 : memref<!tpu.dma_semaphore, #tpu.memory_space<semaphore_mem>>)
      %slice3A_165 = vector.extract_strided_slice %get3A_91 {offsets = [4], sizes = [1], strides = [1]} : vector<16xi32> to vector<1xi32>
      %squeeze3A_166 = vector.extract %slice3A_165[0] : i32 from vector<1xi32>
      %mul3A_167 = arith.constant 16 : i32
      %mul3A_168 = arith.muli %scan3A_85, %mul3A_167 : i32
      %add3A_169 = arith.constant 4 : i32
      %add3A_170 = arith.addi %mul3A_168, %add3A_169 : i32
      %dma_start3A_171 = arith.constant 2 : i32
      %dma_start3A_172 = arith.constant 0 : i32
      %dma_start3A_173 = tpu.memref_slice %arg6[%dma_start3A_171, %add3A_170, %dma_start3A_172] : memref<4x128x64xf32, #tpu.memory_space<vmem>> -> memref<1x1x64xf32, #tpu.memory_space<vmem>>
      %dma_start3A_174 = tpu.memref_squeeze %dma_start3A_173 : memref<1x1x64xf32, #tpu.memory_space<vmem>> -> memref<64xf32, #tpu.memory_space<vmem>>
      %dma_start3A_175 = arith.constant 0 : i32
      %dma_start3A_176 = tpu.memref_slice %arg3[%squeeze3A_166, %dma_start3A_175] : memref<1000000x64xf32, #tpu.memory_space<hbm>> -> memref<1x64xf32, #tpu.memory_space<hbm>>
      %dma_start3A_177 = tpu.memref_squeeze %dma_start3A_176 : memref<1x64xf32, #tpu.memory_space<hbm>> -> memref<64xf32, #tpu.memory_space<hbm>>
      %dma_start3A_178 = arith.constant 0 : i32
      %dma_start3A_179 = tpu.memref_slice %arg6[%dma_start3A_171, %add3A_170, %dma_start3A_178] : memref<4x128x64xf32, #tpu.memory_space<vmem>> -> memref<1x1x64xf32, #tpu.memory_space<vmem>>
      %dma_start3A_180 = tpu.memref_squeeze %dma_start3A_179 : memref<1x1x64xf32, #tpu.memory_space<vmem>> -> memref<64xf32, #tpu.memory_space<vmem>>
      %dma_start3A_181 = arith.constant 0 : i32
      %dma_start3A_182 = tpu.memref_slice %arg3[%squeeze3A_166, %dma_start3A_181] : memref<1000000x64xf32, #tpu.memory_space<hbm>> -> memref<1x64xf32, #tpu.memory_space<hbm>>
      %dma_start3A_183 = tpu.memref_squeeze %dma_start3A_182 : memref<1x64xf32, #tpu.memory_space<hbm>> -> memref<64xf32, #tpu.memory_space<hbm>>
      tpu.enqueue_dma source(%dma_start3A_183 : memref<64xf32, #tpu.memory_space<hbm>>) target(%dma_start3A_180 : memref<64xf32, #tpu.memory_space<vmem>>) target_semaphore(%arg9 : memref<!tpu.dma_semaphore, #tpu.memory_space<semaphore_mem>>)
      %slice3A_184 = vector.extract_strided_slice %get3A_91 {offsets = [5], sizes = [1], strides = [1]} : vector<16xi32> to vector<1xi32>
      %squeeze3A_185 = vector.extract %slice3A_184[0] : i32 from vector<1xi32>
      %mul3A_186 = arith.constant 16 : i32
      %mul3A_187 = arith.muli %scan3A_85, %mul3A_186 : i32
      %add3A_188 = arith.constant 5 : i32
      %add3A_189 = arith.addi %mul3A_187, %add3A_188 : i32
      %dma_start3A_190 = arith.constant 2 : i32
      %dma_start3A_191 = arith.constant 0 : i32
      %dma_start3A_192 = tpu.memref_slice %arg6[%dma_start3A_190, %add3A_189, %dma_start3A_191] : memref<4x128x64xf32, #tpu.memory_space<vmem>> -> memref<1x1x64xf32, #tpu.memory_space<vmem>>
      %dma_start3A_193 = tpu.memref_squeeze %dma_start3A_192 : memref<1x1x64xf32, #tpu.memory_space<vmem>> -> memref<64xf32, #tpu.memory_space<vmem>>
      %dma_start3A_194 = arith.constant 0 : i32
      %dma_start3A_195 = tpu.memref_slice %arg3[%squeeze3A_185, %dma_start3A_194] : memref<1000000x64xf32, #tpu.memory_space<hbm>> -> memref<1x64xf32, #tpu.memory_space<hbm>>
      %dma_start3A_196 = tpu.memref_squeeze %dma_start3A_195 : memref<1x64xf32, #tpu.memory_space<hbm>> -> memref<64xf32, #tpu.memory_space<hbm>>
      %dma_start3A_197 = arith.constant 0 : i32
      %dma_start3A_198 = tpu.memref_slice %arg6[%dma_start3A_190, %add3A_189, %dma_start3A_197] : memref<4x128x64xf32, #tpu.memory_space<vmem>> -> memref<1x1x64xf32, #tpu.memory_space<vmem>>
      %dma_start3A_199 = tpu.memref_squeeze %dma_start3A_198 : memref<1x1x64xf32, #tpu.memory_space<vmem>> -> memref<64xf32, #tpu.memory_space<vmem>>
      %dma_start3A_200 = arith.constant 0 : i32
      %dma_start3A_201 = tpu.memref_slice %arg3[%squeeze3A_185, %dma_start3A_200] : memref<1000000x64xf32, #tpu.memory_space<hbm>> -> memref<1x64xf32, #tpu.memory_space<hbm>>
      %dma_start3A_202 = tpu.memref_squeeze %dma_start3A_201 : memref<1x64xf32, #tpu.memory_space<hbm>> -> memref<64xf32, #tpu.memory_space<hbm>>
      tpu.enqueue_dma source(%dma_start3A_202 : memref<64xf32, #tpu.memory_space<hbm>>) target(%dma_start3A_199 : memref<64xf32, #tpu.memory_space<vmem>>) target_semaphore(%arg9 : memref<!tpu.dma_semaphore, #tpu.memory_space<semaphore_mem>>)
      %slice3A_203 = vector.extract_strided_slice %get3A_91 {offsets = [6], sizes = [1], strides = [1]} : vector<16xi32> to vector<1xi32>
      %squeeze3A_204 = vector.extract %slice3A_203[0] : i32 from vector<1xi32>
      %mul3A_205 = arith.constant 16 : i32
      %mul3A_206 = arith.muli %scan3A_85, %mul3A_205 : i32
      %add3A_207 = arith.constant 6 : i32
      %add3A_208 = arith.addi %mul3A_206, %add3A_207 : i32
      %dma_start3A_209 = arith.constant 2 : i32
      %dma_start3A_210 = arith.constant 0 : i32
      %dma_start3A_211 = tpu.memref_slice %arg6[%dma_start3A_209, %add3A_208, %dma_start3A_210] : memref<4x128x64xf32, #tpu.memory_space<vmem>> -> memref<1x1x64xf32, #tpu.memory_space<vmem>>
      %dma_start3A_212 = tpu.memref_squeeze %dma_start3A_211 : memref<1x1x64xf32, #tpu.memory_space<vmem>> -> memref<64xf32, #tpu.memory_space<vmem>>
      %dma_start3A_213 = arith.constant 0 : i32
      %dma_start3A_214 = tpu.memref_slice %arg3[%squeeze3A_204, %dma_start3A_213] : memref<1000000x64xf32, #tpu.memory_space<hbm>> -> memref<1x64xf32, #tpu.memory_space<hbm>>
      %dma_start3A_215 = tpu.memref_squeeze %dma_start3A_214 : memref<1x64xf32, #tpu.memory_space<hbm>> -> memref<64xf32, #tpu.memory_space<hbm>>
      %dma_start3A_216 = arith.constant 0 : i32
      %dma_start3A_217 = tpu.memref_slice %arg6[%dma_start3A_209, %add3A_208, %dma_start3A_216] : memref<4x128x64xf32, #tpu.memory_space<vmem>> -> memref<1x1x64xf32, #tpu.memory_space<vmem>>
      %dma_start3A_218 = tpu.memref_squeeze %dma_start3A_217 : memref<1x1x64xf32, #tpu.memory_space<vmem>> -> memref<64xf32, #tpu.memory_space<vmem>>
      %dma_start3A_219 = arith.constant 0 : i32
      %dma_start3A_220 = tpu.memref_slice %arg3[%squeeze3A_204, %dma_start3A_219] : memref<1000000x64xf32, #tpu.memory_space<hbm>> -> memref<1x64xf32, #tpu.memory_space<hbm>>
      %dma_start3A_221 = tpu.memref_squeeze %dma_start3A_220 : memref<1x64xf32, #tpu.memory_space<hbm>> -> memref<64xf32, #tpu.memory_space<hbm>>
      tpu.enqueue_dma source(%dma_start3A_221 : memref<64xf32, #tpu.memory_space<hbm>>) target(%dma_start3A_218 : memref<64xf32, #tpu.memory_space<vmem>>) target_semaphore(%arg9 : memref<!tpu.dma_semaphore, #tpu.memory_space<semaphore_mem>>)
      %slice3A_222 = vector.extract_strided_slice %get3A_91 {offsets = [7], sizes = [1], strides = [1]} : vector<16xi32> to vector<1xi32>
      %squeeze3A_223 = vector.extract %slice3A_222[0] : i32 from vector<1xi32>
      %mul3A_224 = arith.constant 16 : i32
      %mul3A_225 = arith.muli %scan3A_85, %mul3A_224 : i32
      %add3A_226 = arith.constant 7 : i32
      %add3A_227 = arith.addi %mul3A_225, %add3A_226 : i32
      %dma_start3A_228 = arith.constant 2 : i32
      %dma_start3A_229 = arith.constant 0 : i32
      %dma_start3A_230 = tpu.memref_slice %arg6[%dma_start3A_228, %add3A_227, %dma_start3A_229] : memref<4x128x64xf32, #tpu.memory_space<vmem>> -> memref<1x1x64xf32, #tpu.memory_space<vmem>>
      %dma_start3A_231 = tpu.memref_squeeze %dma_start3A_230 : memref<1x1x64xf32, #tpu.memory_space<vmem>> -> memref<64xf32, #tpu.memory_space<vmem>>
      %dma_start3A_232 = arith.constant 0 : i32
      %dma_start3A_233 = tpu.memref_slice %arg3[%squeeze3A_223, %dma_start3A_232] : memref<1000000x64xf32, #tpu.memory_space<hbm>> -> memref<1x64xf32, #tpu.memory_space<hbm>>
      %dma_start3A_234 = tpu.memref_squeeze %dma_start3A_233 : memref<1x64xf32, #tpu.memory_space<hbm>> -> memref<64xf32, #tpu.memory_space<hbm>>
      %dma_start3A_235 = arith.constant 0 : i32
      %dma_start3A_236 = tpu.memref_slice %arg6[%dma_start3A_228, %add3A_227, %dma_start3A_235] : memref<4x128x64xf32, #tpu.memory_space<vmem>> -> memref<1x1x64xf32, #tpu.memory_space<vmem>>
      %dma_start3A_237 = tpu.memref_squeeze %dma_start3A_236 : memref<1x1x64xf32, #tpu.memory_space<vmem>> -> memref<64xf32, #tpu.memory_space<vmem>>
      %dma_start3A_238 = arith.constant 0 : i32
      %dma_start3A_239 = tpu.memref_slice %arg3[%squeeze3A_223, %dma_start3A_238] : memref<1000000x64xf32, #tpu.memory_space<hbm>> -> memref<1x64xf32, #tpu.memory_space<hbm>>
      %dma_start3A_240 = tpu.memref_squeeze %dma_start3A_239 : memref<1x64xf32, #tpu.memory_space<hbm>> -> memref<64xf32, #tpu.memory_space<hbm>>
      tpu.enqueue_dma source(%dma_start3A_240 : memref<64xf32, #tpu.memory_space<hbm>>) target(%dma_start3A_237 : memref<64xf32, #tpu.memory_space<vmem>>) target_semaphore(%arg9 : memref<!tpu.dma_semaphore, #tpu.memory_space<semaphore_mem>>)
      %slice3A_241 = vector.extract_strided_slice %get3A_91 {offsets = [8], sizes = [1], strides = [1]} : vector<16xi32> to vector<1xi32>
      %squeeze3A_242 = vector.extract %slice3A_241[0] : i32 from vector<1xi32>
      %mul3A_243 = arith.constant 16 : i32
      %mul3A_244 = arith.muli %scan3A_85, %mul3A_243 : i32
      %add3A_245 = arith.constant 8 : i32
      %add3A_246 = arith.addi %mul3A_244, %add3A_245 : i32
      %dma_start3A_247 = arith.constant 2 : i32
      %dma_start3A_248 = arith.constant 0 : i32
      %dma_start3A_249 = tpu.memref_slice %arg6[%dma_start3A_247, %add3A_246, %dma_start3A_248] : memref<4x128x64xf32, #tpu.memory_space<vmem>> -> memref<1x1x64xf32, #tpu.memory_space<vmem>>
      %dma_start3A_250 = tpu.memref_squeeze %dma_start3A_249 : memref<1x1x64xf32, #tpu.memory_space<vmem>> -> memref<64xf32, #tpu.memory_space<vmem>>
      %dma_start3A_251 = arith.constant 0 : i32
      %dma_start3A_252 = tpu.memref_slice %arg3[%squeeze3A_242, %dma_start3A_251] : memref<1000000x64xf32, #tpu.memory_space<hbm>> -> memref<1x64xf32, #tpu.memory_space<hbm>>
      %dma_start3A_253 = tpu.memref_squeeze %dma_start3A_252 : memref<1x64xf32, #tpu.memory_space<hbm>> -> memref<64xf32, #tpu.memory_space<hbm>>
      %dma_start3A_254 = arith.constant 0 : i32
      %dma_start3A_255 = tpu.memref_slice %arg6[%dma_start3A_247, %add3A_246, %dma_start3A_254] : memref<4x128x64xf32, #tpu.memory_space<vmem>> -> memref<1x1x64xf32, #tpu.memory_space<vmem>>
      %dma_start3A_256 = tpu.memref_squeeze %dma_start3A_255 : memref<1x1x64xf32, #tpu.memory_space<vmem>> -> memref<64xf32, #tpu.memory_space<vmem>>
      %dma_start3A_257 = arith.constant 0 : i32
      %dma_start3A_258 = tpu.memref_slice %arg3[%squeeze3A_242, %dma_start3A_257] : memref<1000000x64xf32, #tpu.memory_space<hbm>> -> memref<1x64xf32, #tpu.memory_space<hbm>>
      %dma_start3A_259 = tpu.memref_squeeze %dma_start3A_258 : memref<1x64xf32, #tpu.memory_space<hbm>> -> memref<64xf32, #tpu.memory_space<hbm>>
      tpu.enqueue_dma source(%dma_start3A_259 : memref<64xf32, #tpu.memory_space<hbm>>) target(%dma_start3A_256 : memref<64xf32, #tpu.memory_space<vmem>>) target_semaphore(%arg9 : memref<!tpu.dma_semaphore, #tpu.memory_space<semaphore_mem>>)
      %slice3A_260 = vector.extract_strided_slice %get3A_91 {offsets = [9], sizes = [1], strides = [1]} : vector<16xi32> to vector<1xi32>
      %squeeze3A_261 = vector.extract %slice3A_260[0] : i32 from vector<1xi32>
      %mul3A_262 = arith.constant 16 : i32
      %mul3A_263 = arith.muli %scan3A_85, %mul3A_262 : i32
      %add3A_264 = arith.constant 9 : i32
      %add3A_265 = arith.addi %mul3A_263, %add3A_264 : i32
      %dma_start3A_266 = arith.constant 2 : i32
      %dma_start3A_267 = arith.constant 0 : i32
      %dma_start3A_268 = tpu.memref_slice %arg6[%dma_start3A_266, %add3A_265, %dma_start3A_267] : memref<4x128x64xf32, #tpu.memory_space<vmem>> -> memref<1x1x64xf32, #tpu.memory_space<vmem>>
      %dma_start3A_269 = tpu.memref_squeeze %dma_start3A_268 : memref<1x1x64xf32, #tpu.memory_space<vmem>> -> memref<64xf32, #tpu.memory_space<vmem>>
      %dma_start3A_270 = arith.constant 0 : i32
      %dma_start3A_271 = tpu.memref_slice %arg3[%squeeze3A_261, %dma_start3A_270] : memref<1000000x64xf32, #tpu.memory_space<hbm>> -> memref<1x64xf32, #tpu.memory_space<hbm>>
      %dma_start3A_272 = tpu.memref_squeeze %dma_start3A_271 : memref<1x64xf32, #tpu.memory_space<hbm>> -> memref<64xf32, #tpu.memory_space<hbm>>
      %dma_start3A_273 = arith.constant 0 : i32
      %dma_start3A_274 = tpu.memref_slice %arg6[%dma_start3A_266, %add3A_265, %dma_start3A_273] : memref<4x128x64xf32, #tpu.memory_space<vmem>> -> memref<1x1x64xf32, #tpu.memory_space<vmem>>
      %dma_start3A_275 = tpu.memref_squeeze %dma_start3A_274 : memref<1x1x64xf32, #tpu.memory_space<vmem>> -> memref<64xf32, #tpu.memory_space<vmem>>
      %dma_start3A_276 = arith.constant 0 : i32
      %dma_start3A_277 = tpu.memref_slice %arg3[%squeeze3A_261, %dma_start3A_276] : memref<1000000x64xf32, #tpu.memory_space<hbm>> -> memref<1x64xf32, #tpu.memory_space<hbm>>
      %dma_start3A_278 = tpu.memref_squeeze %dma_start3A_277 : memref<1x64xf32, #tpu.memory_space<hbm>> -> memref<64xf32, #tpu.memory_space<hbm>>
      tpu.enqueue_dma source(%dma_start3A_278 : memref<64xf32, #tpu.memory_space<hbm>>) target(%dma_start3A_275 : memref<64xf32, #tpu.memory_space<vmem>>) target_semaphore(%arg9 : memref<!tpu.dma_semaphore, #tpu.memory_space<semaphore_mem>>)
      %slice3A_279 = vector.extract_strided_slice %get3A_91 {offsets = [10], sizes = [1], strides = [1]} : vector<16xi32> to vector<1xi32>
      %squeeze3A_280 = vector.extract %slice3A_279[0] : i32 from vector<1xi32>
      %mul3A_281 = arith.constant 16 : i32
      %mul3A_282 = arith.muli %scan3A_85, %mul3A_281 : i32
      %add3A_283 = arith.constant 10 : i32
      %add3A_284 = arith.addi %mul3A_282, %add3A_283 : i32
      %dma_start3A_285 = arith.constant 2 : i32
      %dma_start3A_286 = arith.constant 0 : i32
      %dma_start3A_287 = tpu.memref_slice %arg6[%dma_start3A_285, %add3A_284, %dma_start3A_286] : memref<4x128x64xf32, #tpu.memory_space<vmem>> -> memref<1x1x64xf32, #tpu.memory_space<vmem>>
      %dma_start3A_288 = tpu.memref_squeeze %dma_start3A_287 : memref<1x1x64xf32, #tpu.memory_space<vmem>> -> memref<64xf32, #tpu.memory_space<vmem>>
      %dma_start3A_289 = arith.constant 0 : i32
      %dma_start3A_290 = tpu.memref_slice %arg3[%squeeze3A_280, %dma_start3A_289] : memref<1000000x64xf32, #tpu.memory_space<hbm>> -> memref<1x64xf32, #tpu.memory_space<hbm>>
      %dma_start3A_291 = tpu.memref_squeeze %dma_start3A_290 : memref<1x64xf32, #tpu.memory_space<hbm>> -> memref<64xf32, #tpu.memory_space<hbm>>
      %dma_start3A_292 = arith.constant 0 : i32
      %dma_start3A_293 = tpu.memref_slice %arg6[%dma_start3A_285, %add3A_284, %dma_start3A_292] : memref<4x128x64xf32, #tpu.memory_space<vmem>> -> memref<1x1x64xf32, #tpu.memory_space<vmem>>
      %dma_start3A_294 = tpu.memref_squeeze %dma_start3A_293 : memref<1x1x64xf32, #tpu.memory_space<vmem>> -> memref<64xf32, #tpu.memory_space<vmem>>
      %dma_start3A_295 = arith.constant 0 : i32
      %dma_start3A_296 = tpu.memref_slice %arg3[%squeeze3A_280, %dma_start3A_295] : memref<1000000x64xf32, #tpu.memory_space<hbm>> -> memref<1x64xf32, #tpu.memory_space<hbm>>
      %dma_start3A_297 = tpu.memref_squeeze %dma_start3A_296 : memref<1x64xf32, #tpu.memory_space<hbm>> -> memref<64xf32, #tpu.memory_space<hbm>>
      tpu.enqueue_dma source(%dma_start3A_297 : memref<64xf32, #tpu.memory_space<hbm>>) target(%dma_start3A_294 : memref<64xf32, #tpu.memory_space<vmem>>) target_semaphore(%arg9 : memref<!tpu.dma_semaphore, #tpu.memory_space<semaphore_mem>>)
      %slice3A_298 = vector.extract_strided_slice %get3A_91 {offsets = [11], sizes = [1], strides = [1]} : vector<16xi32> to vector<1xi32>
      %squeeze3A_299 = vector.extract %slice3A_298[0] : i32 from vector<1xi32>
      %mul3A_300 = arith.constant 16 : i32
      %mul3A_301 = arith.muli %scan3A_85, %mul3A_300 : i32
      %add3A_302 = arith.constant 11 : i32
      %add3A_303 = arith.addi %mul3A_301, %add3A_302 : i32
      %dma_start3A_304 = arith.constant 2 : i32
      %dma_start3A_305 = arith.constant 0 : i32
      %dma_start3A_306 = tpu.memref_slice %arg6[%dma_start3A_304, %add3A_303, %dma_start3A_305] : memref<4x128x64xf32, #tpu.memory_space<vmem>> -> memref<1x1x64xf32, #tpu.memory_space<vmem>>
      %dma_start3A_307 = tpu.memref_squeeze %dma_start3A_306 : memref<1x1x64xf32, #tpu.memory_space<vmem>> -> memref<64xf32, #tpu.memory_space<vmem>>
      %dma_start3A_308 = arith.constant 0 : i32
      %dma_start3A_309 = tpu.memref_slice %arg3[%squeeze3A_299, %dma_start3A_308] : memref<1000000x64xf32, #tpu.memory_space<hbm>> -> memref<1x64xf32, #tpu.memory_space<hbm>>
      %dma_start3A_310 = tpu.memref_squeeze %dma_start3A_309 : memref<1x64xf32, #tpu.memory_space<hbm>> -> memref<64xf32, #tpu.memory_space<hbm>>
      %dma_start3A_311 = arith.constant 0 : i32
      %dma_start3A_312 = tpu.memref_slice %arg6[%dma_start3A_304, %add3A_303, %dma_start3A_311] : memref<4x128x64xf32, #tpu.memory_space<vmem>> -> memref<1x1x64xf32, #tpu.memory_space<vmem>>
      %dma_start3A_313 = tpu.memref_squeeze %dma_start3A_312 : memref<1x1x64xf32, #tpu.memory_space<vmem>> -> memref<64xf32, #tpu.memory_space<vmem>>
      %dma_start3A_314 = arith.constant 0 : i32
      %dma_start3A_315 = tpu.memref_slice %arg3[%squeeze3A_299, %dma_start3A_314] : memref<1000000x64xf32, #tpu.memory_space<hbm>> -> memref<1x64xf32, #tpu.memory_space<hbm>>
      %dma_start3A_316 = tpu.memref_squeeze %dma_start3A_315 : memref<1x64xf32, #tpu.memory_space<hbm>> -> memref<64xf32, #tpu.memory_space<hbm>>
      tpu.enqueue_dma source(%dma_start3A_316 : memref<64xf32, #tpu.memory_space<hbm>>) target(%dma_start3A_313 : memref<64xf32, #tpu.memory_space<vmem>>) target_semaphore(%arg9 : memref<!tpu.dma_semaphore, #tpu.memory_space<semaphore_mem>>)
      %slice3A_317 = vector.extract_strided_slice %get3A_91 {offsets = [12], sizes = [1], strides = [1]} : vector<16xi32> to vector<1xi32>
      %squeeze3A_318 = vector.extract %slice3A_317[0] : i32 from vector<1xi32>
      %mul3A_319 = arith.constant 16 : i32
      %mul3A_320 = arith.muli %scan3A_85, %mul3A_319 : i32
      %add3A_321 = arith.constant 12 : i32
      %add3A_322 = arith.addi %mul3A_320, %add3A_321 : i32
      %dma_start3A_323 = arith.constant 2 : i32
      %dma_start3A_324 = arith.constant 0 : i32
      %dma_start3A_325 = tpu.memref_slice %arg6[%dma_start3A_323, %add3A_322, %dma_start3A_324] : memref<4x128x64xf32, #tpu.memory_space<vmem>> -> memref<1x1x64xf32, #tpu.memory_space<vmem>>
      %dma_start3A_326 = tpu.memref_squeeze %dma_start3A_325 : memref<1x1x64xf32, #tpu.memory_space<vmem>> -> memref<64xf32, #tpu.memory_space<vmem>>
      %dma_start3A_327 = arith.constant 0 : i32
      %dma_start3A_328 = tpu.memref_slice %arg3[%squeeze3A_318, %dma_start3A_327] : memref<1000000x64xf32, #tpu.memory_space<hbm>> -> memref<1x64xf32, #tpu.memory_space<hbm>>
      %dma_start3A_329 = tpu.memref_squeeze %dma_start3A_328 : memref<1x64xf32, #tpu.memory_space<hbm>> -> memref<64xf32, #tpu.memory_space<hbm>>
      %dma_start3A_330 = arith.constant 0 : i32
      %dma_start3A_331 = tpu.memref_slice %arg6[%dma_start3A_323, %add3A_322, %dma_start3A_330] : memref<4x128x64xf32, #tpu.memory_space<vmem>> -> memref<1x1x64xf32, #tpu.memory_space<vmem>>
      %dma_start3A_332 = tpu.memref_squeeze %dma_start3A_331 : memref<1x1x64xf32, #tpu.memory_space<vmem>> -> memref<64xf32, #tpu.memory_space<vmem>>
      %dma_start3A_333 = arith.constant 0 : i32
      %dma_start3A_334 = tpu.memref_slice %arg3[%squeeze3A_318, %dma_start3A_333] : memref<1000000x64xf32, #tpu.memory_space<hbm>> -> memref<1x64xf32, #tpu.memory_space<hbm>>
      %dma_start3A_335 = tpu.memref_squeeze %dma_start3A_334 : memref<1x64xf32, #tpu.memory_space<hbm>> -> memref<64xf32, #tpu.memory_space<hbm>>
      tpu.enqueue_dma source(%dma_start3A_335 : memref<64xf32, #tpu.memory_space<hbm>>) target(%dma_start3A_332 : memref<64xf32, #tpu.memory_space<vmem>>) target_semaphore(%arg9 : memref<!tpu.dma_semaphore, #tpu.memory_space<semaphore_mem>>)
      %slice3A_336 = vector.extract_strided_slice %get3A_91 {offsets = [13], sizes = [1], strides = [1]} : vector<16xi32> to vector<1xi32>
      %squeeze3A_337 = vector.extract %slice3A_336[0] : i32 from vector<1xi32>
      %mul3A_338 = arith.constant 16 : i32
      %mul3A_339 = arith.muli %scan3A_85, %mul3A_338 : i32
      %add3A_340 = arith.constant 13 : i32
      %add3A_341 = arith.addi %mul3A_339, %add3A_340 : i32
      %dma_start3A_342 = arith.constant 2 : i32
      %dma_start3A_343 = arith.constant 0 : i32
      %dma_start3A_344 = tpu.memref_slice %arg6[%dma_start3A_342, %add3A_341, %dma_start3A_343] : memref<4x128x64xf32, #tpu.memory_space<vmem>> -> memref<1x1x64xf32, #tpu.memory_space<vmem>>
      %dma_start3A_345 = tpu.memref_squeeze %dma_start3A_344 : memref<1x1x64xf32, #tpu.memory_space<vmem>> -> memref<64xf32, #tpu.memory_space<vmem>>
      %dma_start3A_346 = arith.constant 0 : i32
      %dma_start3A_347 = tpu.memref_slice %arg3[%squeeze3A_337, %dma_start3A_346] : memref<1000000x64xf32, #tpu.memory_space<hbm>> -> memref<1x64xf32, #tpu.memory_space<hbm>>
      %dma_start3A_348 = tpu.memref_squeeze %dma_start3A_347 : memref<1x64xf32, #tpu.memory_space<hbm>> -> memref<64xf32, #tpu.memory_space<hbm>>
      %dma_start3A_349 = arith.constant 0 : i32
      %dma_start3A_350 = tpu.memref_slice %arg6[%dma_start3A_342, %add3A_341, %dma_start3A_349] : memref<4x128x64xf32, #tpu.memory_space<vmem>> -> memref<1x1x64xf32, #tpu.memory_space<vmem>>
      %dma_start3A_351 = tpu.memref_squeeze %dma_start3A_350 : memref<1x1x64xf32, #tpu.memory_space<vmem>> -> memref<64xf32, #tpu.memory_space<vmem>>
      %dma_start3A_352 = arith.constant 0 : i32
      %dma_start3A_353 = tpu.memref_slice %arg3[%squeeze3A_337, %dma_start3A_352] : memref<1000000x64xf32, #tpu.memory_space<hbm>> -> memref<1x64xf32, #tpu.memory_space<hbm>>
      %dma_start3A_354 = tpu.memref_squeeze %dma_start3A_353 : memref<1x64xf32, #tpu.memory_space<hbm>> -> memref<64xf32, #tpu.memory_space<hbm>>
      tpu.enqueue_dma source(%dma_start3A_354 : memref<64xf32, #tpu.memory_space<hbm>>) target(%dma_start3A_351 : memref<64xf32, #tpu.memory_space<vmem>>) target_semaphore(%arg9 : memref<!tpu.dma_semaphore, #tpu.memory_space<semaphore_mem>>)
      %slice3A_355 = vector.extract_strided_slice %get3A_91 {offsets = [14], sizes = [1], strides = [1]} : vector<16xi32> to vector<1xi32>
      %squeeze3A_356 = vector.extract %slice3A_355[0] : i32 from vector<1xi32>
      %mul3A_357 = arith.constant 16 : i32
      %mul3A_358 = arith.muli %scan3A_85, %mul3A_357 : i32
      %add3A_359 = arith.constant 14 : i32
      %add3A_360 = arith.addi %mul3A_358, %add3A_359 : i32
      %dma_start3A_361 = arith.constant 2 : i32
      %dma_start3A_362 = arith.constant 0 : i32
      %dma_start3A_363 = tpu.memref_slice %arg6[%dma_start3A_361, %add3A_360, %dma_start3A_362] : memref<4x128x64xf32, #tpu.memory_space<vmem>> -> memref<1x1x64xf32, #tpu.memory_space<vmem>>
      %dma_start3A_364 = tpu.memref_squeeze %dma_start3A_363 : memref<1x1x64xf32, #tpu.memory_space<vmem>> -> memref<64xf32, #tpu.memory_space<vmem>>
      %dma_start3A_365 = arith.constant 0 : i32
      %dma_start3A_366 = tpu.memref_slice %arg3[%squeeze3A_356, %dma_start3A_365] : memref<1000000x64xf32, #tpu.memory_space<hbm>> -> memref<1x64xf32, #tpu.memory_space<hbm>>
      %dma_start3A_367 = tpu.memref_squeeze %dma_start3A_366 : memref<1x64xf32, #tpu.memory_space<hbm>> -> memref<64xf32, #tpu.memory_space<hbm>>
      %dma_start3A_368 = arith.constant 0 : i32
      %dma_start3A_369 = tpu.memref_slice %arg6[%dma_start3A_361, %add3A_360, %dma_start3A_368] : memref<4x128x64xf32, #tpu.memory_space<vmem>> -> memref<1x1x64xf32, #tpu.memory_space<vmem>>
      %dma_start3A_370 = tpu.memref_squeeze %dma_start3A_369 : memref<1x1x64xf32, #tpu.memory_space<vmem>> -> memref<64xf32, #tpu.memory_space<vmem>>
      %dma_start3A_371 = arith.constant 0 : i32
      %dma_start3A_372 = tpu.memref_slice %arg3[%squeeze3A_356, %dma_start3A_371] : memref<1000000x64xf32, #tpu.memory_space<hbm>> -> memref<1x64xf32, #tpu.memory_space<hbm>>
      %dma_start3A_373 = tpu.memref_squeeze %dma_start3A_372 : memref<1x64xf32, #tpu.memory_space<hbm>> -> memref<64xf32, #tpu.memory_space<hbm>>
      tpu.enqueue_dma source(%dma_start3A_373 : memref<64xf32, #tpu.memory_space<hbm>>) target(%dma_start3A_370 : memref<64xf32, #tpu.memory_space<vmem>>) target_semaphore(%arg9 : memref<!tpu.dma_semaphore, #tpu.memory_space<semaphore_mem>>)
      %slice3A_374 = vector.extract_strided_slice %get3A_91 {offsets = [15], sizes = [1], strides = [1]} : vector<16xi32> to vector<1xi32>
      %squeeze3A_375 = vector.extract %slice3A_374[0] : i32 from vector<1xi32>
      %mul3A_376 = arith.constant 16 : i32
      %mul3A_377 = arith.muli %scan3A_85, %mul3A_376 : i32
      %add3A_378 = arith.constant 15 : i32
      %add3A_379 = arith.addi %mul3A_377, %add3A_378 : i32
      %dma_start3A_380 = arith.constant 2 : i32
      %dma_start3A_381 = arith.constant 0 : i32
      %dma_start3A_382 = tpu.memref_slice %arg6[%dma_start3A_380, %add3A_379, %dma_start3A_381] : memref<4x128x64xf32, #tpu.memory_space<vmem>> -> memref<1x1x64xf32, #tpu.memory_space<vmem>>
      %dma_start3A_383 = tpu.memref_squeeze %dma_start3A_382 : memref<1x1x64xf32, #tpu.memory_space<vmem>> -> memref<64xf32, #tpu.memory_space<vmem>>
      %dma_start3A_384 = arith.constant 0 : i32
      %dma_start3A_385 = tpu.memref_slice %arg3[%squeeze3A_375, %dma_start3A_384] : memref<1000000x64xf32, #tpu.memory_space<hbm>> -> memref<1x64xf32, #tpu.memory_space<hbm>>
      %dma_start3A_386 = tpu.memref_squeeze %dma_start3A_385 : memref<1x64xf32, #tpu.memory_space<hbm>> -> memref<64xf32, #tpu.memory_space<hbm>>
      %dma_start3A_387 = arith.constant 0 : i32
      %dma_start3A_388 = tpu.memref_slice %arg6[%dma_start3A_380, %add3A_379, %dma_start3A_387] : memref<4x128x64xf32, #tpu.memory_space<vmem>> -> memref<1x1x64xf32, #tpu.memory_space<vmem>>
      %dma_start3A_389 = tpu.memref_squeeze %dma_start3A_388 : memref<1x1x64xf32, #tpu.memory_space<vmem>> -> memref<64xf32, #tpu.memory_space<vmem>>
      %dma_start3A_390 = arith.constant 0 : i32
      %dma_start3A_391 = tpu.memref_slice %arg3[%squeeze3A_375, %dma_start3A_390] : memref<1000000x64xf32, #tpu.memory_space<hbm>> -> memref<1x64xf32, #tpu.memory_space<hbm>>
      %dma_start3A_392 = tpu.memref_squeeze %dma_start3A_391 : memref<1x64xf32, #tpu.memory_space<hbm>> -> memref<64xf32, #tpu.memory_space<hbm>>
      tpu.enqueue_dma source(%dma_start3A_392 : memref<64xf32, #tpu.memory_space<hbm>>) target(%dma_start3A_389 : memref<64xf32, #tpu.memory_space<vmem>>) target_semaphore(%arg9 : memref<!tpu.dma_semaphore, #tpu.memory_space<semaphore_mem>>)
    }
    %scan3A_19 = arith.constant 8 : i32
    %scan3A_20 = arith.constant 0 : i32
    %scan3A_21 = arith.constant 0 : i32
    %scan3A_22 = arith.constant 200 : i32
    %scan3A_23 = arith.addi %scan3A_21, %scan3A_22 : i32
    %scan3A_24 = arith.constant 1 : i32
    scf.for %scan3A_85 = %scan3A_21 to %scan3A_23 step %scan3A_24  : i32 {
      %rem3A = arith.constant 4 : i32
      %rem3A_86 = arith.remsi %scan3A_85, %rem3A : i32
      %eq3A = arith.constant 0 : i32
      %eq3A_87 = arith.cmpi eq, %rem3A_86, %eq3A : i32
      %convert_element_type3A = arith.extui %eq3A_87 : i1 to i32
      %cond3A = arith.constant 0 : i32
      %cond3A_88 = arith.cmpi ne, %convert_element_type3A, %cond3A : i32
      scf.if %cond3A_88 {
        %dma_wait3A_104 = arith.constant 0 : i32
        %dma_wait3A_105 = arith.constant 0 : i32
        %dma_wait3A_106 = arith.constant 0 : i32
        %dma_wait3A_107 = tpu.memref_slice %arg6[%dma_wait3A_104, %dma_wait3A_105, %dma_wait3A_106] : memref<4x128x64xf32, #tpu.memory_space<vmem>> -> memref<1x128x64xf32, #tpu.memory_space<vmem>>
        %dma_wait3A_108 = tpu.memref_squeeze %dma_wait3A_107 : memref<1x128x64xf32, #tpu.memory_space<vmem>> -> memref<128x64xf32, #tpu.memory_space<vmem>>
        %dma_wait3A_109 = arith.constant 0 : i32
        %dma_wait3A_110 = arith.constant 0 : i32
        %dma_wait3A_111 = tpu.memref_slice %arg3[%dma_wait3A_109, %dma_wait3A_110] : memref<1000000x64xf32, #tpu.memory_space<hbm>> -> memref<128x64xf32, #tpu.memory_space<hbm>>
        %dma_wait3A_112 = arith.constant 0 : i32
        %dma_wait3A_113 = arith.constant 0 : i32
        %dma_wait3A_114 = tpu.memref_slice %arg6[%dma_wait3A_104, %dma_wait3A_112, %dma_wait3A_113] : memref<4x128x64xf32, #tpu.memory_space<vmem>> -> memref<1x128x64xf32, #tpu.memory_space<vmem>>
        %dma_wait3A_115 = tpu.memref_squeeze %dma_wait3A_114 : memref<1x128x64xf32, #tpu.memory_space<vmem>> -> memref<128x64xf32, #tpu.memory_space<vmem>>
        %dma_wait3A_116 = arith.constant 0 : i32
        %dma_wait3A_117 = arith.constant 0 : i32
        %dma_wait3A_118 = tpu.memref_slice %arg3[%dma_wait3A_116, %dma_wait3A_117] : memref<1000000x64xf32, #tpu.memory_space<hbm>> -> memref<128x64xf32, #tpu.memory_space<hbm>>
        tpu.wait_dma2 semaphore(%arg7 : memref<!tpu.dma_semaphore, #tpu.memory_space<semaphore_mem>>) src(%dma_wait3A_118 : memref<128x64xf32, #tpu.memory_space<hbm>>) dst(%dma_wait3A_115 : memref<128x64xf32, #tpu.memory_space<vmem>>)
        %mul3A_119 = arith.constant 128 : i32
        %mul3A_120 = arith.muli %scan3A_85, %mul3A_119 : i32
        %add3A_121 = arith.addi %mul3A_2, %mul3A_120 : i32
        %dma_start3A = arith.constant 0 : i32
        %dma_start3A_122 = arith.constant 0 : i32
        %dma_start3A_123 = arith.constant 0 : i32
        %dma_start3A_124 = tpu.memref_slice %arg6[%dma_start3A, %dma_start3A_122, %dma_start3A_123] : memref<4x128x64xf32, #tpu.memory_space<vmem>> -> memref<1x128x64xf32, #tpu.memory_space<vmem>>
        %dma_start3A_125 = tpu.memref_squeeze %dma_start3A_124 : memref<1x128x64xf32, #tpu.memory_space<vmem>> -> memref<128x64xf32, #tpu.memory_space<vmem>>
        %dma_start3A_126 = arith.constant 0 : i32
        %dma_start3A_127 = tpu.memref_slice %arg4[%add3A_121, %dma_start3A_126] : memref<819200x64xf32, #tpu.memory_space<hbm>> -> memref<128x64xf32, #tpu.memory_space<hbm>>
        %dma_start3A_128 = arith.constant 0 : i32
        %dma_start3A_129 = tpu.memref_slice %arg4[%add3A_121, %dma_start3A_128] : memref<819200x64xf32, #tpu.memory_space<hbm>> -> memref<128x64xf32, #tpu.memory_space<hbm>>
        %dma_start3A_130 = arith.constant 0 : i32
        %dma_start3A_131 = arith.constant 0 : i32
        %dma_start3A_132 = tpu.memref_slice %arg6[%dma_start3A, %dma_start3A_130, %dma_start3A_131] : memref<4x128x64xf32, #tpu.memory_space<vmem>> -> memref<1x128x64xf32, #tpu.memory_space<vmem>>
        %dma_start3A_133 = tpu.memref_squeeze %dma_start3A_132 : memref<1x128x64xf32, #tpu.memory_space<vmem>> -> memref<128x64xf32, #tpu.memory_space<vmem>>
        tpu.enqueue_dma source(%dma_start3A_133 : memref<128x64xf32, #tpu.memory_space<vmem>>) target(%dma_start3A_129 : memref<128x64xf32, #tpu.memory_space<hbm>>) target_semaphore(%arg11 : memref<!tpu.dma_semaphore, #tpu.memory_space<semaphore_mem>>)
        %add3A_134 = arith.constant 4 : i32
        %add3A_135 = arith.addi %scan3A_85, %add3A_134 : i32
        %sub3A = arith.constant 1 : i32
        %sub3A_136 = arith.subi %add3A_135, %sub3A : i32
        %lt3A = arith.constant 200 : i32
        %lt3A_137 = arith.cmpi slt, %sub3A_136, %lt3A : i32
        %convert_element_type3A_138 = arith.extui %lt3A_137 : i1 to i32
        %cond3A_139 = arith.constant 0 : i32
        %cond3A_140 = arith.cmpi ne, %convert_element_type3A_138, %cond3A_139 : i32
        scf.if %cond3A_140 {
          %ge3A = arith.constant 1 : i32
          %ge3A_141 = arith.cmpi sge, %scan3A_85, %ge3A : i32
          %convert_element_type3A_142 = arith.extui %ge3A_141 : i1 to i32
          %cond3A_143 = arith.constant 0 : i32
          %cond3A_144 = arith.cmpi ne, %convert_element_type3A_142, %cond3A_143 : i32
          scf.if %cond3A_144 {
            %sub3A_155 = arith.constant 1 : i32
            %sub3A_156 = arith.subi %scan3A_85, %sub3A_155 : i32
            %mul3A_157 = arith.constant 128 : i32
            %mul3A_158 = arith.muli %sub3A_156, %mul3A_157 : i32
            %add3A_159 = arith.addi %mul3A_2, %mul3A_158 : i32
            %dma_wait3A_160 = arith.constant 3 : i32
            %dma_wait3A_161 = arith.constant 0 : i32
            %dma_wait3A_162 = arith.constant 0 : i32
            %dma_wait3A_163 = tpu.memref_slice %arg6[%dma_wait3A_160, %dma_wait3A_161, %dma_wait3A_162] : memref<4x128x64xf32, #tpu.memory_space<vmem>> -> memref<1x128x64xf32, #tpu.memory_space<vmem>>
            %dma_wait3A_164 = tpu.memref_squeeze %dma_wait3A_163 : memref<1x128x64xf32, #tpu.memory_space<vmem>> -> memref<128x64xf32, #tpu.memory_space<vmem>>
            %dma_wait3A_165 = arith.constant 0 : i32
            %dma_wait3A_166 = tpu.memref_slice %arg4[%add3A_159, %dma_wait3A_165] : memref<819200x64xf32, #tpu.memory_space<hbm>> -> memref<128x64xf32, #tpu.memory_space<hbm>>
            %dma_wait3A_167 = arith.constant 0 : i32
            %dma_wait3A_168 = tpu.memref_slice %arg4[%add3A_159, %dma_wait3A_167] : memref<819200x64xf32, #tpu.memory_space<hbm>> -> memref<128x64xf32, #tpu.memory_space<hbm>>
            %dma_wait3A_169 = arith.constant 0 : i32
            %dma_wait3A_170 = arith.constant 0 : i32
            %dma_wait3A_171 = tpu.memref_slice %arg6[%dma_wait3A_160, %dma_wait3A_169, %dma_wait3A_170] : memref<4x128x64xf32, #tpu.memory_space<vmem>> -> memref<1x128x64xf32, #tpu.memory_space<vmem>>
            %dma_wait3A_172 = tpu.memref_squeeze %dma_wait3A_171 : memref<1x128x64xf32, #tpu.memory_space<vmem>> -> memref<128x64xf32, #tpu.memory_space<vmem>>
            tpu.wait_dma2 semaphore(%arg14 : memref<!tpu.dma_semaphore, #tpu.memory_space<semaphore_mem>>) src(%dma_wait3A_172 : memref<128x64xf32, #tpu.memory_space<vmem>>) dst(%dma_wait3A_168 : memref<128x64xf32, #tpu.memory_space<hbm>>)
          } else {
          }
          %add3A_145 = arith.constant 4 : i32
          %add3A_146 = arith.addi %scan3A_85, %add3A_145 : i32
          %sub3A_147 = arith.constant 1 : i32
          %sub3A_148 = arith.subi %add3A_146, %sub3A_147 : i32
          %scan3A_149 = arith.constant 0 : i32
          %scan3A_150 = arith.constant 0 : i32
          %scan3A_151 = arith.constant 8 : i32
          %scan3A_152 = arith.addi %scan3A_150, %scan3A_151 : i32
          %scan3A_153 = arith.constant 1 : i32
          scf.for %scan3A_155 = %scan3A_150 to %scan3A_152 step %scan3A_153  : i32 {
            %mul3A_156 = arith.constant 16 : i32
            %mul3A_157 = arith.muli %scan3A_155, %mul3A_156 : i32
            %get3A = arith.index_cast %sub3A_148 : i32 to index
            %get3A_158 = arith.index_cast %mul3A_157 : i32 to index
            %get3A_159 = tpu.vector_load %arg5[%get3A, %get3A_158] {strides = array<i32>} : memref<200x128xi32, #tpu.memory_space<vmem>>, vector<1x16xi32>,
            %get3A_160 = vector.shape_cast %get3A_159 : vector<1x16xi32> to vector<16xi32>
            %slice3A = vector.extract_strided_slice %get3A_160 {offsets = [0], sizes = [1], strides = [1]} : vector<16xi32> to vector<1xi32>
            %squeeze3A = vector.extract %slice3A[0] : i32 from vector<1xi32>
            %mul3A_161 = arith.constant 16 : i32
            %mul3A_162 = arith.muli %scan3A_155, %mul3A_161 : i32
            %add3A_163 = arith.constant 0 : i32
            %add3A_164 = arith.addi %mul3A_162, %add3A_163 : i32
            %dma_start3A_165 = arith.constant 3 : i32
            %dma_start3A_166 = arith.constant 0 : i32
            %dma_start3A_167 = tpu.memref_slice %arg6[%dma_start3A_165, %add3A_164, %dma_start3A_166] : memref<4x128x64xf32, #tpu.memory_space<vmem>> -> memref<1x1x64xf32, #tpu.memory_space<vmem>>
            %dma_start3A_168 = tpu.memref_squeeze %dma_start3A_167 : memref<1x1x64xf32, #tpu.memory_space<vmem>> -> memref<64xf32, #tpu.memory_space<vmem>>
            %dma_start3A_169 = arith.constant 0 : i32
            %dma_start3A_170 = tpu.memref_slice %arg3[%squeeze3A, %dma_start3A_169] : memref<1000000x64xf32, #tpu.memory_space<hbm>> -> memref<1x64xf32, #tpu.memory_space<hbm>>
            %dma_start3A_171 = tpu.memref_squeeze %dma_start3A_170 : memref<1x64xf32, #tpu.memory_space<hbm>> -> memref<64xf32, #tpu.memory_space<hbm>>
            %dma_start3A_172 = arith.constant 0 : i32
            %dma_start3A_173 = tpu.memref_slice %arg6[%dma_start3A_165, %add3A_164, %dma_start3A_172] : memref<4x128x64xf32, #tpu.memory_space<vmem>> -> memref<1x1x64xf32, #tpu.memory_space<vmem>>
            %dma_start3A_174 = tpu.memref_squeeze %dma_start3A_173 : memref<1x1x64xf32, #tpu.memory_space<vmem>> -> memref<64xf32, #tpu.memory_space<vmem>>
            %dma_start3A_175 = arith.constant 0 : i32
            %dma_start3A_176 = tpu.memref_slice %arg3[%squeeze3A, %dma_start3A_175] : memref<1000000x64xf32, #tpu.memory_space<hbm>> -> memref<1x64xf32, #tpu.memory_space<hbm>>
            %dma_start3A_177 = tpu.memref_squeeze %dma_start3A_176 : memref<1x64xf32, #tpu.memory_space<hbm>> -> memref<64xf32, #tpu.memory_space<hbm>>
            tpu.enqueue_dma source(%dma_start3A_177 : memref<64xf32, #tpu.memory_space<hbm>>) target(%dma_start3A_174 : memref<64xf32, #tpu.memory_space<vmem>>) target_semaphore(%arg10 : memref<!tpu.dma_semaphore, #tpu.memory_space<semaphore_mem>>)
            %slice3A_178 = vector.extract_strided_slice %get3A_160 {offsets = [1], sizes = [1], strides = [1]} : vector<16xi32> to vector<1xi32>
            %squeeze3A_179 = vector.extract %slice3A_178[0] : i32 from vector<1xi32>
            %mul3A_180 = arith.constant 16 : i32
            %mul3A_181 = arith.muli %scan3A_155, %mul3A_180 : i32
            %add3A_182 = arith.constant 1 : i32
            %add3A_183 = arith.addi %mul3A_181, %add3A_182 : i32
            %dma_start3A_184 = arith.constant 3 : i32
            %dma_start3A_185 = arith.constant 0 : i32
            %dma_start3A_186 = tpu.memref_slice %arg6[%dma_start3A_184, %add3A_183, %dma_start3A_185] : memref<4x128x64xf32, #tpu.memory_space<vmem>> -> memref<1x1x64xf32, #tpu.memory_space<vmem>>
            %dma_start3A_187 = tpu.memref_squeeze %dma_start3A_186 : memref<1x1x64xf32, #tpu.memory_space<vmem>> -> memref<64xf32, #tpu.memory_space<vmem>>
            %dma_start3A_188 = arith.constant 0 : i32
            %dma_start3A_189 = tpu.memref_slice %arg3[%squeeze3A_179, %dma_start3A_188] : memref<1000000x64xf32, #tpu.memory_space<hbm>> -> memref<1x64xf32, #tpu.memory_space<hbm>>
            %dma_start3A_190 = tpu.memref_squeeze %dma_start3A_189 : memref<1x64xf32, #tpu.memory_space<hbm>> -> memref<64xf32, #tpu.memory_space<hbm>>
            %dma_start3A_191 = arith.constant 0 : i32
            %dma_start3A_192 = tpu.memref_slice %arg6[%dma_start3A_184, %add3A_183, %dma_start3A_191] : memref<4x128x64xf32, #tpu.memory_space<vmem>> -> memref<1x1x64xf32, #tpu.memory_space<vmem>>
            %dma_start3A_193 = tpu.memref_squeeze %dma_start3A_192 : memref<1x1x64xf32, #tpu.memory_space<vmem>> -> memref<64xf32, #tpu.memory_space<vmem>>
            %dma_start3A_194 = arith.constant 0 : i32
            %dma_start3A_195 = tpu.memref_slice %arg3[%squeeze3A_179, %dma_start3A_194] : memref<1000000x64xf32, #tpu.memory_space<hbm>> -> memref<1x64xf32, #tpu.memory_space<hbm>>
            %dma_start3A_196 = tpu.memref_squeeze %dma_start3A_195 : memref<1x64xf32, #tpu.memory_space<hbm>> -> memref<64xf32, #tpu.memory_space<hbm>>
            tpu.enqueue_dma source(%dma_start3A_196 : memref<64xf32, #tpu.memory_space<hbm>>) target(%dma_start3A_193 : memref<64xf32, #tpu.memory_space<vmem>>) target_semaphore(%arg10 : memref<!tpu.dma_semaphore, #tpu.memory_space<semaphore_mem>>)
            %slice3A_197 = vector.extract_strided_slice %get3A_160 {offsets = [2], sizes = [1], strides = [1]} : vector<16xi32> to vector<1xi32>
            %squeeze3A_198 = vector.extract %slice3A_197[0] : i32 from vector<1xi32>
            %mul3A_199 = arith.constant 16 : i32
            %mul3A_200 = arith.muli %scan3A_155, %mul3A_199 : i32
            %add3A_201 = arith.constant 2 : i32
            %add3A_202 = arith.addi %mul3A_200, %add3A_201 : i32
            %dma_start3A_203 = arith.constant 3 : i32
            %dma_start3A_204 = arith.constant 0 : i32
            %dma_start3A_205 = tpu.memref_slice %arg6[%dma_start3A_203, %add3A_202, %dma_start3A_204] : memref<4x128x64xf32, #tpu.memory_space<vmem>> -> memref<1x1x64xf32, #tpu.memory_space<vmem>>
            %dma_start3A_206 = tpu.memref_squeeze %dma_start3A_205 : memref<1x1x64xf32, #tpu.memory_space<vmem>> -> memref<64xf32, #tpu.memory_space<vmem>>
            %dma_start3A_207 = arith.constant 0 : i32
            %dma_start3A_208 = tpu.memref_slice %arg3[%squeeze3A_198, %dma_start3A_207] : memref<1000000x64xf32, #tpu.memory_space<hbm>> -> memref<1x64xf32, #tpu.memory_space<hbm>>
            %dma_start3A_209 = tpu.memref_squeeze %dma_start3A_208 : memref<1x64xf32, #tpu.memory_space<hbm>> -> memref<64xf32, #tpu.memory_space<hbm>>
            %dma_start3A_210 = arith.constant 0 : i32
            %dma_start3A_211 = tpu.memref_slice %arg6[%dma_start3A_203, %add3A_202, %dma_start3A_210] : memref<4x128x64xf32, #tpu.memory_space<vmem>> -> memref<1x1x64xf32, #tpu.memory_space<vmem>>
            %dma_start3A_212 = tpu.memref_squeeze %dma_start3A_211 : memref<1x1x64xf32, #tpu.memory_space<vmem>> -> memref<64xf32, #tpu.memory_space<vmem>>
            %dma_start3A_213 = arith.constant 0 : i32
            %dma_start3A_214 = tpu.memref_slice %arg3[%squeeze3A_198, %dma_start3A_213] : memref<1000000x64xf32, #tpu.memory_space<hbm>> -> memref<1x64xf32, #tpu.memory_space<hbm>>
            %dma_start3A_215 = tpu.memref_squeeze %dma_start3A_214 : memref<1x64xf32, #tpu.memory_space<hbm>> -> memref<64xf32, #tpu.memory_space<hbm>>
            tpu.enqueue_dma source(%dma_start3A_215 : memref<64xf32, #tpu.memory_space<hbm>>) target(%dma_start3A_212 : memref<64xf32, #tpu.memory_space<vmem>>) target_semaphore(%arg10 : memref<!tpu.dma_semaphore, #tpu.memory_space<semaphore_mem>>)
            %slice3A_216 = vector.extract_strided_slice %get3A_160 {offsets = [3], sizes = [1], strides = [1]} : vector<16xi32> to vector<1xi32>
            %squeeze3A_217 = vector.extract %slice3A_216[0] : i32 from vector<1xi32>
            %mul3A_218 = arith.constant 16 : i32
            %mul3A_219 = arith.muli %scan3A_155, %mul3A_218 : i32
            %add3A_220 = arith.constant 3 : i32
            %add3A_221 = arith.addi %mul3A_219, %add3A_220 : i32
            %dma_start3A_222 = arith.constant 3 : i32
            %dma_start3A_223 = arith.constant 0 : i32
            %dma_start3A_224 = tpu.memref_slice %arg6[%dma_start3A_222, %add3A_221, %dma_start3A_223] : memref<4x128x64xf32, #tpu.memory_space<vmem>> -> memref<1x1x64xf32, #tpu.memory_space<vmem>>
            %dma_start3A_225 = tpu.memref_squeeze %dma_start3A_224 : memref<1x1x64xf32, #tpu.memory_space<vmem>> -> memref<64xf32, #tpu.memory_space<vmem>>
            %dma_start3A_226 = arith.constant 0 : i32
            %dma_start3A_227 = tpu.memref_slice %arg3[%squeeze3A_217, %dma_start3A_226] : memref<1000000x64xf32, #tpu.memory_space<hbm>> -> memref<1x64xf32, #tpu.memory_space<hbm>>
            %dma_start3A_228 = tpu.memref_squeeze %dma_start3A_227 : memref<1x64xf32, #tpu.memory_space<hbm>> -> memref<64xf32, #tpu.memory_space<hbm>>
            %dma_start3A_229 = arith.constant 0 : i32
            %dma_start3A_230 = tpu.memref_slice %arg6[%dma_start3A_222, %add3A_221, %dma_start3A_229] : memref<4x128x64xf32, #tpu.memory_space<vmem>> -> memref<1x1x64xf32, #tpu.memory_space<vmem>>
            %dma_start3A_231 = tpu.memref_squeeze %dma_start3A_230 : memref<1x1x64xf32, #tpu.memory_space<vmem>> -> memref<64xf32, #tpu.memory_space<vmem>>
            %dma_start3A_232 = arith.constant 0 : i32
            %dma_start3A_233 = tpu.memref_slice %arg3[%squeeze3A_217, %dma_start3A_232] : memref<1000000x64xf32, #tpu.memory_space<hbm>> -> memref<1x64xf32, #tpu.memory_space<hbm>>
            %dma_start3A_234 = tpu.memref_squeeze %dma_start3A_233 : memref<1x64xf32, #tpu.memory_space<hbm>> -> memref<64xf32, #tpu.memory_space<hbm>>
            tpu.enqueue_dma source(%dma_start3A_234 : memref<64xf32, #tpu.memory_space<hbm>>) target(%dma_start3A_231 : memref<64xf32, #tpu.memory_space<vmem>>) target_semaphore(%arg10 : memref<!tpu.dma_semaphore, #tpu.memory_space<semaphore_mem>>)
            %slice3A_235 = vector.extract_strided_slice %get3A_160 {offsets = [4], sizes = [1], strides = [1]} : vector<16xi32> to vector<1xi32>
            %squeeze3A_236 = vector.extract %slice3A_235[0] : i32 from vector<1xi32>
            %mul3A_237 = arith.constant 16 : i32
            %mul3A_238 = arith.muli %scan3A_155, %mul3A_237 : i32
            %add3A_239 = arith.constant 4 : i32
            %add3A_240 = arith.addi %mul3A_238, %add3A_239 : i32
            %dma_start3A_241 = arith.constant 3 : i32
            %dma_start3A_242 = arith.constant 0 : i32
            %dma_start3A_243 = tpu.memref_slice %arg6[%dma_start3A_241, %add3A_240, %dma_start3A_242] : memref<4x128x64xf32, #tpu.memory_space<vmem>> -> memref<1x1x64xf32, #tpu.memory_space<vmem>>
            %dma_start3A_244 = tpu.memref_squeeze %dma_start3A_243 : memref<1x1x64xf32, #tpu.memory_space<vmem>> -> memref<64xf32, #tpu.memory_space<vmem>>
            %dma_start3A_245 = arith.constant 0 : i32
            %dma_start3A_246 = tpu.memref_slice %arg3[%squeeze3A_236, %dma_start3A_245] : memref<1000000x64xf32, #tpu.memory_space<hbm>> -> memref<1x64xf32, #tpu.memory_space<hbm>>
            %dma_start3A_247 = tpu.memref_squeeze %dma_start3A_246 : memref<1x64xf32, #tpu.memory_space<hbm>> -> memref<64xf32, #tpu.memory_space<hbm>>
            %dma_start3A_248 = arith.constant 0 : i32
            %dma_start3A_249 = tpu.memref_slice %arg6[%dma_start3A_241, %add3A_240, %dma_start3A_248] : memref<4x128x64xf32, #tpu.memory_space<vmem>> -> memref<1x1x64xf32, #tpu.memory_space<vmem>>
            %dma_start3A_250 = tpu.memref_squeeze %dma_start3A_249 : memref<1x1x64xf32, #tpu.memory_space<vmem>> -> memref<64xf32, #tpu.memory_space<vmem>>
            %dma_start3A_251 = arith.constant 0 : i32
            %dma_start3A_252 = tpu.memref_slice %arg3[%squeeze3A_236, %dma_start3A_251] : memref<1000000x64xf32, #tpu.memory_space<hbm>> -> memref<1x64xf32, #tpu.memory_space<hbm>>
            %dma_start3A_253 = tpu.memref_squeeze %dma_start3A_252 : memref<1x64xf32, #tpu.memory_space<hbm>> -> memref<64xf32, #tpu.memory_space<hbm>>
            tpu.enqueue_dma source(%dma_start3A_253 : memref<64xf32, #tpu.memory_space<hbm>>) target(%dma_start3A_250 : memref<64xf32, #tpu.memory_space<vmem>>) target_semaphore(%arg10 : memref<!tpu.dma_semaphore, #tpu.memory_space<semaphore_mem>>)
            %slice3A_254 = vector.extract_strided_slice %get3A_160 {offsets = [5], sizes = [1], strides = [1]} : vector<16xi32> to vector<1xi32>
            %squeeze3A_255 = vector.extract %slice3A_254[0] : i32 from vector<1xi32>
            %mul3A_256 = arith.constant 16 : i32
            %mul3A_257 = arith.muli %scan3A_155, %mul3A_256 : i32
            %add3A_258 = arith.constant 5 : i32
            %add3A_259 = arith.addi %mul3A_257, %add3A_258 : i32
            %dma_start3A_260 = arith.constant 3 : i32
            %dma_start3A_261 = arith.constant 0 : i32
            %dma_start3A_262 = tpu.memref_slice %arg6[%dma_start3A_260, %add3A_259, %dma_start3A_261] : memref<4x128x64xf32, #tpu.memory_space<vmem>> -> memref<1x1x64xf32, #tpu.memory_space<vmem>>
            %dma_start3A_263 = tpu.memref_squeeze %dma_start3A_262 : memref<1x1x64xf32, #tpu.memory_space<vmem>> -> memref<64xf32, #tpu.memory_space<vmem>>
            %dma_start3A_264 = arith.constant 0 : i32
            %dma_start3A_265 = tpu.memref_slice %arg3[%squeeze3A_255, %dma_start3A_264] : memref<1000000x64xf32, #tpu.memory_space<hbm>> -> memref<1x64xf32, #tpu.memory_space<hbm>>
            %dma_start3A_266 = tpu.memref_squeeze %dma_start3A_265 : memref<1x64xf32, #tpu.memory_space<hbm>> -> memref<64xf32, #tpu.memory_space<hbm>>
            %dma_start3A_267 = arith.constant 0 : i32
            %dma_start3A_268 = tpu.memref_slice %arg6[%dma_start3A_260, %add3A_259, %dma_start3A_267] : memref<4x128x64xf32, #tpu.memory_space<vmem>> -> memref<1x1x64xf32, #tpu.memory_space<vmem>>
            %dma_start3A_269 = tpu.memref_squeeze %dma_start3A_268 : memref<1x1x64xf32, #tpu.memory_space<vmem>> -> memref<64xf32, #tpu.memory_space<vmem>>
            %dma_start3A_270 = arith.constant 0 : i32
            %dma_start3A_271 = tpu.memref_slice %arg3[%squeeze3A_255, %dma_start3A_270] : memref<1000000x64xf32, #tpu.memory_space<hbm>> -> memref<1x64xf32, #tpu.memory_space<hbm>>
            %dma_start3A_272 = tpu.memref_squeeze %dma_start3A_271 : memref<1x64xf32, #tpu.memory_space<hbm>> -> memref<64xf32, #tpu.memory_space<hbm>>
            tpu.enqueue_dma source(%dma_start3A_272 : memref<64xf32, #tpu.memory_space<hbm>>) target(%dma_start3A_269 : memref<64xf32, #tpu.memory_space<vmem>>) target_semaphore(%arg10 : memref<!tpu.dma_semaphore, #tpu.memory_space<semaphore_mem>>)
            %slice3A_273 = vector.extract_strided_slice %get3A_160 {offsets = [6], sizes = [1], strides = [1]} : vector<16xi32> to vector<1xi32>
            %squeeze3A_274 = vector.extract %slice3A_273[0] : i32 from vector<1xi32>
            %mul3A_275 = arith.constant 16 : i32
            %mul3A_276 = arith.muli %scan3A_155, %mul3A_275 : i32
            %add3A_277 = arith.constant 6 : i32
            %add3A_278 = arith.addi %mul3A_276, %add3A_277 : i32
            %dma_start3A_279 = arith.constant 3 : i32
            %dma_start3A_280 = arith.constant 0 : i32
            %dma_start3A_281 = tpu.memref_slice %arg6[%dma_start3A_279, %add3A_278, %dma_start3A_280] : memref<4x128x64xf32, #tpu.memory_space<vmem>> -> memref<1x1x64xf32, #tpu.memory_space<vmem>>
            %dma_start3A_282 = tpu.memref_squeeze %dma_start3A_281 : memref<1x1x64xf32, #tpu.memory_space<vmem>> -> memref<64xf32, #tpu.memory_space<vmem>>
            %dma_start3A_283 = arith.constant 0 : i32
            %dma_start3A_284 = tpu.memref_slice %arg3[%squeeze3A_274, %dma_start3A_283] : memref<1000000x64xf32, #tpu.memory_space<hbm>> -> memref<1x64xf32, #tpu.memory_space<hbm>>
            %dma_start3A_285 = tpu.memref_squeeze %dma_start3A_284 : memref<1x64xf32, #tpu.memory_space<hbm>> -> memref<64xf32, #tpu.memory_space<hbm>>
            %dma_start3A_286 = arith.constant 0 : i32
            %dma_start3A_287 = tpu.memref_slice %arg6[%dma_start3A_279, %add3A_278, %dma_start3A_286] : memref<4x128x64xf32, #tpu.memory_space<vmem>> -> memref<1x1x64xf32, #tpu.memory_space<vmem>>
            %dma_start3A_288 = tpu.memref_squeeze %dma_start3A_287 : memref<1x1x64xf32, #tpu.memory_space<vmem>> -> memref<64xf32, #tpu.memory_space<vmem>>
            %dma_start3A_289 = arith.constant 0 : i32
            %dma_start3A_290 = tpu.memref_slice %arg3[%squeeze3A_274, %dma_start3A_289] : memref<1000000x64xf32, #tpu.memory_space<hbm>> -> memref<1x64xf32, #tpu.memory_space<hbm>>
            %dma_start3A_291 = tpu.memref_squeeze %dma_start3A_290 : memref<1x64xf32, #tpu.memory_space<hbm>> -> memref<64xf32, #tpu.memory_space<hbm>>
            tpu.enqueue_dma source(%dma_start3A_291 : memref<64xf32, #tpu.memory_space<hbm>>) target(%dma_start3A_288 : memref<64xf32, #tpu.memory_space<vmem>>) target_semaphore(%arg10 : memref<!tpu.dma_semaphore, #tpu.memory_space<semaphore_mem>>)
            %slice3A_292 = vector.extract_strided_slice %get3A_160 {offsets = [7], sizes = [1], strides = [1]} : vector<16xi32> to vector<1xi32>
            %squeeze3A_293 = vector.extract %slice3A_292[0] : i32 from vector<1xi32>
            %mul3A_294 = arith.constant 16 : i32
            %mul3A_295 = arith.muli %scan3A_155, %mul3A_294 : i32
            %add3A_296 = arith.constant 7 : i32
            %add3A_297 = arith.addi %mul3A_295, %add3A_296 : i32
            %dma_start3A_298 = arith.constant 3 : i32
            %dma_start3A_299 = arith.constant 0 : i32
            %dma_start3A_300 = tpu.memref_slice %arg6[%dma_start3A_298, %add3A_297, %dma_start3A_299] : memref<4x128x64xf32, #tpu.memory_space<vmem>> -> memref<1x1x64xf32, #tpu.memory_space<vmem>>
            %dma_start3A_301 = tpu.memref_squeeze %dma_start3A_300 : memref<1x1x64xf32, #tpu.memory_space<vmem>> -> memref<64xf32, #tpu.memory_space<vmem>>
            %dma_start3A_302 = arith.constant 0 : i32
            %dma_start3A_303 = tpu.memref_slice %arg3[%squeeze3A_293, %dma_start3A_302] : memref<1000000x64xf32, #tpu.memory_space<hbm>> -> memref<1x64xf32, #tpu.memory_space<hbm>>
            %dma_start3A_304 = tpu.memref_squeeze %dma_start3A_303 : memref<1x64xf32, #tpu.memory_space<hbm>> -> memref<64xf32, #tpu.memory_space<hbm>>
            %dma_start3A_305 = arith.constant 0 : i32
            %dma_start3A_306 = tpu.memref_slice %arg6[%dma_start3A_298, %add3A_297, %dma_start3A_305] : memref<4x128x64xf32, #tpu.memory_space<vmem>> -> memref<1x1x64xf32, #tpu.memory_space<vmem>>
            %dma_start3A_307 = tpu.memref_squeeze %dma_start3A_306 : memref<1x1x64xf32, #tpu.memory_space<vmem>> -> memref<64xf32, #tpu.memory_space<vmem>>
            %dma_start3A_308 = arith.constant 0 : i32
            %dma_start3A_309 = tpu.memref_slice %arg3[%squeeze3A_293, %dma_start3A_308] : memref<1000000x64xf32, #tpu.memory_space<hbm>> -> memref<1x64xf32, #tpu.memory_space<hbm>>
            %dma_start3A_310 = tpu.memref_squeeze %dma_start3A_309 : memref<1x64xf32, #tpu.memory_space<hbm>> -> memref<64xf32, #tpu.memory_space<hbm>>
            tpu.enqueue_dma source(%dma_start3A_310 : memref<64xf32, #tpu.memory_space<hbm>>) target(%dma_start3A_307 : memref<64xf32, #tpu.memory_space<vmem>>) target_semaphore(%arg10 : memref<!tpu.dma_semaphore, #tpu.memory_space<semaphore_mem>>)
            %slice3A_311 = vector.extract_strided_slice %get3A_160 {offsets = [8], sizes = [1], strides = [1]} : vector<16xi32> to vector<1xi32>
            %squeeze3A_312 = vector.extract %slice3A_311[0] : i32 from vector<1xi32>
            %mul3A_313 = arith.constant 16 : i32
            %mul3A_314 = arith.muli %scan3A_155, %mul3A_313 : i32
            %add3A_315 = arith.constant 8 : i32
            %add3A_316 = arith.addi %mul3A_314, %add3A_315 : i32
            %dma_start3A_317 = arith.constant 3 : i32
            %dma_start3A_318 = arith.constant 0 : i32
            %dma_start3A_319 = tpu.memref_slice %arg6[%dma_start3A_317, %add3A_316, %dma_start3A_318] : memref<4x128x64xf32, #tpu.memory_space<vmem>> -> memref<1x1x64xf32, #tpu.memory_space<vmem>>
            %dma_start3A_320 = tpu.memref_squeeze %dma_start3A_319 : memref<1x1x64xf32, #tpu.memory_space<vmem>> -> memref<64xf32, #tpu.memory_space<vmem>>
            %dma_start3A_321 = arith.constant 0 : i32
            %dma_start3A_322 = tpu.memref_slice %arg3[%squeeze3A_312, %dma_start3A_321] : memref<1000000x64xf32, #tpu.memory_space<hbm>> -> memref<1x64xf32, #tpu.memory_space<hbm>>
            %dma_start3A_323 = tpu.memref_squeeze %dma_start3A_322 : memref<1x64xf32, #tpu.memory_space<hbm>> -> memref<64xf32, #tpu.memory_space<hbm>>
            %dma_start3A_324 = arith.constant 0 : i32
            %dma_start3A_325 = tpu.memref_slice %arg6[%dma_start3A_317, %add3A_316, %dma_start3A_324] : memref<4x128x64xf32, #tpu.memory_space<vmem>> -> memref<1x1x64xf32, #tpu.memory_space<vmem>>
            %dma_start3A_326 = tpu.memref_squeeze %dma_start3A_325 : memref<1x1x64xf32, #tpu.memory_space<vmem>> -> memref<64xf32, #tpu.memory_space<vmem>>
            %dma_start3A_327 = arith.constant 0 : i32
            %dma_start3A_328 = tpu.memref_slice %arg3[%squeeze3A_312, %dma_start3A_327] : memref<1000000x64xf32, #tpu.memory_space<hbm>> -> memref<1x64xf32, #tpu.memory_space<hbm>>
            %dma_start3A_329 = tpu.memref_squeeze %dma_start3A_328 : memref<1x64xf32, #tpu.memory_space<hbm>> -> memref<64xf32, #tpu.memory_space<hbm>>
            tpu.enqueue_dma source(%dma_start3A_329 : memref<64xf32, #tpu.memory_space<hbm>>) target(%dma_start3A_326 : memref<64xf32, #tpu.memory_space<vmem>>) target_semaphore(%arg10 : memref<!tpu.dma_semaphore, #tpu.memory_space<semaphore_mem>>)
            %slice3A_330 = vector.extract_strided_slice %get3A_160 {offsets = [9], sizes = [1], strides = [1]} : vector<16xi32> to vector<1xi32>
            %squeeze3A_331 = vector.extract %slice3A_330[0] : i32 from vector<1xi32>
            %mul3A_332 = arith.constant 16 : i32
            %mul3A_333 = arith.muli %scan3A_155, %mul3A_332 : i32
            %add3A_334 = arith.constant 9 : i32
            %add3A_335 = arith.addi %mul3A_333, %add3A_334 : i32
            %dma_start3A_336 = arith.constant 3 : i32
            %dma_start3A_337 = arith.constant 0 : i32
            %dma_start3A_338 = tpu.memref_slice %arg6[%dma_start3A_336, %add3A_335, %dma_start3A_337] : memref<4x128x64xf32, #tpu.memory_space<vmem>> -> memref<1x1x64xf32, #tpu.memory_space<vmem>>
            %dma_start3A_339 = tpu.memref_squeeze %dma_start3A_338 : memref<1x1x64xf32, #tpu.memory_space<vmem>> -> memref<64xf32, #tpu.memory_space<vmem>>
            %dma_start3A_340 = arith.constant 0 : i32
            %dma_start3A_341 = tpu.memref_slice %arg3[%squeeze3A_331, %dma_start3A_340] : memref<1000000x64xf32, #tpu.memory_space<hbm>> -> memref<1x64xf32, #tpu.memory_space<hbm>>
            %dma_start3A_342 = tpu.memref_squeeze %dma_start3A_341 : memref<1x64xf32, #tpu.memory_space<hbm>> -> memref<64xf32, #tpu.memory_space<hbm>>
            %dma_start3A_343 = arith.constant 0 : i32
            %dma_start3A_344 = tpu.memref_slice %arg6[%dma_start3A_336, %add3A_335, %dma_start3A_343] : memref<4x128x64xf32, #tpu.memory_space<vmem>> -> memref<1x1x64xf32, #tpu.memory_space<vmem>>
            %dma_start3A_345 = tpu.memref_squeeze %dma_start3A_344 : memref<1x1x64xf32, #tpu.memory_space<vmem>> -> memref<64xf32, #tpu.memory_space<vmem>>
            %dma_start3A_346 = arith.constant 0 : i32
            %dma_start3A_347 = tpu.memref_slice %arg3[%squeeze3A_331, %dma_start3A_346] : memref<1000000x64xf32, #tpu.memory_space<hbm>> -> memref<1x64xf32, #tpu.memory_space<hbm>>
            %dma_start3A_348 = tpu.memref_squeeze %dma_start3A_347 : memref<1x64xf32, #tpu.memory_space<hbm>> -> memref<64xf32, #tpu.memory_space<hbm>>
            tpu.enqueue_dma source(%dma_start3A_348 : memref<64xf32, #tpu.memory_space<hbm>>) target(%dma_start3A_345 : memref<64xf32, #tpu.memory_space<vmem>>) target_semaphore(%arg10 : memref<!tpu.dma_semaphore, #tpu.memory_space<semaphore_mem>>)
            %slice3A_349 = vector.extract_strided_slice %get3A_160 {offsets = [10], sizes = [1], strides = [1]} : vector<16xi32> to vector<1xi32>
            %squeeze3A_350 = vector.extract %slice3A_349[0] : i32 from vector<1xi32>
            %mul3A_351 = arith.constant 16 : i32
            %mul3A_352 = arith.muli %scan3A_155, %mul3A_351 : i32
            %add3A_353 = arith.constant 10 : i32
            %add3A_354 = arith.addi %mul3A_352, %add3A_353 : i32
            %dma_start3A_355 = arith.constant 3 : i32
            %dma_start3A_356 = arith.constant 0 : i32
            %dma_start3A_357 = tpu.memref_slice %arg6[%dma_start3A_355, %add3A_354, %dma_start3A_356] : memref<4x128x64xf32, #tpu.memory_space<vmem>> -> memref<1x1x64xf32, #tpu.memory_space<vmem>>
            %dma_start3A_358 = tpu.memref_squeeze %dma_start3A_357 : memref<1x1x64xf32, #tpu.memory_space<vmem>> -> memref<64xf32, #tpu.memory_space<vmem>>
            %dma_start3A_359 = arith.constant 0 : i32
            %dma_start3A_360 = tpu.memref_slice %arg3[%squeeze3A_350, %dma_start3A_359] : memref<1000000x64xf32, #tpu.memory_space<hbm>> -> memref<1x64xf32, #tpu.memory_space<hbm>>
            %dma_start3A_361 = tpu.memref_squeeze %dma_start3A_360 : memref<1x64xf32, #tpu.memory_space<hbm>> -> memref<64xf32, #tpu.memory_space<hbm>>
            %dma_start3A_362 = arith.constant 0 : i32
            %dma_start3A_363 = tpu.memref_slice %arg6[%dma_start3A_355, %add3A_354, %dma_start3A_362] : memref<4x128x64xf32, #tpu.memory_space<vmem>> -> memref<1x1x64xf32, #tpu.memory_space<vmem>>
            %dma_start3A_364 = tpu.memref_squeeze %dma_start3A_363 : memref<1x1x64xf32, #tpu.memory_space<vmem>> -> memref<64xf32, #tpu.memory_space<vmem>>
            %dma_start3A_365 = arith.constant 0 : i32
            %dma_start3A_366 = tpu.memref_slice %arg3[%squeeze3A_350, %dma_start3A_365] : memref<1000000x64xf32, #tpu.memory_space<hbm>> -> memref<1x64xf32, #tpu.memory_space<hbm>>
            %dma_start3A_367 = tpu.memref_squeeze %dma_start3A_366 : memref<1x64xf32, #tpu.memory_space<hbm>> -> memref<64xf32, #tpu.memory_space<hbm>>
            tpu.enqueue_dma source(%dma_start3A_367 : memref<64xf32, #tpu.memory_space<hbm>>) target(%dma_start3A_364 : memref<64xf32, #tpu.memory_space<vmem>>) target_semaphore(%arg10 : memref<!tpu.dma_semaphore, #tpu.memory_space<semaphore_mem>>)
            %slice3A_368 = vector.extract_strided_slice %get3A_160 {offsets = [11], sizes = [1], strides = [1]} : vector<16xi32> to vector<1xi32>
            %squeeze3A_369 = vector.extract %slice3A_368[0] : i32 from vector<1xi32>
            %mul3A_370 = arith.constant 16 : i32
            %mul3A_371 = arith.muli %scan3A_155, %mul3A_370 : i32
            %add3A_372 = arith.constant 11 : i32
            %add3A_373 = arith.addi %mul3A_371, %add3A_372 : i32
            %dma_start3A_374 = arith.constant 3 : i32
            %dma_start3A_375 = arith.constant 0 : i32
            %dma_start3A_376 = tpu.memref_slice %arg6[%dma_start3A_374, %add3A_373, %dma_start3A_375] : memref<4x128x64xf32, #tpu.memory_space<vmem>> -> memref<1x1x64xf32, #tpu.memory_space<vmem>>
            %dma_start3A_377 = tpu.memref_squeeze %dma_start3A_376 : memref<1x1x64xf32, #tpu.memory_space<vmem>> -> memref<64xf32, #tpu.memory_space<vmem>>
            %dma_start3A_378 = arith.constant 0 : i32
            %dma_start3A_379 = tpu.memref_slice %arg3[%squeeze3A_369, %dma_start3A_378] : memref<1000000x64xf32, #tpu.memory_space<hbm>> -> memref<1x64xf32, #tpu.memory_space<hbm>>
            %dma_start3A_380 = tpu.memref_squeeze %dma_start3A_379 : memref<1x64xf32, #tpu.memory_space<hbm>> -> memref<64xf32, #tpu.memory_space<hbm>>
            %dma_start3A_381 = arith.constant 0 : i32
            %dma_start3A_382 = tpu.memref_slice %arg6[%dma_start3A_374, %add3A_373, %dma_start3A_381] : memref<4x128x64xf32, #tpu.memory_space<vmem>> -> memref<1x1x64xf32, #tpu.memory_space<vmem>>
            %dma_start3A_383 = tpu.memref_squeeze %dma_start3A_382 : memref<1x1x64xf32, #tpu.memory_space<vmem>> -> memref<64xf32, #tpu.memory_space<vmem>>
            %dma_start3A_384 = arith.constant 0 : i32
            %dma_start3A_385 = tpu.memref_slice %arg3[%squeeze3A_369, %dma_start3A_384] : memref<1000000x64xf32, #tpu.memory_space<hbm>> -> memref<1x64xf32, #tpu.memory_space<hbm>>
            %dma_start3A_386 = tpu.memref_squeeze %dma_start3A_385 : memref<1x64xf32, #tpu.memory_space<hbm>> -> memref<64xf32, #tpu.memory_space<hbm>>
            tpu.enqueue_dma source(%dma_start3A_386 : memref<64xf32, #tpu.memory_space<hbm>>) target(%dma_start3A_383 : memref<64xf32, #tpu.memory_space<vmem>>) target_semaphore(%arg10 : memref<!tpu.dma_semaphore, #tpu.memory_space<semaphore_mem>>)
            %slice3A_387 = vector.extract_strided_slice %get3A_160 {offsets = [12], sizes = [1], strides = [1]} : vector<16xi32> to vector<1xi32>
            %squeeze3A_388 = vector.extract %slice3A_387[0] : i32 from vector<1xi32>
            %mul3A_389 = arith.constant 16 : i32
            %mul3A_390 = arith.muli %scan3A_155, %mul3A_389 : i32
            %add3A_391 = arith.constant 12 : i32
            %add3A_392 = arith.addi %mul3A_390, %add3A_391 : i32
            %dma_start3A_393 = arith.constant 3 : i32
            %dma_start3A_394 = arith.constant 0 : i32
            %dma_start3A_395 = tpu.memref_slice %arg6[%dma_start3A_393, %add3A_392, %dma_start3A_394] : memref<4x128x64xf32, #tpu.memory_space<vmem>> -> memref<1x1x64xf32, #tpu.memory_space<vmem>>
            %dma_start3A_396 = tpu.memref_squeeze %dma_start3A_395 : memref<1x1x64xf32, #tpu.memory_space<vmem>> -> memref<64xf32, #tpu.memory_space<vmem>>
            %dma_start3A_397 = arith.constant 0 : i32
            %dma_start3A_398 = tpu.memref_slice %arg3[%squeeze3A_388, %dma_start3A_397] : memref<1000000x64xf32, #tpu.memory_space<hbm>> -> memref<1x64xf32, #tpu.memory_space<hbm>>
            %dma_start3A_399 = tpu.memref_squeeze %dma_start3A_398 : memref<1x64xf32, #tpu.memory_space<hbm>> -> memref<64xf32, #tpu.memory_space<hbm>>
            %dma_start3A_400 = arith.constant 0 : i32
            %dma_start3A_401 = tpu.memref_slice %arg6[%dma_start3A_393, %add3A_392, %dma_start3A_400] : memref<4x128x64xf32, #tpu.memory_space<vmem>> -> memref<1x1x64xf32, #tpu.memory_space<vmem>>
            %dma_start3A_402 = tpu.memref_squeeze %dma_start3A_401 : memref<1x1x64xf32, #tpu.memory_space<vmem>> -> memref<64xf32, #tpu.memory_space<vmem>>
            %dma_start3A_403 = arith.constant 0 : i32
            %dma_start3A_404 = tpu.memref_slice %arg3[%squeeze3A_388, %dma_start3A_403] : memref<1000000x64xf32, #tpu.memory_space<hbm>> -> memref<1x64xf32, #tpu.memory_space<hbm>>
            %dma_start3A_405 = tpu.memref_squeeze %dma_start3A_404 : memref<1x64xf32, #tpu.memory_space<hbm>> -> memref<64xf32, #tpu.memory_space<hbm>>
            tpu.enqueue_dma source(%dma_start3A_405 : memref<64xf32, #tpu.memory_space<hbm>>) target(%dma_start3A_402 : memref<64xf32, #tpu.memory_space<vmem>>) target_semaphore(%arg10 : memref<!tpu.dma_semaphore, #tpu.memory_space<semaphore_mem>>)
            %slice3A_406 = vector.extract_strided_slice %get3A_160 {offsets = [13], sizes = [1], strides = [1]} : vector<16xi32> to vector<1xi32>
            %squeeze3A_407 = vector.extract %slice3A_406[0] : i32 from vector<1xi32>
            %mul3A_408 = arith.constant 16 : i32
            %mul3A_409 = arith.muli %scan3A_155, %mul3A_408 : i32
            %add3A_410 = arith.constant 13 : i32
            %add3A_411 = arith.addi %mul3A_409, %add3A_410 : i32
            %dma_start3A_412 = arith.constant 3 : i32
            %dma_start3A_413 = arith.constant 0 : i32
            %dma_start3A_414 = tpu.memref_slice %arg6[%dma_start3A_412, %add3A_411, %dma_start3A_413] : memref<4x128x64xf32, #tpu.memory_space<vmem>> -> memref<1x1x64xf32, #tpu.memory_space<vmem>>
            %dma_start3A_415 = tpu.memref_squeeze %dma_start3A_414 : memref<1x1x64xf32, #tpu.memory_space<vmem>> -> memref<64xf32, #tpu.memory_space<vmem>>
            %dma_start3A_416 = arith.constant 0 : i32
            %dma_start3A_417 = tpu.memref_slice %arg3[%squeeze3A_407, %dma_start3A_416] : memref<1000000x64xf32, #tpu.memory_space<hbm>> -> memref<1x64xf32, #tpu.memory_space<hbm>>
            %dma_start3A_418 = tpu.memref_squeeze %dma_start3A_417 : memref<1x64xf32, #tpu.memory_space<hbm>> -> memref<64xf32, #tpu.memory_space<hbm>>
            %dma_start3A_419 = arith.constant 0 : i32
            %dma_start3A_420 = tpu.memref_slice %arg6[%dma_start3A_412, %add3A_411, %dma_start3A_419] : memref<4x128x64xf32, #tpu.memory_space<vmem>> -> memref<1x1x64xf32, #tpu.memory_space<vmem>>
            %dma_start3A_421 = tpu.memref_squeeze %dma_start3A_420 : memref<1x1x64xf32, #tpu.memory_space<vmem>> -> memref<64xf32, #tpu.memory_space<vmem>>
            %dma_start3A_422 = arith.constant 0 : i32
            %dma_start3A_423 = tpu.memref_slice %arg3[%squeeze3A_407, %dma_start3A_422] : memref<1000000x64xf32, #tpu.memory_space<hbm>> -> memref<1x64xf32, #tpu.memory_space<hbm>>
            %dma_start3A_424 = tpu.memref_squeeze %dma_start3A_423 : memref<1x64xf32, #tpu.memory_space<hbm>> -> memref<64xf32, #tpu.memory_space<hbm>>
            tpu.enqueue_dma source(%dma_start3A_424 : memref<64xf32, #tpu.memory_space<hbm>>) target(%dma_start3A_421 : memref<64xf32, #tpu.memory_space<vmem>>) target_semaphore(%arg10 : memref<!tpu.dma_semaphore, #tpu.memory_space<semaphore_mem>>)
            %slice3A_425 = vector.extract_strided_slice %get3A_160 {offsets = [14], sizes = [1], strides = [1]} : vector<16xi32> to vector<1xi32>
            %squeeze3A_426 = vector.extract %slice3A_425[0] : i32 from vector<1xi32>
            %mul3A_427 = arith.constant 16 : i32
            %mul3A_428 = arith.muli %scan3A_155, %mul3A_427 : i32
            %add3A_429 = arith.constant 14 : i32
            %add3A_430 = arith.addi %mul3A_428, %add3A_429 : i32
            %dma_start3A_431 = arith.constant 3 : i32
            %dma_start3A_432 = arith.constant 0 : i32
            %dma_start3A_433 = tpu.memref_slice %arg6[%dma_start3A_431, %add3A_430, %dma_start3A_432] : memref<4x128x64xf32, #tpu.memory_space<vmem>> -> memref<1x1x64xf32, #tpu.memory_space<vmem>>
            %dma_start3A_434 = tpu.memref_squeeze %dma_start3A_433 : memref<1x1x64xf32, #tpu.memory_space<vmem>> -> memref<64xf32, #tpu.memory_space<vmem>>
            %dma_start3A_435 = arith.constant 0 : i32
            %dma_start3A_436 = tpu.memref_slice %arg3[%squeeze3A_426, %dma_start3A_435] : memref<1000000x64xf32, #tpu.memory_space<hbm>> -> memref<1x64xf32, #tpu.memory_space<hbm>>
            %dma_start3A_437 = tpu.memref_squeeze %dma_start3A_436 : memref<1x64xf32, #tpu.memory_space<hbm>> -> memref<64xf32, #tpu.memory_space<hbm>>
            %dma_start3A_438 = arith.constant 0 : i32
            %dma_start3A_439 = tpu.memref_slice %arg6[%dma_start3A_431, %add3A_430, %dma_start3A_438] : memref<4x128x64xf32, #tpu.memory_space<vmem>> -> memref<1x1x64xf32, #tpu.memory_space<vmem>>
            %dma_start3A_440 = tpu.memref_squeeze %dma_start3A_439 : memref<1x1x64xf32, #tpu.memory_space<vmem>> -> memref<64xf32, #tpu.memory_space<vmem>>
            %dma_start3A_441 = arith.constant 0 : i32
            %dma_start3A_442 = tpu.memref_slice %arg3[%squeeze3A_426, %dma_start3A_441] : memref<1000000x64xf32, #tpu.memory_space<hbm>> -> memref<1x64xf32, #tpu.memory_space<hbm>>
            %dma_start3A_443 = tpu.memref_squeeze %dma_start3A_442 : memref<1x64xf32, #tpu.memory_space<hbm>> -> memref<64xf32, #tpu.memory_space<hbm>>
            tpu.enqueue_dma source(%dma_start3A_443 : memref<64xf32, #tpu.memory_space<hbm>>) target(%dma_start3A_440 : memref<64xf32, #tpu.memory_space<vmem>>) target_semaphore(%arg10 : memref<!tpu.dma_semaphore, #tpu.memory_space<semaphore_mem>>)
            %slice3A_444 = vector.extract_strided_slice %get3A_160 {offsets = [15], sizes = [1], strides = [1]} : vector<16xi32> to vector<1xi32>
            %squeeze3A_445 = vector.extract %slice3A_444[0] : i32 from vector<1xi32>
            %mul3A_446 = arith.constant 16 : i32
            %mul3A_447 = arith.muli %scan3A_155, %mul3A_446 : i32
            %add3A_448 = arith.constant 15 : i32
            %add3A_449 = arith.addi %mul3A_447, %add3A_448 : i32
            %dma_start3A_450 = arith.constant 3 : i32
            %dma_start3A_451 = arith.constant 0 : i32
            %dma_start3A_452 = tpu.memref_slice %arg6[%dma_start3A_450, %add3A_449, %dma_start3A_451] : memref<4x128x64xf32, #tpu.memory_space<vmem>> -> memref<1x1x64xf32, #tpu.memory_space<vmem>>
            %dma_start3A_453 = tpu.memref_squeeze %dma_start3A_452 : memref<1x1x64xf32, #tpu.memory_space<vmem>> -> memref<64xf32, #tpu.memory_space<vmem>>
            %dma_start3A_454 = arith.constant 0 : i32
            %dma_start3A_455 = tpu.memref_slice %arg3[%squeeze3A_445, %dma_start3A_454] : memref<1000000x64xf32, #tpu.memory_space<hbm>> -> memref<1x64xf32, #tpu.memory_space<hbm>>
            %dma_start3A_456 = tpu.memref_squeeze %dma_start3A_455 : memref<1x64xf32, #tpu.memory_space<hbm>> -> memref<64xf32, #tpu.memory_space<hbm>>
            %dma_start3A_457 = arith.constant 0 : i32
            %dma_start3A_458 = tpu.memref_slice %arg6[%dma_start3A_450, %add3A_449, %dma_start3A_457] : memref<4x128x64xf32, #tpu.memory_space<vmem>> -> memref<1x1x64xf32, #tpu.memory_space<vmem>>
            %dma_start3A_459 = tpu.memref_squeeze %dma_start3A_458 : memref<1x1x64xf32, #tpu.memory_space<vmem>> -> memref<64xf32, #tpu.memory_space<vmem>>
            %dma_start3A_460 = arith.constant 0 : i32
            %dma_start3A_461 = tpu.memref_slice %arg3[%squeeze3A_445, %dma_start3A_460] : memref<1000000x64xf32, #tpu.memory_space<hbm>> -> memref<1x64xf32, #tpu.memory_space<hbm>>
            %dma_start3A_462 = tpu.memref_squeeze %dma_start3A_461 : memref<1x64xf32, #tpu.memory_space<hbm>> -> memref<64xf32, #tpu.memory_space<hbm>>
            tpu.enqueue_dma source(%dma_start3A_462 : memref<64xf32, #tpu.memory_space<hbm>>) target(%dma_start3A_459 : memref<64xf32, #tpu.memory_space<vmem>>) target_semaphore(%arg10 : memref<!tpu.dma_semaphore, #tpu.memory_space<semaphore_mem>>)
          }
          %scan3A_154 = arith.constant 8 : i32
        } else {
        }
      } else {
      }
      %eq3A_89 = arith.constant 1 : i32
      %eq3A_90 = arith.cmpi eq, %rem3A_86, %eq3A_89 : i32
      %convert_element_type3A_91 = arith.extui %eq3A_90 : i1 to i32
      %cond3A_92 = arith.constant 0 : i32
      %cond3A_93 = arith.cmpi ne, %convert_element_type3A_91, %cond3A_92 : i32
      scf.if %cond3A_93 {
        %dma_wait3A_104 = arith.constant 1 : i32
        %dma_wait3A_105 = arith.constant 0 : i32
        %dma_wait3A_106 = arith.constant 0 : i32
        %dma_wait3A_107 = tpu.memref_slice %arg6[%dma_wait3A_104, %dma_wait3A_105, %dma_wait3A_106] : memref<4x128x64xf32, #tpu.memory_space<vmem>> -> memref<1x128x64xf32, #tpu.memory_space<vmem>>
        %dma_wait3A_108 = tpu.memref_squeeze %dma_wait3A_107 : memref<1x128x64xf32, #tpu.memory_space<vmem>> -> memref<128x64xf32, #tpu.memory_space<vmem>>
        %dma_wait3A_109 = arith.constant 0 : i32
        %dma_wait3A_110 = arith.constant 0 : i32
        %dma_wait3A_111 = tpu.memref_slice %arg3[%dma_wait3A_109, %dma_wait3A_110] : memref<1000000x64xf32, #tpu.memory_space<hbm>> -> memref<128x64xf32, #tpu.memory_space<hbm>>
        %dma_wait3A_112 = arith.constant 0 : i32
        %dma_wait3A_113 = arith.constant 0 : i32
        %dma_wait3A_114 = tpu.memref_slice %arg6[%dma_wait3A_104, %dma_wait3A_112, %dma_wait3A_113] : memref<4x128x64xf32, #tpu.memory_space<vmem>> -> memref<1x128x64xf32, #tpu.memory_space<vmem>>
        %dma_wait3A_115 = tpu.memref_squeeze %dma_wait3A_114 : memref<1x128x64xf32, #tpu.memory_space<vmem>> -> memref<128x64xf32, #tpu.memory_space<vmem>>
        %dma_wait3A_116 = arith.constant 0 : i32
        %dma_wait3A_117 = arith.constant 0 : i32
        %dma_wait3A_118 = tpu.memref_slice %arg3[%dma_wait3A_116, %dma_wait3A_117] : memref<1000000x64xf32, #tpu.memory_space<hbm>> -> memref<128x64xf32, #tpu.memory_space<hbm>>
        tpu.wait_dma2 semaphore(%arg8 : memref<!tpu.dma_semaphore, #tpu.memory_space<semaphore_mem>>) src(%dma_wait3A_118 : memref<128x64xf32, #tpu.memory_space<hbm>>) dst(%dma_wait3A_115 : memref<128x64xf32, #tpu.memory_space<vmem>>)
        %mul3A_119 = arith.constant 128 : i32
        %mul3A_120 = arith.muli %scan3A_85, %mul3A_119 : i32
        %add3A_121 = arith.addi %mul3A_2, %mul3A_120 : i32
        %dma_start3A = arith.constant 1 : i32
        %dma_start3A_122 = arith.constant 0 : i32
        %dma_start3A_123 = arith.constant 0 : i32
        %dma_start3A_124 = tpu.memref_slice %arg6[%dma_start3A, %dma_start3A_122, %dma_start3A_123] : memref<4x128x64xf32, #tpu.memory_space<vmem>> -> memref<1x128x64xf32, #tpu.memory_space<vmem>>
        %dma_start3A_125 = tpu.memref_squeeze %dma_start3A_124 : memref<1x128x64xf32, #tpu.memory_space<vmem>> -> memref<128x64xf32, #tpu.memory_space<vmem>>
        %dma_start3A_126 = arith.constant 0 : i32
        %dma_start3A_127 = tpu.memref_slice %arg4[%add3A_121, %dma_start3A_126] : memref<819200x64xf32, #tpu.memory_space<hbm>> -> memref<128x64xf32, #tpu.memory_space<hbm>>
        %dma_start3A_128 = arith.constant 0 : i32
        %dma_start3A_129 = tpu.memref_slice %arg4[%add3A_121, %dma_start3A_128] : memref<819200x64xf32, #tpu.memory_space<hbm>> -> memref<128x64xf32, #tpu.memory_space<hbm>>
        %dma_start3A_130 = arith.constant 0 : i32
        %dma_start3A_131 = arith.constant 0 : i32
        %dma_start3A_132 = tpu.memref_slice %arg6[%dma_start3A, %dma_start3A_130, %dma_start3A_131] : memref<4x128x64xf32, #tpu.memory_space<vmem>> -> memref<1x128x64xf32, #tpu.memory_space<vmem>>
        %dma_start3A_133 = tpu.memref_squeeze %dma_start3A_132 : memref<1x128x64xf32, #tpu.memory_space<vmem>> -> memref<128x64xf32, #tpu.memory_space<vmem>>
        tpu.enqueue_dma source(%dma_start3A_133 : memref<128x64xf32, #tpu.memory_space<vmem>>) target(%dma_start3A_129 : memref<128x64xf32, #tpu.memory_space<hbm>>) target_semaphore(%arg12 : memref<!tpu.dma_semaphore, #tpu.memory_space<semaphore_mem>>)
        %add3A_134 = arith.constant 4 : i32
        %add3A_135 = arith.addi %scan3A_85, %add3A_134 : i32
        %sub3A = arith.constant 1 : i32
        %sub3A_136 = arith.subi %add3A_135, %sub3A : i32
        %lt3A = arith.constant 200 : i32
        %lt3A_137 = arith.cmpi slt, %sub3A_136, %lt3A : i32
        %convert_element_type3A_138 = arith.extui %lt3A_137 : i1 to i32
        %cond3A_139 = arith.constant 0 : i32
        %cond3A_140 = arith.cmpi ne, %convert_element_type3A_138, %cond3A_139 : i32
        scf.if %cond3A_140 {
          %ge3A = arith.constant 1 : i32
          %ge3A_141 = arith.cmpi sge, %scan3A_85, %ge3A : i32
          %convert_element_type3A_142 = arith.extui %ge3A_141 : i1 to i32
          %cond3A_143 = arith.constant 0 : i32
          %cond3A_144 = arith.cmpi ne, %convert_element_type3A_142, %cond3A_143 : i32
          scf.if %cond3A_144 {
            %sub3A_155 = arith.constant 1 : i32
            %sub3A_156 = arith.subi %scan3A_85, %sub3A_155 : i32
            %mul3A_157 = arith.constant 128 : i32
            %mul3A_158 = arith.muli %sub3A_156, %mul3A_157 : i32
            %add3A_159 = arith.addi %mul3A_2, %mul3A_158 : i32
            %dma_wait3A_160 = arith.constant 0 : i32
            %dma_wait3A_161 = arith.constant 0 : i32
            %dma_wait3A_162 = arith.constant 0 : i32
            %dma_wait3A_163 = tpu.memref_slice %arg6[%dma_wait3A_160, %dma_wait3A_161, %dma_wait3A_162] : memref<4x128x64xf32, #tpu.memory_space<vmem>> -> memref<1x128x64xf32, #tpu.memory_space<vmem>>
            %dma_wait3A_164 = tpu.memref_squeeze %dma_wait3A_163 : memref<1x128x64xf32, #tpu.memory_space<vmem>> -> memref<128x64xf32, #tpu.memory_space<vmem>>
            %dma_wait3A_165 = arith.constant 0 : i32
            %dma_wait3A_166 = tpu.memref_slice %arg4[%add3A_159, %dma_wait3A_165] : memref<819200x64xf32, #tpu.memory_space<hbm>> -> memref<128x64xf32, #tpu.memory_space<hbm>>
            %dma_wait3A_167 = arith.constant 0 : i32
            %dma_wait3A_168 = tpu.memref_slice %arg4[%add3A_159, %dma_wait3A_167] : memref<819200x64xf32, #tpu.memory_space<hbm>> -> memref<128x64xf32, #tpu.memory_space<hbm>>
            %dma_wait3A_169 = arith.constant 0 : i32
            %dma_wait3A_170 = arith.constant 0 : i32
            %dma_wait3A_171 = tpu.memref_slice %arg6[%dma_wait3A_160, %dma_wait3A_169, %dma_wait3A_170] : memref<4x128x64xf32, #tpu.memory_space<vmem>> -> memref<1x128x64xf32, #tpu.memory_space<vmem>>
            %dma_wait3A_172 = tpu.memref_squeeze %dma_wait3A_171 : memref<1x128x64xf32, #tpu.memory_space<vmem>> -> memref<128x64xf32, #tpu.memory_space<vmem>>
            tpu.wait_dma2 semaphore(%arg11 : memref<!tpu.dma_semaphore, #tpu.memory_space<semaphore_mem>>) src(%dma_wait3A_172 : memref<128x64xf32, #tpu.memory_space<vmem>>) dst(%dma_wait3A_168 : memref<128x64xf32, #tpu.memory_space<hbm>>)
          } else {
          }
          %add3A_145 = arith.constant 4 : i32
          %add3A_146 = arith.addi %scan3A_85, %add3A_145 : i32
          %sub3A_147 = arith.constant 1 : i32
          %sub3A_148 = arith.subi %add3A_146, %sub3A_147 : i32
          %scan3A_149 = arith.constant 0 : i32
          %scan3A_150 = arith.constant 0 : i32
          %scan3A_151 = arith.constant 8 : i32
          %scan3A_152 = arith.addi %scan3A_150, %scan3A_151 : i32
          %scan3A_153 = arith.constant 1 : i32
          scf.for %scan3A_155 = %scan3A_150 to %scan3A_152 step %scan3A_153  : i32 {
            %mul3A_156 = arith.constant 16 : i32
            %mul3A_157 = arith.muli %scan3A_155, %mul3A_156 : i32
            %get3A = arith.index_cast %sub3A_148 : i32 to index
            %get3A_158 = arith.index_cast %mul3A_157 : i32 to index
            %get3A_159 = tpu.vector_load %arg5[%get3A, %get3A_158] {strides = array<i32>} : memref<200x128xi32, #tpu.memory_space<vmem>>, vector<1x16xi32>,
            %get3A_160 = vector.shape_cast %get3A_159 : vector<1x16xi32> to vector<16xi32>
            %slice3A = vector.extract_strided_slice %get3A_160 {offsets = [0], sizes = [1], strides = [1]} : vector<16xi32> to vector<1xi32>
            %squeeze3A = vector.extract %slice3A[0] : i32 from vector<1xi32>
            %mul3A_161 = arith.constant 16 : i32
            %mul3A_162 = arith.muli %scan3A_155, %mul3A_161 : i32
            %add3A_163 = arith.constant 0 : i32
            %add3A_164 = arith.addi %mul3A_162, %add3A_163 : i32
            %dma_start3A_165 = arith.constant 0 : i32
            %dma_start3A_166 = arith.constant 0 : i32
            %dma_start3A_167 = tpu.memref_slice %arg6[%dma_start3A_165, %add3A_164, %dma_start3A_166] : memref<4x128x64xf32, #tpu.memory_space<vmem>> -> memref<1x1x64xf32, #tpu.memory_space<vmem>>
            %dma_start3A_168 = tpu.memref_squeeze %dma_start3A_167 : memref<1x1x64xf32, #tpu.memory_space<vmem>> -> memref<64xf32, #tpu.memory_space<vmem>>
            %dma_start3A_169 = arith.constant 0 : i32
            %dma_start3A_170 = tpu.memref_slice %arg3[%squeeze3A, %dma_start3A_169] : memref<1000000x64xf32, #tpu.memory_space<hbm>> -> memref<1x64xf32, #tpu.memory_space<hbm>>
            %dma_start3A_171 = tpu.memref_squeeze %dma_start3A_170 : memref<1x64xf32, #tpu.memory_space<hbm>> -> memref<64xf32, #tpu.memory_space<hbm>>
            %dma_start3A_172 = arith.constant 0 : i32
            %dma_start3A_173 = tpu.memref_slice %arg6[%dma_start3A_165, %add3A_164, %dma_start3A_172] : memref<4x128x64xf32, #tpu.memory_space<vmem>> -> memref<1x1x64xf32, #tpu.memory_space<vmem>>
            %dma_start3A_174 = tpu.memref_squeeze %dma_start3A_173 : memref<1x1x64xf32, #tpu.memory_space<vmem>> -> memref<64xf32, #tpu.memory_space<vmem>>
            %dma_start3A_175 = arith.constant 0 : i32
            %dma_start3A_176 = tpu.memref_slice %arg3[%squeeze3A, %dma_start3A_175] : memref<1000000x64xf32, #tpu.memory_space<hbm>> -> memref<1x64xf32, #tpu.memory_space<hbm>>
            %dma_start3A_177 = tpu.memref_squeeze %dma_start3A_176 : memref<1x64xf32, #tpu.memory_space<hbm>> -> memref<64xf32, #tpu.memory_space<hbm>>
            tpu.enqueue_dma source(%dma_start3A_177 : memref<64xf32, #tpu.memory_space<hbm>>) target(%dma_start3A_174 : memref<64xf32, #tpu.memory_space<vmem>>) target_semaphore(%arg7 : memref<!tpu.dma_semaphore, #tpu.memory_space<semaphore_mem>>)
            %slice3A_178 = vector.extract_strided_slice %get3A_160 {offsets = [1], sizes = [1], strides = [1]} : vector<16xi32> to vector<1xi32>
            %squeeze3A_179 = vector.extract %slice3A_178[0] : i32 from vector<1xi32>
            %mul3A_180 = arith.constant 16 : i32
            %mul3A_181 = arith.muli %scan3A_155, %mul3A_180 : i32
            %add3A_182 = arith.constant 1 : i32
            %add3A_183 = arith.addi %mul3A_181, %add3A_182 : i32
            %dma_start3A_184 = arith.constant 0 : i32
            %dma_start3A_185 = arith.constant 0 : i32
            %dma_start3A_186 = tpu.memref_slice %arg6[%dma_start3A_184, %add3A_183, %dma_start3A_185] : memref<4x128x64xf32, #tpu.memory_space<vmem>> -> memref<1x1x64xf32, #tpu.memory_space<vmem>>
            %dma_start3A_187 = tpu.memref_squeeze %dma_start3A_186 : memref<1x1x64xf32, #tpu.memory_space<vmem>> -> memref<64xf32, #tpu.memory_space<vmem>>
            %dma_start3A_188 = arith.constant 0 : i32
            %dma_start3A_189 = tpu.memref_slice %arg3[%squeeze3A_179, %dma_start3A_188] : memref<1000000x64xf32, #tpu.memory_space<hbm>> -> memref<1x64xf32, #tpu.memory_space<hbm>>
            %dma_start3A_190 = tpu.memref_squeeze %dma_start3A_189 : memref<1x64xf32, #tpu.memory_space<hbm>> -> memref<64xf32, #tpu.memory_space<hbm>>
            %dma_start3A_191 = arith.constant 0 : i32
            %dma_start3A_192 = tpu.memref_slice %arg6[%dma_start3A_184, %add3A_183, %dma_start3A_191] : memref<4x128x64xf32, #tpu.memory_space<vmem>> -> memref<1x1x64xf32, #tpu.memory_space<vmem>>
            %dma_start3A_193 = tpu.memref_squeeze %dma_start3A_192 : memref<1x1x64xf32, #tpu.memory_space<vmem>> -> memref<64xf32, #tpu.memory_space<vmem>>
            %dma_start3A_194 = arith.constant 0 : i32
            %dma_start3A_195 = tpu.memref_slice %arg3[%squeeze3A_179, %dma_start3A_194] : memref<1000000x64xf32, #tpu.memory_space<hbm>> -> memref<1x64xf32, #tpu.memory_space<hbm>>
            %dma_start3A_196 = tpu.memref_squeeze %dma_start3A_195 : memref<1x64xf32, #tpu.memory_space<hbm>> -> memref<64xf32, #tpu.memory_space<hbm>>
            tpu.enqueue_dma source(%dma_start3A_196 : memref<64xf32, #tpu.memory_space<hbm>>) target(%dma_start3A_193 : memref<64xf32, #tpu.memory_space<vmem>>) target_semaphore(%arg7 : memref<!tpu.dma_semaphore, #tpu.memory_space<semaphore_mem>>)
            %slice3A_197 = vector.extract_strided_slice %get3A_160 {offsets = [2], sizes = [1], strides = [1]} : vector<16xi32> to vector<1xi32>
            %squeeze3A_198 = vector.extract %slice3A_197[0] : i32 from vector<1xi32>
            %mul3A_199 = arith.constant 16 : i32
            %mul3A_200 = arith.muli %scan3A_155, %mul3A_199 : i32
            %add3A_201 = arith.constant 2 : i32
            %add3A_202 = arith.addi %mul3A_200, %add3A_201 : i32
            %dma_start3A_203 = arith.constant 0 : i32
            %dma_start3A_204 = arith.constant 0 : i32
            %dma_start3A_205 = tpu.memref_slice %arg6[%dma_start3A_203, %add3A_202, %dma_start3A_204] : memref<4x128x64xf32, #tpu.memory_space<vmem>> -> memref<1x1x64xf32, #tpu.memory_space<vmem>>
            %dma_start3A_206 = tpu.memref_squeeze %dma_start3A_205 : memref<1x1x64xf32, #tpu.memory_space<vmem>> -> memref<64xf32, #tpu.memory_space<vmem>>
            %dma_start3A_207 = arith.constant 0 : i32
            %dma_start3A_208 = tpu.memref_slice %arg3[%squeeze3A_198, %dma_start3A_207] : memref<1000000x64xf32, #tpu.memory_space<hbm>> -> memref<1x64xf32, #tpu.memory_space<hbm>>
            %dma_start3A_209 = tpu.memref_squeeze %dma_start3A_208 : memref<1x64xf32, #tpu.memory_space<hbm>> -> memref<64xf32, #tpu.memory_space<hbm>>
            %dma_start3A_210 = arith.constant 0 : i32
            %dma_start3A_211 = tpu.memref_slice %arg6[%dma_start3A_203, %add3A_202, %dma_start3A_210] : memref<4x128x64xf32, #tpu.memory_space<vmem>> -> memref<1x1x64xf32, #tpu.memory_space<vmem>>
            %dma_start3A_212 = tpu.memref_squeeze %dma_start3A_211 : memref<1x1x64xf32, #tpu.memory_space<vmem>> -> memref<64xf32, #tpu.memory_space<vmem>>
            %dma_start3A_213 = arith.constant 0 : i32
            %dma_start3A_214 = tpu.memref_slice %arg3[%squeeze3A_198, %dma_start3A_213] : memref<1000000x64xf32, #tpu.memory_space<hbm>> -> memref<1x64xf32, #tpu.memory_space<hbm>>
            %dma_start3A_215 = tpu.memref_squeeze %dma_start3A_214 : memref<1x64xf32, #tpu.memory_space<hbm>> -> memref<64xf32, #tpu.memory_space<hbm>>
            tpu.enqueue_dma source(%dma_start3A_215 : memref<64xf32, #tpu.memory_space<hbm>>) target(%dma_start3A_212 : memref<64xf32, #tpu.memory_space<vmem>>) target_semaphore(%arg7 : memref<!tpu.dma_semaphore, #tpu.memory_space<semaphore_mem>>)
            %slice3A_216 = vector.extract_strided_slice %get3A_160 {offsets = [3], sizes = [1], strides = [1]} : vector<16xi32> to vector<1xi32>
            %squeeze3A_217 = vector.extract %slice3A_216[0] : i32 from vector<1xi32>
            %mul3A_218 = arith.constant 16 : i32
            %mul3A_219 = arith.muli %scan3A_155, %mul3A_218 : i32
            %add3A_220 = arith.constant 3 : i32
            %add3A_221 = arith.addi %mul3A_219, %add3A_220 : i32
            %dma_start3A_222 = arith.constant 0 : i32
            %dma_start3A_223 = arith.constant 0 : i32
            %dma_start3A_224 = tpu.memref_slice %arg6[%dma_start3A_222, %add3A_221, %dma_start3A_223] : memref<4x128x64xf32, #tpu.memory_space<vmem>> -> memref<1x1x64xf32, #tpu.memory_space<vmem>>
            %dma_start3A_225 = tpu.memref_squeeze %dma_start3A_224 : memref<1x1x64xf32, #tpu.memory_space<vmem>> -> memref<64xf32, #tpu.memory_space<vmem>>
            %dma_start3A_226 = arith.constant 0 : i32
            %dma_start3A_227 = tpu.memref_slice %arg3[%squeeze3A_217, %dma_start3A_226] : memref<1000000x64xf32, #tpu.memory_space<hbm>> -> memref<1x64xf32, #tpu.memory_space<hbm>>
            %dma_start3A_228 = tpu.memref_squeeze %dma_start3A_227 : memref<1x64xf32, #tpu.memory_space<hbm>> -> memref<64xf32, #tpu.memory_space<hbm>>
            %dma_start3A_229 = arith.constant 0 : i32
            %dma_start3A_230 = tpu.memref_slice %arg6[%dma_start3A_222, %add3A_221, %dma_start3A_229] : memref<4x128x64xf32, #tpu.memory_space<vmem>> -> memref<1x1x64xf32, #tpu.memory_space<vmem>>
            %dma_start3A_231 = tpu.memref_squeeze %dma_start3A_230 : memref<1x1x64xf32, #tpu.memory_space<vmem>> -> memref<64xf32, #tpu.memory_space<vmem>>
            %dma_start3A_232 = arith.constant 0 : i32
            %dma_start3A_233 = tpu.memref_slice %arg3[%squeeze3A_217, %dma_start3A_232] : memref<1000000x64xf32, #tpu.memory_space<hbm>> -> memref<1x64xf32, #tpu.memory_space<hbm>>
            %dma_start3A_234 = tpu.memref_squeeze %dma_start3A_233 : memref<1x64xf32, #tpu.memory_space<hbm>> -> memref<64xf32, #tpu.memory_space<hbm>>
            tpu.enqueue_dma source(%dma_start3A_234 : memref<64xf32, #tpu.memory_space<hbm>>) target(%dma_start3A_231 : memref<64xf32, #tpu.memory_space<vmem>>) target_semaphore(%arg7 : memref<!tpu.dma_semaphore, #tpu.memory_space<semaphore_mem>>)
            %slice3A_235 = vector.extract_strided_slice %get3A_160 {offsets = [4], sizes = [1], strides = [1]} : vector<16xi32> to vector<1xi32>
            %squeeze3A_236 = vector.extract %slice3A_235[0] : i32 from vector<1xi32>
            %mul3A_237 = arith.constant 16 : i32
            %mul3A_238 = arith.muli %scan3A_155, %mul3A_237 : i32
            %add3A_239 = arith.constant 4 : i32
            %add3A_240 = arith.addi %mul3A_238, %add3A_239 : i32
            %dma_start3A_241 = arith.constant 0 : i32
            %dma_start3A_242 = arith.constant 0 : i32
            %dma_start3A_243 = tpu.memref_slice %arg6[%dma_start3A_241, %add3A_240, %dma_start3A_242] : memref<4x128x64xf32, #tpu.memory_space<vmem>> -> memref<1x1x64xf32, #tpu.memory_space<vmem>>
            %dma_start3A_244 = tpu.memref_squeeze %dma_start3A_243 : memref<1x1x64xf32, #tpu.memory_space<vmem>> -> memref<64xf32, #tpu.memory_space<vmem>>
            %dma_start3A_245 = arith.constant 0 : i32
            %dma_start3A_246 = tpu.memref_slice %arg3[%squeeze3A_236, %dma_start3A_245] : memref<1000000x64xf32, #tpu.memory_space<hbm>> -> memref<1x64xf32, #tpu.memory_space<hbm>>
            %dma_start3A_247 = tpu.memref_squeeze %dma_start3A_246 : memref<1x64xf32, #tpu.memory_space<hbm>> -> memref<64xf32, #tpu.memory_space<hbm>>
            %dma_start3A_248 = arith.constant 0 : i32
            %dma_start3A_249 = tpu.memref_slice %arg6[%dma_start3A_241, %add3A_240, %dma_start3A_248] : memref<4x128x64xf32, #tpu.memory_space<vmem>> -> memref<1x1x64xf32, #tpu.memory_space<vmem>>
            %dma_start3A_250 = tpu.memref_squeeze %dma_start3A_249 : memref<1x1x64xf32, #tpu.memory_space<vmem>> -> memref<64xf32, #tpu.memory_space<vmem>>
            %dma_start3A_251 = arith.constant 0 : i32
            %dma_start3A_252 = tpu.memref_slice %arg3[%squeeze3A_236, %dma_start3A_251] : memref<1000000x64xf32, #tpu.memory_space<hbm>> -> memref<1x64xf32, #tpu.memory_space<hbm>>
            %dma_start3A_253 = tpu.memref_squeeze %dma_start3A_252 : memref<1x64xf32, #tpu.memory_space<hbm>> -> memref<64xf32, #tpu.memory_space<hbm>>
            tpu.enqueue_dma source(%dma_start3A_253 : memref<64xf32, #tpu.memory_space<hbm>>) target(%dma_start3A_250 : memref<64xf32, #tpu.memory_space<vmem>>) target_semaphore(%arg7 : memref<!tpu.dma_semaphore, #tpu.memory_space<semaphore_mem>>)
            %slice3A_254 = vector.extract_strided_slice %get3A_160 {offsets = [5], sizes = [1], strides = [1]} : vector<16xi32> to vector<1xi32>
            %squeeze3A_255 = vector.extract %slice3A_254[0] : i32 from vector<1xi32>
            %mul3A_256 = arith.constant 16 : i32
            %mul3A_257 = arith.muli %scan3A_155, %mul3A_256 : i32
            %add3A_258 = arith.constant 5 : i32
            %add3A_259 = arith.addi %mul3A_257, %add3A_258 : i32
            %dma_start3A_260 = arith.constant 0 : i32
            %dma_start3A_261 = arith.constant 0 : i32
            %dma_start3A_262 = tpu.memref_slice %arg6[%dma_start3A_260, %add3A_259, %dma_start3A_261] : memref<4x128x64xf32, #tpu.memory_space<vmem>> -> memref<1x1x64xf32, #tpu.memory_space<vmem>>
            %dma_start3A_263 = tpu.memref_squeeze %dma_start3A_262 : memref<1x1x64xf32, #tpu.memory_space<vmem>> -> memref<64xf32, #tpu.memory_space<vmem>>
            %dma_start3A_264 = arith.constant 0 : i32
            %dma_start3A_265 = tpu.memref_slice %arg3[%squeeze3A_255, %dma_start3A_264] : memref<1000000x64xf32, #tpu.memory_space<hbm>> -> memref<1x64xf32, #tpu.memory_space<hbm>>
            %dma_start3A_266 = tpu.memref_squeeze %dma_start3A_265 : memref<1x64xf32, #tpu.memory_space<hbm>> -> memref<64xf32, #tpu.memory_space<hbm>>
            %dma_start3A_267 = arith.constant 0 : i32
            %dma_start3A_268 = tpu.memref_slice %arg6[%dma_start3A_260, %add3A_259, %dma_start3A_267] : memref<4x128x64xf32, #tpu.memory_space<vmem>> -> memref<1x1x64xf32, #tpu.memory_space<vmem>>
            %dma_start3A_269 = tpu.memref_squeeze %dma_start3A_268 : memref<1x1x64xf32, #tpu.memory_space<vmem>> -> memref<64xf32, #tpu.memory_space<vmem>>
            %dma_start3A_270 = arith.constant 0 : i32
            %dma_start3A_271 = tpu.memref_slice %arg3[%squeeze3A_255, %dma_start3A_270] : memref<1000000x64xf32, #tpu.memory_space<hbm>> -> memref<1x64xf32, #tpu.memory_space<hbm>>
            %dma_start3A_272 = tpu.memref_squeeze %dma_start3A_271 : memref<1x64xf32, #tpu.memory_space<hbm>> -> memref<64xf32, #tpu.memory_space<hbm>>
            tpu.enqueue_dma source(%dma_start3A_272 : memref<64xf32, #tpu.memory_space<hbm>>) target(%dma_start3A_269 : memref<64xf32, #tpu.memory_space<vmem>>) target_semaphore(%arg7 : memref<!tpu.dma_semaphore, #tpu.memory_space<semaphore_mem>>)
            %slice3A_273 = vector.extract_strided_slice %get3A_160 {offsets = [6], sizes = [1], strides = [1]} : vector<16xi32> to vector<1xi32>
            %squeeze3A_274 = vector.extract %slice3A_273[0] : i32 from vector<1xi32>
            %mul3A_275 = arith.constant 16 : i32
            %mul3A_276 = arith.muli %scan3A_155, %mul3A_275 : i32
            %add3A_277 = arith.constant 6 : i32
            %add3A_278 = arith.addi %mul3A_276, %add3A_277 : i32
            %dma_start3A_279 = arith.constant 0 : i32
            %dma_start3A_280 = arith.constant 0 : i32
            %dma_start3A_281 = tpu.memref_slice %arg6[%dma_start3A_279, %add3A_278, %dma_start3A_280] : memref<4x128x64xf32, #tpu.memory_space<vmem>> -> memref<1x1x64xf32, #tpu.memory_space<vmem>>
            %dma_start3A_282 = tpu.memref_squeeze %dma_start3A_281 : memref<1x1x64xf32, #tpu.memory_space<vmem>> -> memref<64xf32, #tpu.memory_space<vmem>>
            %dma_start3A_283 = arith.constant 0 : i32
            %dma_start3A_284 = tpu.memref_slice %arg3[%squeeze3A_274, %dma_start3A_283] : memref<1000000x64xf32, #tpu.memory_space<hbm>> -> memref<1x64xf32, #tpu.memory_space<hbm>>
            %dma_start3A_285 = tpu.memref_squeeze %dma_start3A_284 : memref<1x64xf32, #tpu.memory_space<hbm>> -> memref<64xf32, #tpu.memory_space<hbm>>
            %dma_start3A_286 = arith.constant 0 : i32
            %dma_start3A_287 = tpu.memref_slice %arg6[%dma_start3A_279, %add3A_278, %dma_start3A_286] : memref<4x128x64xf32, #tpu.memory_space<vmem>> -> memref<1x1x64xf32, #tpu.memory_space<vmem>>
            %dma_start3A_288 = tpu.memref_squeeze %dma_start3A_287 : memref<1x1x64xf32, #tpu.memory_space<vmem>> -> memref<64xf32, #tpu.memory_space<vmem>>
            %dma_start3A_289 = arith.constant 0 : i32
            %dma_start3A_290 = tpu.memref_slice %arg3[%squeeze3A_274, %dma_start3A_289] : memref<1000000x64xf32, #tpu.memory_space<hbm>> -> memref<1x64xf32, #tpu.memory_space<hbm>>
            %dma_start3A_291 = tpu.memref_squeeze %dma_start3A_290 : memref<1x64xf32, #tpu.memory_space<hbm>> -> memref<64xf32, #tpu.memory_space<hbm>>
            tpu.enqueue_dma source(%dma_start3A_291 : memref<64xf32, #tpu.memory_space<hbm>>) target(%dma_start3A_288 : memref<64xf32, #tpu.memory_space<vmem>>) target_semaphore(%arg7 : memref<!tpu.dma_semaphore, #tpu.memory_space<semaphore_mem>>)
            %slice3A_292 = vector.extract_strided_slice %get3A_160 {offsets = [7], sizes = [1], strides = [1]} : vector<16xi32> to vector<1xi32>
            %squeeze3A_293 = vector.extract %slice3A_292[0] : i32 from vector<1xi32>
            %mul3A_294 = arith.constant 16 : i32
            %mul3A_295 = arith.muli %scan3A_155, %mul3A_294 : i32
            %add3A_296 = arith.constant 7 : i32
            %add3A_297 = arith.addi %mul3A_295, %add3A_296 : i32
            %dma_start3A_298 = arith.constant 0 : i32
            %dma_start3A_299 = arith.constant 0 : i32
            %dma_start3A_300 = tpu.memref_slice %arg6[%dma_start3A_298, %add3A_297, %dma_start3A_299] : memref<4x128x64xf32, #tpu.memory_space<vmem>> -> memref<1x1x64xf32, #tpu.memory_space<vmem>>
            %dma_start3A_301 = tpu.memref_squeeze %dma_start3A_300 : memref<1x1x64xf32, #tpu.memory_space<vmem>> -> memref<64xf32, #tpu.memory_space<vmem>>
            %dma_start3A_302 = arith.constant 0 : i32
            %dma_start3A_303 = tpu.memref_slice %arg3[%squeeze3A_293, %dma_start3A_302] : memref<1000000x64xf32, #tpu.memory_space<hbm>> -> memref<1x64xf32, #tpu.memory_space<hbm>>
            %dma_start3A_304 = tpu.memref_squeeze %dma_start3A_303 : memref<1x64xf32, #tpu.memory_space<hbm>> -> memref<64xf32, #tpu.memory_space<hbm>>
            %dma_start3A_305 = arith.constant 0 : i32
            %dma_start3A_306 = tpu.memref_slice %arg6[%dma_start3A_298, %add3A_297, %dma_start3A_305] : memref<4x128x64xf32, #tpu.memory_space<vmem>> -> memref<1x1x64xf32, #tpu.memory_space<vmem>>
            %dma_start3A_307 = tpu.memref_squeeze %dma_start3A_306 : memref<1x1x64xf32, #tpu.memory_space<vmem>> -> memref<64xf32, #tpu.memory_space<vmem>>
            %dma_start3A_308 = arith.constant 0 : i32
            %dma_start3A_309 = tpu.memref_slice %arg3[%squeeze3A_293, %dma_start3A_308] : memref<1000000x64xf32, #tpu.memory_space<hbm>> -> memref<1x64xf32, #tpu.memory_space<hbm>>
            %dma_start3A_310 = tpu.memref_squeeze %dma_start3A_309 : memref<1x64xf32, #tpu.memory_space<hbm>> -> memref<64xf32, #tpu.memory_space<hbm>>
            tpu.enqueue_dma source(%dma_start3A_310 : memref<64xf32, #tpu.memory_space<hbm>>) target(%dma_start3A_307 : memref<64xf32, #tpu.memory_space<vmem>>) target_semaphore(%arg7 : memref<!tpu.dma_semaphore, #tpu.memory_space<semaphore_mem>>)
            %slice3A_311 = vector.extract_strided_slice %get3A_160 {offsets = [8], sizes = [1], strides = [1]} : vector<16xi32> to vector<1xi32>
            %squeeze3A_312 = vector.extract %slice3A_311[0] : i32 from vector<1xi32>
            %mul3A_313 = arith.constant 16 : i32
            %mul3A_314 = arith.muli %scan3A_155, %mul3A_313 : i32
            %add3A_315 = arith.constant 8 : i32
            %add3A_316 = arith.addi %mul3A_314, %add3A_315 : i32
            %dma_start3A_317 = arith.constant 0 : i32
            %dma_start3A_318 = arith.constant 0 : i32
            %dma_start3A_319 = tpu.memref_slice %arg6[%dma_start3A_317, %add3A_316, %dma_start3A_318] : memref<4x128x64xf32, #tpu.memory_space<vmem>> -> memref<1x1x64xf32, #tpu.memory_space<vmem>>
            %dma_start3A_320 = tpu.memref_squeeze %dma_start3A_319 : memref<1x1x64xf32, #tpu.memory_space<vmem>> -> memref<64xf32, #tpu.memory_space<vmem>>
            %dma_start3A_321 = arith.constant 0 : i32
            %dma_start3A_322 = tpu.memref_slice %arg3[%squeeze3A_312, %dma_start3A_321] : memref<1000000x64xf32, #tpu.memory_space<hbm>> -> memref<1x64xf32, #tpu.memory_space<hbm>>
            %dma_start3A_323 = tpu.memref_squeeze %dma_start3A_322 : memref<1x64xf32, #tpu.memory_space<hbm>> -> memref<64xf32, #tpu.memory_space<hbm>>
            %dma_start3A_324 = arith.constant 0 : i32
            %dma_start3A_325 = tpu.memref_slice %arg6[%dma_start3A_317, %add3A_316, %dma_start3A_324] : memref<4x128x64xf32, #tpu.memory_space<vmem>> -> memref<1x1x64xf32, #tpu.memory_space<vmem>>
            %dma_start3A_326 = tpu.memref_squeeze %dma_start3A_325 : memref<1x1x64xf32, #tpu.memory_space<vmem>> -> memref<64xf32, #tpu.memory_space<vmem>>
            %dma_start3A_327 = arith.constant 0 : i32
            %dma_start3A_328 = tpu.memref_slice %arg3[%squeeze3A_312, %dma_start3A_327] : memref<1000000x64xf32, #tpu.memory_space<hbm>> -> memref<1x64xf32, #tpu.memory_space<hbm>>
            %dma_start3A_329 = tpu.memref_squeeze %dma_start3A_328 : memref<1x64xf32, #tpu.memory_space<hbm>> -> memref<64xf32, #tpu.memory_space<hbm>>
            tpu.enqueue_dma source(%dma_start3A_329 : memref<64xf32, #tpu.memory_space<hbm>>) target(%dma_start3A_326 : memref<64xf32, #tpu.memory_space<vmem>>) target_semaphore(%arg7 : memref<!tpu.dma_semaphore, #tpu.memory_space<semaphore_mem>>)
            %slice3A_330 = vector.extract_strided_slice %get3A_160 {offsets = [9], sizes = [1], strides = [1]} : vector<16xi32> to vector<1xi32>
            %squeeze3A_331 = vector.extract %slice3A_330[0] : i32 from vector<1xi32>
            %mul3A_332 = arith.constant 16 : i32
            %mul3A_333 = arith.muli %scan3A_155, %mul3A_332 : i32
            %add3A_334 = arith.constant 9 : i32
            %add3A_335 = arith.addi %mul3A_333, %add3A_334 : i32
            %dma_start3A_336 = arith.constant 0 : i32
            %dma_start3A_337 = arith.constant 0 : i32
            %dma_start3A_338 = tpu.memref_slice %arg6[%dma_start3A_336, %add3A_335, %dma_start3A_337] : memref<4x128x64xf32, #tpu.memory_space<vmem>> -> memref<1x1x64xf32, #tpu.memory_space<vmem>>
            %dma_start3A_339 = tpu.memref_squeeze %dma_start3A_338 : memref<1x1x64xf32, #tpu.memory_space<vmem>> -> memref<64xf32, #tpu.memory_space<vmem>>
            %dma_start3A_340 = arith.constant 0 : i32
            %dma_start3A_341 = tpu.memref_slice %arg3[%squeeze3A_331, %dma_start3A_340] : memref<1000000x64xf32, #tpu.memory_space<hbm>> -> memref<1x64xf32, #tpu.memory_space<hbm>>
            %dma_start3A_342 = tpu.memref_squeeze %dma_start3A_341 : memref<1x64xf32, #tpu.memory_space<hbm>> -> memref<64xf32, #tpu.memory_space<hbm>>
            %dma_start3A_343 = arith.constant 0 : i32
            %dma_start3A_344 = tpu.memref_slice %arg6[%dma_start3A_336, %add3A_335, %dma_start3A_343] : memref<4x128x64xf32, #tpu.memory_space<vmem>> -> memref<1x1x64xf32, #tpu.memory_space<vmem>>
            %dma_start3A_345 = tpu.memref_squeeze %dma_start3A_344 : memref<1x1x64xf32, #tpu.memory_space<vmem>> -> memref<64xf32, #tpu.memory_space<vmem>>
            %dma_start3A_346 = arith.constant 0 : i32
            %dma_start3A_347 = tpu.memref_slice %arg3[%squeeze3A_331, %dma_start3A_346] : memref<1000000x64xf32, #tpu.memory_space<hbm>> -> memref<1x64xf32, #tpu.memory_space<hbm>>
            %dma_start3A_348 = tpu.memref_squeeze %dma_start3A_347 : memref<1x64xf32, #tpu.memory_space<hbm>> -> memref<64xf32, #tpu.memory_space<hbm>>
            tpu.enqueue_dma source(%dma_start3A_348 : memref<64xf32, #tpu.memory_space<hbm>>) target(%dma_start3A_345 : memref<64xf32, #tpu.memory_space<vmem>>) target_semaphore(%arg7 : memref<!tpu.dma_semaphore, #tpu.memory_space<semaphore_mem>>)
            %slice3A_349 = vector.extract_strided_slice %get3A_160 {offsets = [10], sizes = [1], strides = [1]} : vector<16xi32> to vector<1xi32>
            %squeeze3A_350 = vector.extract %slice3A_349[0] : i32 from vector<1xi32>
            %mul3A_351 = arith.constant 16 : i32
            %mul3A_352 = arith.muli %scan3A_155, %mul3A_351 : i32
            %add3A_353 = arith.constant 10 : i32
            %add3A_354 = arith.addi %mul3A_352, %add3A_353 : i32
            %dma_start3A_355 = arith.constant 0 : i32
            %dma_start3A_356 = arith.constant 0 : i32
            %dma_start3A_357 = tpu.memref_slice %arg6[%dma_start3A_355, %add3A_354, %dma_start3A_356] : memref<4x128x64xf32, #tpu.memory_space<vmem>> -> memref<1x1x64xf32, #tpu.memory_space<vmem>>
            %dma_start3A_358 = tpu.memref_squeeze %dma_start3A_357 : memref<1x1x64xf32, #tpu.memory_space<vmem>> -> memref<64xf32, #tpu.memory_space<vmem>>
            %dma_start3A_359 = arith.constant 0 : i32
            %dma_start3A_360 = tpu.memref_slice %arg3[%squeeze3A_350, %dma_start3A_359] : memref<1000000x64xf32, #tpu.memory_space<hbm>> -> memref<1x64xf32, #tpu.memory_space<hbm>>
            %dma_start3A_361 = tpu.memref_squeeze %dma_start3A_360 : memref<1x64xf32, #tpu.memory_space<hbm>> -> memref<64xf32, #tpu.memory_space<hbm>>
            %dma_start3A_362 = arith.constant 0 : i32
            %dma_start3A_363 = tpu.memref_slice %arg6[%dma_start3A_355, %add3A_354, %dma_start3A_362] : memref<4x128x64xf32, #tpu.memory_space<vmem>> -> memref<1x1x64xf32, #tpu.memory_space<vmem>>
            %dma_start3A_364 = tpu.memref_squeeze %dma_start3A_363 : memref<1x1x64xf32, #tpu.memory_space<vmem>> -> memref<64xf32, #tpu.memory_space<vmem>>
            %dma_start3A_365 = arith.constant 0 : i32
            %dma_start3A_366 = tpu.memref_slice %arg3[%squeeze3A_350, %dma_start3A_365] : memref<1000000x64xf32, #tpu.memory_space<hbm>> -> memref<1x64xf32, #tpu.memory_space<hbm>>
            %dma_start3A_367 = tpu.memref_squeeze %dma_start3A_366 : memref<1x64xf32, #tpu.memory_space<hbm>> -> memref<64xf32, #tpu.memory_space<hbm>>
            tpu.enqueue_dma source(%dma_start3A_367 : memref<64xf32, #tpu.memory_space<hbm>>) target(%dma_start3A_364 : memref<64xf32, #tpu.memory_space<vmem>>) target_semaphore(%arg7 : memref<!tpu.dma_semaphore, #tpu.memory_space<semaphore_mem>>)
            %slice3A_368 = vector.extract_strided_slice %get3A_160 {offsets = [11], sizes = [1], strides = [1]} : vector<16xi32> to vector<1xi32>
            %squeeze3A_369 = vector.extract %slice3A_368[0] : i32 from vector<1xi32>
            %mul3A_370 = arith.constant 16 : i32
            %mul3A_371 = arith.muli %scan3A_155, %mul3A_370 : i32
            %add3A_372 = arith.constant 11 : i32
            %add3A_373 = arith.addi %mul3A_371, %add3A_372 : i32
            %dma_start3A_374 = arith.constant 0 : i32
            %dma_start3A_375 = arith.constant 0 : i32
            %dma_start3A_376 = tpu.memref_slice %arg6[%dma_start3A_374, %add3A_373, %dma_start3A_375] : memref<4x128x64xf32, #tpu.memory_space<vmem>> -> memref<1x1x64xf32, #tpu.memory_space<vmem>>
            %dma_start3A_377 = tpu.memref_squeeze %dma_start3A_376 : memref<1x1x64xf32, #tpu.memory_space<vmem>> -> memref<64xf32, #tpu.memory_space<vmem>>
            %dma_start3A_378 = arith.constant 0 : i32
            %dma_start3A_379 = tpu.memref_slice %arg3[%squeeze3A_369, %dma_start3A_378] : memref<1000000x64xf32, #tpu.memory_space<hbm>> -> memref<1x64xf32, #tpu.memory_space<hbm>>
            %dma_start3A_380 = tpu.memref_squeeze %dma_start3A_379 : memref<1x64xf32, #tpu.memory_space<hbm>> -> memref<64xf32, #tpu.memory_space<hbm>>
            %dma_start3A_381 = arith.constant 0 : i32
            %dma_start3A_382 = tpu.memref_slice %arg6[%dma_start3A_374, %add3A_373, %dma_start3A_381] : memref<4x128x64xf32, #tpu.memory_space<vmem>> -> memref<1x1x64xf32, #tpu.memory_space<vmem>>
            %dma_start3A_383 = tpu.memref_squeeze %dma_start3A_382 : memref<1x1x64xf32, #tpu.memory_space<vmem>> -> memref<64xf32, #tpu.memory_space<vmem>>
            %dma_start3A_384 = arith.constant 0 : i32
            %dma_start3A_385 = tpu.memref_slice %arg3[%squeeze3A_369, %dma_start3A_384] : memref<1000000x64xf32, #tpu.memory_space<hbm>> -> memref<1x64xf32, #tpu.memory_space<hbm>>
            %dma_start3A_386 = tpu.memref_squeeze %dma_start3A_385 : memref<1x64xf32, #tpu.memory_space<hbm>> -> memref<64xf32, #tpu.memory_space<hbm>>
            tpu.enqueue_dma source(%dma_start3A_386 : memref<64xf32, #tpu.memory_space<hbm>>) target(%dma_start3A_383 : memref<64xf32, #tpu.memory_space<vmem>>) target_semaphore(%arg7 : memref<!tpu.dma_semaphore, #tpu.memory_space<semaphore_mem>>)
            %slice3A_387 = vector.extract_strided_slice %get3A_160 {offsets = [12], sizes = [1], strides = [1]} : vector<16xi32> to vector<1xi32>
            %squeeze3A_388 = vector.extract %slice3A_387[0] : i32 from vector<1xi32>
            %mul3A_389 = arith.constant 16 : i32
            %mul3A_390 = arith.muli %scan3A_155, %mul3A_389 : i32
            %add3A_391 = arith.constant 12 : i32
            %add3A_392 = arith.addi %mul3A_390, %add3A_391 : i32
            %dma_start3A_393 = arith.constant 0 : i32
            %dma_start3A_394 = arith.constant 0 : i32
            %dma_start3A_395 = tpu.memref_slice %arg6[%dma_start3A_393, %add3A_392, %dma_start3A_394] : memref<4x128x64xf32, #tpu.memory_space<vmem>> -> memref<1x1x64xf32, #tpu.memory_space<vmem>>
            %dma_start3A_396 = tpu.memref_squeeze %dma_start3A_395 : memref<1x1x64xf32, #tpu.memory_space<vmem>> -> memref<64xf32, #tpu.memory_space<vmem>>
            %dma_start3A_397 = arith.constant 0 : i32
            %dma_start3A_398 = tpu.memref_slice %arg3[%squeeze3A_388, %dma_start3A_397] : memref<1000000x64xf32, #tpu.memory_space<hbm>> -> memref<1x64xf32, #tpu.memory_space<hbm>>
            %dma_start3A_399 = tpu.memref_squeeze %dma_start3A_398 : memref<1x64xf32, #tpu.memory_space<hbm>> -> memref<64xf32, #tpu.memory_space<hbm>>
            %dma_start3A_400 = arith.constant 0 : i32
            %dma_start3A_401 = tpu.memref_slice %arg6[%dma_start3A_393, %add3A_392, %dma_start3A_400] : memref<4x128x64xf32, #tpu.memory_space<vmem>> -> memref<1x1x64xf32, #tpu.memory_space<vmem>>
            %dma_start3A_402 = tpu.memref_squeeze %dma_start3A_401 : memref<1x1x64xf32, #tpu.memory_space<vmem>> -> memref<64xf32, #tpu.memory_space<vmem>>
            %dma_start3A_403 = arith.constant 0 : i32
            %dma_start3A_404 = tpu.memref_slice %arg3[%squeeze3A_388, %dma_start3A_403] : memref<1000000x64xf32, #tpu.memory_space<hbm>> -> memref<1x64xf32, #tpu.memory_space<hbm>>
            %dma_start3A_405 = tpu.memref_squeeze %dma_start3A_404 : memref<1x64xf32, #tpu.memory_space<hbm>> -> memref<64xf32, #tpu.memory_space<hbm>>
            tpu.enqueue_dma source(%dma_start3A_405 : memref<64xf32, #tpu.memory_space<hbm>>) target(%dma_start3A_402 : memref<64xf32, #tpu.memory_space<vmem>>) target_semaphore(%arg7 : memref<!tpu.dma_semaphore, #tpu.memory_space<semaphore_mem>>)
            %slice3A_406 = vector.extract_strided_slice %get3A_160 {offsets = [13], sizes = [1], strides = [1]} : vector<16xi32> to vector<1xi32>
            %squeeze3A_407 = vector.extract %slice3A_406[0] : i32 from vector<1xi32>
            %mul3A_408 = arith.constant 16 : i32
            %mul3A_409 = arith.muli %scan3A_155, %mul3A_408 : i32
            %add3A_410 = arith.constant 13 : i32
            %add3A_411 = arith.addi %mul3A_409, %add3A_410 : i32
            %dma_start3A_412 = arith.constant 0 : i32
            %dma_start3A_413 = arith.constant 0 : i32
            %dma_start3A_414 = tpu.memref_slice %arg6[%dma_start3A_412, %add3A_411, %dma_start3A_413] : memref<4x128x64xf32, #tpu.memory_space<vmem>> -> memref<1x1x64xf32, #tpu.memory_space<vmem>>
            %dma_start3A_415 = tpu.memref_squeeze %dma_start3A_414 : memref<1x1x64xf32, #tpu.memory_space<vmem>> -> memref<64xf32, #tpu.memory_space<vmem>>
            %dma_start3A_416 = arith.constant 0 : i32
            %dma_start3A_417 = tpu.memref_slice %arg3[%squeeze3A_407, %dma_start3A_416] : memref<1000000x64xf32, #tpu.memory_space<hbm>> -> memref<1x64xf32, #tpu.memory_space<hbm>>
            %dma_start3A_418 = tpu.memref_squeeze %dma_start3A_417 : memref<1x64xf32, #tpu.memory_space<hbm>> -> memref<64xf32, #tpu.memory_space<hbm>>
            %dma_start3A_419 = arith.constant 0 : i32
            %dma_start3A_420 = tpu.memref_slice %arg6[%dma_start3A_412, %add3A_411, %dma_start3A_419] : memref<4x128x64xf32, #tpu.memory_space<vmem>> -> memref<1x1x64xf32, #tpu.memory_space<vmem>>
            %dma_start3A_421 = tpu.memref_squeeze %dma_start3A_420 : memref<1x1x64xf32, #tpu.memory_space<vmem>> -> memref<64xf32, #tpu.memory_space<vmem>>
            %dma_start3A_422 = arith.constant 0 : i32
            %dma_start3A_423 = tpu.memref_slice %arg3[%squeeze3A_407, %dma_start3A_422] : memref<1000000x64xf32, #tpu.memory_space<hbm>> -> memref<1x64xf32, #tpu.memory_space<hbm>>
            %dma_start3A_424 = tpu.memref_squeeze %dma_start3A_423 : memref<1x64xf32, #tpu.memory_space<hbm>> -> memref<64xf32, #tpu.memory_space<hbm>>
            tpu.enqueue_dma source(%dma_start3A_424 : memref<64xf32, #tpu.memory_space<hbm>>) target(%dma_start3A_421 : memref<64xf32, #tpu.memory_space<vmem>>) target_semaphore(%arg7 : memref<!tpu.dma_semaphore, #tpu.memory_space<semaphore_mem>>)
            %slice3A_425 = vector.extract_strided_slice %get3A_160 {offsets = [14], sizes = [1], strides = [1]} : vector<16xi32> to vector<1xi32>
            %squeeze3A_426 = vector.extract %slice3A_425[0] : i32 from vector<1xi32>
            %mul3A_427 = arith.constant 16 : i32
            %mul3A_428 = arith.muli %scan3A_155, %mul3A_427 : i32
            %add3A_429 = arith.constant 14 : i32
            %add3A_430 = arith.addi %mul3A_428, %add3A_429 : i32
            %dma_start3A_431 = arith.constant 0 : i32
            %dma_start3A_432 = arith.constant 0 : i32
            %dma_start3A_433 = tpu.memref_slice %arg6[%dma_start3A_431, %add3A_430, %dma_start3A_432] : memref<4x128x64xf32, #tpu.memory_space<vmem>> -> memref<1x1x64xf32, #tpu.memory_space<vmem>>
            %dma_start3A_434 = tpu.memref_squeeze %dma_start3A_433 : memref<1x1x64xf32, #tpu.memory_space<vmem>> -> memref<64xf32, #tpu.memory_space<vmem>>
            %dma_start3A_435 = arith.constant 0 : i32
            %dma_start3A_436 = tpu.memref_slice %arg3[%squeeze3A_426, %dma_start3A_435] : memref<1000000x64xf32, #tpu.memory_space<hbm>> -> memref<1x64xf32, #tpu.memory_space<hbm>>
            %dma_start3A_437 = tpu.memref_squeeze %dma_start3A_436 : memref<1x64xf32, #tpu.memory_space<hbm>> -> memref<64xf32, #tpu.memory_space<hbm>>
            %dma_start3A_438 = arith.constant 0 : i32
            %dma_start3A_439 = tpu.memref_slice %arg6[%dma_start3A_431, %add3A_430, %dma_start3A_438] : memref<4x128x64xf32, #tpu.memory_space<vmem>> -> memref<1x1x64xf32, #tpu.memory_space<vmem>>
            %dma_start3A_440 = tpu.memref_squeeze %dma_start3A_439 : memref<1x1x64xf32, #tpu.memory_space<vmem>> -> memref<64xf32, #tpu.memory_space<vmem>>
            %dma_start3A_441 = arith.constant 0 : i32
            %dma_start3A_442 = tpu.memref_slice %arg3[%squeeze3A_426, %dma_start3A_441] : memref<1000000x64xf32, #tpu.memory_space<hbm>> -> memref<1x64xf32, #tpu.memory_space<hbm>>
            %dma_start3A_443 = tpu.memref_squeeze %dma_start3A_442 : memref<1x64xf32, #tpu.memory_space<hbm>> -> memref<64xf32, #tpu.memory_space<hbm>>
            tpu.enqueue_dma source(%dma_start3A_443 : memref<64xf32, #tpu.memory_space<hbm>>) target(%dma_start3A_440 : memref<64xf32, #tpu.memory_space<vmem>>) target_semaphore(%arg7 : memref<!tpu.dma_semaphore, #tpu.memory_space<semaphore_mem>>)
            %slice3A_444 = vector.extract_strided_slice %get3A_160 {offsets = [15], sizes = [1], strides = [1]} : vector<16xi32> to vector<1xi32>
            %squeeze3A_445 = vector.extract %slice3A_444[0] : i32 from vector<1xi32>
            %mul3A_446 = arith.constant 16 : i32
            %mul3A_447 = arith.muli %scan3A_155, %mul3A_446 : i32
            %add3A_448 = arith.constant 15 : i32
            %add3A_449 = arith.addi %mul3A_447, %add3A_448 : i32
            %dma_start3A_450 = arith.constant 0 : i32
            %dma_start3A_451 = arith.constant 0 : i32
            %dma_start3A_452 = tpu.memref_slice %arg6[%dma_start3A_450, %add3A_449, %dma_start3A_451] : memref<4x128x64xf32, #tpu.memory_space<vmem>> -> memref<1x1x64xf32, #tpu.memory_space<vmem>>
            %dma_start3A_453 = tpu.memref_squeeze %dma_start3A_452 : memref<1x1x64xf32, #tpu.memory_space<vmem>> -> memref<64xf32, #tpu.memory_space<vmem>>
            %dma_start3A_454 = arith.constant 0 : i32
            %dma_start3A_455 = tpu.memref_slice %arg3[%squeeze3A_445, %dma_start3A_454] : memref<1000000x64xf32, #tpu.memory_space<hbm>> -> memref<1x64xf32, #tpu.memory_space<hbm>>
            %dma_start3A_456 = tpu.memref_squeeze %dma_start3A_455 : memref<1x64xf32, #tpu.memory_space<hbm>> -> memref<64xf32, #tpu.memory_space<hbm>>
            %dma_start3A_457 = arith.constant 0 : i32
            %dma_start3A_458 = tpu.memref_slice %arg6[%dma_start3A_450, %add3A_449, %dma_start3A_457] : memref<4x128x64xf32, #tpu.memory_space<vmem>> -> memref<1x1x64xf32, #tpu.memory_space<vmem>>
            %dma_start3A_459 = tpu.memref_squeeze %dma_start3A_458 : memref<1x1x64xf32, #tpu.memory_space<vmem>> -> memref<64xf32, #tpu.memory_space<vmem>>
            %dma_start3A_460 = arith.constant 0 : i32
            %dma_start3A_461 = tpu.memref_slice %arg3[%squeeze3A_445, %dma_start3A_460] : memref<1000000x64xf32, #tpu.memory_space<hbm>> -> memref<1x64xf32, #tpu.memory_space<hbm>>
            %dma_start3A_462 = tpu.memref_squeeze %dma_start3A_461 : memref<1x64xf32, #tpu.memory_space<hbm>> -> memref<64xf32, #tpu.memory_space<hbm>>
            tpu.enqueue_dma source(%dma_start3A_462 : memref<64xf32, #tpu.memory_space<hbm>>) target(%dma_start3A_459 : memref<64xf32, #tpu.memory_space<vmem>>) target_semaphore(%arg7 : memref<!tpu.dma_semaphore, #tpu.memory_space<semaphore_mem>>)
          }
          %scan3A_154 = arith.constant 8 : i32
        } else {
        }
      } else {
      }
      %eq3A_94 = arith.constant 2 : i32
      %eq3A_95 = arith.cmpi eq, %rem3A_86, %eq3A_94 : i32
      %convert_element_type3A_96 = arith.extui %eq3A_95 : i1 to i32
      %cond3A_97 = arith.constant 0 : i32
      %cond3A_98 = arith.cmpi ne, %convert_element_type3A_96, %cond3A_97 : i32
      scf.if %cond3A_98 {
        %dma_wait3A_104 = arith.constant 2 : i32
        %dma_wait3A_105 = arith.constant 0 : i32
        %dma_wait3A_106 = arith.constant 0 : i32
        %dma_wait3A_107 = tpu.memref_slice %arg6[%dma_wait3A_104, %dma_wait3A_105, %dma_wait3A_106] : memref<4x128x64xf32, #tpu.memory_space<vmem>> -> memref<1x128x64xf32, #tpu.memory_space<vmem>>
        %dma_wait3A_108 = tpu.memref_squeeze %dma_wait3A_107 : memref<1x128x64xf32, #tpu.memory_space<vmem>> -> memref<128x64xf32, #tpu.memory_space<vmem>>
        %dma_wait3A_109 = arith.constant 0 : i32
        %dma_wait3A_110 = arith.constant 0 : i32
        %dma_wait3A_111 = tpu.memref_slice %arg3[%dma_wait3A_109, %dma_wait3A_110] : memref<1000000x64xf32, #tpu.memory_space<hbm>> -> memref<128x64xf32, #tpu.memory_space<hbm>>
        %dma_wait3A_112 = arith.constant 0 : i32
        %dma_wait3A_113 = arith.constant 0 : i32
        %dma_wait3A_114 = tpu.memref_slice %arg6[%dma_wait3A_104, %dma_wait3A_112, %dma_wait3A_113] : memref<4x128x64xf32, #tpu.memory_space<vmem>> -> memref<1x128x64xf32, #tpu.memory_space<vmem>>
        %dma_wait3A_115 = tpu.memref_squeeze %dma_wait3A_114 : memref<1x128x64xf32, #tpu.memory_space<vmem>> -> memref<128x64xf32, #tpu.memory_space<vmem>>
        %dma_wait3A_116 = arith.constant 0 : i32
        %dma_wait3A_117 = arith.constant 0 : i32
        %dma_wait3A_118 = tpu.memref_slice %arg3[%dma_wait3A_116, %dma_wait3A_117] : memref<1000000x64xf32, #tpu.memory_space<hbm>> -> memref<128x64xf32, #tpu.memory_space<hbm>>
        tpu.wait_dma2 semaphore(%arg9 : memref<!tpu.dma_semaphore, #tpu.memory_space<semaphore_mem>>) src(%dma_wait3A_118 : memref<128x64xf32, #tpu.memory_space<hbm>>) dst(%dma_wait3A_115 : memref<128x64xf32, #tpu.memory_space<vmem>>)
        %mul3A_119 = arith.constant 128 : i32
        %mul3A_120 = arith.muli %scan3A_85, %mul3A_119 : i32
        %add3A_121 = arith.addi %mul3A_2, %mul3A_120 : i32
        %dma_start3A = arith.constant 2 : i32
        %dma_start3A_122 = arith.constant 0 : i32
        %dma_start3A_123 = arith.constant 0 : i32
        %dma_start3A_124 = tpu.memref_slice %arg6[%dma_start3A, %dma_start3A_122, %dma_start3A_123] : memref<4x128x64xf32, #tpu.memory_space<vmem>> -> memref<1x128x64xf32, #tpu.memory_space<vmem>>
        %dma_start3A_125 = tpu.memref_squeeze %dma_start3A_124 : memref<1x128x64xf32, #tpu.memory_space<vmem>> -> memref<128x64xf32, #tpu.memory_space<vmem>>
        %dma_start3A_126 = arith.constant 0 : i32
        %dma_start3A_127 = tpu.memref_slice %arg4[%add3A_121, %dma_start3A_126] : memref<819200x64xf32, #tpu.memory_space<hbm>> -> memref<128x64xf32, #tpu.memory_space<hbm>>
        %dma_start3A_128 = arith.constant 0 : i32
        %dma_start3A_129 = tpu.memref_slice %arg4[%add3A_121, %dma_start3A_128] : memref<819200x64xf32, #tpu.memory_space<hbm>> -> memref<128x64xf32, #tpu.memory_space<hbm>>
        %dma_start3A_130 = arith.constant 0 : i32
        %dma_start3A_131 = arith.constant 0 : i32
        %dma_start3A_132 = tpu.memref_slice %arg6[%dma_start3A, %dma_start3A_130, %dma_start3A_131] : memref<4x128x64xf32, #tpu.memory_space<vmem>> -> memref<1x128x64xf32, #tpu.memory_space<vmem>>
        %dma_start3A_133 = tpu.memref_squeeze %dma_start3A_132 : memref<1x128x64xf32, #tpu.memory_space<vmem>> -> memref<128x64xf32, #tpu.memory_space<vmem>>
        tpu.enqueue_dma source(%dma_start3A_133 : memref<128x64xf32, #tpu.memory_space<vmem>>) target(%dma_start3A_129 : memref<128x64xf32, #tpu.memory_space<hbm>>) target_semaphore(%arg13 : memref<!tpu.dma_semaphore, #tpu.memory_space<semaphore_mem>>)
        %add3A_134 = arith.constant 4 : i32
        %add3A_135 = arith.addi %scan3A_85, %add3A_134 : i32
        %sub3A = arith.constant 1 : i32
        %sub3A_136 = arith.subi %add3A_135, %sub3A : i32
        %lt3A = arith.constant 200 : i32
        %lt3A_137 = arith.cmpi slt, %sub3A_136, %lt3A : i32
        %convert_element_type3A_138 = arith.extui %lt3A_137 : i1 to i32
        %cond3A_139 = arith.constant 0 : i32
        %cond3A_140 = arith.cmpi ne, %convert_element_type3A_138, %cond3A_139 : i32
        scf.if %cond3A_140 {
          %ge3A = arith.constant 1 : i32
          %ge3A_141 = arith.cmpi sge, %scan3A_85, %ge3A : i32
          %convert_element_type3A_142 = arith.extui %ge3A_141 : i1 to i32
          %cond3A_143 = arith.constant 0 : i32
          %cond3A_144 = arith.cmpi ne, %convert_element_type3A_142, %cond3A_143 : i32
          scf.if %cond3A_144 {
            %sub3A_155 = arith.constant 1 : i32
            %sub3A_156 = arith.subi %scan3A_85, %sub3A_155 : i32
            %mul3A_157 = arith.constant 128 : i32
            %mul3A_158 = arith.muli %sub3A_156, %mul3A_157 : i32
            %add3A_159 = arith.addi %mul3A_2, %mul3A_158 : i32
            %dma_wait3A_160 = arith.constant 1 : i32
            %dma_wait3A_161 = arith.constant 0 : i32
            %dma_wait3A_162 = arith.constant 0 : i32
            %dma_wait3A_163 = tpu.memref_slice %arg6[%dma_wait3A_160, %dma_wait3A_161, %dma_wait3A_162] : memref<4x128x64xf32, #tpu.memory_space<vmem>> -> memref<1x128x64xf32, #tpu.memory_space<vmem>>
            %dma_wait3A_164 = tpu.memref_squeeze %dma_wait3A_163 : memref<1x128x64xf32, #tpu.memory_space<vmem>> -> memref<128x64xf32, #tpu.memory_space<vmem>>
            %dma_wait3A_165 = arith.constant 0 : i32
            %dma_wait3A_166 = tpu.memref_slice %arg4[%add3A_159, %dma_wait3A_165] : memref<819200x64xf32, #tpu.memory_space<hbm>> -> memref<128x64xf32, #tpu.memory_space<hbm>>
            %dma_wait3A_167 = arith.constant 0 : i32
            %dma_wait3A_168 = tpu.memref_slice %arg4[%add3A_159, %dma_wait3A_167] : memref<819200x64xf32, #tpu.memory_space<hbm>> -> memref<128x64xf32, #tpu.memory_space<hbm>>
            %dma_wait3A_169 = arith.constant 0 : i32
            %dma_wait3A_170 = arith.constant 0 : i32
            %dma_wait3A_171 = tpu.memref_slice %arg6[%dma_wait3A_160, %dma_wait3A_169, %dma_wait3A_170] : memref<4x128x64xf32, #tpu.memory_space<vmem>> -> memref<1x128x64xf32, #tpu.memory_space<vmem>>
            %dma_wait3A_172 = tpu.memref_squeeze %dma_wait3A_171 : memref<1x128x64xf32, #tpu.memory_space<vmem>> -> memref<128x64xf32, #tpu.memory_space<vmem>>
            tpu.wait_dma2 semaphore(%arg12 : memref<!tpu.dma_semaphore, #tpu.memory_space<semaphore_mem>>) src(%dma_wait3A_172 : memref<128x64xf32, #tpu.memory_space<vmem>>) dst(%dma_wait3A_168 : memref<128x64xf32, #tpu.memory_space<hbm>>)
          } else {
          }
          %add3A_145 = arith.constant 4 : i32
          %add3A_146 = arith.addi %scan3A_85, %add3A_145 : i32
          %sub3A_147 = arith.constant 1 : i32
          %sub3A_148 = arith.subi %add3A_146, %sub3A_147 : i32
          %scan3A_149 = arith.constant 0 : i32
          %scan3A_150 = arith.constant 0 : i32
          %scan3A_151 = arith.constant 8 : i32
          %scan3A_152 = arith.addi %scan3A_150, %scan3A_151 : i32
          %scan3A_153 = arith.constant 1 : i32
          scf.for %scan3A_155 = %scan3A_150 to %scan3A_152 step %scan3A_153  : i32 {
            %mul3A_156 = arith.constant 16 : i32
            %mul3A_157 = arith.muli %scan3A_155, %mul3A_156 : i32
            %get3A = arith.index_cast %sub3A_148 : i32 to index
            %get3A_158 = arith.index_cast %mul3A_157 : i32 to index
            %get3A_159 = tpu.vector_load %arg5[%get3A, %get3A_158] {strides = array<i32>} : memref<200x128xi32, #tpu.memory_space<vmem>>, vector<1x16xi32>,
            %get3A_160 = vector.shape_cast %get3A_159 : vector<1x16xi32> to vector<16xi32>
            %slice3A = vector.extract_strided_slice %get3A_160 {offsets = [0], sizes = [1], strides = [1]} : vector<16xi32> to vector<1xi32>
            %squeeze3A = vector.extract %slice3A[0] : i32 from vector<1xi32>
            %mul3A_161 = arith.constant 16 : i32
            %mul3A_162 = arith.muli %scan3A_155, %mul3A_161 : i32
            %add3A_163 = arith.constant 0 : i32
            %add3A_164 = arith.addi %mul3A_162, %add3A_163 : i32
            %dma_start3A_165 = arith.constant 1 : i32
            %dma_start3A_166 = arith.constant 0 : i32
            %dma_start3A_167 = tpu.memref_slice %arg6[%dma_start3A_165, %add3A_164, %dma_start3A_166] : memref<4x128x64xf32, #tpu.memory_space<vmem>> -> memref<1x1x64xf32, #tpu.memory_space<vmem>>
            %dma_start3A_168 = tpu.memref_squeeze %dma_start3A_167 : memref<1x1x64xf32, #tpu.memory_space<vmem>> -> memref<64xf32, #tpu.memory_space<vmem>>
            %dma_start3A_169 = arith.constant 0 : i32
            %dma_start3A_170 = tpu.memref_slice %arg3[%squeeze3A, %dma_start3A_169] : memref<1000000x64xf32, #tpu.memory_space<hbm>> -> memref<1x64xf32, #tpu.memory_space<hbm>>
            %dma_start3A_171 = tpu.memref_squeeze %dma_start3A_170 : memref<1x64xf32, #tpu.memory_space<hbm>> -> memref<64xf32, #tpu.memory_space<hbm>>
            %dma_start3A_172 = arith.constant 0 : i32
            %dma_start3A_173 = tpu.memref_slice %arg6[%dma_start3A_165, %add3A_164, %dma_start3A_172] : memref<4x128x64xf32, #tpu.memory_space<vmem>> -> memref<1x1x64xf32, #tpu.memory_space<vmem>>
            %dma_start3A_174 = tpu.memref_squeeze %dma_start3A_173 : memref<1x1x64xf32, #tpu.memory_space<vmem>> -> memref<64xf32, #tpu.memory_space<vmem>>
            %dma_start3A_175 = arith.constant 0 : i32
            %dma_start3A_176 = tpu.memref_slice %arg3[%squeeze3A, %dma_start3A_175] : memref<1000000x64xf32, #tpu.memory_space<hbm>> -> memref<1x64xf32, #tpu.memory_space<hbm>>
            %dma_start3A_177 = tpu.memref_squeeze %dma_start3A_176 : memref<1x64xf32, #tpu.memory_space<hbm>> -> memref<64xf32, #tpu.memory_space<hbm>>
            tpu.enqueue_dma source(%dma_start3A_177 : memref<64xf32, #tpu.memory_space<hbm>>) target(%dma_start3A_174 : memref<64xf32, #tpu.memory_space<vmem>>) target_semaphore(%arg8 : memref<!tpu.dma_semaphore, #tpu.memory_space<semaphore_mem>>)
            %slice3A_178 = vector.extract_strided_slice %get3A_160 {offsets = [1], sizes = [1], strides = [1]} : vector<16xi32> to vector<1xi32>
            %squeeze3A_179 = vector.extract %slice3A_178[0] : i32 from vector<1xi32>
            %mul3A_180 = arith.constant 16 : i32
            %mul3A_181 = arith.muli %scan3A_155, %mul3A_180 : i32
            %add3A_182 = arith.constant 1 : i32
            %add3A_183 = arith.addi %mul3A_181, %add3A_182 : i32
            %dma_start3A_184 = arith.constant 1 : i32
            %dma_start3A_185 = arith.constant 0 : i32
            %dma_start3A_186 = tpu.memref_slice %arg6[%dma_start3A_184, %add3A_183, %dma_start3A_185] : memref<4x128x64xf32, #tpu.memory_space<vmem>> -> memref<1x1x64xf32, #tpu.memory_space<vmem>>
            %dma_start3A_187 = tpu.memref_squeeze %dma_start3A_186 : memref<1x1x64xf32, #tpu.memory_space<vmem>> -> memref<64xf32, #tpu.memory_space<vmem>>
            %dma_start3A_188 = arith.constant 0 : i32
            %dma_start3A_189 = tpu.memref_slice %arg3[%squeeze3A_179, %dma_start3A_188] : memref<1000000x64xf32, #tpu.memory_space<hbm>> -> memref<1x64xf32, #tpu.memory_space<hbm>>
            %dma_start3A_190 = tpu.memref_squeeze %dma_start3A_189 : memref<1x64xf32, #tpu.memory_space<hbm>> -> memref<64xf32, #tpu.memory_space<hbm>>
            %dma_start3A_191 = arith.constant 0 : i32
            %dma_start3A_192 = tpu.memref_slice %arg6[%dma_start3A_184, %add3A_183, %dma_start3A_191] : memref<4x128x64xf32, #tpu.memory_space<vmem>> -> memref<1x1x64xf32, #tpu.memory_space<vmem>>
            %dma_start3A_193 = tpu.memref_squeeze %dma_start3A_192 : memref<1x1x64xf32, #tpu.memory_space<vmem>> -> memref<64xf32, #tpu.memory_space<vmem>>
            %dma_start3A_194 = arith.constant 0 : i32
            %dma_start3A_195 = tpu.memref_slice %arg3[%squeeze3A_179, %dma_start3A_194] : memref<1000000x64xf32, #tpu.memory_space<hbm>> -> memref<1x64xf32, #tpu.memory_space<hbm>>
            %dma_start3A_196 = tpu.memref_squeeze %dma_start3A_195 : memref<1x64xf32, #tpu.memory_space<hbm>> -> memref<64xf32, #tpu.memory_space<hbm>>
            tpu.enqueue_dma source(%dma_start3A_196 : memref<64xf32, #tpu.memory_space<hbm>>) target(%dma_start3A_193 : memref<64xf32, #tpu.memory_space<vmem>>) target_semaphore(%arg8 : memref<!tpu.dma_semaphore, #tpu.memory_space<semaphore_mem>>)
            %slice3A_197 = vector.extract_strided_slice %get3A_160 {offsets = [2], sizes = [1], strides = [1]} : vector<16xi32> to vector<1xi32>
            %squeeze3A_198 = vector.extract %slice3A_197[0] : i32 from vector<1xi32>
            %mul3A_199 = arith.constant 16 : i32
            %mul3A_200 = arith.muli %scan3A_155, %mul3A_199 : i32
            %add3A_201 = arith.constant 2 : i32
            %add3A_202 = arith.addi %mul3A_200, %add3A_201 : i32
            %dma_start3A_203 = arith.constant 1 : i32
            %dma_start3A_204 = arith.constant 0 : i32
            %dma_start3A_205 = tpu.memref_slice %arg6[%dma_start3A_203, %add3A_202, %dma_start3A_204] : memref<4x128x64xf32, #tpu.memory_space<vmem>> -> memref<1x1x64xf32, #tpu.memory_space<vmem>>
            %dma_start3A_206 = tpu.memref_squeeze %dma_start3A_205 : memref<1x1x64xf32, #tpu.memory_space<vmem>> -> memref<64xf32, #tpu.memory_space<vmem>>
            %dma_start3A_207 = arith.constant 0 : i32
            %dma_start3A_208 = tpu.memref_slice %arg3[%squeeze3A_198, %dma_start3A_207] : memref<1000000x64xf32, #tpu.memory_space<hbm>> -> memref<1x64xf32, #tpu.memory_space<hbm>>
            %dma_start3A_209 = tpu.memref_squeeze %dma_start3A_208 : memref<1x64xf32, #tpu.memory_space<hbm>> -> memref<64xf32, #tpu.memory_space<hbm>>
            %dma_start3A_210 = arith.constant 0 : i32
            %dma_start3A_211 = tpu.memref_slice %arg6[%dma_start3A_203, %add3A_202, %dma_start3A_210] : memref<4x128x64xf32, #tpu.memory_space<vmem>> -> memref<1x1x64xf32, #tpu.memory_space<vmem>>
            %dma_start3A_212 = tpu.memref_squeeze %dma_start3A_211 : memref<1x1x64xf32, #tpu.memory_space<vmem>> -> memref<64xf32, #tpu.memory_space<vmem>>
            %dma_start3A_213 = arith.constant 0 : i32
            %dma_start3A_214 = tpu.memref_slice %arg3[%squeeze3A_198, %dma_start3A_213] : memref<1000000x64xf32, #tpu.memory_space<hbm>> -> memref<1x64xf32, #tpu.memory_space<hbm>>
            %dma_start3A_215 = tpu.memref_squeeze %dma_start3A_214 : memref<1x64xf32, #tpu.memory_space<hbm>> -> memref<64xf32, #tpu.memory_space<hbm>>
            tpu.enqueue_dma source(%dma_start3A_215 : memref<64xf32, #tpu.memory_space<hbm>>) target(%dma_start3A_212 : memref<64xf32, #tpu.memory_space<vmem>>) target_semaphore(%arg8 : memref<!tpu.dma_semaphore, #tpu.memory_space<semaphore_mem>>)
            %slice3A_216 = vector.extract_strided_slice %get3A_160 {offsets = [3], sizes = [1], strides = [1]} : vector<16xi32> to vector<1xi32>
            %squeeze3A_217 = vector.extract %slice3A_216[0] : i32 from vector<1xi32>
            %mul3A_218 = arith.constant 16 : i32
            %mul3A_219 = arith.muli %scan3A_155, %mul3A_218 : i32
            %add3A_220 = arith.constant 3 : i32
            %add3A_221 = arith.addi %mul3A_219, %add3A_220 : i32
            %dma_start3A_222 = arith.constant 1 : i32
            %dma_start3A_223 = arith.constant 0 : i32
            %dma_start3A_224 = tpu.memref_slice %arg6[%dma_start3A_222, %add3A_221, %dma_start3A_223] : memref<4x128x64xf32, #tpu.memory_space<vmem>> -> memref<1x1x64xf32, #tpu.memory_space<vmem>>
            %dma_start3A_225 = tpu.memref_squeeze %dma_start3A_224 : memref<1x1x64xf32, #tpu.memory_space<vmem>> -> memref<64xf32, #tpu.memory_space<vmem>>
            %dma_start3A_226 = arith.constant 0 : i32
            %dma_start3A_227 = tpu.memref_slice %arg3[%squeeze3A_217, %dma_start3A_226] : memref<1000000x64xf32, #tpu.memory_space<hbm>> -> memref<1x64xf32, #tpu.memory_space<hbm>>
            %dma_start3A_228 = tpu.memref_squeeze %dma_start3A_227 : memref<1x64xf32, #tpu.memory_space<hbm>> -> memref<64xf32, #tpu.memory_space<hbm>>
            %dma_start3A_229 = arith.constant 0 : i32
            %dma_start3A_230 = tpu.memref_slice %arg6[%dma_start3A_222, %add3A_221, %dma_start3A_229] : memref<4x128x64xf32, #tpu.memory_space<vmem>> -> memref<1x1x64xf32, #tpu.memory_space<vmem>>
            %dma_start3A_231 = tpu.memref_squeeze %dma_start3A_230 : memref<1x1x64xf32, #tpu.memory_space<vmem>> -> memref<64xf32, #tpu.memory_space<vmem>>
            %dma_start3A_232 = arith.constant 0 : i32
            %dma_start3A_233 = tpu.memref_slice %arg3[%squeeze3A_217, %dma_start3A_232] : memref<1000000x64xf32, #tpu.memory_space<hbm>> -> memref<1x64xf32, #tpu.memory_space<hbm>>
            %dma_start3A_234 = tpu.memref_squeeze %dma_start3A_233 : memref<1x64xf32, #tpu.memory_space<hbm>> -> memref<64xf32, #tpu.memory_space<hbm>>
            tpu.enqueue_dma source(%dma_start3A_234 : memref<64xf32, #tpu.memory_space<hbm>>) target(%dma_start3A_231 : memref<64xf32, #tpu.memory_space<vmem>>) target_semaphore(%arg8 : memref<!tpu.dma_semaphore, #tpu.memory_space<semaphore_mem>>)
            %slice3A_235 = vector.extract_strided_slice %get3A_160 {offsets = [4], sizes = [1], strides = [1]} : vector<16xi32> to vector<1xi32>
            %squeeze3A_236 = vector.extract %slice3A_235[0] : i32 from vector<1xi32>
            %mul3A_237 = arith.constant 16 : i32
            %mul3A_238 = arith.muli %scan3A_155, %mul3A_237 : i32
            %add3A_239 = arith.constant 4 : i32
            %add3A_240 = arith.addi %mul3A_238, %add3A_239 : i32
            %dma_start3A_241 = arith.constant 1 : i32
            %dma_start3A_242 = arith.constant 0 : i32
            %dma_start3A_243 = tpu.memref_slice %arg6[%dma_start3A_241, %add3A_240, %dma_start3A_242] : memref<4x128x64xf32, #tpu.memory_space<vmem>> -> memref<1x1x64xf32, #tpu.memory_space<vmem>>
            %dma_start3A_244 = tpu.memref_squeeze %dma_start3A_243 : memref<1x1x64xf32, #tpu.memory_space<vmem>> -> memref<64xf32, #tpu.memory_space<vmem>>
            %dma_start3A_245 = arith.constant 0 : i32
            %dma_start3A_246 = tpu.memref_slice %arg3[%squeeze3A_236, %dma_start3A_245] : memref<1000000x64xf32, #tpu.memory_space<hbm>> -> memref<1x64xf32, #tpu.memory_space<hbm>>
            %dma_start3A_247 = tpu.memref_squeeze %dma_start3A_246 : memref<1x64xf32, #tpu.memory_space<hbm>> -> memref<64xf32, #tpu.memory_space<hbm>>
            %dma_start3A_248 = arith.constant 0 : i32
            %dma_start3A_249 = tpu.memref_slice %arg6[%dma_start3A_241, %add3A_240, %dma_start3A_248] : memref<4x128x64xf32, #tpu.memory_space<vmem>> -> memref<1x1x64xf32, #tpu.memory_space<vmem>>
            %dma_start3A_250 = tpu.memref_squeeze %dma_start3A_249 : memref<1x1x64xf32, #tpu.memory_space<vmem>> -> memref<64xf32, #tpu.memory_space<vmem>>
            %dma_start3A_251 = arith.constant 0 : i32
            %dma_start3A_252 = tpu.memref_slice %arg3[%squeeze3A_236, %dma_start3A_251] : memref<1000000x64xf32, #tpu.memory_space<hbm>> -> memref<1x64xf32, #tpu.memory_space<hbm>>
            %dma_start3A_253 = tpu.memref_squeeze %dma_start3A_252 : memref<1x64xf32, #tpu.memory_space<hbm>> -> memref<64xf32, #tpu.memory_space<hbm>>
            tpu.enqueue_dma source(%dma_start3A_253 : memref<64xf32, #tpu.memory_space<hbm>>) target(%dma_start3A_250 : memref<64xf32, #tpu.memory_space<vmem>>) target_semaphore(%arg8 : memref<!tpu.dma_semaphore, #tpu.memory_space<semaphore_mem>>)
            %slice3A_254 = vector.extract_strided_slice %get3A_160 {offsets = [5], sizes = [1], strides = [1]} : vector<16xi32> to vector<1xi32>
            %squeeze3A_255 = vector.extract %slice3A_254[0] : i32 from vector<1xi32>
            %mul3A_256 = arith.constant 16 : i32
            %mul3A_257 = arith.muli %scan3A_155, %mul3A_256 : i32
            %add3A_258 = arith.constant 5 : i32
            %add3A_259 = arith.addi %mul3A_257, %add3A_258 : i32
            %dma_start3A_260 = arith.constant 1 : i32
            %dma_start3A_261 = arith.constant 0 : i32
            %dma_start3A_262 = tpu.memref_slice %arg6[%dma_start3A_260, %add3A_259, %dma_start3A_261] : memref<4x128x64xf32, #tpu.memory_space<vmem>> -> memref<1x1x64xf32, #tpu.memory_space<vmem>>
            %dma_start3A_263 = tpu.memref_squeeze %dma_start3A_262 : memref<1x1x64xf32, #tpu.memory_space<vmem>> -> memref<64xf32, #tpu.memory_space<vmem>>
            %dma_start3A_264 = arith.constant 0 : i32
            %dma_start3A_265 = tpu.memref_slice %arg3[%squeeze3A_255, %dma_start3A_264] : memref<1000000x64xf32, #tpu.memory_space<hbm>> -> memref<1x64xf32, #tpu.memory_space<hbm>>
            %dma_start3A_266 = tpu.memref_squeeze %dma_start3A_265 : memref<1x64xf32, #tpu.memory_space<hbm>> -> memref<64xf32, #tpu.memory_space<hbm>>
            %dma_start3A_267 = arith.constant 0 : i32
            %dma_start3A_268 = tpu.memref_slice %arg6[%dma_start3A_260, %add3A_259, %dma_start3A_267] : memref<4x128x64xf32, #tpu.memory_space<vmem>> -> memref<1x1x64xf32, #tpu.memory_space<vmem>>
            %dma_start3A_269 = tpu.memref_squeeze %dma_start3A_268 : memref<1x1x64xf32, #tpu.memory_space<vmem>> -> memref<64xf32, #tpu.memory_space<vmem>>
            %dma_start3A_270 = arith.constant 0 : i32
            %dma_start3A_271 = tpu.memref_slice %arg3[%squeeze3A_255, %dma_start3A_270] : memref<1000000x64xf32, #tpu.memory_space<hbm>> -> memref<1x64xf32, #tpu.memory_space<hbm>>
            %dma_start3A_272 = tpu.memref_squeeze %dma_start3A_271 : memref<1x64xf32, #tpu.memory_space<hbm>> -> memref<64xf32, #tpu.memory_space<hbm>>
            tpu.enqueue_dma source(%dma_start3A_272 : memref<64xf32, #tpu.memory_space<hbm>>) target(%dma_start3A_269 : memref<64xf32, #tpu.memory_space<vmem>>) target_semaphore(%arg8 : memref<!tpu.dma_semaphore, #tpu.memory_space<semaphore_mem>>)
            %slice3A_273 = vector.extract_strided_slice %get3A_160 {offsets = [6], sizes = [1], strides = [1]} : vector<16xi32> to vector<1xi32>
            %squeeze3A_274 = vector.extract %slice3A_273[0] : i32 from vector<1xi32>
            %mul3A_275 = arith.constant 16 : i32
            %mul3A_276 = arith.muli %scan3A_155, %mul3A_275 : i32
            %add3A_277 = arith.constant 6 : i32
            %add3A_278 = arith.addi %mul3A_276, %add3A_277 : i32
            %dma_start3A_279 = arith.constant 1 : i32
            %dma_start3A_280 = arith.constant 0 : i32
            %dma_start3A_281 = tpu.memref_slice %arg6[%dma_start3A_279, %add3A_278, %dma_start3A_280] : memref<4x128x64xf32, #tpu.memory_space<vmem>> -> memref<1x1x64xf32, #tpu.memory_space<vmem>>
            %dma_start3A_282 = tpu.memref_squeeze %dma_start3A_281 : memref<1x1x64xf32, #tpu.memory_space<vmem>> -> memref<64xf32, #tpu.memory_space<vmem>>
            %dma_start3A_283 = arith.constant 0 : i32
            %dma_start3A_284 = tpu.memref_slice %arg3[%squeeze3A_274, %dma_start3A_283] : memref<1000000x64xf32, #tpu.memory_space<hbm>> -> memref<1x64xf32, #tpu.memory_space<hbm>>
            %dma_start3A_285 = tpu.memref_squeeze %dma_start3A_284 : memref<1x64xf32, #tpu.memory_space<hbm>> -> memref<64xf32, #tpu.memory_space<hbm>>
            %dma_start3A_286 = arith.constant 0 : i32
            %dma_start3A_287 = tpu.memref_slice %arg6[%dma_start3A_279, %add3A_278, %dma_start3A_286] : memref<4x128x64xf32, #tpu.memory_space<vmem>> -> memref<1x1x64xf32, #tpu.memory_space<vmem>>
            %dma_start3A_288 = tpu.memref_squeeze %dma_start3A_287 : memref<1x1x64xf32, #tpu.memory_space<vmem>> -> memref<64xf32, #tpu.memory_space<vmem>>
            %dma_start3A_289 = arith.constant 0 : i32
            %dma_start3A_290 = tpu.memref_slice %arg3[%squeeze3A_274, %dma_start3A_289] : memref<1000000x64xf32, #tpu.memory_space<hbm>> -> memref<1x64xf32, #tpu.memory_space<hbm>>
            %dma_start3A_291 = tpu.memref_squeeze %dma_start3A_290 : memref<1x64xf32, #tpu.memory_space<hbm>> -> memref<64xf32, #tpu.memory_space<hbm>>
            tpu.enqueue_dma source(%dma_start3A_291 : memref<64xf32, #tpu.memory_space<hbm>>) target(%dma_start3A_288 : memref<64xf32, #tpu.memory_space<vmem>>) target_semaphore(%arg8 : memref<!tpu.dma_semaphore, #tpu.memory_space<semaphore_mem>>)
            %slice3A_292 = vector.extract_strided_slice %get3A_160 {offsets = [7], sizes = [1], strides = [1]} : vector<16xi32> to vector<1xi32>
            %squeeze3A_293 = vector.extract %slice3A_292[0] : i32 from vector<1xi32>
            %mul3A_294 = arith.constant 16 : i32
            %mul3A_295 = arith.muli %scan3A_155, %mul3A_294 : i32
            %add3A_296 = arith.constant 7 : i32
            %add3A_297 = arith.addi %mul3A_295, %add3A_296 : i32
            %dma_start3A_298 = arith.constant 1 : i32
            %dma_start3A_299 = arith.constant 0 : i32
            %dma_start3A_300 = tpu.memref_slice %arg6[%dma_start3A_298, %add3A_297, %dma_start3A_299] : memref<4x128x64xf32, #tpu.memory_space<vmem>> -> memref<1x1x64xf32, #tpu.memory_space<vmem>>
            %dma_start3A_301 = tpu.memref_squeeze %dma_start3A_300 : memref<1x1x64xf32, #tpu.memory_space<vmem>> -> memref<64xf32, #tpu.memory_space<vmem>>
            %dma_start3A_302 = arith.constant 0 : i32
            %dma_start3A_303 = tpu.memref_slice %arg3[%squeeze3A_293, %dma_start3A_302] : memref<1000000x64xf32, #tpu.memory_space<hbm>> -> memref<1x64xf32, #tpu.memory_space<hbm>>
            %dma_start3A_304 = tpu.memref_squeeze %dma_start3A_303 : memref<1x64xf32, #tpu.memory_space<hbm>> -> memref<64xf32, #tpu.memory_space<hbm>>
            %dma_start3A_305 = arith.constant 0 : i32
            %dma_start3A_306 = tpu.memref_slice %arg6[%dma_start3A_298, %add3A_297, %dma_start3A_305] : memref<4x128x64xf32, #tpu.memory_space<vmem>> -> memref<1x1x64xf32, #tpu.memory_space<vmem>>
            %dma_start3A_307 = tpu.memref_squeeze %dma_start3A_306 : memref<1x1x64xf32, #tpu.memory_space<vmem>> -> memref<64xf32, #tpu.memory_space<vmem>>
            %dma_start3A_308 = arith.constant 0 : i32
            %dma_start3A_309 = tpu.memref_slice %arg3[%squeeze3A_293, %dma_start3A_308] : memref<1000000x64xf32, #tpu.memory_space<hbm>> -> memref<1x64xf32, #tpu.memory_space<hbm>>
            %dma_start3A_310 = tpu.memref_squeeze %dma_start3A_309 : memref<1x64xf32, #tpu.memory_space<hbm>> -> memref<64xf32, #tpu.memory_space<hbm>>
            tpu.enqueue_dma source(%dma_start3A_310 : memref<64xf32, #tpu.memory_space<hbm>>) target(%dma_start3A_307 : memref<64xf32, #tpu.memory_space<vmem>>) target_semaphore(%arg8 : memref<!tpu.dma_semaphore, #tpu.memory_space<semaphore_mem>>)
            %slice3A_311 = vector.extract_strided_slice %get3A_160 {offsets = [8], sizes = [1], strides = [1]} : vector<16xi32> to vector<1xi32>
            %squeeze3A_312 = vector.extract %slice3A_311[0] : i32 from vector<1xi32>
            %mul3A_313 = arith.constant 16 : i32
            %mul3A_314 = arith.muli %scan3A_155, %mul3A_313 : i32
            %add3A_315 = arith.constant 8 : i32
            %add3A_316 = arith.addi %mul3A_314, %add3A_315 : i32
            %dma_start3A_317 = arith.constant 1 : i32
            %dma_start3A_318 = arith.constant 0 : i32
            %dma_start3A_319 = tpu.memref_slice %arg6[%dma_start3A_317, %add3A_316, %dma_start3A_318] : memref<4x128x64xf32, #tpu.memory_space<vmem>> -> memref<1x1x64xf32, #tpu.memory_space<vmem>>
            %dma_start3A_320 = tpu.memref_squeeze %dma_start3A_319 : memref<1x1x64xf32, #tpu.memory_space<vmem>> -> memref<64xf32, #tpu.memory_space<vmem>>
            %dma_start3A_321 = arith.constant 0 : i32
            %dma_start3A_322 = tpu.memref_slice %arg3[%squeeze3A_312, %dma_start3A_321] : memref<1000000x64xf32, #tpu.memory_space<hbm>> -> memref<1x64xf32, #tpu.memory_space<hbm>>
            %dma_start3A_323 = tpu.memref_squeeze %dma_start3A_322 : memref<1x64xf32, #tpu.memory_space<hbm>> -> memref<64xf32, #tpu.memory_space<hbm>>
            %dma_start3A_324 = arith.constant 0 : i32
            %dma_start3A_325 = tpu.memref_slice %arg6[%dma_start3A_317, %add3A_316, %dma_start3A_324] : memref<4x128x64xf32, #tpu.memory_space<vmem>> -> memref<1x1x64xf32, #tpu.memory_space<vmem>>
            %dma_start3A_326 = tpu.memref_squeeze %dma_start3A_325 : memref<1x1x64xf32, #tpu.memory_space<vmem>> -> memref<64xf32, #tpu.memory_space<vmem>>
            %dma_start3A_327 = arith.constant 0 : i32
            %dma_start3A_328 = tpu.memref_slice %arg3[%squeeze3A_312, %dma_start3A_327] : memref<1000000x64xf32, #tpu.memory_space<hbm>> -> memref<1x64xf32, #tpu.memory_space<hbm>>
            %dma_start3A_329 = tpu.memref_squeeze %dma_start3A_328 : memref<1x64xf32, #tpu.memory_space<hbm>> -> memref<64xf32, #tpu.memory_space<hbm>>
            tpu.enqueue_dma source(%dma_start3A_329 : memref<64xf32, #tpu.memory_space<hbm>>) target(%dma_start3A_326 : memref<64xf32, #tpu.memory_space<vmem>>) target_semaphore(%arg8 : memref<!tpu.dma_semaphore, #tpu.memory_space<semaphore_mem>>)
            %slice3A_330 = vector.extract_strided_slice %get3A_160 {offsets = [9], sizes = [1], strides = [1]} : vector<16xi32> to vector<1xi32>
            %squeeze3A_331 = vector.extract %slice3A_330[0] : i32 from vector<1xi32>
            %mul3A_332 = arith.constant 16 : i32
            %mul3A_333 = arith.muli %scan3A_155, %mul3A_332 : i32
            %add3A_334 = arith.constant 9 : i32
            %add3A_335 = arith.addi %mul3A_333, %add3A_334 : i32
            %dma_start3A_336 = arith.constant 1 : i32
            %dma_start3A_337 = arith.constant 0 : i32
            %dma_start3A_338 = tpu.memref_slice %arg6[%dma_start3A_336, %add3A_335, %dma_start3A_337] : memref<4x128x64xf32, #tpu.memory_space<vmem>> -> memref<1x1x64xf32, #tpu.memory_space<vmem>>
            %dma_start3A_339 = tpu.memref_squeeze %dma_start3A_338 : memref<1x1x64xf32, #tpu.memory_space<vmem>> -> memref<64xf32, #tpu.memory_space<vmem>>
            %dma_start3A_340 = arith.constant 0 : i32
            %dma_start3A_341 = tpu.memref_slice %arg3[%squeeze3A_331, %dma_start3A_340] : memref<1000000x64xf32, #tpu.memory_space<hbm>> -> memref<1x64xf32, #tpu.memory_space<hbm>>
            %dma_start3A_342 = tpu.memref_squeeze %dma_start3A_341 : memref<1x64xf32, #tpu.memory_space<hbm>> -> memref<64xf32, #tpu.memory_space<hbm>>
            %dma_start3A_343 = arith.constant 0 : i32
            %dma_start3A_344 = tpu.memref_slice %arg6[%dma_start3A_336, %add3A_335, %dma_start3A_343] : memref<4x128x64xf32, #tpu.memory_space<vmem>> -> memref<1x1x64xf32, #tpu.memory_space<vmem>>
            %dma_start3A_345 = tpu.memref_squeeze %dma_start3A_344 : memref<1x1x64xf32, #tpu.memory_space<vmem>> -> memref<64xf32, #tpu.memory_space<vmem>>
            %dma_start3A_346 = arith.constant 0 : i32
            %dma_start3A_347 = tpu.memref_slice %arg3[%squeeze3A_331, %dma_start3A_346] : memref<1000000x64xf32, #tpu.memory_space<hbm>> -> memref<1x64xf32, #tpu.memory_space<hbm>>
            %dma_start3A_348 = tpu.memref_squeeze %dma_start3A_347 : memref<1x64xf32, #tpu.memory_space<hbm>> -> memref<64xf32, #tpu.memory_space<hbm>>
            tpu.enqueue_dma source(%dma_start3A_348 : memref<64xf32, #tpu.memory_space<hbm>>) target(%dma_start3A_345 : memref<64xf32, #tpu.memory_space<vmem>>) target_semaphore(%arg8 : memref<!tpu.dma_semaphore, #tpu.memory_space<semaphore_mem>>)
            %slice3A_349 = vector.extract_strided_slice %get3A_160 {offsets = [10], sizes = [1], strides = [1]} : vector<16xi32> to vector<1xi32>
            %squeeze3A_350 = vector.extract %slice3A_349[0] : i32 from vector<1xi32>
            %mul3A_351 = arith.constant 16 : i32
            %mul3A_352 = arith.muli %scan3A_155, %mul3A_351 : i32
            %add3A_353 = arith.constant 10 : i32
            %add3A_354 = arith.addi %mul3A_352, %add3A_353 : i32
            %dma_start3A_355 = arith.constant 1 : i32
            %dma_start3A_356 = arith.constant 0 : i32
            %dma_start3A_357 = tpu.memref_slice %arg6[%dma_start3A_355, %add3A_354, %dma_start3A_356] : memref<4x128x64xf32, #tpu.memory_space<vmem>> -> memref<1x1x64xf32, #tpu.memory_space<vmem>>
            %dma_start3A_358 = tpu.memref_squeeze %dma_start3A_357 : memref<1x1x64xf32, #tpu.memory_space<vmem>> -> memref<64xf32, #tpu.memory_space<vmem>>
            %dma_start3A_359 = arith.constant 0 : i32
            %dma_start3A_360 = tpu.memref_slice %arg3[%squeeze3A_350, %dma_start3A_359] : memref<1000000x64xf32, #tpu.memory_space<hbm>> -> memref<1x64xf32, #tpu.memory_space<hbm>>
            %dma_start3A_361 = tpu.memref_squeeze %dma_start3A_360 : memref<1x64xf32, #tpu.memory_space<hbm>> -> memref<64xf32, #tpu.memory_space<hbm>>
            %dma_start3A_362 = arith.constant 0 : i32
            %dma_start3A_363 = tpu.memref_slice %arg6[%dma_start3A_355, %add3A_354, %dma_start3A_362] : memref<4x128x64xf32, #tpu.memory_space<vmem>> -> memref<1x1x64xf32, #tpu.memory_space<vmem>>
            %dma_start3A_364 = tpu.memref_squeeze %dma_start3A_363 : memref<1x1x64xf32, #tpu.memory_space<vmem>> -> memref<64xf32, #tpu.memory_space<vmem>>
            %dma_start3A_365 = arith.constant 0 : i32
            %dma_start3A_366 = tpu.memref_slice %arg3[%squeeze3A_350, %dma_start3A_365] : memref<1000000x64xf32, #tpu.memory_space<hbm>> -> memref<1x64xf32, #tpu.memory_space<hbm>>
            %dma_start3A_367 = tpu.memref_squeeze %dma_start3A_366 : memref<1x64xf32, #tpu.memory_space<hbm>> -> memref<64xf32, #tpu.memory_space<hbm>>
            tpu.enqueue_dma source(%dma_start3A_367 : memref<64xf32, #tpu.memory_space<hbm>>) target(%dma_start3A_364 : memref<64xf32, #tpu.memory_space<vmem>>) target_semaphore(%arg8 : memref<!tpu.dma_semaphore, #tpu.memory_space<semaphore_mem>>)
            %slice3A_368 = vector.extract_strided_slice %get3A_160 {offsets = [11], sizes = [1], strides = [1]} : vector<16xi32> to vector<1xi32>
            %squeeze3A_369 = vector.extract %slice3A_368[0] : i32 from vector<1xi32>
            %mul3A_370 = arith.constant 16 : i32
            %mul3A_371 = arith.muli %scan3A_155, %mul3A_370 : i32
            %add3A_372 = arith.constant 11 : i32
            %add3A_373 = arith.addi %mul3A_371, %add3A_372 : i32
            %dma_start3A_374 = arith.constant 1 : i32
            %dma_start3A_375 = arith.constant 0 : i32
            %dma_start3A_376 = tpu.memref_slice %arg6[%dma_start3A_374, %add3A_373, %dma_start3A_375] : memref<4x128x64xf32, #tpu.memory_space<vmem>> -> memref<1x1x64xf32, #tpu.memory_space<vmem>>
            %dma_start3A_377 = tpu.memref_squeeze %dma_start3A_376 : memref<1x1x64xf32, #tpu.memory_space<vmem>> -> memref<64xf32, #tpu.memory_space<vmem>>
            %dma_start3A_378 = arith.constant 0 : i32
            %dma_start3A_379 = tpu.memref_slice %arg3[%squeeze3A_369, %dma_start3A_378] : memref<1000000x64xf32, #tpu.memory_space<hbm>> -> memref<1x64xf32, #tpu.memory_space<hbm>>
            %dma_start3A_380 = tpu.memref_squeeze %dma_start3A_379 : memref<1x64xf32, #tpu.memory_space<hbm>> -> memref<64xf32, #tpu.memory_space<hbm>>
            %dma_start3A_381 = arith.constant 0 : i32
            %dma_start3A_382 = tpu.memref_slice %arg6[%dma_start3A_374, %add3A_373, %dma_start3A_381] : memref<4x128x64xf32, #tpu.memory_space<vmem>> -> memref<1x1x64xf32, #tpu.memory_space<vmem>>
            %dma_start3A_383 = tpu.memref_squeeze %dma_start3A_382 : memref<1x1x64xf32, #tpu.memory_space<vmem>> -> memref<64xf32, #tpu.memory_space<vmem>>
            %dma_start3A_384 = arith.constant 0 : i32
            %dma_start3A_385 = tpu.memref_slice %arg3[%squeeze3A_369, %dma_start3A_384] : memref<1000000x64xf32, #tpu.memory_space<hbm>> -> memref<1x64xf32, #tpu.memory_space<hbm>>
            %dma_start3A_386 = tpu.memref_squeeze %dma_start3A_385 : memref<1x64xf32, #tpu.memory_space<hbm>> -> memref<64xf32, #tpu.memory_space<hbm>>
            tpu.enqueue_dma source(%dma_start3A_386 : memref<64xf32, #tpu.memory_space<hbm>>) target(%dma_start3A_383 : memref<64xf32, #tpu.memory_space<vmem>>) target_semaphore(%arg8 : memref<!tpu.dma_semaphore, #tpu.memory_space<semaphore_mem>>)
            %slice3A_387 = vector.extract_strided_slice %get3A_160 {offsets = [12], sizes = [1], strides = [1]} : vector<16xi32> to vector<1xi32>
            %squeeze3A_388 = vector.extract %slice3A_387[0] : i32 from vector<1xi32>
            %mul3A_389 = arith.constant 16 : i32
            %mul3A_390 = arith.muli %scan3A_155, %mul3A_389 : i32
            %add3A_391 = arith.constant 12 : i32
            %add3A_392 = arith.addi %mul3A_390, %add3A_391 : i32
            %dma_start3A_393 = arith.constant 1 : i32
            %dma_start3A_394 = arith.constant 0 : i32
            %dma_start3A_395 = tpu.memref_slice %arg6[%dma_start3A_393, %add3A_392, %dma_start3A_394] : memref<4x128x64xf32, #tpu.memory_space<vmem>> -> memref<1x1x64xf32, #tpu.memory_space<vmem>>
            %dma_start3A_396 = tpu.memref_squeeze %dma_start3A_395 : memref<1x1x64xf32, #tpu.memory_space<vmem>> -> memref<64xf32, #tpu.memory_space<vmem>>
            %dma_start3A_397 = arith.constant 0 : i32
            %dma_start3A_398 = tpu.memref_slice %arg3[%squeeze3A_388, %dma_start3A_397] : memref<1000000x64xf32, #tpu.memory_space<hbm>> -> memref<1x64xf32, #tpu.memory_space<hbm>>
            %dma_start3A_399 = tpu.memref_squeeze %dma_start3A_398 : memref<1x64xf32, #tpu.memory_space<hbm>> -> memref<64xf32, #tpu.memory_space<hbm>>
            %dma_start3A_400 = arith.constant 0 : i32
            %dma_start3A_401 = tpu.memref_slice %arg6[%dma_start3A_393, %add3A_392, %dma_start3A_400] : memref<4x128x64xf32, #tpu.memory_space<vmem>> -> memref<1x1x64xf32, #tpu.memory_space<vmem>>
            %dma_start3A_402 = tpu.memref_squeeze %dma_start3A_401 : memref<1x1x64xf32, #tpu.memory_space<vmem>> -> memref<64xf32, #tpu.memory_space<vmem>>
            %dma_start3A_403 = arith.constant 0 : i32
            %dma_start3A_404 = tpu.memref_slice %arg3[%squeeze3A_388, %dma_start3A_403] : memref<1000000x64xf32, #tpu.memory_space<hbm>> -> memref<1x64xf32, #tpu.memory_space<hbm>>
            %dma_start3A_405 = tpu.memref_squeeze %dma_start3A_404 : memref<1x64xf32, #tpu.memory_space<hbm>> -> memref<64xf32, #tpu.memory_space<hbm>>
            tpu.enqueue_dma source(%dma_start3A_405 : memref<64xf32, #tpu.memory_space<hbm>>) target(%dma_start3A_402 : memref<64xf32, #tpu.memory_space<vmem>>) target_semaphore(%arg8 : memref<!tpu.dma_semaphore, #tpu.memory_space<semaphore_mem>>)
            %slice3A_406 = vector.extract_strided_slice %get3A_160 {offsets = [13], sizes = [1], strides = [1]} : vector<16xi32> to vector<1xi32>
            %squeeze3A_407 = vector.extract %slice3A_406[0] : i32 from vector<1xi32>
            %mul3A_408 = arith.constant 16 : i32
            %mul3A_409 = arith.muli %scan3A_155, %mul3A_408 : i32
            %add3A_410 = arith.constant 13 : i32
            %add3A_411 = arith.addi %mul3A_409, %add3A_410 : i32
            %dma_start3A_412 = arith.constant 1 : i32
            %dma_start3A_413 = arith.constant 0 : i32
            %dma_start3A_414 = tpu.memref_slice %arg6[%dma_start3A_412, %add3A_411, %dma_start3A_413] : memref<4x128x64xf32, #tpu.memory_space<vmem>> -> memref<1x1x64xf32, #tpu.memory_space<vmem>>
            %dma_start3A_415 = tpu.memref_squeeze %dma_start3A_414 : memref<1x1x64xf32, #tpu.memory_space<vmem>> -> memref<64xf32, #tpu.memory_space<vmem>>
            %dma_start3A_416 = arith.constant 0 : i32
            %dma_start3A_417 = tpu.memref_slice %arg3[%squeeze3A_407, %dma_start3A_416] : memref<1000000x64xf32, #tpu.memory_space<hbm>> -> memref<1x64xf32, #tpu.memory_space<hbm>>
            %dma_start3A_418 = tpu.memref_squeeze %dma_start3A_417 : memref<1x64xf32, #tpu.memory_space<hbm>> -> memref<64xf32, #tpu.memory_space<hbm>>
            %dma_start3A_419 = arith.constant 0 : i32
            %dma_start3A_420 = tpu.memref_slice %arg6[%dma_start3A_412, %add3A_411, %dma_start3A_419] : memref<4x128x64xf32, #tpu.memory_space<vmem>> -> memref<1x1x64xf32, #tpu.memory_space<vmem>>
            %dma_start3A_421 = tpu.memref_squeeze %dma_start3A_420 : memref<1x1x64xf32, #tpu.memory_space<vmem>> -> memref<64xf32, #tpu.memory_space<vmem>>
            %dma_start3A_422 = arith.constant 0 : i32
            %dma_start3A_423 = tpu.memref_slice %arg3[%squeeze3A_407, %dma_start3A_422] : memref<1000000x64xf32, #tpu.memory_space<hbm>> -> memref<1x64xf32, #tpu.memory_space<hbm>>
            %dma_start3A_424 = tpu.memref_squeeze %dma_start3A_423 : memref<1x64xf32, #tpu.memory_space<hbm>> -> memref<64xf32, #tpu.memory_space<hbm>>
            tpu.enqueue_dma source(%dma_start3A_424 : memref<64xf32, #tpu.memory_space<hbm>>) target(%dma_start3A_421 : memref<64xf32, #tpu.memory_space<vmem>>) target_semaphore(%arg8 : memref<!tpu.dma_semaphore, #tpu.memory_space<semaphore_mem>>)
            %slice3A_425 = vector.extract_strided_slice %get3A_160 {offsets = [14], sizes = [1], strides = [1]} : vector<16xi32> to vector<1xi32>
            %squeeze3A_426 = vector.extract %slice3A_425[0] : i32 from vector<1xi32>
            %mul3A_427 = arith.constant 16 : i32
            %mul3A_428 = arith.muli %scan3A_155, %mul3A_427 : i32
            %add3A_429 = arith.constant 14 : i32
            %add3A_430 = arith.addi %mul3A_428, %add3A_429 : i32
            %dma_start3A_431 = arith.constant 1 : i32
            %dma_start3A_432 = arith.constant 0 : i32
            %dma_start3A_433 = tpu.memref_slice %arg6[%dma_start3A_431, %add3A_430, %dma_start3A_432] : memref<4x128x64xf32, #tpu.memory_space<vmem>> -> memref<1x1x64xf32, #tpu.memory_space<vmem>>
            %dma_start3A_434 = tpu.memref_squeeze %dma_start3A_433 : memref<1x1x64xf32, #tpu.memory_space<vmem>> -> memref<64xf32, #tpu.memory_space<vmem>>
            %dma_start3A_435 = arith.constant 0 : i32
            %dma_start3A_436 = tpu.memref_slice %arg3[%squeeze3A_426, %dma_start3A_435] : memref<1000000x64xf32, #tpu.memory_space<hbm>> -> memref<1x64xf32, #tpu.memory_space<hbm>>
            %dma_start3A_437 = tpu.memref_squeeze %dma_start3A_436 : memref<1x64xf32, #tpu.memory_space<hbm>> -> memref<64xf32, #tpu.memory_space<hbm>>
            %dma_start3A_438 = arith.constant 0 : i32
            %dma_start3A_439 = tpu.memref_slice %arg6[%dma_start3A_431, %add3A_430, %dma_start3A_438] : memref<4x128x64xf32, #tpu.memory_space<vmem>> -> memref<1x1x64xf32, #tpu.memory_space<vmem>>
            %dma_start3A_440 = tpu.memref_squeeze %dma_start3A_439 : memref<1x1x64xf32, #tpu.memory_space<vmem>> -> memref<64xf32, #tpu.memory_space<vmem>>
            %dma_start3A_441 = arith.constant 0 : i32
            %dma_start3A_442 = tpu.memref_slice %arg3[%squeeze3A_426, %dma_start3A_441] : memref<1000000x64xf32, #tpu.memory_space<hbm>> -> memref<1x64xf32, #tpu.memory_space<hbm>>
            %dma_start3A_443 = tpu.memref_squeeze %dma_start3A_442 : memref<1x64xf32, #tpu.memory_space<hbm>> -> memref<64xf32, #tpu.memory_space<hbm>>
            tpu.enqueue_dma source(%dma_start3A_443 : memref<64xf32, #tpu.memory_space<hbm>>) target(%dma_start3A_440 : memref<64xf32, #tpu.memory_space<vmem>>) target_semaphore(%arg8 : memref<!tpu.dma_semaphore, #tpu.memory_space<semaphore_mem>>)
            %slice3A_444 = vector.extract_strided_slice %get3A_160 {offsets = [15], sizes = [1], strides = [1]} : vector<16xi32> to vector<1xi32>
            %squeeze3A_445 = vector.extract %slice3A_444[0] : i32 from vector<1xi32>
            %mul3A_446 = arith.constant 16 : i32
            %mul3A_447 = arith.muli %scan3A_155, %mul3A_446 : i32
            %add3A_448 = arith.constant 15 : i32
            %add3A_449 = arith.addi %mul3A_447, %add3A_448 : i32
            %dma_start3A_450 = arith.constant 1 : i32
            %dma_start3A_451 = arith.constant 0 : i32
            %dma_start3A_452 = tpu.memref_slice %arg6[%dma_start3A_450, %add3A_449, %dma_start3A_451] : memref<4x128x64xf32, #tpu.memory_space<vmem>> -> memref<1x1x64xf32, #tpu.memory_space<vmem>>
            %dma_start3A_453 = tpu.memref_squeeze %dma_start3A_452 : memref<1x1x64xf32, #tpu.memory_space<vmem>> -> memref<64xf32, #tpu.memory_space<vmem>>
            %dma_start3A_454 = arith.constant 0 : i32
            %dma_start3A_455 = tpu.memref_slice %arg3[%squeeze3A_445, %dma_start3A_454] : memref<1000000x64xf32, #tpu.memory_space<hbm>> -> memref<1x64xf32, #tpu.memory_space<hbm>>
            %dma_start3A_456 = tpu.memref_squeeze %dma_start3A_455 : memref<1x64xf32, #tpu.memory_space<hbm>> -> memref<64xf32, #tpu.memory_space<hbm>>
            %dma_start3A_457 = arith.constant 0 : i32
            %dma_start3A_458 = tpu.memref_slice %arg6[%dma_start3A_450, %add3A_449, %dma_start3A_457] : memref<4x128x64xf32, #tpu.memory_space<vmem>> -> memref<1x1x64xf32, #tpu.memory_space<vmem>>
            %dma_start3A_459 = tpu.memref_squeeze %dma_start3A_458 : memref<1x1x64xf32, #tpu.memory_space<vmem>> -> memref<64xf32, #tpu.memory_space<vmem>>
            %dma_start3A_460 = arith.constant 0 : i32
            %dma_start3A_461 = tpu.memref_slice %arg3[%squeeze3A_445, %dma_start3A_460] : memref<1000000x64xf32, #tpu.memory_space<hbm>> -> memref<1x64xf32, #tpu.memory_space<hbm>>
            %dma_start3A_462 = tpu.memref_squeeze %dma_start3A_461 : memref<1x64xf32, #tpu.memory_space<hbm>> -> memref<64xf32, #tpu.memory_space<hbm>>
            tpu.enqueue_dma source(%dma_start3A_462 : memref<64xf32, #tpu.memory_space<hbm>>) target(%dma_start3A_459 : memref<64xf32, #tpu.memory_space<vmem>>) target_semaphore(%arg8 : memref<!tpu.dma_semaphore, #tpu.memory_space<semaphore_mem>>)
          }
          %scan3A_154 = arith.constant 8 : i32
        } else {
        }
      } else {
      }
      %eq3A_99 = arith.constant 3 : i32
      %eq3A_100 = arith.cmpi eq, %rem3A_86, %eq3A_99 : i32
      %convert_element_type3A_101 = arith.extui %eq3A_100 : i1 to i32
      %cond3A_102 = arith.constant 0 : i32
      %cond3A_103 = arith.cmpi ne, %convert_element_type3A_101, %cond3A_102 : i32
      scf.if %cond3A_103 {
        %dma_wait3A_104 = arith.constant 3 : i32
        %dma_wait3A_105 = arith.constant 0 : i32
        %dma_wait3A_106 = arith.constant 0 : i32
        %dma_wait3A_107 = tpu.memref_slice %arg6[%dma_wait3A_104, %dma_wait3A_105, %dma_wait3A_106] : memref<4x128x64xf32, #tpu.memory_space<vmem>> -> memref<1x128x64xf32, #tpu.memory_space<vmem>>
        %dma_wait3A_108 = tpu.memref_squeeze %dma_wait3A_107 : memref<1x128x64xf32, #tpu.memory_space<vmem>> -> memref<128x64xf32, #tpu.memory_space<vmem>>
        %dma_wait3A_109 = arith.constant 0 : i32
        %dma_wait3A_110 = arith.constant 0 : i32
        %dma_wait3A_111 = tpu.memref_slice %arg3[%dma_wait3A_109, %dma_wait3A_110] : memref<1000000x64xf32, #tpu.memory_space<hbm>> -> memref<128x64xf32, #tpu.memory_space<hbm>>
        %dma_wait3A_112 = arith.constant 0 : i32
        %dma_wait3A_113 = arith.constant 0 : i32
        %dma_wait3A_114 = tpu.memref_slice %arg6[%dma_wait3A_104, %dma_wait3A_112, %dma_wait3A_113] : memref<4x128x64xf32, #tpu.memory_space<vmem>> -> memref<1x128x64xf32, #tpu.memory_space<vmem>>
        %dma_wait3A_115 = tpu.memref_squeeze %dma_wait3A_114 : memref<1x128x64xf32, #tpu.memory_space<vmem>> -> memref<128x64xf32, #tpu.memory_space<vmem>>
        %dma_wait3A_116 = arith.constant 0 : i32
        %dma_wait3A_117 = arith.constant 0 : i32
        %dma_wait3A_118 = tpu.memref_slice %arg3[%dma_wait3A_116, %dma_wait3A_117] : memref<1000000x64xf32, #tpu.memory_space<hbm>> -> memref<128x64xf32, #tpu.memory_space<hbm>>
        tpu.wait_dma2 semaphore(%arg10 : memref<!tpu.dma_semaphore, #tpu.memory_space<semaphore_mem>>) src(%dma_wait3A_118 : memref<128x64xf32, #tpu.memory_space<hbm>>) dst(%dma_wait3A_115 : memref<128x64xf32, #tpu.memory_space<vmem>>)
        %mul3A_119 = arith.constant 128 : i32
        %mul3A_120 = arith.muli %scan3A_85, %mul3A_119 : i32
        %add3A_121 = arith.addi %mul3A_2, %mul3A_120 : i32
        %dma_start3A = arith.constant 3 : i32
        %dma_start3A_122 = arith.constant 0 : i32
        %dma_start3A_123 = arith.constant 0 : i32
        %dma_start3A_124 = tpu.memref_slice %arg6[%dma_start3A, %dma_start3A_122, %dma_start3A_123] : memref<4x128x64xf32, #tpu.memory_space<vmem>> -> memref<1x128x64xf32, #tpu.memory_space<vmem>>
        %dma_start3A_125 = tpu.memref_squeeze %dma_start3A_124 : memref<1x128x64xf32, #tpu.memory_space<vmem>> -> memref<128x64xf32, #tpu.memory_space<vmem>>
        %dma_start3A_126 = arith.constant 0 : i32
        %dma_start3A_127 = tpu.memref_slice %arg4[%add3A_121, %dma_start3A_126] : memref<819200x64xf32, #tpu.memory_space<hbm>> -> memref<128x64xf32, #tpu.memory_space<hbm>>
        %dma_start3A_128 = arith.constant 0 : i32
        %dma_start3A_129 = tpu.memref_slice %arg4[%add3A_121, %dma_start3A_128] : memref<819200x64xf32, #tpu.memory_space<hbm>> -> memref<128x64xf32, #tpu.memory_space<hbm>>
        %dma_start3A_130 = arith.constant 0 : i32
        %dma_start3A_131 = arith.constant 0 : i32
        %dma_start3A_132 = tpu.memref_slice %arg6[%dma_start3A, %dma_start3A_130, %dma_start3A_131] : memref<4x128x64xf32, #tpu.memory_space<vmem>> -> memref<1x128x64xf32, #tpu.memory_space<vmem>>
        %dma_start3A_133 = tpu.memref_squeeze %dma_start3A_132 : memref<1x128x64xf32, #tpu.memory_space<vmem>> -> memref<128x64xf32, #tpu.memory_space<vmem>>
        tpu.enqueue_dma source(%dma_start3A_133 : memref<128x64xf32, #tpu.memory_space<vmem>>) target(%dma_start3A_129 : memref<128x64xf32, #tpu.memory_space<hbm>>) target_semaphore(%arg14 : memref<!tpu.dma_semaphore, #tpu.memory_space<semaphore_mem>>)
        %add3A_134 = arith.constant 4 : i32
        %add3A_135 = arith.addi %scan3A_85, %add3A_134 : i32
        %sub3A = arith.constant 1 : i32
        %sub3A_136 = arith.subi %add3A_135, %sub3A : i32
        %lt3A = arith.constant 200 : i32
        %lt3A_137 = arith.cmpi slt, %sub3A_136, %lt3A : i32
        %convert_element_type3A_138 = arith.extui %lt3A_137 : i1 to i32
        %cond3A_139 = arith.constant 0 : i32
        %cond3A_140 = arith.cmpi ne, %convert_element_type3A_138, %cond3A_139 : i32
        scf.if %cond3A_140 {
          %ge3A = arith.constant 1 : i32
          %ge3A_141 = arith.cmpi sge, %scan3A_85, %ge3A : i32
          %convert_element_type3A_142 = arith.extui %ge3A_141 : i1 to i32
          %cond3A_143 = arith.constant 0 : i32
          %cond3A_144 = arith.cmpi ne, %convert_element_type3A_142, %cond3A_143 : i32
          scf.if %cond3A_144 {
            %sub3A_155 = arith.constant 1 : i32
            %sub3A_156 = arith.subi %scan3A_85, %sub3A_155 : i32
            %mul3A_157 = arith.constant 128 : i32
            %mul3A_158 = arith.muli %sub3A_156, %mul3A_157 : i32
            %add3A_159 = arith.addi %mul3A_2, %mul3A_158 : i32
            %dma_wait3A_160 = arith.constant 2 : i32
            %dma_wait3A_161 = arith.constant 0 : i32
            %dma_wait3A_162 = arith.constant 0 : i32
            %dma_wait3A_163 = tpu.memref_slice %arg6[%dma_wait3A_160, %dma_wait3A_161, %dma_wait3A_162] : memref<4x128x64xf32, #tpu.memory_space<vmem>> -> memref<1x128x64xf32, #tpu.memory_space<vmem>>
            %dma_wait3A_164 = tpu.memref_squeeze %dma_wait3A_163 : memref<1x128x64xf32, #tpu.memory_space<vmem>> -> memref<128x64xf32, #tpu.memory_space<vmem>>
            %dma_wait3A_165 = arith.constant 0 : i32
            %dma_wait3A_166 = tpu.memref_slice %arg4[%add3A_159, %dma_wait3A_165] : memref<819200x64xf32, #tpu.memory_space<hbm>> -> memref<128x64xf32, #tpu.memory_space<hbm>>
            %dma_wait3A_167 = arith.constant 0 : i32
            %dma_wait3A_168 = tpu.memref_slice %arg4[%add3A_159, %dma_wait3A_167] : memref<819200x64xf32, #tpu.memory_space<hbm>> -> memref<128x64xf32, #tpu.memory_space<hbm>>
            %dma_wait3A_169 = arith.constant 0 : i32
            %dma_wait3A_170 = arith.constant 0 : i32
            %dma_wait3A_171 = tpu.memref_slice %arg6[%dma_wait3A_160, %dma_wait3A_169, %dma_wait3A_170] : memref<4x128x64xf32, #tpu.memory_space<vmem>> -> memref<1x128x64xf32, #tpu.memory_space<vmem>>
            %dma_wait3A_172 = tpu.memref_squeeze %dma_wait3A_171 : memref<1x128x64xf32, #tpu.memory_space<vmem>> -> memref<128x64xf32, #tpu.memory_space<vmem>>
            tpu.wait_dma2 semaphore(%arg13 : memref<!tpu.dma_semaphore, #tpu.memory_space<semaphore_mem>>) src(%dma_wait3A_172 : memref<128x64xf32, #tpu.memory_space<vmem>>) dst(%dma_wait3A_168 : memref<128x64xf32, #tpu.memory_space<hbm>>)
          } else {
          }
          %add3A_145 = arith.constant 4 : i32
          %add3A_146 = arith.addi %scan3A_85, %add3A_145 : i32
          %sub3A_147 = arith.constant 1 : i32
          %sub3A_148 = arith.subi %add3A_146, %sub3A_147 : i32
          %scan3A_149 = arith.constant 0 : i32
          %scan3A_150 = arith.constant 0 : i32
          %scan3A_151 = arith.constant 8 : i32
          %scan3A_152 = arith.addi %scan3A_150, %scan3A_151 : i32
          %scan3A_153 = arith.constant 1 : i32
          scf.for %scan3A_155 = %scan3A_150 to %scan3A_152 step %scan3A_153  : i32 {
            %mul3A_156 = arith.constant 16 : i32
            %mul3A_157 = arith.muli %scan3A_155, %mul3A_156 : i32
            %get3A = arith.index_cast %sub3A_148 : i32 to index
            %get3A_158 = arith.index_cast %mul3A_157 : i32 to index
            %get3A_159 = tpu.vector_load %arg5[%get3A, %get3A_158] {strides = array<i32>} : memref<200x128xi32, #tpu.memory_space<vmem>>, vector<1x16xi32>,
            %get3A_160 = vector.shape_cast %get3A_159 : vector<1x16xi32> to vector<16xi32>
            %slice3A = vector.extract_strided_slice %get3A_160 {offsets = [0], sizes = [1], strides = [1]} : vector<16xi32> to vector<1xi32>
            %squeeze3A = vector.extract %slice3A[0] : i32 from vector<1xi32>
            %mul3A_161 = arith.constant 16 : i32
            %mul3A_162 = arith.muli %scan3A_155, %mul3A_161 : i32
            %add3A_163 = arith.constant 0 : i32
            %add3A_164 = arith.addi %mul3A_162, %add3A_163 : i32
            %dma_start3A_165 = arith.constant 2 : i32
            %dma_start3A_166 = arith.constant 0 : i32
            %dma_start3A_167 = tpu.memref_slice %arg6[%dma_start3A_165, %add3A_164, %dma_start3A_166] : memref<4x128x64xf32, #tpu.memory_space<vmem>> -> memref<1x1x64xf32, #tpu.memory_space<vmem>>
            %dma_start3A_168 = tpu.memref_squeeze %dma_start3A_167 : memref<1x1x64xf32, #tpu.memory_space<vmem>> -> memref<64xf32, #tpu.memory_space<vmem>>
            %dma_start3A_169 = arith.constant 0 : i32
            %dma_start3A_170 = tpu.memref_slice %arg3[%squeeze3A, %dma_start3A_169] : memref<1000000x64xf32, #tpu.memory_space<hbm>> -> memref<1x64xf32, #tpu.memory_space<hbm>>
            %dma_start3A_171 = tpu.memref_squeeze %dma_start3A_170 : memref<1x64xf32, #tpu.memory_space<hbm>> -> memref<64xf32, #tpu.memory_space<hbm>>
            %dma_start3A_172 = arith.constant 0 : i32
            %dma_start3A_173 = tpu.memref_slice %arg6[%dma_start3A_165, %add3A_164, %dma_start3A_172] : memref<4x128x64xf32, #tpu.memory_space<vmem>> -> memref<1x1x64xf32, #tpu.memory_space<vmem>>
            %dma_start3A_174 = tpu.memref_squeeze %dma_start3A_173 : memref<1x1x64xf32, #tpu.memory_space<vmem>> -> memref<64xf32, #tpu.memory_space<vmem>>
            %dma_start3A_175 = arith.constant 0 : i32
            %dma_start3A_176 = tpu.memref_slice %arg3[%squeeze3A, %dma_start3A_175] : memref<1000000x64xf32, #tpu.memory_space<hbm>> -> memref<1x64xf32, #tpu.memory_space<hbm>>
            %dma_start3A_177 = tpu.memref_squeeze %dma_start3A_176 : memref<1x64xf32, #tpu.memory_space<hbm>> -> memref<64xf32, #tpu.memory_space<hbm>>
            tpu.enqueue_dma source(%dma_start3A_177 : memref<64xf32, #tpu.memory_space<hbm>>) target(%dma_start3A_174 : memref<64xf32, #tpu.memory_space<vmem>>) target_semaphore(%arg9 : memref<!tpu.dma_semaphore, #tpu.memory_space<semaphore_mem>>)
            %slice3A_178 = vector.extract_strided_slice %get3A_160 {offsets = [1], sizes = [1], strides = [1]} : vector<16xi32> to vector<1xi32>
            %squeeze3A_179 = vector.extract %slice3A_178[0] : i32 from vector<1xi32>
            %mul3A_180 = arith.constant 16 : i32
            %mul3A_181 = arith.muli %scan3A_155, %mul3A_180 : i32
            %add3A_182 = arith.constant 1 : i32
            %add3A_183 = arith.addi %mul3A_181, %add3A_182 : i32
            %dma_start3A_184 = arith.constant 2 : i32
            %dma_start3A_185 = arith.constant 0 : i32
            %dma_start3A_186 = tpu.memref_slice %arg6[%dma_start3A_184, %add3A_183, %dma_start3A_185] : memref<4x128x64xf32, #tpu.memory_space<vmem>> -> memref<1x1x64xf32, #tpu.memory_space<vmem>>
            %dma_start3A_187 = tpu.memref_squeeze %dma_start3A_186 : memref<1x1x64xf32, #tpu.memory_space<vmem>> -> memref<64xf32, #tpu.memory_space<vmem>>
            %dma_start3A_188 = arith.constant 0 : i32
            %dma_start3A_189 = tpu.memref_slice %arg3[%squeeze3A_179, %dma_start3A_188] : memref<1000000x64xf32, #tpu.memory_space<hbm>> -> memref<1x64xf32, #tpu.memory_space<hbm>>
            %dma_start3A_190 = tpu.memref_squeeze %dma_start3A_189 : memref<1x64xf32, #tpu.memory_space<hbm>> -> memref<64xf32, #tpu.memory_space<hbm>>
            %dma_start3A_191 = arith.constant 0 : i32
            %dma_start3A_192 = tpu.memref_slice %arg6[%dma_start3A_184, %add3A_183, %dma_start3A_191] : memref<4x128x64xf32, #tpu.memory_space<vmem>> -> memref<1x1x64xf32, #tpu.memory_space<vmem>>
            %dma_start3A_193 = tpu.memref_squeeze %dma_start3A_192 : memref<1x1x64xf32, #tpu.memory_space<vmem>> -> memref<64xf32, #tpu.memory_space<vmem>>
            %dma_start3A_194 = arith.constant 0 : i32
            %dma_start3A_195 = tpu.memref_slice %arg3[%squeeze3A_179, %dma_start3A_194] : memref<1000000x64xf32, #tpu.memory_space<hbm>> -> memref<1x64xf32, #tpu.memory_space<hbm>>
            %dma_start3A_196 = tpu.memref_squeeze %dma_start3A_195 : memref<1x64xf32, #tpu.memory_space<hbm>> -> memref<64xf32, #tpu.memory_space<hbm>>
            tpu.enqueue_dma source(%dma_start3A_196 : memref<64xf32, #tpu.memory_space<hbm>>) target(%dma_start3A_193 : memref<64xf32, #tpu.memory_space<vmem>>) target_semaphore(%arg9 : memref<!tpu.dma_semaphore, #tpu.memory_space<semaphore_mem>>)
            %slice3A_197 = vector.extract_strided_slice %get3A_160 {offsets = [2], sizes = [1], strides = [1]} : vector<16xi32> to vector<1xi32>
            %squeeze3A_198 = vector.extract %slice3A_197[0] : i32 from vector<1xi32>
            %mul3A_199 = arith.constant 16 : i32
            %mul3A_200 = arith.muli %scan3A_155, %mul3A_199 : i32
            %add3A_201 = arith.constant 2 : i32
            %add3A_202 = arith.addi %mul3A_200, %add3A_201 : i32
            %dma_start3A_203 = arith.constant 2 : i32
            %dma_start3A_204 = arith.constant 0 : i32
            %dma_start3A_205 = tpu.memref_slice %arg6[%dma_start3A_203, %add3A_202, %dma_start3A_204] : memref<4x128x64xf32, #tpu.memory_space<vmem>> -> memref<1x1x64xf32, #tpu.memory_space<vmem>>
            %dma_start3A_206 = tpu.memref_squeeze %dma_start3A_205 : memref<1x1x64xf32, #tpu.memory_space<vmem>> -> memref<64xf32, #tpu.memory_space<vmem>>
            %dma_start3A_207 = arith.constant 0 : i32
            %dma_start3A_208 = tpu.memref_slice %arg3[%squeeze3A_198, %dma_start3A_207] : memref<1000000x64xf32, #tpu.memory_space<hbm>> -> memref<1x64xf32, #tpu.memory_space<hbm>>
            %dma_start3A_209 = tpu.memref_squeeze %dma_start3A_208 : memref<1x64xf32, #tpu.memory_space<hbm>> -> memref<64xf32, #tpu.memory_space<hbm>>
            %dma_start3A_210 = arith.constant 0 : i32
            %dma_start3A_211 = tpu.memref_slice %arg6[%dma_start3A_203, %add3A_202, %dma_start3A_210] : memref<4x128x64xf32, #tpu.memory_space<vmem>> -> memref<1x1x64xf32, #tpu.memory_space<vmem>>
            %dma_start3A_212 = tpu.memref_squeeze %dma_start3A_211 : memref<1x1x64xf32, #tpu.memory_space<vmem>> -> memref<64xf32, #tpu.memory_space<vmem>>
            %dma_start3A_213 = arith.constant 0 : i32
            %dma_start3A_214 = tpu.memref_slice %arg3[%squeeze3A_198, %dma_start3A_213] : memref<1000000x64xf32, #tpu.memory_space<hbm>> -> memref<1x64xf32, #tpu.memory_space<hbm>>
            %dma_start3A_215 = tpu.memref_squeeze %dma_start3A_214 : memref<1x64xf32, #tpu.memory_space<hbm>> -> memref<64xf32, #tpu.memory_space<hbm>>
            tpu.enqueue_dma source(%dma_start3A_215 : memref<64xf32, #tpu.memory_space<hbm>>) target(%dma_start3A_212 : memref<64xf32, #tpu.memory_space<vmem>>) target_semaphore(%arg9 : memref<!tpu.dma_semaphore, #tpu.memory_space<semaphore_mem>>)
            %slice3A_216 = vector.extract_strided_slice %get3A_160 {offsets = [3], sizes = [1], strides = [1]} : vector<16xi32> to vector<1xi32>
            %squeeze3A_217 = vector.extract %slice3A_216[0] : i32 from vector<1xi32>
            %mul3A_218 = arith.constant 16 : i32
            %mul3A_219 = arith.muli %scan3A_155, %mul3A_218 : i32
            %add3A_220 = arith.constant 3 : i32
            %add3A_221 = arith.addi %mul3A_219, %add3A_220 : i32
            %dma_start3A_222 = arith.constant 2 : i32
            %dma_start3A_223 = arith.constant 0 : i32
            %dma_start3A_224 = tpu.memref_slice %arg6[%dma_start3A_222, %add3A_221, %dma_start3A_223] : memref<4x128x64xf32, #tpu.memory_space<vmem>> -> memref<1x1x64xf32, #tpu.memory_space<vmem>>
            %dma_start3A_225 = tpu.memref_squeeze %dma_start3A_224 : memref<1x1x64xf32, #tpu.memory_space<vmem>> -> memref<64xf32, #tpu.memory_space<vmem>>
            %dma_start3A_226 = arith.constant 0 : i32
            %dma_start3A_227 = tpu.memref_slice %arg3[%squeeze3A_217, %dma_start3A_226] : memref<1000000x64xf32, #tpu.memory_space<hbm>> -> memref<1x64xf32, #tpu.memory_space<hbm>>
            %dma_start3A_228 = tpu.memref_squeeze %dma_start3A_227 : memref<1x64xf32, #tpu.memory_space<hbm>> -> memref<64xf32, #tpu.memory_space<hbm>>
            %dma_start3A_229 = arith.constant 0 : i32
            %dma_start3A_230 = tpu.memref_slice %arg6[%dma_start3A_222, %add3A_221, %dma_start3A_229] : memref<4x128x64xf32, #tpu.memory_space<vmem>> -> memref<1x1x64xf32, #tpu.memory_space<vmem>>
            %dma_start3A_231 = tpu.memref_squeeze %dma_start3A_230 : memref<1x1x64xf32, #tpu.memory_space<vmem>> -> memref<64xf32, #tpu.memory_space<vmem>>
            %dma_start3A_232 = arith.constant 0 : i32
            %dma_start3A_233 = tpu.memref_slice %arg3[%squeeze3A_217, %dma_start3A_232] : memref<1000000x64xf32, #tpu.memory_space<hbm>> -> memref<1x64xf32, #tpu.memory_space<hbm>>
            %dma_start3A_234 = tpu.memref_squeeze %dma_start3A_233 : memref<1x64xf32, #tpu.memory_space<hbm>> -> memref<64xf32, #tpu.memory_space<hbm>>
            tpu.enqueue_dma source(%dma_start3A_234 : memref<64xf32, #tpu.memory_space<hbm>>) target(%dma_start3A_231 : memref<64xf32, #tpu.memory_space<vmem>>) target_semaphore(%arg9 : memref<!tpu.dma_semaphore, #tpu.memory_space<semaphore_mem>>)
            %slice3A_235 = vector.extract_strided_slice %get3A_160 {offsets = [4], sizes = [1], strides = [1]} : vector<16xi32> to vector<1xi32>
            %squeeze3A_236 = vector.extract %slice3A_235[0] : i32 from vector<1xi32>
            %mul3A_237 = arith.constant 16 : i32
            %mul3A_238 = arith.muli %scan3A_155, %mul3A_237 : i32
            %add3A_239 = arith.constant 4 : i32
            %add3A_240 = arith.addi %mul3A_238, %add3A_239 : i32
            %dma_start3A_241 = arith.constant 2 : i32
            %dma_start3A_242 = arith.constant 0 : i32
            %dma_start3A_243 = tpu.memref_slice %arg6[%dma_start3A_241, %add3A_240, %dma_start3A_242] : memref<4x128x64xf32, #tpu.memory_space<vmem>> -> memref<1x1x64xf32, #tpu.memory_space<vmem>>
            %dma_start3A_244 = tpu.memref_squeeze %dma_start3A_243 : memref<1x1x64xf32, #tpu.memory_space<vmem>> -> memref<64xf32, #tpu.memory_space<vmem>>
            %dma_start3A_245 = arith.constant 0 : i32
            %dma_start3A_246 = tpu.memref_slice %arg3[%squeeze3A_236, %dma_start3A_245] : memref<1000000x64xf32, #tpu.memory_space<hbm>> -> memref<1x64xf32, #tpu.memory_space<hbm>>
            %dma_start3A_247 = tpu.memref_squeeze %dma_start3A_246 : memref<1x64xf32, #tpu.memory_space<hbm>> -> memref<64xf32, #tpu.memory_space<hbm>>
            %dma_start3A_248 = arith.constant 0 : i32
            %dma_start3A_249 = tpu.memref_slice %arg6[%dma_start3A_241, %add3A_240, %dma_start3A_248] : memref<4x128x64xf32, #tpu.memory_space<vmem>> -> memref<1x1x64xf32, #tpu.memory_space<vmem>>
            %dma_start3A_250 = tpu.memref_squeeze %dma_start3A_249 : memref<1x1x64xf32, #tpu.memory_space<vmem>> -> memref<64xf32, #tpu.memory_space<vmem>>
            %dma_start3A_251 = arith.constant 0 : i32
            %dma_start3A_252 = tpu.memref_slice %arg3[%squeeze3A_236, %dma_start3A_251] : memref<1000000x64xf32, #tpu.memory_space<hbm>> -> memref<1x64xf32, #tpu.memory_space<hbm>>
            %dma_start3A_253 = tpu.memref_squeeze %dma_start3A_252 : memref<1x64xf32, #tpu.memory_space<hbm>> -> memref<64xf32, #tpu.memory_space<hbm>>
            tpu.enqueue_dma source(%dma_start3A_253 : memref<64xf32, #tpu.memory_space<hbm>>) target(%dma_start3A_250 : memref<64xf32, #tpu.memory_space<vmem>>) target_semaphore(%arg9 : memref<!tpu.dma_semaphore, #tpu.memory_space<semaphore_mem>>)
            %slice3A_254 = vector.extract_strided_slice %get3A_160 {offsets = [5], sizes = [1], strides = [1]} : vector<16xi32> to vector<1xi32>
            %squeeze3A_255 = vector.extract %slice3A_254[0] : i32 from vector<1xi32>
            %mul3A_256 = arith.constant 16 : i32
            %mul3A_257 = arith.muli %scan3A_155, %mul3A_256 : i32
            %add3A_258 = arith.constant 5 : i32
            %add3A_259 = arith.addi %mul3A_257, %add3A_258 : i32
            %dma_start3A_260 = arith.constant 2 : i32
            %dma_start3A_261 = arith.constant 0 : i32
            %dma_start3A_262 = tpu.memref_slice %arg6[%dma_start3A_260, %add3A_259, %dma_start3A_261] : memref<4x128x64xf32, #tpu.memory_space<vmem>> -> memref<1x1x64xf32, #tpu.memory_space<vmem>>
            %dma_start3A_263 = tpu.memref_squeeze %dma_start3A_262 : memref<1x1x64xf32, #tpu.memory_space<vmem>> -> memref<64xf32, #tpu.memory_space<vmem>>
            %dma_start3A_264 = arith.constant 0 : i32
            %dma_start3A_265 = tpu.memref_slice %arg3[%squeeze3A_255, %dma_start3A_264] : memref<1000000x64xf32, #tpu.memory_space<hbm>> -> memref<1x64xf32, #tpu.memory_space<hbm>>
            %dma_start3A_266 = tpu.memref_squeeze %dma_start3A_265 : memref<1x64xf32, #tpu.memory_space<hbm>> -> memref<64xf32, #tpu.memory_space<hbm>>
            %dma_start3A_267 = arith.constant 0 : i32
            %dma_start3A_268 = tpu.memref_slice %arg6[%dma_start3A_260, %add3A_259, %dma_start3A_267] : memref<4x128x64xf32, #tpu.memory_space<vmem>> -> memref<1x1x64xf32, #tpu.memory_space<vmem>>
            %dma_start3A_269 = tpu.memref_squeeze %dma_start3A_268 : memref<1x1x64xf32, #tpu.memory_space<vmem>> -> memref<64xf32, #tpu.memory_space<vmem>>
            %dma_start3A_270 = arith.constant 0 : i32
            %dma_start3A_271 = tpu.memref_slice %arg3[%squeeze3A_255, %dma_start3A_270] : memref<1000000x64xf32, #tpu.memory_space<hbm>> -> memref<1x64xf32, #tpu.memory_space<hbm>>
            %dma_start3A_272 = tpu.memref_squeeze %dma_start3A_271 : memref<1x64xf32, #tpu.memory_space<hbm>> -> memref<64xf32, #tpu.memory_space<hbm>>
            tpu.enqueue_dma source(%dma_start3A_272 : memref<64xf32, #tpu.memory_space<hbm>>) target(%dma_start3A_269 : memref<64xf32, #tpu.memory_space<vmem>>) target_semaphore(%arg9 : memref<!tpu.dma_semaphore, #tpu.memory_space<semaphore_mem>>)
            %slice3A_273 = vector.extract_strided_slice %get3A_160 {offsets = [6], sizes = [1], strides = [1]} : vector<16xi32> to vector<1xi32>
            %squeeze3A_274 = vector.extract %slice3A_273[0] : i32 from vector<1xi32>
            %mul3A_275 = arith.constant 16 : i32
            %mul3A_276 = arith.muli %scan3A_155, %mul3A_275 : i32
            %add3A_277 = arith.constant 6 : i32
            %add3A_278 = arith.addi %mul3A_276, %add3A_277 : i32
            %dma_start3A_279 = arith.constant 2 : i32
            %dma_start3A_280 = arith.constant 0 : i32
            %dma_start3A_281 = tpu.memref_slice %arg6[%dma_start3A_279, %add3A_278, %dma_start3A_280] : memref<4x128x64xf32, #tpu.memory_space<vmem>> -> memref<1x1x64xf32, #tpu.memory_space<vmem>>
            %dma_start3A_282 = tpu.memref_squeeze %dma_start3A_281 : memref<1x1x64xf32, #tpu.memory_space<vmem>> -> memref<64xf32, #tpu.memory_space<vmem>>
            %dma_start3A_283 = arith.constant 0 : i32
            %dma_start3A_284 = tpu.memref_slice %arg3[%squeeze3A_274, %dma_start3A_283] : memref<1000000x64xf32, #tpu.memory_space<hbm>> -> memref<1x64xf32, #tpu.memory_space<hbm>>
            %dma_start3A_285 = tpu.memref_squeeze %dma_start3A_284 : memref<1x64xf32, #tpu.memory_space<hbm>> -> memref<64xf32, #tpu.memory_space<hbm>>
            %dma_start3A_286 = arith.constant 0 : i32
            %dma_start3A_287 = tpu.memref_slice %arg6[%dma_start3A_279, %add3A_278, %dma_start3A_286] : memref<4x128x64xf32, #tpu.memory_space<vmem>> -> memref<1x1x64xf32, #tpu.memory_space<vmem>>
            %dma_start3A_288 = tpu.memref_squeeze %dma_start3A_287 : memref<1x1x64xf32, #tpu.memory_space<vmem>> -> memref<64xf32, #tpu.memory_space<vmem>>
            %dma_start3A_289 = arith.constant 0 : i32
            %dma_start3A_290 = tpu.memref_slice %arg3[%squeeze3A_274, %dma_start3A_289] : memref<1000000x64xf32, #tpu.memory_space<hbm>> -> memref<1x64xf32, #tpu.memory_space<hbm>>
            %dma_start3A_291 = tpu.memref_squeeze %dma_start3A_290 : memref<1x64xf32, #tpu.memory_space<hbm>> -> memref<64xf32, #tpu.memory_space<hbm>>
            tpu.enqueue_dma source(%dma_start3A_291 : memref<64xf32, #tpu.memory_space<hbm>>) target(%dma_start3A_288 : memref<64xf32, #tpu.memory_space<vmem>>) target_semaphore(%arg9 : memref<!tpu.dma_semaphore, #tpu.memory_space<semaphore_mem>>)
            %slice3A_292 = vector.extract_strided_slice %get3A_160 {offsets = [7], sizes = [1], strides = [1]} : vector<16xi32> to vector<1xi32>
            %squeeze3A_293 = vector.extract %slice3A_292[0] : i32 from vector<1xi32>
            %mul3A_294 = arith.constant 16 : i32
            %mul3A_295 = arith.muli %scan3A_155, %mul3A_294 : i32
            %add3A_296 = arith.constant 7 : i32
            %add3A_297 = arith.addi %mul3A_295, %add3A_296 : i32
            %dma_start3A_298 = arith.constant 2 : i32
            %dma_start3A_299 = arith.constant 0 : i32
            %dma_start3A_300 = tpu.memref_slice %arg6[%dma_start3A_298, %add3A_297, %dma_start3A_299] : memref<4x128x64xf32, #tpu.memory_space<vmem>> -> memref<1x1x64xf32, #tpu.memory_space<vmem>>
            %dma_start3A_301 = tpu.memref_squeeze %dma_start3A_300 : memref<1x1x64xf32, #tpu.memory_space<vmem>> -> memref<64xf32, #tpu.memory_space<vmem>>
            %dma_start3A_302 = arith.constant 0 : i32
            %dma_start3A_303 = tpu.memref_slice %arg3[%squeeze3A_293, %dma_start3A_302] : memref<1000000x64xf32, #tpu.memory_space<hbm>> -> memref<1x64xf32, #tpu.memory_space<hbm>>
            %dma_start3A_304 = tpu.memref_squeeze %dma_start3A_303 : memref<1x64xf32, #tpu.memory_space<hbm>> -> memref<64xf32, #tpu.memory_space<hbm>>
            %dma_start3A_305 = arith.constant 0 : i32
            %dma_start3A_306 = tpu.memref_slice %arg6[%dma_start3A_298, %add3A_297, %dma_start3A_305] : memref<4x128x64xf32, #tpu.memory_space<vmem>> -> memref<1x1x64xf32, #tpu.memory_space<vmem>>
            %dma_start3A_307 = tpu.memref_squeeze %dma_start3A_306 : memref<1x1x64xf32, #tpu.memory_space<vmem>> -> memref<64xf32, #tpu.memory_space<vmem>>
            %dma_start3A_308 = arith.constant 0 : i32
            %dma_start3A_309 = tpu.memref_slice %arg3[%squeeze3A_293, %dma_start3A_308] : memref<1000000x64xf32, #tpu.memory_space<hbm>> -> memref<1x64xf32, #tpu.memory_space<hbm>>
            %dma_start3A_310 = tpu.memref_squeeze %dma_start3A_309 : memref<1x64xf32, #tpu.memory_space<hbm>> -> memref<64xf32, #tpu.memory_space<hbm>>
            tpu.enqueue_dma source(%dma_start3A_310 : memref<64xf32, #tpu.memory_space<hbm>>) target(%dma_start3A_307 : memref<64xf32, #tpu.memory_space<vmem>>) target_semaphore(%arg9 : memref<!tpu.dma_semaphore, #tpu.memory_space<semaphore_mem>>)
            %slice3A_311 = vector.extract_strided_slice %get3A_160 {offsets = [8], sizes = [1], strides = [1]} : vector<16xi32> to vector<1xi32>
            %squeeze3A_312 = vector.extract %slice3A_311[0] : i32 from vector<1xi32>
            %mul3A_313 = arith.constant 16 : i32
            %mul3A_314 = arith.muli %scan3A_155, %mul3A_313 : i32
            %add3A_315 = arith.constant 8 : i32
            %add3A_316 = arith.addi %mul3A_314, %add3A_315 : i32
            %dma_start3A_317 = arith.constant 2 : i32
            %dma_start3A_318 = arith.constant 0 : i32
            %dma_start3A_319 = tpu.memref_slice %arg6[%dma_start3A_317, %add3A_316, %dma_start3A_318] : memref<4x128x64xf32, #tpu.memory_space<vmem>> -> memref<1x1x64xf32, #tpu.memory_space<vmem>>
            %dma_start3A_320 = tpu.memref_squeeze %dma_start3A_319 : memref<1x1x64xf32, #tpu.memory_space<vmem>> -> memref<64xf32, #tpu.memory_space<vmem>>
            %dma_start3A_321 = arith.constant 0 : i32
            %dma_start3A_322 = tpu.memref_slice %arg3[%squeeze3A_312, %dma_start3A_321] : memref<1000000x64xf32, #tpu.memory_space<hbm>> -> memref<1x64xf32, #tpu.memory_space<hbm>>
            %dma_start3A_323 = tpu.memref_squeeze %dma_start3A_322 : memref<1x64xf32, #tpu.memory_space<hbm>> -> memref<64xf32, #tpu.memory_space<hbm>>
            %dma_start3A_324 = arith.constant 0 : i32
            %dma_start3A_325 = tpu.memref_slice %arg6[%dma_start3A_317, %add3A_316, %dma_start3A_324] : memref<4x128x64xf32, #tpu.memory_space<vmem>> -> memref<1x1x64xf32, #tpu.memory_space<vmem>>
            %dma_start3A_326 = tpu.memref_squeeze %dma_start3A_325 : memref<1x1x64xf32, #tpu.memory_space<vmem>> -> memref<64xf32, #tpu.memory_space<vmem>>
            %dma_start3A_327 = arith.constant 0 : i32
            %dma_start3A_328 = tpu.memref_slice %arg3[%squeeze3A_312, %dma_start3A_327] : memref<1000000x64xf32, #tpu.memory_space<hbm>> -> memref<1x64xf32, #tpu.memory_space<hbm>>
            %dma_start3A_329 = tpu.memref_squeeze %dma_start3A_328 : memref<1x64xf32, #tpu.memory_space<hbm>> -> memref<64xf32, #tpu.memory_space<hbm>>
            tpu.enqueue_dma source(%dma_start3A_329 : memref<64xf32, #tpu.memory_space<hbm>>) target(%dma_start3A_326 : memref<64xf32, #tpu.memory_space<vmem>>) target_semaphore(%arg9 : memref<!tpu.dma_semaphore, #tpu.memory_space<semaphore_mem>>)
            %slice3A_330 = vector.extract_strided_slice %get3A_160 {offsets = [9], sizes = [1], strides = [1]} : vector<16xi32> to vector<1xi32>
            %squeeze3A_331 = vector.extract %slice3A_330[0] : i32 from vector<1xi32>
            %mul3A_332 = arith.constant 16 : i32
            %mul3A_333 = arith.muli %scan3A_155, %mul3A_332 : i32
            %add3A_334 = arith.constant 9 : i32
            %add3A_335 = arith.addi %mul3A_333, %add3A_334 : i32
            %dma_start3A_336 = arith.constant 2 : i32
            %dma_start3A_337 = arith.constant 0 : i32
            %dma_start3A_338 = tpu.memref_slice %arg6[%dma_start3A_336, %add3A_335, %dma_start3A_337] : memref<4x128x64xf32, #tpu.memory_space<vmem>> -> memref<1x1x64xf32, #tpu.memory_space<vmem>>
            %dma_start3A_339 = tpu.memref_squeeze %dma_start3A_338 : memref<1x1x64xf32, #tpu.memory_space<vmem>> -> memref<64xf32, #tpu.memory_space<vmem>>
            %dma_start3A_340 = arith.constant 0 : i32
            %dma_start3A_341 = tpu.memref_slice %arg3[%squeeze3A_331, %dma_start3A_340] : memref<1000000x64xf32, #tpu.memory_space<hbm>> -> memref<1x64xf32, #tpu.memory_space<hbm>>
            %dma_start3A_342 = tpu.memref_squeeze %dma_start3A_341 : memref<1x64xf32, #tpu.memory_space<hbm>> -> memref<64xf32, #tpu.memory_space<hbm>>
            %dma_start3A_343 = arith.constant 0 : i32
            %dma_start3A_344 = tpu.memref_slice %arg6[%dma_start3A_336, %add3A_335, %dma_start3A_343] : memref<4x128x64xf32, #tpu.memory_space<vmem>> -> memref<1x1x64xf32, #tpu.memory_space<vmem>>
            %dma_start3A_345 = tpu.memref_squeeze %dma_start3A_344 : memref<1x1x64xf32, #tpu.memory_space<vmem>> -> memref<64xf32, #tpu.memory_space<vmem>>
            %dma_start3A_346 = arith.constant 0 : i32
            %dma_start3A_347 = tpu.memref_slice %arg3[%squeeze3A_331, %dma_start3A_346] : memref<1000000x64xf32, #tpu.memory_space<hbm>> -> memref<1x64xf32, #tpu.memory_space<hbm>>
            %dma_start3A_348 = tpu.memref_squeeze %dma_start3A_347 : memref<1x64xf32, #tpu.memory_space<hbm>> -> memref<64xf32, #tpu.memory_space<hbm>>
            tpu.enqueue_dma source(%dma_start3A_348 : memref<64xf32, #tpu.memory_space<hbm>>) target(%dma_start3A_345 : memref<64xf32, #tpu.memory_space<vmem>>) target_semaphore(%arg9 : memref<!tpu.dma_semaphore, #tpu.memory_space<semaphore_mem>>)
            %slice3A_349 = vector.extract_strided_slice %get3A_160 {offsets = [10], sizes = [1], strides = [1]} : vector<16xi32> to vector<1xi32>
            %squeeze3A_350 = vector.extract %slice3A_349[0] : i32 from vector<1xi32>
            %mul3A_351 = arith.constant 16 : i32
            %mul3A_352 = arith.muli %scan3A_155, %mul3A_351 : i32
            %add3A_353 = arith.constant 10 : i32
            %add3A_354 = arith.addi %mul3A_352, %add3A_353 : i32
            %dma_start3A_355 = arith.constant 2 : i32
            %dma_start3A_356 = arith.constant 0 : i32
            %dma_start3A_357 = tpu.memref_slice %arg6[%dma_start3A_355, %add3A_354, %dma_start3A_356] : memref<4x128x64xf32, #tpu.memory_space<vmem>> -> memref<1x1x64xf32, #tpu.memory_space<vmem>>
            %dma_start3A_358 = tpu.memref_squeeze %dma_start3A_357 : memref<1x1x64xf32, #tpu.memory_space<vmem>> -> memref<64xf32, #tpu.memory_space<vmem>>
            %dma_start3A_359 = arith.constant 0 : i32
            %dma_start3A_360 = tpu.memref_slice %arg3[%squeeze3A_350, %dma_start3A_359] : memref<1000000x64xf32, #tpu.memory_space<hbm>> -> memref<1x64xf32, #tpu.memory_space<hbm>>
            %dma_start3A_361 = tpu.memref_squeeze %dma_start3A_360 : memref<1x64xf32, #tpu.memory_space<hbm>> -> memref<64xf32, #tpu.memory_space<hbm>>
            %dma_start3A_362 = arith.constant 0 : i32
            %dma_start3A_363 = tpu.memref_slice %arg6[%dma_start3A_355, %add3A_354, %dma_start3A_362] : memref<4x128x64xf32, #tpu.memory_space<vmem>> -> memref<1x1x64xf32, #tpu.memory_space<vmem>>
            %dma_start3A_364 = tpu.memref_squeeze %dma_start3A_363 : memref<1x1x64xf32, #tpu.memory_space<vmem>> -> memref<64xf32, #tpu.memory_space<vmem>>
            %dma_start3A_365 = arith.constant 0 : i32
            %dma_start3A_366 = tpu.memref_slice %arg3[%squeeze3A_350, %dma_start3A_365] : memref<1000000x64xf32, #tpu.memory_space<hbm>> -> memref<1x64xf32, #tpu.memory_space<hbm>>
            %dma_start3A_367 = tpu.memref_squeeze %dma_start3A_366 : memref<1x64xf32, #tpu.memory_space<hbm>> -> memref<64xf32, #tpu.memory_space<hbm>>
            tpu.enqueue_dma source(%dma_start3A_367 : memref<64xf32, #tpu.memory_space<hbm>>) target(%dma_start3A_364 : memref<64xf32, #tpu.memory_space<vmem>>) target_semaphore(%arg9 : memref<!tpu.dma_semaphore, #tpu.memory_space<semaphore_mem>>)
            %slice3A_368 = vector.extract_strided_slice %get3A_160 {offsets = [11], sizes = [1], strides = [1]} : vector<16xi32> to vector<1xi32>
            %squeeze3A_369 = vector.extract %slice3A_368[0] : i32 from vector<1xi32>
            %mul3A_370 = arith.constant 16 : i32
            %mul3A_371 = arith.muli %scan3A_155, %mul3A_370 : i32
            %add3A_372 = arith.constant 11 : i32
            %add3A_373 = arith.addi %mul3A_371, %add3A_372 : i32
            %dma_start3A_374 = arith.constant 2 : i32
            %dma_start3A_375 = arith.constant 0 : i32
            %dma_start3A_376 = tpu.memref_slice %arg6[%dma_start3A_374, %add3A_373, %dma_start3A_375] : memref<4x128x64xf32, #tpu.memory_space<vmem>> -> memref<1x1x64xf32, #tpu.memory_space<vmem>>
            %dma_start3A_377 = tpu.memref_squeeze %dma_start3A_376 : memref<1x1x64xf32, #tpu.memory_space<vmem>> -> memref<64xf32, #tpu.memory_space<vmem>>
            %dma_start3A_378 = arith.constant 0 : i32
            %dma_start3A_379 = tpu.memref_slice %arg3[%squeeze3A_369, %dma_start3A_378] : memref<1000000x64xf32, #tpu.memory_space<hbm>> -> memref<1x64xf32, #tpu.memory_space<hbm>>
            %dma_start3A_380 = tpu.memref_squeeze %dma_start3A_379 : memref<1x64xf32, #tpu.memory_space<hbm>> -> memref<64xf32, #tpu.memory_space<hbm>>
            %dma_start3A_381 = arith.constant 0 : i32
            %dma_start3A_382 = tpu.memref_slice %arg6[%dma_start3A_374, %add3A_373, %dma_start3A_381] : memref<4x128x64xf32, #tpu.memory_space<vmem>> -> memref<1x1x64xf32, #tpu.memory_space<vmem>>
            %dma_start3A_383 = tpu.memref_squeeze %dma_start3A_382 : memref<1x1x64xf32, #tpu.memory_space<vmem>> -> memref<64xf32, #tpu.memory_space<vmem>>
            %dma_start3A_384 = arith.constant 0 : i32
            %dma_start3A_385 = tpu.memref_slice %arg3[%squeeze3A_369, %dma_start3A_384] : memref<1000000x64xf32, #tpu.memory_space<hbm>> -> memref<1x64xf32, #tpu.memory_space<hbm>>
            %dma_start3A_386 = tpu.memref_squeeze %dma_start3A_385 : memref<1x64xf32, #tpu.memory_space<hbm>> -> memref<64xf32, #tpu.memory_space<hbm>>
            tpu.enqueue_dma source(%dma_start3A_386 : memref<64xf32, #tpu.memory_space<hbm>>) target(%dma_start3A_383 : memref<64xf32, #tpu.memory_space<vmem>>) target_semaphore(%arg9 : memref<!tpu.dma_semaphore, #tpu.memory_space<semaphore_mem>>)
            %slice3A_387 = vector.extract_strided_slice %get3A_160 {offsets = [12], sizes = [1], strides = [1]} : vector<16xi32> to vector<1xi32>
            %squeeze3A_388 = vector.extract %slice3A_387[0] : i32 from vector<1xi32>
            %mul3A_389 = arith.constant 16 : i32
            %mul3A_390 = arith.muli %scan3A_155, %mul3A_389 : i32
            %add3A_391 = arith.constant 12 : i32
            %add3A_392 = arith.addi %mul3A_390, %add3A_391 : i32
            %dma_start3A_393 = arith.constant 2 : i32
            %dma_start3A_394 = arith.constant 0 : i32
            %dma_start3A_395 = tpu.memref_slice %arg6[%dma_start3A_393, %add3A_392, %dma_start3A_394] : memref<4x128x64xf32, #tpu.memory_space<vmem>> -> memref<1x1x64xf32, #tpu.memory_space<vmem>>
            %dma_start3A_396 = tpu.memref_squeeze %dma_start3A_395 : memref<1x1x64xf32, #tpu.memory_space<vmem>> -> memref<64xf32, #tpu.memory_space<vmem>>
            %dma_start3A_397 = arith.constant 0 : i32
            %dma_start3A_398 = tpu.memref_slice %arg3[%squeeze3A_388, %dma_start3A_397] : memref<1000000x64xf32, #tpu.memory_space<hbm>> -> memref<1x64xf32, #tpu.memory_space<hbm>>
            %dma_start3A_399 = tpu.memref_squeeze %dma_start3A_398 : memref<1x64xf32, #tpu.memory_space<hbm>> -> memref<64xf32, #tpu.memory_space<hbm>>
            %dma_start3A_400 = arith.constant 0 : i32
            %dma_start3A_401 = tpu.memref_slice %arg6[%dma_start3A_393, %add3A_392, %dma_start3A_400] : memref<4x128x64xf32, #tpu.memory_space<vmem>> -> memref<1x1x64xf32, #tpu.memory_space<vmem>>
            %dma_start3A_402 = tpu.memref_squeeze %dma_start3A_401 : memref<1x1x64xf32, #tpu.memory_space<vmem>> -> memref<64xf32, #tpu.memory_space<vmem>>
            %dma_start3A_403 = arith.constant 0 : i32
            %dma_start3A_404 = tpu.memref_slice %arg3[%squeeze3A_388, %dma_start3A_403] : memref<1000000x64xf32, #tpu.memory_space<hbm>> -> memref<1x64xf32, #tpu.memory_space<hbm>>
            %dma_start3A_405 = tpu.memref_squeeze %dma_start3A_404 : memref<1x64xf32, #tpu.memory_space<hbm>> -> memref<64xf32, #tpu.memory_space<hbm>>
            tpu.enqueue_dma source(%dma_start3A_405 : memref<64xf32, #tpu.memory_space<hbm>>) target(%dma_start3A_402 : memref<64xf32, #tpu.memory_space<vmem>>) target_semaphore(%arg9 : memref<!tpu.dma_semaphore, #tpu.memory_space<semaphore_mem>>)
            %slice3A_406 = vector.extract_strided_slice %get3A_160 {offsets = [13], sizes = [1], strides = [1]} : vector<16xi32> to vector<1xi32>
            %squeeze3A_407 = vector.extract %slice3A_406[0] : i32 from vector<1xi32>
            %mul3A_408 = arith.constant 16 : i32
            %mul3A_409 = arith.muli %scan3A_155, %mul3A_408 : i32
            %add3A_410 = arith.constant 13 : i32
            %add3A_411 = arith.addi %mul3A_409, %add3A_410 : i32
            %dma_start3A_412 = arith.constant 2 : i32
            %dma_start3A_413 = arith.constant 0 : i32
            %dma_start3A_414 = tpu.memref_slice %arg6[%dma_start3A_412, %add3A_411, %dma_start3A_413] : memref<4x128x64xf32, #tpu.memory_space<vmem>> -> memref<1x1x64xf32, #tpu.memory_space<vmem>>
            %dma_start3A_415 = tpu.memref_squeeze %dma_start3A_414 : memref<1x1x64xf32, #tpu.memory_space<vmem>> -> memref<64xf32, #tpu.memory_space<vmem>>
            %dma_start3A_416 = arith.constant 0 : i32
            %dma_start3A_417 = tpu.memref_slice %arg3[%squeeze3A_407, %dma_start3A_416] : memref<1000000x64xf32, #tpu.memory_space<hbm>> -> memref<1x64xf32, #tpu.memory_space<hbm>>
            %dma_start3A_418 = tpu.memref_squeeze %dma_start3A_417 : memref<1x64xf32, #tpu.memory_space<hbm>> -> memref<64xf32, #tpu.memory_space<hbm>>
            %dma_start3A_419 = arith.constant 0 : i32
            %dma_start3A_420 = tpu.memref_slice %arg6[%dma_start3A_412, %add3A_411, %dma_start3A_419] : memref<4x128x64xf32, #tpu.memory_space<vmem>> -> memref<1x1x64xf32, #tpu.memory_space<vmem>>
            %dma_start3A_421 = tpu.memref_squeeze %dma_start3A_420 : memref<1x1x64xf32, #tpu.memory_space<vmem>> -> memref<64xf32, #tpu.memory_space<vmem>>
            %dma_start3A_422 = arith.constant 0 : i32
            %dma_start3A_423 = tpu.memref_slice %arg3[%squeeze3A_407, %dma_start3A_422] : memref<1000000x64xf32, #tpu.memory_space<hbm>> -> memref<1x64xf32, #tpu.memory_space<hbm>>
            %dma_start3A_424 = tpu.memref_squeeze %dma_start3A_423 : memref<1x64xf32, #tpu.memory_space<hbm>> -> memref<64xf32, #tpu.memory_space<hbm>>
            tpu.enqueue_dma source(%dma_start3A_424 : memref<64xf32, #tpu.memory_space<hbm>>) target(%dma_start3A_421 : memref<64xf32, #tpu.memory_space<vmem>>) target_semaphore(%arg9 : memref<!tpu.dma_semaphore, #tpu.memory_space<semaphore_mem>>)
            %slice3A_425 = vector.extract_strided_slice %get3A_160 {offsets = [14], sizes = [1], strides = [1]} : vector<16xi32> to vector<1xi32>
            %squeeze3A_426 = vector.extract %slice3A_425[0] : i32 from vector<1xi32>
            %mul3A_427 = arith.constant 16 : i32
            %mul3A_428 = arith.muli %scan3A_155, %mul3A_427 : i32
            %add3A_429 = arith.constant 14 : i32
            %add3A_430 = arith.addi %mul3A_428, %add3A_429 : i32
            %dma_start3A_431 = arith.constant 2 : i32
            %dma_start3A_432 = arith.constant 0 : i32
            %dma_start3A_433 = tpu.memref_slice %arg6[%dma_start3A_431, %add3A_430, %dma_start3A_432] : memref<4x128x64xf32, #tpu.memory_space<vmem>> -> memref<1x1x64xf32, #tpu.memory_space<vmem>>
            %dma_start3A_434 = tpu.memref_squeeze %dma_start3A_433 : memref<1x1x64xf32, #tpu.memory_space<vmem>> -> memref<64xf32, #tpu.memory_space<vmem>>
            %dma_start3A_435 = arith.constant 0 : i32
            %dma_start3A_436 = tpu.memref_slice %arg3[%squeeze3A_426, %dma_start3A_435] : memref<1000000x64xf32, #tpu.memory_space<hbm>> -> memref<1x64xf32, #tpu.memory_space<hbm>>
            %dma_start3A_437 = tpu.memref_squeeze %dma_start3A_436 : memref<1x64xf32, #tpu.memory_space<hbm>> -> memref<64xf32, #tpu.memory_space<hbm>>
            %dma_start3A_438 = arith.constant 0 : i32
            %dma_start3A_439 = tpu.memref_slice %arg6[%dma_start3A_431, %add3A_430, %dma_start3A_438] : memref<4x128x64xf32, #tpu.memory_space<vmem>> -> memref<1x1x64xf32, #tpu.memory_space<vmem>>
            %dma_start3A_440 = tpu.memref_squeeze %dma_start3A_439 : memref<1x1x64xf32, #tpu.memory_space<vmem>> -> memref<64xf32, #tpu.memory_space<vmem>>
            %dma_start3A_441 = arith.constant 0 : i32
            %dma_start3A_442 = tpu.memref_slice %arg3[%squeeze3A_426, %dma_start3A_441] : memref<1000000x64xf32, #tpu.memory_space<hbm>> -> memref<1x64xf32, #tpu.memory_space<hbm>>
            %dma_start3A_443 = tpu.memref_squeeze %dma_start3A_442 : memref<1x64xf32, #tpu.memory_space<hbm>> -> memref<64xf32, #tpu.memory_space<hbm>>
            tpu.enqueue_dma source(%dma_start3A_443 : memref<64xf32, #tpu.memory_space<hbm>>) target(%dma_start3A_440 : memref<64xf32, #tpu.memory_space<vmem>>) target_semaphore(%arg9 : memref<!tpu.dma_semaphore, #tpu.memory_space<semaphore_mem>>)
            %slice3A_444 = vector.extract_strided_slice %get3A_160 {offsets = [15], sizes = [1], strides = [1]} : vector<16xi32> to vector<1xi32>
            %squeeze3A_445 = vector.extract %slice3A_444[0] : i32 from vector<1xi32>
            %mul3A_446 = arith.constant 16 : i32
            %mul3A_447 = arith.muli %scan3A_155, %mul3A_446 : i32
            %add3A_448 = arith.constant 15 : i32
            %add3A_449 = arith.addi %mul3A_447, %add3A_448 : i32
            %dma_start3A_450 = arith.constant 2 : i32
            %dma_start3A_451 = arith.constant 0 : i32
            %dma_start3A_452 = tpu.memref_slice %arg6[%dma_start3A_450, %add3A_449, %dma_start3A_451] : memref<4x128x64xf32, #tpu.memory_space<vmem>> -> memref<1x1x64xf32, #tpu.memory_space<vmem>>
            %dma_start3A_453 = tpu.memref_squeeze %dma_start3A_452 : memref<1x1x64xf32, #tpu.memory_space<vmem>> -> memref<64xf32, #tpu.memory_space<vmem>>
            %dma_start3A_454 = arith.constant 0 : i32
            %dma_start3A_455 = tpu.memref_slice %arg3[%squeeze3A_445, %dma_start3A_454] : memref<1000000x64xf32, #tpu.memory_space<hbm>> -> memref<1x64xf32, #tpu.memory_space<hbm>>
            %dma_start3A_456 = tpu.memref_squeeze %dma_start3A_455 : memref<1x64xf32, #tpu.memory_space<hbm>> -> memref<64xf32, #tpu.memory_space<hbm>>
            %dma_start3A_457 = arith.constant 0 : i32
            %dma_start3A_458 = tpu.memref_slice %arg6[%dma_start3A_450, %add3A_449, %dma_start3A_457] : memref<4x128x64xf32, #tpu.memory_space<vmem>> -> memref<1x1x64xf32, #tpu.memory_space<vmem>>
            %dma_start3A_459 = tpu.memref_squeeze %dma_start3A_458 : memref<1x1x64xf32, #tpu.memory_space<vmem>> -> memref<64xf32, #tpu.memory_space<vmem>>
            %dma_start3A_460 = arith.constant 0 : i32
            %dma_start3A_461 = tpu.memref_slice %arg3[%squeeze3A_445, %dma_start3A_460] : memref<1000000x64xf32, #tpu.memory_space<hbm>> -> memref<1x64xf32, #tpu.memory_space<hbm>>
            %dma_start3A_462 = tpu.memref_squeeze %dma_start3A_461 : memref<1x64xf32, #tpu.memory_space<hbm>> -> memref<64xf32, #tpu.memory_space<hbm>>
            tpu.enqueue_dma source(%dma_start3A_462 : memref<64xf32, #tpu.memory_space<hbm>>) target(%dma_start3A_459 : memref<64xf32, #tpu.memory_space<vmem>>) target_semaphore(%arg9 : memref<!tpu.dma_semaphore, #tpu.memory_space<semaphore_mem>>)
          }
          %scan3A_154 = arith.constant 8 : i32
        } else {
        }
      } else {
      }
    }
    %scan3A_25 = arith.constant 200 : i32
    %add3A_26 = arith.constant 25088 : i32
    %add3A_27 = arith.addi %mul3A_2, %add3A_26 : i32
    %dma_wait3A = arith.constant 0 : i32
    %dma_wait3A_28 = arith.constant 0 : i32
    %dma_wait3A_29 = arith.constant 0 : i32
    %dma_wait3A_30 = tpu.memref_slice %arg6[%dma_wait3A, %dma_wait3A_28, %dma_wait3A_29] : memref<4x128x64xf32, #tpu.memory_space<vmem>> -> memref<1x128x64xf32, #tpu.memory_space<vmem>>
    %dma_wait3A_31 = tpu.memref_squeeze %dma_wait3A_30 : memref<1x128x64xf32, #tpu.memory_space<vmem>> -> memref<128x64xf32, #tpu.memory_space<vmem>>
    %dma_wait3A_32 = arith.constant 0 : i32
    %dma_wait3A_33 = tpu.memref_slice %arg4[%add3A_27, %dma_wait3A_32] : memref<819200x64xf32, #tpu.memory_space<hbm>> -> memref<128x64xf32, #tpu.memory_space<hbm>>
    %dma_wait3A_34 = arith.constant 0 : i32
    %dma_wait3A_35 = tpu.memref_slice %arg4[%add3A_27, %dma_wait3A_34] : memref<819200x64xf32, #tpu.memory_space<hbm>> -> memref<128x64xf32, #tpu.memory_space<hbm>>
    %dma_wait3A_36 = arith.constant 0 : i32
    %dma_wait3A_37 = arith.constant 0 : i32
    %dma_wait3A_38 = tpu.memref_slice %arg6[%dma_wait3A, %dma_wait3A_36, %dma_wait3A_37] : memref<4x128x64xf32, #tpu.memory_space<vmem>> -> memref<1x128x64xf32, #tpu.memory_space<vmem>>
    %dma_wait3A_39 = tpu.memref_squeeze %dma_wait3A_38 : memref<1x128x64xf32, #tpu.memory_space<vmem>> -> memref<128x64xf32, #tpu.memory_space<vmem>>
    tpu.wait_dma2 semaphore(%arg11 : memref<!tpu.dma_semaphore, #tpu.memory_space<semaphore_mem>>) src(%dma_wait3A_39 : memref<128x64xf32, #tpu.memory_space<vmem>>) dst(%dma_wait3A_35 : memref<128x64xf32, #tpu.memory_space<hbm>>)
    %add3A_40 = arith.constant 25216 : i32
    %add3A_41 = arith.addi %mul3A_2, %add3A_40 : i32
    %dma_wait3A_42 = arith.constant 1 : i32
    %dma_wait3A_43 = arith.constant 0 : i32
    %dma_wait3A_44 = arith.constant 0 : i32
    %dma_wait3A_45 = tpu.memref_slice %arg6[%dma_wait3A_42, %dma_wait3A_43, %dma_wait3A_44] : memref<4x128x64xf32, #tpu.memory_space<vmem>> -> memref<1x128x64xf32, #tpu.memory_space<vmem>>
    %dma_wait3A_46 = tpu.memref_squeeze %dma_wait3A_45 : memref<1x128x64xf32, #tpu.memory_space<vmem>> -> memref<128x64xf32, #tpu.memory_space<vmem>>
    %dma_wait3A_47 = arith.constant 0 : i32
    %dma_wait3A_48 = tpu.memref_slice %arg4[%add3A_41, %dma_wait3A_47] : memref<819200x64xf32, #tpu.memory_space<hbm>> -> memref<128x64xf32, #tpu.memory_space<hbm>>
    %dma_wait3A_49 = arith.constant 0 : i32
    %dma_wait3A_50 = tpu.memref_slice %arg4[%add3A_41, %dma_wait3A_49] : memref<819200x64xf32, #tpu.memory_space<hbm>> -> memref<128x64xf32, #tpu.memory_space<hbm>>
    %dma_wait3A_51 = arith.constant 0 : i32
    %dma_wait3A_52 = arith.constant 0 : i32
    %dma_wait3A_53 = tpu.memref_slice %arg6[%dma_wait3A_42, %dma_wait3A_51, %dma_wait3A_52] : memref<4x128x64xf32, #tpu.memory_space<vmem>> -> memref<1x128x64xf32, #tpu.memory_space<vmem>>
    %dma_wait3A_54 = tpu.memref_squeeze %dma_wait3A_53 : memref<1x128x64xf32, #tpu.memory_space<vmem>> -> memref<128x64xf32, #tpu.memory_space<vmem>>
    tpu.wait_dma2 semaphore(%arg12 : memref<!tpu.dma_semaphore, #tpu.memory_space<semaphore_mem>>) src(%dma_wait3A_54 : memref<128x64xf32, #tpu.memory_space<vmem>>) dst(%dma_wait3A_50 : memref<128x64xf32, #tpu.memory_space<hbm>>)
    %add3A_55 = arith.constant 25344 : i32
    %add3A_56 = arith.addi %mul3A_2, %add3A_55 : i32
    %dma_wait3A_57 = arith.constant 2 : i32
    %dma_wait3A_58 = arith.constant 0 : i32
    %dma_wait3A_59 = arith.constant 0 : i32
    %dma_wait3A_60 = tpu.memref_slice %arg6[%dma_wait3A_57, %dma_wait3A_58, %dma_wait3A_59] : memref<4x128x64xf32, #tpu.memory_space<vmem>> -> memref<1x128x64xf32, #tpu.memory_space<vmem>>
    %dma_wait3A_61 = tpu.memref_squeeze %dma_wait3A_60 : memref<1x128x64xf32, #tpu.memory_space<vmem>> -> memref<128x64xf32, #tpu.memory_space<vmem>>
    %dma_wait3A_62 = arith.constant 0 : i32
    %dma_wait3A_63 = tpu.memref_slice %arg4[%add3A_56, %dma_wait3A_62] : memref<819200x64xf32, #tpu.memory_space<hbm>> -> memref<128x64xf32, #tpu.memory_space<hbm>>
    %dma_wait3A_64 = arith.constant 0 : i32
    %dma_wait3A_65 = tpu.memref_slice %arg4[%add3A_56, %dma_wait3A_64] : memref<819200x64xf32, #tpu.memory_space<hbm>> -> memref<128x64xf32, #tpu.memory_space<hbm>>
    %dma_wait3A_66 = arith.constant 0 : i32
    %dma_wait3A_67 = arith.constant 0 : i32
    %dma_wait3A_68 = tpu.memref_slice %arg6[%dma_wait3A_57, %dma_wait3A_66, %dma_wait3A_67] : memref<4x128x64xf32, #tpu.memory_space<vmem>> -> memref<1x128x64xf32, #tpu.memory_space<vmem>>
    %dma_wait3A_69 = tpu.memref_squeeze %dma_wait3A_68 : memref<1x128x64xf32, #tpu.memory_space<vmem>> -> memref<128x64xf32, #tpu.memory_space<vmem>>
    tpu.wait_dma2 semaphore(%arg13 : memref<!tpu.dma_semaphore, #tpu.memory_space<semaphore_mem>>) src(%dma_wait3A_69 : memref<128x64xf32, #tpu.memory_space<vmem>>) dst(%dma_wait3A_65 : memref<128x64xf32, #tpu.memory_space<hbm>>)
    %add3A_70 = arith.constant 25472 : i32
    %add3A_71 = arith.addi %mul3A_2, %add3A_70 : i32
    %dma_wait3A_72 = arith.constant 3 : i32
    %dma_wait3A_73 = arith.constant 0 : i32
    %dma_wait3A_74 = arith.constant 0 : i32
    %dma_wait3A_75 = tpu.memref_slice %arg6[%dma_wait3A_72, %dma_wait3A_73, %dma_wait3A_74] : memref<4x128x64xf32, #tpu.memory_space<vmem>> -> memref<1x128x64xf32, #tpu.memory_space<vmem>>
    %dma_wait3A_76 = tpu.memref_squeeze %dma_wait3A_75 : memref<1x128x64xf32, #tpu.memory_space<vmem>> -> memref<128x64xf32, #tpu.memory_space<vmem>>
    %dma_wait3A_77 = arith.constant 0 : i32
    %dma_wait3A_78 = tpu.memref_slice %arg4[%add3A_71, %dma_wait3A_77] : memref<819200x64xf32, #tpu.memory_space<hbm>> -> memref<128x64xf32, #tpu.memory_space<hbm>>
    %dma_wait3A_79 = arith.constant 0 : i32
    %dma_wait3A_80 = tpu.memref_slice %arg4[%add3A_71, %dma_wait3A_79] : memref<819200x64xf32, #tpu.memory_space<hbm>> -> memref<128x64xf32, #tpu.memory_space<hbm>>
    %dma_wait3A_81 = arith.constant 0 : i32
    %dma_wait3A_82 = arith.constant 0 : i32
    %dma_wait3A_83 = tpu.memref_slice %arg6[%dma_wait3A_72, %dma_wait3A_81, %dma_wait3A_82] : memref<4x128x64xf32, #tpu.memory_space<vmem>> -> memref<1x128x64xf32, #tpu.memory_space<vmem>>
    %dma_wait3A_84 = tpu.memref_squeeze %dma_wait3A_83 : memref<1x128x64xf32, #tpu.memory_space<vmem>> -> memref<128x64xf32, #tpu.memory_space<vmem>>
    tpu.wait_dma2 semaphore(%arg14 : memref<!tpu.dma_semaphore, #tpu.memory_space<semaphore_mem>>) src(%dma_wait3A_84 : memref<128x64xf32, #tpu.memory_space<vmem>>) dst(%dma_wait3A_80 : memref<128x64xf32, #tpu.memory_space<hbm>>)
    return
  }
}

</mosaic_0001>

<sc_bundles>
// kernel: _embed.3.cloned.1.call-start
scs
__scs_entry_jumppad:
0x0: {  	(pc) =	sbr.rel $0x88, $3  }
0x1: {  	(tag) =	ssettag $0x0;
	lr =	simm.s32 $0x1  }
0x2: {  	[smem:$0x3F9F] =	sst lr;
	_ =	strace $0xD0000000  }
0x3: {  	_ = 	snop  }
0x4: {  	_ = 	snop  }
0x5: {  	_ = 	snop  }
0x6: {  	_ = 	snop  }
0x7: {  	_ = 	snop  }
__scs_overlays_trampoline_lowered:
0x8: {  	[smem:$0x3FAE] =	sst s0  }
0x9: {  	[smem:$0x3FAF] =	sst s1  }
0xa: {  	[smem:$0x3FB0] =	sst s2  }
0xb: {  	[smem:$0x3FB1] =	sst s3  }
0xc: {  	[smem:$0x3FB2] =	sst s4  }
0xd: {  	[smem:$0x3FB3] =	sst s5  }
0xe: {  	[smem:$0x3FB4] =	sst s6  }
0xf: {  	[smem:$0x3FB5] =	sst s7  }
0x10: {  	[smem:$0x3FB6] =	sst s8  }
0x11: {  	[smem:$0x3FB7] =	sst s9;
	s0 =	simm.s32 @!p0 $0x0  }
0x12: {  	s1 =	sld [smem:$0x3F9D];
	s0 =	simm.s32 @p0 $0x1  }
0x13: {  	[smem:$0x3FB8] =	sst s0;
	s0 =	simm.s32 @!p1 $0x0  }
0x14: {  	s2 =	sld [smem:$0x3F9C];
	s0 =	simm.s32 @p1 $0x1  }
0x15: {  	[smem:$0x3FB9] =	sst s0;
	s0 =	simm.s32 @!p2 $0x0  }
0x16: {  	s3 =	sld [smem:$0x3FDB];
	s0 =	simm.s32 @p2 $0x1  }
0x17: {  	s4 =	simm.s32 $0x1BF5;
	[smem:$0x3FBB] =	sst s0  }
0x18: {  	s0 =	sld [smem:$0x3F9E];
	_ =	swait.ge [sflag:s4], $0x0  }
0x19: {  	s7 =	sld [smem:$0x3F9F]  }
0x1a: {  	s8 =	sadd.s32 $0xFFFFE003, lr  }
0x1b: {  	s9 =	sadd.s32 $0xFFFFFEF7, lr;
	s5 =	simm.s32 $0xFFFFFFFF;
	p2 =	slt.u32 s8, $0xFFFFF086  }
0x1c: {  	p1 =	slt.u32 s9, $0xF7A;
	s5 =	simm.s32 @!p2 $0x0  }
0x1d: {  	s5 =	simm.s32 @p1 $0x1;
	p0 =	seq.s32 s7, s2  }
0x1e: {  	s7 =	smul.u32 @!p0 $0xF7A, s2;
	p2 =	seq.s32 @!p0 s5, $0x0  }
0x1f: {  	s9 =	smul.u32 $0xF7A, s1;
	s8 =	simm.s32 @!p0 $0x1BF5;
	p2 =	por !p2, p0  }
0x20: {  	[sflag:s8] =	ssyncset.s32 @!p0 $0xFFFFF086;
	s6 =	sadd.s32 @!p0 s3, s7;
	s7 =	simm.s32 @!p0 $0x108  }
0x21: {  	s3 =	sadd.s32 s3, s9;
	s6 =	sadd.s32 @!p0 $0x88, s6;
	s7 =	simm.s32 @p2 $0x1082  }
0x22: {  	[simem:s7], [sflag:s8] =	dma.local @!p0 [hbm:s6], $0xF7A  }
0x23: {  	s9 =	sor.u32 $0xD0000000, s2;
	s6 =	simm.s32 $0x108;
	_ =	swait.ge @!p0 [sflag:s8], $0x0  }
0x24: {  	s3 =	sadd.s32 $0x88, s3;
	s6 =	simm.s32 @!p1 $0x1082;
	[sflag:s4] =	ssyncset.s32 $0xFFFFF086  }
0x25: {  	[simem:s6], [sflag:s4] =	dma.local [hbm:s3], $0xF7A  }
0x26: {  	[smem:$0x3F9F] =	sst s1;
	(tag) =	ssettag s2;
	_ =	strace s9  }
0x27: {  	s1 =	sld [smem:$0x3FAF]  }
0x28: {  	s2 =	sld [smem:$0x3FB0]  }
0x29: {  	s4 =	sld [smem:$0x3FB2]  }
0x2a: {  	p0 =	seq.s32 s5, $0x0;
	s5 =	sld [smem:$0x3FB3]  }
0x2b: {  	s6 =	sld [smem:$0x3FB4]  }
0x2c: {  	s7 =	sld [smem:$0x3FB5]  }
0x2d: {  	s3 =	simm.s32 $0x108;
	s8 =	sld [smem:$0x3FB6]  }
0x2e: {  	s3 =	simm.s32 @!p0 $0x1082;
	s9 =	sld [smem:$0x3FB7]  }
0x2f: {  	lr =	sadd.s32 s0, s3;
	s0 =	sld [smem:$0x3FAE]  }
0x30: {  	s3 =	sld [smem:$0x3FB1]  }
0x31: {  	[smem:$0x3FBA] =	sst s10  }
0x32: {  	s10 =	sld [smem:$0x3FB8];
	_ =	sdelay $0x3  }
0x33: {  	p0 =	seq.s32 s10, $0x1;
	s10 =	sld [smem:$0x3FBA];
	_ =	sdelay $0x3  }
0x34: {  	[smem:$0x3FBA] =	sst s10  }
0x35: {  	s10 =	sld [smem:$0x3FB9];
	_ =	sdelay $0x3  }
0x36: {  	p1 =	seq.s32 s10, $0x1;
	s10 =	sld [smem:$0x3FBA];
	_ =	sdelay $0x3  }
0x37: {  	[smem:$0x3FBA] =	sst s10  }
0x38: {  	s10 =	sld [smem:$0x3FBB]  }
0x39: {  	_ = 	snop;
	(pc) =	sbr.ind lr, $3  }
0x3a: {  	_ = 	snop  }
0x3b: {  	_ = 	snop  }
0x3c: {  	p2 =	seq.s32 s10, $0x1;
	s10 =	sld [smem:$0x3FBA]  }
0x3d: {  	_ =	shalt  }
0x3e: {  	_ =	shalt  }
0x3f: {  	_ =	shalt  }
0x40: {  	_ =	shalt  }
0x41: {  	_ =	shalt  }
0x42: {  	_ =	shalt  }
0x43: {  	_ =	shalt  }
0x44: {  	_ =	shalt  }
0x45: {  	_ =	shalt  }
0x46: {  	_ =	shalt  }
0x47: {  	_ =	shalt  }
0x48: {  	_ =	shalt  }
0x49: {  	_ =	shalt  }
0x4a: {  	_ =	shalt  }
0x4b: {  	_ =	shalt  }
0x4c: {  	_ =	shalt  }
0x4d: {  	_ =	shalt  }
0x4e: {  	_ =	shalt  }
0x4f: {  	_ =	shalt  }
0x50: {  	_ =	shalt  }
0x51: {  	_ =	shalt  }
0x52: {  	_ =	shalt  }
0x53: {  	_ =	shalt  }
0x54: {  	_ =	shalt  }
0x55: {  	_ =	shalt  }
0x56: {  	_ =	shalt  }
0x57: {  	_ =	shalt  }
0x58: {  	_ =	shalt  }
0x59: {  	_ =	shalt  }
0x5a: {  	_ =	shalt  }
0x5b: {  	_ =	shalt  }
0x5c: {  	_ =	shalt  }
0x5d: {  	_ =	shalt  }
0x5e: {  	_ =	shalt  }
0x5f: {  	_ =	shalt  }
0x60: {  	_ =	shalt  }
0x61: {  	_ =	shalt  }
0x62: {  	_ =	shalt  }
0x63: {  	_ =	shalt  }
0x64: {  	_ =	shalt  }
0x65: {  	_ =	shalt  }
0x66: {  	_ =	shalt  }
0x67: {  	_ =	shalt  }
0x68: {  	_ =	shalt  }
0x69: {  	_ =	shalt  }
0x6a: {  	_ =	shalt  }
0x6b: {  	_ =	shalt  }
0x6c: {  	_ =	shalt  }
0x6d: {  	_ =	shalt  }
0x6e: {  	_ =	shalt  }
0x6f: {  	_ =	shalt  }
0x70: {  	_ =	shalt  }
0x71: {  	_ =	shalt  }
0x72: {  	_ =	shalt  }
0x73: {  	_ =	shalt  }
0x74: {  	_ =	shalt  }
0x75: {  	_ =	shalt  }
0x76: {  	_ =	shalt  }
0x77: {  	_ =	shalt  }
0x78: {  	_ =	shalt  }
0x79: {  	_ =	shalt  }
0x7a: {  	_ =	shalt  }
0x7b: {  	_ =	shalt  }
0x7c: {  	_ =	shalt  }
0x7d: {  	_ =	shalt  }
0x7e: {  	_ =	shalt  }
0x7f: {  	_ =	shalt  }
0x80: {  	_ =	shalt  }
0x81: {  	_ =	shalt  }
0x82: {  	_ =	shalt  }
0x83: {  	_ =	shalt  }
0x84: {  	_ =	shalt  }
0x85: {  	_ =	shalt  }
0x86: {  	_ =	shalt  }
0x87: {  	_ =	shalt  }
.Lfunc_end0:
.L_simem_size_0:
called_computation_lowered:
.L_overlay_start_0:
0x88: {  	s2 =	sld [smem:$0x3FD9]  }
0x89: {  	s3 =	sld [smem:$0x3FFE];
	_ =	sdelay $0x1  }
0x8a: {  	s1 =	srdreg.scid  }
0x8b: {  	s0 =	sand.u32 $0x1, s1  }
0x8c: {  	s17 =	sshll.u32 s0, $0xA;
	s2 =	sadd.s32 s3, s2  }
0x8d: {  	s2 =	sadd.s32 s2, s17  }
0x8e: {  	[smem:$0x3FC6] =	sst s2  }
0x8f: {  	_ = 	snop  }
0x90: {  	s2 =	sld [smem:$0x3FC9];
	(tm) =	ssettm $0x1  }
0x91: {  	s18 =	sld [smem:$0x3FFB];
	_ =	sdelay $0x3  }
0x92: {  	_ =	strace s18  }
0x93: {  	s3 =	sld [smem:$0x3FFC];
	_ =	sdelay $0x3  }
0x94: {  	_ =	strace s3  }
0x95: {  	s3 =	sld [smem:$0x3FFD];
	_ =	sdelay $0x3  }
0x96: {  	_ =	strace s3  }
0x97: {  	_ =	strace $0x8FFFFFFF  }
0x98: {  	s19 =	sld [smem:$0x3FDB];
	_ =	sdelay $0x1  }
0x99: {  	s4 =	simm.s32 $_scs_section_size  }
0x9a: {  	s5 =	simm.s32 $_size__tile_overlayer_lowered;
	s6 =	simm.s32 $_tile_overlayer_lowered  }
0x9b: {  	s22 =	simm.s32 $0x1BFF;
	s21 =	sshll.u32 s6, $0x1;
	s3 =	sadd.s32 s4, s19  }
0x9c: {  	s7 =	simm.s32 $0x0;
	s20 =	sshll.u32 s5, $0x1;
	s5 =	sadd.s32 s21, s3  }
0x9d: {  	[timem:s7], [sflag:s22] =	dma.local [hbm:s5], s20  }
0x9e: {  	_ =	swait.ge [sflag:s22], s20  }
0x9f: {  	s4 =	ssub.s32 $0x0, s20;
	[sflag:s22] =	ssyncset.done $0x0  }
0xa0: {  	[sflag:s22] =	ssyncadd.s32 s4;
	_ =	sdelay $0x1  }
0xa1: {  	s23 =	simm.s32 $0x1B8B  }
0xa2: {  	_ =	swait.ge [sflag:s23], $0x1  }
0xa3: {  	[sflag:s23] =	ssyncset.done $0x0  }
0xa4: {  	s25 =	simm.s32 $0x1B8E;
	s24 =	sld [smem:$0x3FFE];
	[sflag:s23] =	ssyncadd.s32 $0xFFFFFFFF  }
0xa5: {  	s26 =	simm.s32 $execute0_lowered;
	[smem:$0x3FD2] =	sst s25  }
0xa6: {  	s5 =	sshll.u32 s26, $0x1;
	_ =	strace $0x80000046;
	[dreg:$0x1] =	wrdreg $0xFFFFFFFF  }
0xa7: {  	s28 =	simm.s32 $_size_execute0_lowered;
	s3 =	sadd.s32 s3, s5;
	[dreg:$0x0] =	wrdreg $0x0  }
0xa8: {  	s5 =	sshll.u32 s28, $0x1;
	[dreg:$0x2] =	wrdreg s3  }
0xa9: {  	[dreg:$0x3] =	wrdreg s5  }
0xaa: {  	[dreg:$0x4] =	wrdreg $0xC0  }
0xab: {  	_ =	task [dreg:s7], $0x5FFFF  }
0xac: {  	[dreg:$0x1] =	wrdreg $0xFFFFFFFF  }
0xad: {  	[dreg:$0x0] =	wrdreg $0x60  }
0xae: {  	[dreg:$0x2] =	wrdreg s2  }
0xaf: {  	[dreg:$0x3] =	wrdreg s24  }
0xb0: {  	[dreg:$0x4] =	wrdreg $0x9  }
0xb1: {  	_ =	task.clear_ibuf [dreg:s7], $0x5FFFF;
	_ =	strace $0x90000046  }
0xb2: {  	s29 =	simm.s32 $0x9;
	_ =	strace $0x80000048  }
0xb3: {  	_ =	swait.ge [sflag:s29], $0x1  }
0xb4: {  	[sflag:s29] =	ssyncadd.s32 $0xFFFFFFFF  }
0xb5: {  	_ =	strace $0x90000048  }
0xb6: {  	_ =	sfence  }
0xb7: {  	s30 =	sld [smem:$0x0];
	_ =	sdelay $0x2  }
0xb8: {  	s31 =	sshll.u32 s1, $0xD;
	s1 =	sshrl.u32 s1, $0x2  }
0xb9: {  	s3 =	sand.u32 $0x4000, s31;
	s1 =	sadd.s32 s1, s30  }
0xba: {  	s0 =	sor.u32 s3, s0;
	s1 =	sshll.u32 s1, $0x11  }
0xbb: {  	s0 =	sor.u32 s1, s0  }
0xbc: {  	s0 =	sadd.s32 $0x8F2B, s0  }
0xbd: {  	[sflag:s0] =	ssyncadd.remote.s32 $0x1  }
0xbe: {  	_ =	sfence.sel $0xFFFF  }
0xbf: {  	[dreg:$0x0] =	wrdreg $0xFFFFFFFF;
	(pc) =	sbr.abs _section_cstart, $3  }
0xc0: {  	[dreg:$0x1] =	wrdreg $0xFFFFFFFF  }
0xc1: {  	_ =	task.clear_ibuf [dreg:s7], $0x2FFFF;
	_ =	strace $0x9FFFFFFF  }
0xc2: {  	(tm) =	ssettm $0x7FFFFFFF  }
0xc3: {  	_ =	shalt  }
tec
execute0_lowered:
.L_overlay_start_1:
0x0: {  	(tag) =	ssettag $0x1  }
0x1: {  	s0 =	rddreg [dreg:$0x0]  }
0x2: {  	s3 =	srdreg.scid;
	s4 =	stileid.u32  }
0x3: {  	s1 =	rddreg [dreg:$0x1];
	s3 =	sand.u32 $0x1, s3;
	s4 =	sshll.u32 s4, $0x1  }
0x4: {  	s2 =	simm.s32 $0x0;
	s9 =	simm.s32 $0x1;
	s5 =	sor.u32 s3, s4  }
0x5: {  	s11 =	simm.s32 $0x2;
	s17 =	simm.s32 $0x3;
	s7 =	smul.u32 $0xC80, s5  }
.Ltmp0:
0x6: {  	s19 =	simm.s32 $0x4;
	s6 =	ssub.s32 $0x2, s3;
	(pc) =	sbr.rel .LBB2_1-.Ltmp0, $4  }
0x7: {  	[smem:$0x7FF] =	sst s2;
	s3 =	sadd.s32 $0x400, s1;
	s30 =	sshrl.u32 s6, $0x1  }
0x8: {  	s4 =	sadd.s32 $0xF42800, s1;
	s1 =	ssub.s32 s6, s30;
	s0 =	sadd.s32 s0, s7  }
0x9: {  	_ =	strace $0x80000047;
	s31 =	smax.u32 s1, $0x1;
	[dreg:$0x3] =	wrdreg s0  }
0xa: {  	s21 =	simm.s32 $0x0;
	s6 =	smul.u32 $0x320000, s5;
	[dreg:$0x4] =	wrdreg s31  }
.LBB2_28:
0xb: {  	s0 =	simm.s32 $0x5  }
0xc: {  	_ =	swait.ge [sflag:s0], $0x4000  }
0xd: {  	[sflag:s0] =	ssyncset.done $0x0  }
0xe: {  	s29 =	simm.s32 $0x6;
	[sflag:s0] =	ssyncadd.s32 $0xFFFFC000  }
0xf: {  	_ =	swait.ge [sflag:s29], $0x4000  }
0x10: {  	[sflag:s29] =	ssyncset.done $0x0  }
0x11: {  	s30 =	simm.s32 $0x7;
	[sflag:s29] =	ssyncadd.s32 $0xFFFFC000  }
0x12: {  	_ =	swait.ge [sflag:s30], $0x4000  }
0x13: {  	[sflag:s30] =	ssyncset.done $0x0  }
0x14: {  	s1 =	simm.s32 $0x8;
	[sflag:s30] =	ssyncadd.s32 $0xFFFFC000  }
0x15: {  	_ =	swait.ge [sflag:s1], $0x4000  }
0x16: {  	s21 =	sadd.s32 $0x1, s21;
	s31 =	rddreg [dreg:$0x4]  }
0x17: {  	p0 =	sne.s32 s21, s31  }
.Ltmp1:
0x18: {  	_ = 	snop;
	(pc) =	sbr.rel @!p0 .LBB2_29-.Ltmp1, $3  }
0x19: {  	_ =	sdelay $0x1  }
0x1a: {  	[sflag:s1] =	ssyncset.done $0x0  }
0x1b: {  	[sflag:s1] =	ssyncadd.s32 $0xFFFFC000  }
.LBB2_1:
0x1c: {  	s0 =	rddreg [dreg:$0x3];
	s31 =	simm.s32 $0x9  }
0x1d: {  	[tilespmem:s2], [sflag:$0x9] =	stream.linear.gather [hbm4b:s0+s2], $0x6400, $0x38;
	[tilespmem:$0x16400] =	vst v63  }
0x1e: {  	_ =	swait.ge [sflag:s31], $0x6400  }
0x1f: {  	[sflag:s31] =	ssyncset.done $0x0  }
0x20: {  	[sflag:s31] =	ssyncadd.s32 $0xFFFF9C00  }
0x21: {  	v0 =	vld [tilespmem:s2+$0x0];
	_ =	sdelay $0x4  }
0x22: {  	v0 =	vshll.u32 v0, $0x4  }
0x23: {  	(v2sf) =	vpush v0, $0x0  }
0x24: {  	(v2sf) =	vpush v0, $0x1  }
0x25: {  	(v2sf) =	vpush v0, $0x2;
	_ =	sdelay $0x1  }
0x26: {  	(v2sf) =	vpush v0, $0x4;
	_ =	sdelay $0x1  }
0x27: {  	(v2sf) =	vpush v0, $0x3  }
0x28: {  	(v2sf) =	vpush v0, $0x5  }
0x29: {  	s24 =	simm.s32 $0x2000;
	s23 =	simm.s32 $0x0;
	s25 =	simm.s32 $0x0;
	(v2sf) =	vpush v0, $0x6  }
.LBB2_2:
0x2a: {  	p0 =	sne.s32 s24, $0xE000  }
0x2b: {  	s8 =	sadd.s32 $0x6480, s23;
	s30 =	sadd.s32 $0x6980, s23;
	s26 =	smov.u32 s24  }
0x2c: {  	s24 =	sadd.s32 $0x2000, s24;
	s1 =	sadd.s32 $0x6780, s23;
	s28 =	sadd.s32 $0x6A00, s23;
	(v2sf) =	vpush v0, $0x7  }
0x2d: {  	s7 =	sadd.s32 $0x6680, s23;
	s31 =	sadd.s32 $0x6800, s23;
	s29 =	sadd.s32 $0x6A80, s23  }
0x2e: {  	s13 =	sadd.s32 $0x6400, s23;
	s14 =	sadd.s32 $0x6600, s23;
	(v2sf) =	vpush v0, $0x8  }
0x2f: {  	s22 =	simm.s32 $0x0;
	s15 =	sadd.s32 $0x6700, s23;
	s25 =	sadd.s32 $0x10, s25  }
0x30: {  	s16 =	sadd.s32 $0x6500, s23;
	s0 =	sadd.s32 $0x6900, s23;
	s5 =	spop (v2sf);
	(v2sf) =	vpush v0, $0x9  }
0x31: {  	s10 =	sand.u32 $0x1FFFFFF0, s5;
	s5 =	sadd.s32 $0x6880, s23;
	s12 =	spop (v2sf)  }
0x32: {  	s10 =	sadd.s32 s3, s10;
	s12 =	sand.u32 $0x1FFFFFF0, s12;
	s18 =	spop (v2sf);
	(v2sf) =	vpush v0, $0xA  }
0x33: {  	[tilespmem:s13], [sflag:$0x1] =	stream.linear.gather [hbm4b:s10+s22], $0x80, $0x38;
	[tilespmem:$0x16400] =	vst v63  }
0x34: {  	s10 =	sadd.s32 s3, s12;
	s12 =	sadd.s32 $0x6580, s23;
	s13 =	spop (v2sf);
	(v2sf) =	vpush v0, $0xB  }
0x35: {  	[tilespmem:s8], [sflag:$0x1] =	stream.linear.gather [hbm4b:s10+s22], $0x80, $0x38;
	[tilespmem:$0x16400] =	vst v63  }
0x36: {  	s8 =	sand.u32 $0x1FFFFFF0, s18;
	s10 =	sand.u32 $0x1FFFFFF0, s13;
	s13 =	spop (v2sf);
	(v2sf) =	vpush v0, $0xC  }
0x37: {  	s8 =	sadd.s32 s3, s8;
	s13 =	sand.u32 $0x1FFFFFF0, s13;
	s18 =	spop (v2sf)  }
0x38: {  	[tilespmem:s16], [sflag:$0x1] =	stream.linear.gather [hbm4b:s8+s22], $0x80, $0x38;
	(v2sf) =	vpush v0, $0xD;
	[tilespmem:$0x16400] =	vst v63  }
0x39: {  	s8 =	sadd.s32 s3, s13;
	s13 =	sand.u32 $0x1FFFFFF0, s18;
	s16 =	spop (v2sf)  }
0x3a: {  	[tilespmem:s12], [sflag:$0x1] =	stream.linear.gather [hbm4b:s8+s22], $0x80, $0x38;
	(v2sf) =	vpush v0, $0xE;
	[tilespmem:$0x16400] =	vst v63  }
0x3b: {  	s8 =	sadd.s32 s3, s10;
	s10 =	sand.u32 $0x1FFFFFF0, s16;
	s12 =	spop (v2sf)  }
0x3c: {  	[tilespmem:s14], [sflag:$0x1] =	stream.linear.gather [hbm4b:s8+s22], $0x80, $0x38;
	(v2sf) =	vpush v0, $0xF;
	[tilespmem:$0x16400] =	vst v63  }
0x3d: {  	s8 =	sadd.s32 s3, s13;
	s12 =	sand.u32 $0x1FFFFFF0, s12;
	s13 =	spop (v2sf)  }
0x3e: {  	[tilespmem:s7], [sflag:$0x1] =	stream.linear.gather [hbm4b:s8+s22], $0x80, $0x38;
	[tilespmem:$0x16400] =	vst v63  }
0x3f: {  	s7 =	sadd.s32 s3, s10;
	s8 =	sand.u32 $0x1FFFFFF0, s13;
	s10 =	spop (v2sf)  }
0x40: {  	[tilespmem:s15], [sflag:$0x1] =	stream.linear.gather [hbm4b:s7+s22], $0x80, $0x38;
	[tilespmem:$0x16400] =	vst v63  }
0x41: {  	s7 =	sadd.s32 s3, s12;
	s10 =	sand.u32 $0x1FFFFFF0, s10;
	s12 =	spop (v2sf)  }
0x42: {  	[tilespmem:s1], [sflag:$0x1] =	stream.linear.gather [hbm4b:s7+s22], $0x80, $0x38;
	[tilespmem:$0x16400] =	vst v63  }
0x43: {  	s1 =	sadd.s32 s3, s8;
	s7 =	sand.u32 $0x1FFFFFF0, s12;
	s8 =	spop (v2sf)  }
0x44: {  	[tilespmem:s31], [sflag:$0x1] =	stream.linear.gather [hbm4b:s1+s22], $0x80, $0x38;
	[tilespmem:$0x16400] =	vst v63  }
0x45: {  	s1 =	sadd.s32 s3, s10;
	s8 =	sand.u32 $0x1FFFFFF0, s8;
	s10 =	spop (v2sf)  }
0x46: {  	[tilespmem:s5], [sflag:$0x1] =	stream.linear.gather [hbm4b:s1+s22], $0x80, $0x38;
	[tilespmem:$0x16400] =	vst v63  }
0x47: {  	s1 =	sadd.s32 s3, s7;
	s5 =	sand.u32 $0x1FFFFFF0, s10;
	s7 =	spop (v2sf)  }
0x48: {  	[tilespmem:s0], [sflag:$0x1] =	stream.linear.gather [hbm4b:s1+s22], $0x80, $0x38;
	[tilespmem:$0x16400] =	vst v63  }
0x49: {  	s0 =	sadd.s32 s3, s8;
	s1 =	sand.u32 $0x1FFFFFF0, s7;
	s7 =	spop (v2sf)  }
0x4a: {  	[tilespmem:s30], [sflag:$0x1] =	stream.linear.gather [hbm4b:s0+s22], $0x80, $0x38;
	[tilespmem:$0x16400] =	vst v63  }
0x4b: {  	s0 =	sadd.s32 s3, s5;
	s5 =	sand.u32 $0x1FFFFFF0, s7;
	s7 =	spop (v2sf)  }
0x4c: {  	[tilespmem:s28], [sflag:$0x1] =	stream.linear.gather [hbm4b:s0+s22], $0x80, $0x38;
	[tilespmem:$0x16400] =	vst v63  }
0x4d: {  	s0 =	sadd.s32 s3, s1;
	s1 =	sand.u32 $0x1FFFFFF0, s7  }
0x4e: {  	[tilespmem:s29], [sflag:$0x1] =	stream.linear.gather [hbm4b:s0+s22], $0x80, $0x38;
	[tilespmem:$0x16400] =	vst v63  }
0x4f: {  	s5 =	sadd.s32 s3, s5;
	s0 =	sadd.s32 $0x6B00, s23  }
0x50: {  	[tilespmem:s0], [sflag:$0x1] =	stream.linear.gather [hbm4b:s5+s22], $0x80, $0x38;
	[tilespmem:$0x16400] =	vst v63  }
0x51: {  	s1 =	sadd.s32 s3, s1;
	s0 =	sadd.s32 $0x6B80, s23  }
0x52: {  	[tilespmem:s0], [sflag:$0x1] =	stream.linear.gather [hbm4b:s1+s22], $0x80, $0x38;
	[tilespmem:$0x16400] =	vst v63  }
0x53: {  	v0 =	vld [tilespmem:s25+$0x0];
	_ =	sdelay $0x4  }
0x54: {  	v0 =	vshll.u32 v0, $0x4  }
0x55: {  	(v2sf) =	vpush v0, $0x0  }
0x56: {  	(v2sf) =	vpush v0, $0x1  }
0x57: {  	(v2sf) =	vpush v0, $0x2;
	_ =	sdelay $0x1  }
0x58: {  	(v2sf) =	vpush v0, $0x4  }
.Ltmp2:
0x59: {  	(pc) =	sbr.rel @p0 .LBB2_2-.Ltmp2, $3  }
0x5a: {  	(v2sf) =	vpush v0, $0x3  }
0x5b: {  	(v2sf) =	vpush v0, $0x5;
	_ =	sdelay $0x1  }
0x5c: {  	s23 =	sshra.s32 s26, $0x2;
	(v2sf) =	vpush v0, $0x6  }
0x5d: {  	_ =	sdelay $0x1  }
0x5e: {  	s7 =	sadd.s32 $0x6480, s23;
	s5 =	sadd.s32 $0x6980, s23  }
0x5f: {  	s8 =	sadd.s32 $0x6780, s23;
	s0 =	sadd.s32 $0x6A00, s23;
	(v2sf) =	vpush v0, $0x7;
	s10 =	sadd.s32 $0x6680, s23  }
0x60: {  	s12 =	sadd.s32 $0x6800, s23;
	s1 =	sadd.s32 $0x6A80, s23;
	s13 =	sadd.s32 $0x6400, s23  }
0x61: {  	s14 =	sadd.s32 $0x6600, s23;
	s15 =	sadd.s32 $0x6700, s23;
	(v2sf) =	vpush v0, $0x8;
	s16 =	spop (v2sf)  }
0x62: {  	s18 =	sadd.s32 $0x6500, s23;
	s16 =	sand.u32 $0x1FFFFFF0, s16;
	s24 =	spop (v2sf)  }
0x63: {  	(v2sf) =	vpush v0, $0x9;
	s16 =	sadd.s32 s3, s16;
	s24 =	sand.u32 $0x1FFFFFF0, s24;
	s25 =	spop (v2sf)  }
0x64: {  	[tilespmem:s13], [sflag:$0x1] =	stream.linear.gather [hbm4b:s16+s22], $0x80, $0x38;
	[tilespmem:$0x16400] =	vst v63  }
0x65: {  	s26 =	sadd.s32 $0x6580, s23;
	(v2sf) =	vpush v0, $0xA;
	s29 =	sadd.s32 s3, s24;
	s30 =	spop (v2sf)  }
0x66: {  	[tilespmem:s7], [sflag:$0x1] =	stream.linear.gather [hbm4b:s29+s22], $0x80, $0x38;
	[tilespmem:$0x16400] =	vst v63  }
0x67: {  	s13 =	sadd.s32 $0x6900, s23;
	s31 =	sand.u32 $0x1FFFFFF0, s25;
	(v2sf) =	vpush v0, $0xB;
	s20 =	spop (v2sf)  }
0x68: {  	s16 =	sadd.s32 s3, s31;
	s7 =	sadd.s32 $0x6880, s23;
	s25 =	sand.u32 $0x1FFFFFF0, s20  }
0x69: {  	(v2sf) =	vpush v0, $0xC;
	[tilespmem:s18], [sflag:$0x1] =	stream.linear.gather [hbm4b:s16+s22], $0x80, $0x38;
	[tilespmem:$0x16400] =	vst v63  }
0x6a: {  	s28 =	sand.u32 $0x1FFFFFF0, s30;
	s29 =	spop (v2sf);
	s30 =	sadd.s32 s3, s25  }
0x6b: {  	(v2sf) =	vpush v0, $0xD;
	[tilespmem:s26], [sflag:$0x1] =	stream.linear.gather [hbm4b:s30+s22], $0x80, $0x38;
	[tilespmem:$0x16400] =	vst v63  }
0x6c: {  	s16 =	sadd.s32 s3, s28;
	s18 =	sand.u32 $0x1FFFFFF0, s29;
	s31 =	spop (v2sf)  }
0x6d: {  	(v2sf) =	vpush v0, $0xE;
	[tilespmem:s14], [sflag:$0x1] =	stream.linear.gather [hbm4b:s16+s22], $0x80, $0x38;
	[tilespmem:$0x16400] =	vst v63  }
0x6e: {  	s18 =	sadd.s32 s3, s18;
	s20 =	sand.u32 $0x1FFFFFF0, s31;
	s24 =	spop (v2sf)  }
0x6f: {  	(v2sf) =	vpush v0, $0xF;
	[tilespmem:s10], [sflag:$0x1] =	stream.linear.gather [hbm4b:s18+s22], $0x80, $0x38;
	[tilespmem:$0x16400] =	vst v63  }
0x70: {  	s25 =	sand.u32 $0x1FFFFFF0, s24;
	s26 =	spop (v2sf);
	s14 =	sadd.s32 s3, s20  }
0x71: {  	[tilespmem:s15], [sflag:$0x1] =	stream.linear.gather [hbm4b:s14+s22], $0x80, $0x38;
	[tilespmem:$0x16400] =	vst v63  }
0x72: {  	s28 =	sand.u32 $0x1FFFFFF0, s26;
	s10 =	sadd.s32 s3, s25;
	s29 =	spop (v2sf)  }
0x73: {  	[tilespmem:s8], [sflag:$0x1] =	stream.linear.gather [hbm4b:s10+s22], $0x80, $0x38;
	[tilespmem:$0x16400] =	vst v63  }
0x74: {  	s14 =	sadd.s32 s3, s28;
	s30 =	sand.u32 $0x1FFFFFF0, s29;
	s31 =	spop (v2sf)  }
0x75: {  	[tilespmem:s12], [sflag:$0x1] =	stream.linear.gather [hbm4b:s14+s22], $0x80, $0x38;
	[tilespmem:$0x16400] =	vst v63  }
0x76: {  	s10 =	sand.u32 $0x1FFFFFF0, s31;
	s8 =	sadd.s32 s3, s30;
	s15 =	spop (v2sf)  }
0x77: {  	[tilespmem:s7], [sflag:$0x1] =	stream.linear.gather [hbm4b:s8+s22], $0x80, $0x38;
	[tilespmem:$0x16400] =	vst v63  }
0x78: {  	s10 =	sadd.s32 s3, s10;
	s16 =	sand.u32 $0x1FFFFFF0, s15;
	s18 =	spop (v2sf)  }
0x79: {  	[tilespmem:s13], [sflag:$0x1] =	stream.linear.gather [hbm4b:s10+s22], $0x80, $0x38;
	[tilespmem:$0x16400] =	vst v63  }
0x7a: {  	s7 =	sadd.s32 s3, s16;
	s8 =	sand.u32 $0x1FFFFFF0, s18;
	s20 =	spop (v2sf)  }
0x7b: {  	[tilespmem:s5], [sflag:$0x1] =	stream.linear.gather [hbm4b:s7+s22], $0x80, $0x38;
	[tilespmem:$0x16400] =	vst v63  }
0x7c: {  	s24 =	sand.u32 $0x1FFFFFF0, s20;
	s8 =	sadd.s32 s3, s8;
	s25 =	spop (v2sf)  }
0x7d: {  	[tilespmem:s0], [sflag:$0x1] =	stream.linear.gather [hbm4b:s8+s22], $0x80, $0x38;
	[tilespmem:$0x16400] =	vst v63  }
0x7e: {  	s26 =	sand.u32 $0x1FFFFFF0, s25;
	s28 =	spop (v2sf);
	s5 =	sadd.s32 s3, s24  }
0x7f: {  	[tilespmem:s1], [sflag:$0x1] =	stream.linear.gather [hbm4b:s5+s22], $0x80, $0x38;
	[tilespmem:$0x16400] =	vst v63  }
0x80: {  	s30 =	sadd.s32 $0x6B00, s23;
	s29 =	sand.u32 $0x1FFFFFF0, s28;
	s0 =	sadd.s32 s3, s26  }
0x81: {  	[tilespmem:s30], [sflag:$0x1] =	stream.linear.gather [hbm4b:s0+s22], $0x80, $0x38;
	[tilespmem:$0x16400] =	vst v63  }
0x82: {  	s31 =	sadd.s32 $0x6B80, s23;
	s24 =	simm.s32 $0x80;
	s1 =	sadd.s32 s3, s29  }
0x83: {  	[tilespmem:s31], [sflag:$0x1] =	stream.linear.gather [hbm4b:s1+s22], $0x80, $0x38;
	[tilespmem:$0x16400] =	vst v63  }
0x84: {  	v0 =	vld [tilespmem:s24+$0x0];
	_ =	sdelay $0x4  }
0x85: {  	v0 =	vshll.u32 v0, $0x4  }
0x86: {  	(v2sf) =	vpush v0, $0x0  }
0x87: {  	(v2sf) =	vpush v0, $0x1  }
0x88: {  	(v2sf) =	vpush v0, $0x2;
	_ =	sdelay $0x1  }
0x89: {  	(v2sf) =	vpush v0, $0x4;
	_ =	sdelay $0x1  }
0x8a: {  	(v2sf) =	vpush v0, $0x3  }
0x8b: {  	(v2sf) =	vpush v0, $0x5  }
0x8c: {  	s23 =	simm.s32 $0x0;
	s25 =	simm.s32 $0x2000;
	(v2sf) =	vpush v0, $0x6  }
.LBB2_4:
0x8d: {  	p0 =	sne.s32 s25, $0xE000  }
0x8e: {  	s8 =	sadd.s32 $0xA480, s23;
	s30 =	sadd.s32 $0xA980, s23;
	s26 =	smov.u32 s25  }
0x8f: {  	s25 =	sadd.s32 $0x2000, s25;
	s31 =	sadd.s32 $0xA780, s23;
	s28 =	sadd.s32 $0xAA00, s23;
	(v2sf) =	vpush v0, $0x7  }
0x90: {  	s7 =	sadd.s32 $0xA680, s23;
	s1 =	sadd.s32 $0xA800, s23;
	s29 =	sadd.s32 $0xAA80, s23  }
0x91: {  	s10 =	sadd.s32 $0xA400, s23;
	s12 =	sadd.s32 $0xA600, s23;
	(v2sf) =	vpush v0, $0x8  }
0x92: {  	s13 =	sadd.s32 $0xA700, s23;
	s24 =	sadd.s32 $0x10, s24  }
0x93: {  	s14 =	sadd.s32 $0xA500, s23;
	s0 =	sadd.s32 $0xA900, s23;
	s5 =	spop (v2sf);
	(v2sf) =	vpush v0, $0x9  }
0x94: {  	s15 =	sand.u32 $0x1FFFFFF0, s5;
	s5 =	sadd.s32 $0xA880, s23;
	s16 =	spop (v2sf)  }
0x95: {  	s15 =	sadd.s32 s3, s15;
	s16 =	sand.u32 $0x1FFFFFF0, s16;
	s18 =	spop (v2sf);
	(v2sf) =	vpush v0, $0xA  }
0x96: {  	[tilespmem:s10], [sflag:$0x2] =	stream.linear.gather [hbm4b:s15+s22], $0x80, $0x38;
	[tilespmem:$0x16400] =	vst v63  }
0x97: {  	s10 =	sadd.s32 s3, s16;
	s15 =	sadd.s32 $0xA580, s23;
	s16 =	spop (v2sf);
	(v2sf) =	vpush v0, $0xB  }
0x98: {  	[tilespmem:s8], [sflag:$0x2] =	stream.linear.gather [hbm4b:s10+s22], $0x80, $0x38;
	[tilespmem:$0x16400] =	vst v63  }
0x99: {  	s8 =	sand.u32 $0x1FFFFFF0, s18;
	s10 =	sand.u32 $0x1FFFFFF0, s16;
	s16 =	spop (v2sf);
	(v2sf) =	vpush v0, $0xC  }
0x9a: {  	s8 =	sadd.s32 s3, s8;
	s16 =	sand.u32 $0x1FFFFFF0, s16;
	s18 =	spop (v2sf)  }
0x9b: {  	[tilespmem:s14], [sflag:$0x2] =	stream.linear.gather [hbm4b:s8+s22], $0x80, $0x38;
	(v2sf) =	vpush v0, $0xD;
	[tilespmem:$0x16400] =	vst v63  }
0x9c: {  	s8 =	sadd.s32 s3, s16;
	s14 =	sand.u32 $0x1FFFFFF0, s18;
	s16 =	spop (v2sf)  }
0x9d: {  	[tilespmem:s15], [sflag:$0x2] =	stream.linear.gather [hbm4b:s8+s22], $0x80, $0x38;
	(v2sf) =	vpush v0, $0xE;
	[tilespmem:$0x16400] =	vst v63  }
0x9e: {  	s8 =	sadd.s32 s3, s10;
	s10 =	sand.u32 $0x1FFFFFF0, s16;
	s15 =	spop (v2sf)  }
0x9f: {  	[tilespmem:s12], [sflag:$0x2] =	stream.linear.gather [hbm4b:s8+s22], $0x80, $0x38;
	(v2sf) =	vpush v0, $0xF;
	[tilespmem:$0x16400] =	vst v63  }
0xa0: {  	s8 =	sadd.s32 s3, s14;
	s12 =	sand.u32 $0x1FFFFFF0, s15;
	s14 =	spop (v2sf)  }
0xa1: {  	[tilespmem:s7], [sflag:$0x2] =	stream.linear.gather [hbm4b:s8+s22], $0x80, $0x38;
	[tilespmem:$0x16400] =	vst v63  }
0xa2: {  	s7 =	sadd.s32 s3, s10;
	s8 =	sand.u32 $0x1FFFFFF0, s14;
	s10 =	spop (v2sf)  }
0xa3: {  	[tilespmem:s13], [sflag:$0x2] =	stream.linear.gather [hbm4b:s7+s22], $0x80, $0x38;
	[tilespmem:$0x16400] =	vst v63  }
0xa4: {  	s7 =	sadd.s32 s3, s12;
	s10 =	sand.u32 $0x1FFFFFF0, s10;
	s12 =	spop (v2sf)  }
0xa5: {  	[tilespmem:s31], [sflag:$0x2] =	stream.linear.gather [hbm4b:s7+s22], $0x80, $0x38;
	[tilespmem:$0x16400] =	vst v63  }
0xa6: {  	s7 =	sadd.s32 s3, s8;
	s8 =	sand.u32 $0x1FFFFFF0, s12;
	s12 =	spop (v2sf)  }
0xa7: {  	[tilespmem:s1], [sflag:$0x2] =	stream.linear.gather [hbm4b:s7+s22], $0x80, $0x38;
	[tilespmem:$0x16400] =	vst v63  }
0xa8: {  	s1 =	sadd.s32 s3, s10;
	s7 =	sand.u32 $0x1FFFFFF0, s12;
	s10 =	spop (v2sf)  }
0xa9: {  	[tilespmem:s5], [sflag:$0x2] =	stream.linear.gather [hbm4b:s1+s22], $0x80, $0x38;
	[tilespmem:$0x16400] =	vst v63  }
0xaa: {  	s1 =	sadd.s32 s3, s8;
	s5 =	sand.u32 $0x1FFFFFF0, s10;
	s8 =	spop (v2sf)  }
0xab: {  	[tilespmem:s0], [sflag:$0x2] =	stream.linear.gather [hbm4b:s1+s22], $0x80, $0x38;
	[tilespmem:$0x16400] =	vst v63  }
0xac: {  	s0 =	sadd.s32 s3, s7;
	s1 =	sand.u32 $0x1FFFFFF0, s8;
	s7 =	spop (v2sf)  }
0xad: {  	[tilespmem:s30], [sflag:$0x2] =	stream.linear.gather [hbm4b:s0+s22], $0x80, $0x38;
	[tilespmem:$0x16400] =	vst v63  }
0xae: {  	s0 =	sadd.s32 s3, s5;
	s5 =	sand.u32 $0x1FFFFFF0, s7;
	s7 =	spop (v2sf)  }
0xaf: {  	[tilespmem:s28], [sflag:$0x2] =	stream.linear.gather [hbm4b:s0+s22], $0x80, $0x38;
	[tilespmem:$0x16400] =	vst v63  }
0xb0: {  	s0 =	sadd.s32 s3, s1;
	s1 =	sand.u32 $0x1FFFFFF0, s7  }
0xb1: {  	[tilespmem:s29], [sflag:$0x2] =	stream.linear.gather [hbm4b:s0+s22], $0x80, $0x38;
	[tilespmem:$0x16400] =	vst v63  }
0xb2: {  	s5 =	sadd.s32 s3, s5;
	s0 =	sadd.s32 $0xAB00, s23  }
0xb3: {  	[tilespmem:s0], [sflag:$0x2] =	stream.linear.gather [hbm4b:s5+s22], $0x80, $0x38;
	[tilespmem:$0x16400] =	vst v63  }
0xb4: {  	s1 =	sadd.s32 s3, s1;
	s0 =	sadd.s32 $0xAB80, s23  }
0xb5: {  	[tilespmem:s0], [sflag:$0x2] =	stream.linear.gather [hbm4b:s1+s22], $0x80, $0x38;
	[tilespmem:$0x16400] =	vst v63  }
0xb6: {  	v0 =	vld [tilespmem:s24+$0x0];
	_ =	sdelay $0x4  }
0xb7: {  	v0 =	vshll.u32 v0, $0x4  }
0xb8: {  	(v2sf) =	vpush v0, $0x0  }
0xb9: {  	(v2sf) =	vpush v0, $0x1  }
0xba: {  	(v2sf) =	vpush v0, $0x2;
	_ =	sdelay $0x1  }
0xbb: {  	(v2sf) =	vpush v0, $0x4  }
.Ltmp3:
0xbc: {  	(pc) =	sbr.rel @p0 .LBB2_4-.Ltmp3, $3  }
0xbd: {  	(v2sf) =	vpush v0, $0x3  }
0xbe: {  	(v2sf) =	vpush v0, $0x5;
	_ =	sdelay $0x1  }
0xbf: {  	s23 =	sshra.s32 s26, $0x2;
	(v2sf) =	vpush v0, $0x6  }
0xc0: {  	_ =	sdelay $0x1  }
0xc1: {  	s7 =	sadd.s32 $0xA480, s23;
	s5 =	sadd.s32 $0xA980, s23  }
0xc2: {  	s8 =	sadd.s32 $0xA780, s23;
	s0 =	sadd.s32 $0xAA00, s23;
	(v2sf) =	vpush v0, $0x7;
	s10 =	sadd.s32 $0xA680, s23  }
0xc3: {  	s12 =	sadd.s32 $0xA800, s23;
	s1 =	sadd.s32 $0xAA80, s23;
	s13 =	sadd.s32 $0xA400, s23  }
0xc4: {  	s14 =	sadd.s32 $0xA600, s23;
	s15 =	sadd.s32 $0xA700, s23;
	(v2sf) =	vpush v0, $0x8;
	s16 =	spop (v2sf)  }
0xc5: {  	s18 =	sadd.s32 $0xA500, s23;
	s16 =	sand.u32 $0x1FFFFFF0, s16;
	s24 =	spop (v2sf)  }
0xc6: {  	(v2sf) =	vpush v0, $0x9;
	s16 =	sadd.s32 s3, s16;
	s24 =	sand.u32 $0x1FFFFFF0, s24;
	s25 =	spop (v2sf)  }
0xc7: {  	[tilespmem:s13], [sflag:$0x2] =	stream.linear.gather [hbm4b:s16+s22], $0x80, $0x38;
	[tilespmem:$0x16400] =	vst v63  }
0xc8: {  	s26 =	sadd.s32 $0xA580, s23;
	(v2sf) =	vpush v0, $0xA;
	s29 =	sadd.s32 s3, s24;
	s30 =	spop (v2sf)  }
0xc9: {  	[tilespmem:s7], [sflag:$0x2] =	stream.linear.gather [hbm4b:s29+s22], $0x80, $0x38;
	[tilespmem:$0x16400] =	vst v63  }
0xca: {  	s13 =	sadd.s32 $0xA900, s23;
	s31 =	sand.u32 $0x1FFFFFF0, s25;
	(v2sf) =	vpush v0, $0xB;
	s20 =	spop (v2sf)  }
0xcb: {  	s16 =	sadd.s32 s3, s31;
	s7 =	sadd.s32 $0xA880, s23;
	s25 =	sand.u32 $0x1FFFFFF0, s20  }
0xcc: {  	(v2sf) =	vpush v0, $0xC;
	[tilespmem:s18], [sflag:$0x2] =	stream.linear.gather [hbm4b:s16+s22], $0x80, $0x38;
	[tilespmem:$0x16400] =	vst v63  }
0xcd: {  	s28 =	sand.u32 $0x1FFFFFF0, s30;
	s29 =	spop (v2sf);
	s30 =	sadd.s32 s3, s25  }
0xce: {  	(v2sf) =	vpush v0, $0xD;
	[tilespmem:s26], [sflag:$0x2] =	stream.linear.gather [hbm4b:s30+s22], $0x80, $0x38;
	[tilespmem:$0x16400] =	vst v63  }
0xcf: {  	s16 =	sadd.s32 s3, s28;
	s18 =	sand.u32 $0x1FFFFFF0, s29;
	s31 =	spop (v2sf)  }
0xd0: {  	(v2sf) =	vpush v0, $0xE;
	[tilespmem:s14], [sflag:$0x2] =	stream.linear.gather [hbm4b:s16+s22], $0x80, $0x38;
	[tilespmem:$0x16400] =	vst v63  }
0xd1: {  	s18 =	sadd.s32 s3, s18;
	s20 =	sand.u32 $0x1FFFFFF0, s31;
	s24 =	spop (v2sf)  }
0xd2: {  	(v2sf) =	vpush v0, $0xF;
	[tilespmem:s10], [sflag:$0x2] =	stream.linear.gather [hbm4b:s18+s22], $0x80, $0x38;
	[tilespmem:$0x16400] =	vst v63  }
0xd3: {  	s25 =	sand.u32 $0x1FFFFFF0, s24;
	s26 =	spop (v2sf);
	s14 =	sadd.s32 s3, s20  }
0xd4: {  	[tilespmem:s15], [sflag:$0x2] =	stream.linear.gather [hbm4b:s14+s22], $0x80, $0x38;
	[tilespmem:$0x16400] =	vst v63  }
0xd5: {  	s28 =	sand.u32 $0x1FFFFFF0, s26;
	s10 =	sadd.s32 s3, s25;
	s29 =	spop (v2sf)  }
0xd6: {  	[tilespmem:s8], [sflag:$0x2] =	stream.linear.gather [hbm4b:s10+s22], $0x80, $0x38;
	[tilespmem:$0x16400] =	vst v63  }
0xd7: {  	s14 =	sadd.s32 s3, s28;
	s30 =	sand.u32 $0x1FFFFFF0, s29;
	s31 =	spop (v2sf)  }
0xd8: {  	[tilespmem:s12], [sflag:$0x2] =	stream.linear.gather [hbm4b:s14+s22], $0x80, $0x38;
	[tilespmem:$0x16400] =	vst v63  }
0xd9: {  	s10 =	sand.u32 $0x1FFFFFF0, s31;
	s8 =	sadd.s32 s3, s30;
	s15 =	spop (v2sf)  }
0xda: {  	[tilespmem:s7], [sflag:$0x2] =	stream.linear.gather [hbm4b:s8+s22], $0x80, $0x38;
	[tilespmem:$0x16400] =	vst v63  }
0xdb: {  	s10 =	sadd.s32 s3, s10;
	s16 =	sand.u32 $0x1FFFFFF0, s15;
	s18 =	spop (v2sf)  }
0xdc: {  	[tilespmem:s13], [sflag:$0x2] =	stream.linear.gather [hbm4b:s10+s22], $0x80, $0x38;
	[tilespmem:$0x16400] =	vst v63  }
0xdd: {  	s7 =	sadd.s32 s3, s16;
	s8 =	sand.u32 $0x1FFFFFF0, s18;
	s20 =	spop (v2sf)  }
0xde: {  	[tilespmem:s5], [sflag:$0x2] =	stream.linear.gather [hbm4b:s7+s22], $0x80, $0x38;
	[tilespmem:$0x16400] =	vst v63  }
0xdf: {  	s24 =	sand.u32 $0x1FFFFFF0, s20;
	s8 =	sadd.s32 s3, s8;
	s25 =	spop (v2sf)  }
0xe0: {  	[tilespmem:s0], [sflag:$0x2] =	stream.linear.gather [hbm4b:s8+s22], $0x80, $0x38;
	[tilespmem:$0x16400] =	vst v63  }
0xe1: {  	s26 =	sand.u32 $0x1FFFFFF0, s25;
	s28 =	spop (v2sf);
	s5 =	sadd.s32 s3, s24  }
0xe2: {  	[tilespmem:s1], [sflag:$0x2] =	stream.linear.gather [hbm4b:s5+s22], $0x80, $0x38;
	[tilespmem:$0x16400] =	vst v63  }
0xe3: {  	s30 =	sadd.s32 $0xAB00, s23;
	s29 =	sand.u32 $0x1FFFFFF0, s28;
	s0 =	sadd.s32 s3, s26  }
0xe4: {  	[tilespmem:s30], [sflag:$0x2] =	stream.linear.gather [hbm4b:s0+s22], $0x80, $0x38;
	[tilespmem:$0x16400] =	vst v63  }
0xe5: {  	s31 =	sadd.s32 $0xAB80, s23;
	s24 =	simm.s32 $0x100;
	s1 =	sadd.s32 s3, s29  }
0xe6: {  	[tilespmem:s31], [sflag:$0x2] =	stream.linear.gather [hbm4b:s1+s22], $0x80, $0x38;
	[tilespmem:$0x16400] =	vst v63  }
0xe7: {  	v0 =	vld [tilespmem:s24+$0x0];
	_ =	sdelay $0x4  }
0xe8: {  	v0 =	vshll.u32 v0, $0x4  }
0xe9: {  	(v2sf) =	vpush v0, $0x0  }
0xea: {  	(v2sf) =	vpush v0, $0x1  }
0xeb: {  	(v2sf) =	vpush v0, $0x2;
	_ =	sdelay $0x1  }
0xec: {  	(v2sf) =	vpush v0, $0x4;
	_ =	sdelay $0x1  }
0xed: {  	(v2sf) =	vpush v0, $0x3  }
0xee: {  	(v2sf) =	vpush v0, $0x5  }
0xef: {  	s23 =	simm.s32 $0x0;
	s25 =	simm.s32 $0x2000;
	(v2sf) =	vpush v0, $0x6  }
.LBB2_6:
0xf0: {  	p0 =	sne.s32 s25, $0xE000  }
0xf1: {  	s8 =	sadd.s32 $0xE480, s23;
	s30 =	sadd.s32 $0xE980, s23;
	s26 =	smov.u32 s25  }
0xf2: {  	s25 =	sadd.s32 $0x2000, s25;
	s1 =	sadd.s32 $0xE780, s23;
	s28 =	sadd.s32 $0xEA00, s23;
	(v2sf) =	vpush v0, $0x7  }
0xf3: {  	s7 =	sadd.s32 $0xE680, s23;
	s0 =	sadd.s32 $0xE800, s23;
	s29 =	sadd.s32 $0xEA80, s23  }
0xf4: {  	s10 =	sadd.s32 $0xE400, s23;
	s12 =	sadd.s32 $0xE600, s23;
	(v2sf) =	vpush v0, $0x8  }
0xf5: {  	s22 =	simm.s32 $0x0;
	s13 =	sadd.s32 $0xE700, s23;
	s24 =	sadd.s32 $0x10, s24  }
0xf6: {  	s14 =	sadd.s32 $0xE500, s23;
	s31 =	sadd.s32 $0xE900, s23;
	s5 =	spop (v2sf);
	(v2sf) =	vpush v0, $0x9  }
0xf7: {  	s15 =	sand.u32 $0x1FFFFFF0, s5;
	s5 =	sadd.s32 $0xE880, s23;
	s16 =	spop (v2sf)  }
0xf8: {  	s15 =	sadd.s32 s3, s15;
	s16 =	sand.u32 $0x1FFFFFF0, s16;
	s18 =	spop (v2sf);
	(v2sf) =	vpush v0, $0xA  }
0xf9: {  	[tilespmem:s10], [sflag:$0x3] =	stream.linear.gather [hbm4b:s15+s22], $0x80, $0x38;
	[tilespmem:$0x16400] =	vst v63  }
0xfa: {  	s10 =	sadd.s32 s3, s16;
	s15 =	sadd.s32 $0xE580, s23;
	s16 =	spop (v2sf);
	(v2sf) =	vpush v0, $0xB  }
0xfb: {  	[tilespmem:s8], [sflag:$0x3] =	stream.linear.gather [hbm4b:s10+s22], $0x80, $0x38;
	[tilespmem:$0x16400] =	vst v63  }
0xfc: {  	s8 =	sand.u32 $0x1FFFFFF0, s18;
	s10 =	sand.u32 $0x1FFFFFF0, s16;
	s16 =	spop (v2sf);
	(v2sf) =	vpush v0, $0xC  }
0xfd: {  	s8 =	sadd.s32 s3, s8;
	s16 =	sand.u32 $0x1FFFFFF0, s16;
	s18 =	spop (v2sf)  }
0xfe: {  	[tilespmem:s14], [sflag:$0x3] =	stream.linear.gather [hbm4b:s8+s22], $0x80, $0x38;
	(v2sf) =	vpush v0, $0xD;
	[tilespmem:$0x16400] =	vst v63  }
0xff: {  	s8 =	sadd.s32 s3, s16;
	s14 =	sand.u32 $0x1FFFFFF0, s18;
	s16 =	spop (v2sf)  }
0x100: {  	[tilespmem:s15], [sflag:$0x3] =	stream.linear.gather [hbm4b:s8+s22], $0x80, $0x38;
	(v2sf) =	vpush v0, $0xE;
	[tilespmem:$0x16400] =	vst v63  }
0x101: {  	s8 =	sadd.s32 s3, s10;
	s10 =	sand.u32 $0x1FFFFFF0, s16;
	s15 =	spop (v2sf)  }
0x102: {  	[tilespmem:s12], [sflag:$0x3] =	stream.linear.gather [hbm4b:s8+s22], $0x80, $0x38;
	(v2sf) =	vpush v0, $0xF;
	[tilespmem:$0x16400] =	vst v63  }
0x103: {  	s8 =	sadd.s32 s3, s14;
	s12 =	sand.u32 $0x1FFFFFF0, s15;
	s14 =	spop (v2sf)  }
0x104: {  	[tilespmem:s7], [sflag:$0x3] =	stream.linear.gather [hbm4b:s8+s22], $0x80, $0x38;
	[tilespmem:$0x16400] =	vst v63  }
0x105: {  	s7 =	sadd.s32 s3, s10;
	s8 =	sand.u32 $0x1FFFFFF0, s14;
	s10 =	spop (v2sf)  }
0x106: {  	[tilespmem:s13], [sflag:$0x3] =	stream.linear.gather [hbm4b:s7+s22], $0x80, $0x38;
	[tilespmem:$0x16400] =	vst v63  }
0x107: {  	s7 =	sadd.s32 s3, s12;
	s10 =	sand.u32 $0x1FFFFFF0, s10;
	s12 =	spop (v2sf)  }
0x108: {  	[tilespmem:s1], [sflag:$0x3] =	stream.linear.gather [hbm4b:s7+s22], $0x80, $0x38;
	[tilespmem:$0x16400] =	vst v63  }
0x109: {  	s1 =	sadd.s32 s3, s8;
	s7 =	sand.u32 $0x1FFFFFF0, s12;
	s8 =	spop (v2sf)  }
0x10a: {  	[tilespmem:s0], [sflag:$0x3] =	stream.linear.gather [hbm4b:s1+s22], $0x80, $0x38;
	[tilespmem:$0x16400] =	vst v63  }
0x10b: {  	s0 =	sadd.s32 s3, s10;
	s1 =	sand.u32 $0x1FFFFFF0, s8;
	s8 =	spop (v2sf)  }
0x10c: {  	[tilespmem:s5], [sflag:$0x3] =	stream.linear.gather [hbm4b:s0+s22], $0x80, $0x38;
	[tilespmem:$0x16400] =	vst v63  }
0x10d: {  	s0 =	sadd.s32 s3, s7;
	s5 =	sand.u32 $0x1FFFFFF0, s8;
	s7 =	spop (v2sf)  }
0x10e: {  	[tilespmem:s31], [sflag:$0x3] =	stream.linear.gather [hbm4b:s0+s22], $0x80, $0x38;
	[tilespmem:$0x16400] =	vst v63  }
0x10f: {  	s0 =	sadd.s32 s3, s1;
	s1 =	sand.u32 $0x1FFFFFF0, s7;
	s7 =	spop (v2sf)  }
0x110: {  	[tilespmem:s30], [sflag:$0x3] =	stream.linear.gather [hbm4b:s0+s22], $0x80, $0x38;
	[tilespmem:$0x16400] =	vst v63  }
0x111: {  	s0 =	sadd.s32 s3, s5;
	s5 =	sand.u32 $0x1FFFFFF0, s7;
	s7 =	spop (v2sf)  }
0x112: {  	[tilespmem:s28], [sflag:$0x3] =	stream.linear.gather [hbm4b:s0+s22], $0x80, $0x38;
	[tilespmem:$0x16400] =	vst v63  }
0x113: {  	s0 =	sadd.s32 s3, s1;
	s1 =	sand.u32 $0x1FFFFFF0, s7  }
0x114: {  	[tilespmem:s29], [sflag:$0x3] =	stream.linear.gather [hbm4b:s0+s22], $0x80, $0x38;
	[tilespmem:$0x16400] =	vst v63  }
0x115: {  	s5 =	sadd.s32 s3, s5;
	s0 =	sadd.s32 $0xEB00, s23  }
0x116: {  	[tilespmem:s0], [sflag:$0x3] =	stream.linear.gather [hbm4b:s5+s22], $0x80, $0x38;
	[tilespmem:$0x16400] =	vst v63  }
0x117: {  	s1 =	sadd.s32 s3, s1;
	s0 =	sadd.s32 $0xEB80, s23  }
0x118: {  	[tilespmem:s0], [sflag:$0x3] =	stream.linear.gather [hbm4b:s1+s22], $0x80, $0x38;
	[tilespmem:$0x16400] =	vst v63  }
0x119: {  	v0 =	vld [tilespmem:s24+$0x0];
	_ =	sdelay $0x4  }
0x11a: {  	v0 =	vshll.u32 v0, $0x4  }
0x11b: {  	(v2sf) =	vpush v0, $0x0  }
0x11c: {  	(v2sf) =	vpush v0, $0x1  }
0x11d: {  	(v2sf) =	vpush v0, $0x2;
	_ =	sdelay $0x1  }
0x11e: {  	(v2sf) =	vpush v0, $0x4  }
.Ltmp4:
0x11f: {  	(pc) =	sbr.rel @p0 .LBB2_6-.Ltmp4, $3  }
0x120: {  	(v2sf) =	vpush v0, $0x3  }
0x121: {  	(v2sf) =	vpush v0, $0x5;
	_ =	sdelay $0x1  }
0x122: {  	s23 =	sshra.s32 s26, $0x2;
	(v2sf) =	vpush v0, $0x6  }
0x123: {  	_ =	sdelay $0x2  }
0x124: {  	s7 =	sadd.s32 $0xE480, s23;
	s5 =	sadd.s32 $0xE980, s23;
	s8 =	sadd.s32 $0xE780, s23;
	(v2sf) =	vpush v0, $0x7  }
0x125: {  	s10 =	sadd.s32 $0xE680, s23;
	s12 =	sadd.s32 $0xE800, s23;
	s13 =	sadd.s32 $0xE400, s23  }
0x126: {  	s14 =	sadd.s32 $0xE600, s23;
	s15 =	sadd.s32 $0xE700, s23;
	(v2sf) =	vpush v0, $0x8;
	s16 =	spop (v2sf)  }
0x127: {  	s18 =	sadd.s32 $0xE500, s23;
	s16 =	sand.u32 $0x1FFFFFF0, s16;
	s24 =	spop (v2sf)  }
0x128: {  	(v2sf) =	vpush v0, $0x9;
	s16 =	sadd.s32 s3, s16;
	s24 =	sand.u32 $0x1FFFFFF0, s24;
	s25 =	spop (v2sf)  }
0x129: {  	[tilespmem:s13], [sflag:$0x3] =	stream.linear.gather [hbm4b:s16+s22], $0x80, $0x38;
	[tilespmem:$0x16400] =	vst v63  }
0x12a: {  	s26 =	sadd.s32 $0xE580, s23;
	(v2sf) =	vpush v0, $0xA;
	s29 =	sadd.s32 s3, s24;
	s30 =	spop (v2sf)  }
0x12b: {  	[tilespmem:s7], [sflag:$0x3] =	stream.linear.gather [hbm4b:s29+s22], $0x80, $0x38;
	[tilespmem:$0x16400] =	vst v63  }
0x12c: {  	s13 =	sadd.s32 $0xE900, s23;
	s31 =	sand.u32 $0x1FFFFFF0, s25;
	(v2sf) =	vpush v0, $0xB;
	s20 =	spop (v2sf)  }
0x12d: {  	s16 =	sadd.s32 s3, s31;
	s7 =	sadd.s32 $0xE880, s23;
	s25 =	sand.u32 $0x1FFFFFF0, s20  }
0x12e: {  	(v2sf) =	vpush v0, $0xC;
	[tilespmem:s18], [sflag:$0x3] =	stream.linear.gather [hbm4b:s16+s22], $0x80, $0x38;
	[tilespmem:$0x16400] =	vst v63  }
0x12f: {  	s28 =	sand.u32 $0x1FFFFFF0, s30;
	s29 =	spop (v2sf);
	s30 =	sadd.s32 s3, s25  }
0x130: {  	(v2sf) =	vpush v0, $0xD;
	[tilespmem:s26], [sflag:$0x3] =	stream.linear.gather [hbm4b:s30+s22], $0x80, $0x38;
	[tilespmem:$0x16400] =	vst v63  }
0x131: {  	s16 =	sadd.s32 s3, s28;
	s18 =	sand.u32 $0x1FFFFFF0, s29;
	s31 =	spop (v2sf)  }
0x132: {  	[tilespmem:s14], [sflag:$0x3] =	stream.linear.gather [hbm4b:s16+s22], $0x80, $0x38;
	[tilespmem:$0x16400] =	vst v63  }
0x133: {  	s18 =	sadd.s32 s3, s18;
	s20 =	sand.u32 $0x1FFFFFF0, s31;
	s24 =	spop (v2sf)  }
0x134: {  	(v2sf) =	vpush v0, $0xE;
	[tilespmem:s10], [sflag:$0x3] =	stream.linear.gather [hbm4b:s18+s22], $0x80, $0x38;
	[tilespmem:$0x16400] =	vst v63  }
0x135: {  	s25 =	sand.u32 $0x1FFFFFF0, s24;
	s26 =	spop (v2sf);
	s14 =	sadd.s32 s3, s20  }
0x136: {  	(v2sf) =	vpush v0, $0xF;
	[tilespmem:s15], [sflag:$0x3] =	stream.linear.gather [hbm4b:s14+s22], $0x80, $0x38;
	[tilespmem:$0x16400] =	vst v63  }
0x137: {  	s28 =	sand.u32 $0x1FFFFFF0, s26;
	s10 =	sadd.s32 s3, s25;
	s29 =	spop (v2sf)  }
0x138: {  	[tilespmem:s8], [sflag:$0x3] =	stream.linear.gather [hbm4b:s10+s22], $0x80, $0x38;
	[tilespmem:$0x16400] =	vst v63  }
0x139: {  	s14 =	sadd.s32 s3, s28;
	s30 =	sand.u32 $0x1FFFFFF0, s29;
	s31 =	spop (v2sf)  }
0x13a: {  	[tilespmem:s12], [sflag:$0x3] =	stream.linear.gather [hbm4b:s14+s22], $0x80, $0x38;
	[tilespmem:$0x16400] =	vst v63  }
0x13b: {  	s10 =	sand.u32 $0x1FFFFFF0, s31;
	s8 =	sadd.s32 s3, s30;
	s15 =	spop (v2sf)  }
0x13c: {  	[tilespmem:s7], [sflag:$0x3] =	stream.linear.gather [hbm4b:s8+s22], $0x80, $0x38;
	[tilespmem:$0x16400] =	vst v63  }
0x13d: {  	s10 =	sadd.s32 s3, s10;
	s16 =	sand.u32 $0x1FFFFFF0, s15;
	s18 =	spop (v2sf)  }
0x13e: {  	[tilespmem:s13], [sflag:$0x3] =	stream.linear.gather [hbm4b:s10+s22], $0x80, $0x38;
	[tilespmem:$0x16400] =	vst v63  }
0x13f: {  	s7 =	sadd.s32 s3, s16;
	s8 =	sand.u32 $0x1FFFFFF0, s18;
	s20 =	spop (v2sf)  }
0x140: {  	[tilespmem:s5], [sflag:$0x3] =	stream.linear.gather [hbm4b:s7+s22], $0x80, $0x38;
	[tilespmem:$0x16400] =	vst v63  }
0x141: {  	s0 =	sadd.s32 $0xEA00, s23;
	s24 =	sand.u32 $0x1FFFFFF0, s20;
	s8 =	sadd.s32 s3, s8  }
0x142: {  	[tilespmem:s0], [sflag:$0x3] =	stream.linear.gather [hbm4b:s8+s22], $0x80, $0x38;
	[tilespmem:$0x16400] =	vst v63  }
0x143: {  	s1 =	sadd.s32 $0xEA80, s23;
	s25 =	spop (v2sf);
	s5 =	sadd.s32 s3, s24  }
0x144: {  	[tilespmem:s1], [sflag:$0x3] =	stream.linear.gather [hbm4b:s5+s22], $0x80, $0x38;
	[tilespmem:$0x16400] =	vst v63  }
.Ltmp5:
0x145: {  	s26 =	sand.u32 $0x1FFFFFF0, s25;
	s28 =	spop (v2sf);
	(pc) =	sbr.rel .LBB2_8-.Ltmp5, $4  }
0x146: {  	s30 =	sadd.s32 $0xEB00, s23;
	s29 =	sand.u32 $0x1FFFFFF0, s28;
	s0 =	sadd.s32 s3, s26  }
0x147: {  	[tilespmem:s30], [sflag:$0x3] =	stream.linear.gather [hbm4b:s0+s22], $0x80, $0x38;
	[tilespmem:$0x16400] =	vst v63  }
0x148: {  	s31 =	sadd.s32 $0xEB80, s23;
	s23 =	simm.s32 $0x180;
	s1 =	sadd.s32 s3, s29  }
0x149: {  	[tilespmem:s31], [sflag:$0x3] =	stream.linear.gather [hbm4b:s1+s22], $0x80, $0x38;
	[tilespmem:$0x16400] =	vst v63  }
.LBB2_26:
0x14a: {  	s7 =	sadd.s32 $0xE480, s24;
	s5 =	sadd.s32 $0xE980, s24  }
0x14b: {  	s8 =	sadd.s32 $0xE780, s24;
	s0 =	sadd.s32 $0xEA00, s24;
	s10 =	sadd.s32 $0xE680, s24  }
0x14c: {  	(v2sf) =	vpush v0, $0x7;
	s12 =	sadd.s32 $0xE800, s24;
	s1 =	sadd.s32 $0xEA80, s24;
	s16 =	spop (v2sf)  }
0x14d: {  	s13 =	sadd.s32 $0xE400, s24;
	s16 =	sand.u32 $0x1FFFFFF0, s16;
	s20 =	spop (v2sf)  }
0x14e: {  	(v2sf) =	vpush v0, $0x8;
	s16 =	sadd.s32 s3, s16;
	s20 =	sand.u32 $0x1FFFFFF0, s20;
	s25 =	spop (v2sf)  }
0x14f: {  	(v2sf) =	vpush v0, $0x9;
	[tilespmem:s13], [sflag:$0x3] =	stream.linear.gather [hbm4b:s16+s2], $0x80, $0x38;
	[tilespmem:$0x16400] =	vst v63  }
0x150: {  	s14 =	sadd.s32 $0xE600, s24;
	s26 =	sadd.s32 s3, s20;
	s28 =	spop (v2sf)  }
0x151: {  	(v2sf) =	vpush v0, $0xA;
	[tilespmem:s7], [sflag:$0x3] =	stream.linear.gather [hbm4b:s26+s2], $0x80, $0x38;
	[tilespmem:$0x16400] =	vst v63  }
0x152: {  	s18 =	sadd.s32 $0xE500, s24;
	s29 =	sand.u32 $0x1FFFFFF0, s25;
	s30 =	spop (v2sf)  }
0x153: {  	(v2sf) =	vpush v0, $0xB;
	s16 =	sadd.s32 s3, s29;
	s26 =	sadd.s32 $0xE580, s24;
	s25 =	sand.u32 $0x1FFFFFF0, s30  }
0x154: {  	[tilespmem:s18], [sflag:$0x3] =	stream.linear.gather [hbm4b:s16+s2], $0x80, $0x38;
	[tilespmem:$0x16400] =	vst v63  }
0x155: {  	s31 =	sand.u32 $0x1FFFFFF0, s28;
	(v2sf) =	vpush v0, $0xC;
	s28 =	spop (v2sf);
	s29 =	sadd.s32 s3, s25  }
0x156: {  	[tilespmem:s26], [sflag:$0x3] =	stream.linear.gather [hbm4b:s29+s2], $0x80, $0x38;
	[tilespmem:$0x16400] =	vst v63  }
0x157: {  	(v2sf) =	vpush v0, $0xD;
	s16 =	sadd.s32 s3, s31;
	s18 =	sand.u32 $0x1FFFFFF0, s28;
	s30 =	spop (v2sf)  }
0x158: {  	[tilespmem:s14], [sflag:$0x3] =	stream.linear.gather [hbm4b:s16+s2], $0x80, $0x38;
	[tilespmem:$0x16400] =	vst v63  }
0x159: {  	s15 =	sadd.s32 $0xE700, s24;
	(v2sf) =	vpush v0, $0xE;
	s18 =	sadd.s32 s3, s18;
	s31 =	sand.u32 $0x1FFFFFF0, s30  }
0x15a: {  	[tilespmem:s10], [sflag:$0x3] =	stream.linear.gather [hbm4b:s18+s2], $0x80, $0x38;
	[tilespmem:$0x16400] =	vst v63  }
0x15b: {  	s13 =	sadd.s32 $0xE900, s24;
	(v2sf) =	vpush v0, $0xF;
	s14 =	sadd.s32 s3, s31;
	s20 =	spop (v2sf)  }
0x15c: {  	[tilespmem:s15], [sflag:$0x3] =	stream.linear.gather [hbm4b:s14+s2], $0x80, $0x38;
	[tilespmem:$0x16400] =	vst v63  }
0x15d: {  	s7 =	sadd.s32 $0xE880, s24;
	s25 =	sand.u32 $0x1FFFFFF0, s20;
	s26 =	spop (v2sf)  }
0x15e: {  	s28 =	sand.u32 $0x1FFFFFF0, s26;
	s29 =	spop (v2sf);
	s10 =	sadd.s32 s3, s25  }
0x15f: {  	[tilespmem:s8], [sflag:$0x3] =	stream.linear.gather [hbm4b:s10+s2], $0x80, $0x38;
	[tilespmem:$0x16400] =	vst v63  }
0x160: {  	s30 =	sand.u32 $0x1FFFFFF0, s29;
	s31 =	spop (v2sf);
	s14 =	sadd.s32 s3, s28  }
0x161: {  	[tilespmem:s12], [sflag:$0x3] =	stream.linear.gather [hbm4b:s14+s2], $0x80, $0x38;
	[tilespmem:$0x16400] =	vst v63  }
0x162: {  	s10 =	sand.u32 $0x1FFFFFF0, s31;
	s8 =	sadd.s32 s3, s30;
	s14 =	spop (v2sf)  }
0x163: {  	[tilespmem:s7], [sflag:$0x3] =	stream.linear.gather [hbm4b:s8+s2], $0x80, $0x38;
	[tilespmem:$0x16400] =	vst v63  }
0x164: {  	s10 =	sadd.s32 s3, s10;
	s15 =	sand.u32 $0x1FFFFFF0, s14;
	s16 =	spop (v2sf)  }
0x165: {  	[tilespmem:s13], [sflag:$0x3] =	stream.linear.gather [hbm4b:s10+s2], $0x80, $0x38;
	[tilespmem:$0x16400] =	vst v63  }
0x166: {  	s8 =	sand.u32 $0x1FFFFFF0, s16;
	s18 =	spop (v2sf);
	s7 =	sadd.s32 s3, s15  }
0x167: {  	[tilespmem:s5], [sflag:$0x3] =	stream.linear.gather [hbm4b:s7+s2], $0x80, $0x38;
	[tilespmem:$0x16400] =	vst v63  }
0x168: {  	s20 =	sand.u32 $0x1FFFFFF0, s18;
	s8 =	sadd.s32 s3, s8;
	s25 =	spop (v2sf)  }
0x169: {  	[tilespmem:s0], [sflag:$0x3] =	stream.linear.gather [hbm4b:s8+s2], $0x80, $0x38;
	[tilespmem:$0x16400] =	vst v63  }
0x16a: {  	s26 =	sand.u32 $0x1FFFFFF0, s25;
	s28 =	spop (v2sf);
	s5 =	sadd.s32 s3, s20  }
0x16b: {  	[tilespmem:s1], [sflag:$0x3] =	stream.linear.gather [hbm4b:s5+s2], $0x80, $0x38;
	[tilespmem:$0x16400] =	vst v63  }
0x16c: {  	s30 =	sadd.s32 $0xEB00, s24;
	s29 =	sand.u32 $0x1FFFFFF0, s28;
	s0 =	sadd.s32 s3, s26  }
0x16d: {  	[tilespmem:s30], [sflag:$0x3] =	stream.linear.gather [hbm4b:s0+s2], $0x80, $0x38;
	[tilespmem:$0x16400] =	vst v63  }
0x16e: {  	s31 =	sadd.s32 $0xEB80, s24;
	s1 =	sadd.s32 s3, s29  }
0x16f: {  	[tilespmem:s31], [sflag:$0x3] =	stream.linear.gather [hbm4b:s1+s2], $0x80, $0x38;
	[tilespmem:$0x16400] =	vst v63  }
.LBB2_27:
0x170: {  	s22 =	sadd.s32 $0x1, s22  }
0x171: {  	p0 =	sne.s32 s22, $0xC8  }
.Ltmp6:
0x172: {  	_ = 	snop;
	(pc) =	sbr.rel @!p0 .LBB2_28-.Ltmp6, $2  }
0x173: {  	_ =	sdelay $0x2  }
0x174: {  	s23 =	sadd.s32 $0x80, s23  }
.LBB2_8:
0x175: {  	s0 =	sand.u32 $0x3, s22  }
0x176: {  	p0 =	sgt.s32 s0, $0x1  }
.Ltmp7:
0x177: {  	_ = 	snop;
	(pc) =	sbr.rel @p0 .LBB2_22-.Ltmp7, $1  }
0x178: {  	_ =	sdelay $0x3  }
0x179: {  	p0 =	seq.s32 s0, $0x0  }
.Ltmp8:
0x17a: {  	_ = 	snop;
	(pc) =	sbr.rel @!p0 .LBB2_14-.Ltmp8, $1  }
0x17b: {  	_ =	sdelay $0x3  }
0x17c: {  	p0 =	sgt.u32 s22, $0xC4  }
.Ltmp9:
0x17d: {  	s0 =	sshll.u32 s22, $0xE;
	(pc) =	sbr.rel @p0 .LBB2_27-.Ltmp9, $4  }
0x17e: {  	_ =	swait.ge [sflag:s9], $0x4000;
	s0 =	sadd.s32 s6, s0  }
0x17f: {  	[sflag:s9] =	ssyncset.done $0x0;
	s0 =	sshrl.u32 s0, $0x3  }
0x180: {  	s1 =	simm.s32 $0x6400;
	[sflag:s9] =	ssyncadd.s32 $0xFFFFC000;
	s0 =	sadd.s32 s4, s0  }
0x181: {  	[hbm4b:s0+s2] =	stream.linear.scatter [tilespmem:s1], [sflag:$0x5], $0x4000, $0x38;
	[tilespmem:$0x16400] =	vst v63  }
0x182: {  	p0 =	seq.s32 s22, $0x0  }
0x183: {  	s0 =	simm.s32 @!p0 $0x8  }
0x184: {  	_ =	swait.ge @!p0 [sflag:s0], $0x4000  }
0x185: {  	[sflag:s0] =	ssyncset.done @!p0 $0x0  }
0x186: {  	[sflag:s0] =	ssyncadd.s32 @!p0 $0xFFFFC000  }
0x187: {  	v0 =	vld [tilespmem:s23+$0x0];
	_ =	sdelay $0x4  }
0x188: {  	v0 =	vshll.u32 v0, $0x4  }
0x189: {  	(v2sf) =	vpush v0, $0x0  }
0x18a: {  	(v2sf) =	vpush v0, $0x1  }
0x18b: {  	(v2sf) =	vpush v0, $0x2;
	_ =	sdelay $0x1  }
0x18c: {  	(v2sf) =	vpush v0, $0x4;
	_ =	sdelay $0x1  }
0x18d: {  	(v2sf) =	vpush v0, $0x3  }
0x18e: {  	(v2sf) =	vpush v0, $0x5  }
0x18f: {  	s25 =	simm.s32 $0x2000;
	s24 =	simm.s32 $0x0;
	s26 =	smov.u32 s23;
	(v2sf) =	vpush v0, $0x6  }
.LBB2_12:
0x190: {  	p0 =	seq.s32 s25, $0xE000  }
0x191: {  	s10 =	sadd.s32 $0x12480, s24;
	s31 =	sadd.s32 $0x12980, s24;
	s28 =	smov.u32 s25  }
0x192: {  	s25 =	sadd.s32 $0x2000, s25;
	s5 =	sadd.s32 $0x12780, s24;
	s29 =	sadd.s32 $0x12A00, s24;
	(v2sf) =	vpush v0, $0x7  }
0x193: {  	s8 =	sadd.s32 $0x12680, s24;
	s1 =	sadd.s32 $0x12800, s24;
	s30 =	sadd.s32 $0x12A80, s24  }
0x194: {  	s12 =	sadd.s32 $0x12400, s24;
	s13 =	sadd.s32 $0x12600, s24;
	(v2sf) =	vpush v0, $0x8  }
0x195: {  	s14 =	sadd.s32 $0x12700, s24;
	s26 =	sadd.s32 $0x10, s26  }
0x196: {  	s15 =	sadd.s32 $0x12500, s24;
	s0 =	sadd.s32 $0x12900, s24;
	s7 =	spop (v2sf);
	(v2sf) =	vpush v0, $0x9  }
0x197: {  	s16 =	sand.u32 $0x1FFFFFF0, s7;
	s7 =	sadd.s32 $0x12880, s24;
	s18 =	spop (v2sf)  }
0x198: {  	s16 =	sadd.s32 s3, s16;
	s18 =	sand.u32 $0x1FFFFFF0, s18;
	s20 =	spop (v2sf);
	(v2sf) =	vpush v0, $0xA  }
0x199: {  	[tilespmem:s12], [sflag:$0x4] =	stream.linear.gather [hbm4b:s16+s2], $0x80, $0x38;
	[tilespmem:$0x16400] =	vst v63  }
0x19a: {  	s12 =	sadd.s32 s3, s18;
	s16 =	sadd.s32 $0x12580, s24;
	s18 =	spop (v2sf);
	(v2sf) =	vpush v0, $0xB  }
0x19b: {  	[tilespmem:s10], [sflag:$0x4] =	stream.linear.gather [hbm4b:s12+s2], $0x80, $0x38;
	[tilespmem:$0x16400] =	vst v63  }
0x19c: {  	s10 =	sand.u32 $0x1FFFFFF0, s20;
	s12 =	sand.u32 $0x1FFFFFF0, s18;
	s18 =	spop (v2sf);
	(v2sf) =	vpush v0, $0xC  }
0x19d: {  	s10 =	sadd.s32 s3, s10;
	s18 =	sand.u32 $0x1FFFFFF0, s18;
	s20 =	spop (v2sf)  }
0x19e: {  	[tilespmem:s15], [sflag:$0x4] =	stream.linear.gather [hbm4b:s10+s2], $0x80, $0x38;
	(v2sf) =	vpush v0, $0xD;
	[tilespmem:$0x16400] =	vst v63  }
0x19f: {  	s10 =	sadd.s32 s3, s18;
	s15 =	sand.u32 $0x1FFFFFF0, s20;
	s18 =	spop (v2sf)  }
0x1a0: {  	[tilespmem:s16], [sflag:$0x4] =	stream.linear.gather [hbm4b:s10+s2], $0x80, $0x38;
	(v2sf) =	vpush v0, $0xE;
	[tilespmem:$0x16400] =	vst v63  }
0x1a1: {  	s10 =	sadd.s32 s3, s12;
	s12 =	sand.u32 $0x1FFFFFF0, s18;
	s16 =	spop (v2sf)  }
0x1a2: {  	[tilespmem:s13], [sflag:$0x4] =	stream.linear.gather [hbm4b:s10+s2], $0x80, $0x38;
	(v2sf) =	vpush v0, $0xF;
	[tilespmem:$0x16400] =	vst v63  }
0x1a3: {  	s10 =	sadd.s32 s3, s15;
	s13 =	sand.u32 $0x1FFFFFF0, s16;
	s15 =	spop (v2sf)  }
0x1a4: {  	[tilespmem:s8], [sflag:$0x4] =	stream.linear.gather [hbm4b:s10+s2], $0x80, $0x38;
	[tilespmem:$0x16400] =	vst v63  }
0x1a5: {  	s8 =	sadd.s32 s3, s12;
	s10 =	sand.u32 $0x1FFFFFF0, s15;
	s12 =	spop (v2sf)  }
0x1a6: {  	[tilespmem:s14], [sflag:$0x4] =	stream.linear.gather [hbm4b:s8+s2], $0x80, $0x38;
	[tilespmem:$0x16400] =	vst v63  }
0x1a7: {  	s8 =	sadd.s32 s3, s13;
	s12 =	sand.u32 $0x1FFFFFF0, s12;
	s13 =	spop (v2sf)  }
0x1a8: {  	[tilespmem:s5], [sflag:$0x4] =	stream.linear.gather [hbm4b:s8+s2], $0x80, $0x38;
	[tilespmem:$0x16400] =	vst v63  }
0x1a9: {  	s5 =	sadd.s32 s3, s10;
	s8 =	sand.u32 $0x1FFFFFF0, s13;
	s10 =	spop (v2sf)  }
0x1aa: {  	[tilespmem:s1], [sflag:$0x4] =	stream.linear.gather [hbm4b:s5+s2], $0x80, $0x38;
	[tilespmem:$0x16400] =	vst v63  }
0x1ab: {  	s1 =	sadd.s32 s3, s12;
	s5 =	sand.u32 $0x1FFFFFF0, s10;
	s10 =	spop (v2sf)  }
0x1ac: {  	[tilespmem:s7], [sflag:$0x4] =	stream.linear.gather [hbm4b:s1+s2], $0x80, $0x38;
	[tilespmem:$0x16400] =	vst v63  }
0x1ad: {  	s1 =	sadd.s32 s3, s8;
	s7 =	sand.u32 $0x1FFFFFF0, s10;
	s8 =	spop (v2sf)  }
0x1ae: {  	[tilespmem:s0], [sflag:$0x4] =	stream.linear.gather [hbm4b:s1+s2], $0x80, $0x38;
	[tilespmem:$0x16400] =	vst v63  }
0x1af: {  	s0 =	sadd.s32 s3, s5;
	s1 =	sand.u32 $0x1FFFFFF0, s8;
	s5 =	spop (v2sf)  }
0x1b0: {  	[tilespmem:s31], [sflag:$0x4] =	stream.linear.gather [hbm4b:s0+s2], $0x80, $0x38;
	[tilespmem:$0x16400] =	vst v63  }
0x1b1: {  	s0 =	sadd.s32 s3, s7;
	s5 =	sand.u32 $0x1FFFFFF0, s5;
	s7 =	spop (v2sf)  }
0x1b2: {  	[tilespmem:s29], [sflag:$0x4] =	stream.linear.gather [hbm4b:s0+s2], $0x80, $0x38;
	[tilespmem:$0x16400] =	vst v63  }
0x1b3: {  	s0 =	sadd.s32 s3, s1;
	s1 =	sand.u32 $0x1FFFFFF0, s7  }
0x1b4: {  	[tilespmem:s30], [sflag:$0x4] =	stream.linear.gather [hbm4b:s0+s2], $0x80, $0x38;
	[tilespmem:$0x16400] =	vst v63  }
0x1b5: {  	s5 =	sadd.s32 s3, s5;
	s0 =	sadd.s32 $0x12B00, s24  }
0x1b6: {  	[tilespmem:s0], [sflag:$0x4] =	stream.linear.gather [hbm4b:s5+s2], $0x80, $0x38;
	[tilespmem:$0x16400] =	vst v63  }
0x1b7: {  	s1 =	sadd.s32 s3, s1;
	s0 =	sadd.s32 $0x12B80, s24  }
0x1b8: {  	[tilespmem:s0], [sflag:$0x4] =	stream.linear.gather [hbm4b:s1+s2], $0x80, $0x38;
	[tilespmem:$0x16400] =	vst v63  }
0x1b9: {  	v0 =	vld [tilespmem:s26+$0x0];
	_ =	sdelay $0x4  }
0x1ba: {  	v0 =	vshll.u32 v0, $0x4  }
0x1bb: {  	(v2sf) =	vpush v0, $0x0  }
0x1bc: {  	(v2sf) =	vpush v0, $0x1  }
0x1bd: {  	(v2sf) =	vpush v0, $0x2;
	_ =	sdelay $0x1  }
0x1be: {  	(v2sf) =	vpush v0, $0x4  }
.Ltmp10:
0x1bf: {  	(pc) =	sbr.rel @!p0 .LBB2_12-.Ltmp10, $3  }
0x1c0: {  	(v2sf) =	vpush v0, $0x3  }
0x1c1: {  	(v2sf) =	vpush v0, $0x5;
	_ =	sdelay $0x1  }
0x1c2: {  	s24 =	sshra.s32 s28, $0x2;
	(v2sf) =	vpush v0, $0x6  }
0x1c3: {  	_ =	sdelay $0x2  }
0x1c4: {  	s7 =	sadd.s32 $0x12480, s24;
	s5 =	sadd.s32 $0x12980, s24;
	s8 =	sadd.s32 $0x12780, s24;
	(v2sf) =	vpush v0, $0x7  }
0x1c5: {  	s10 =	sadd.s32 $0x12680, s24;
	s12 =	sadd.s32 $0x12800, s24;
	s13 =	sadd.s32 $0x12400, s24  }
0x1c6: {  	s14 =	sadd.s32 $0x12600, s24;
	s15 =	sadd.s32 $0x12700, s24;
	(v2sf) =	vpush v0, $0x8;
	s16 =	spop (v2sf)  }
0x1c7: {  	s18 =	sadd.s32 $0x12500, s24;
	s16 =	sand.u32 $0x1FFFFFF0, s16;
	s20 =	spop (v2sf)  }
0x1c8: {  	(v2sf) =	vpush v0, $0x9;
	s16 =	sadd.s32 s3, s16;
	s20 =	sand.u32 $0x1FFFFFF0, s20;
	s25 =	spop (v2sf)  }
0x1c9: {  	[tilespmem:s13], [sflag:$0x4] =	stream.linear.gather [hbm4b:s16+s2], $0x80, $0x38;
	[tilespmem:$0x16400] =	vst v63  }
0x1ca: {  	(v2sf) =	vpush v0, $0xA;
	s26 =	sadd.s32 s3, s20;
	s29 =	sand.u32 $0x1FFFFFF0, s25;
	s28 =	spop (v2sf)  }
0x1cb: {  	[tilespmem:s7], [sflag:$0x4] =	stream.linear.gather [hbm4b:s26+s2], $0x80, $0x38;
	[tilespmem:$0x16400] =	vst v63  }
0x1cc: {  	s13 =	sadd.s32 $0x12900, s24;
	(v2sf) =	vpush v0, $0xB;
	s16 =	sadd.s32 s3, s29;
	s30 =	spop (v2sf)  }
0x1cd: {  	s7 =	sadd.s32 $0x12880, s24;
	s26 =	sadd.s32 $0x12580, s24;
	s25 =	sand.u32 $0x1FFFFFF0, s30  }
0x1ce: {  	(v2sf) =	vpush v0, $0xC;
	[tilespmem:s18], [sflag:$0x4] =	stream.linear.gather [hbm4b:s16+s2], $0x80, $0x38;
	[tilespmem:$0x16400] =	vst v63  }
0x1cf: {  	s31 =	sand.u32 $0x1FFFFFF0, s28;
	s28 =	spop (v2sf);
	s29 =	sadd.s32 s3, s25  }
0x1d0: {  	(v2sf) =	vpush v0, $0xD;
	[tilespmem:s26], [sflag:$0x4] =	stream.linear.gather [hbm4b:s29+s2], $0x80, $0x38;
	[tilespmem:$0x16400] =	vst v63  }
0x1d1: {  	s16 =	sadd.s32 s3, s31;
	s18 =	sand.u32 $0x1FFFFFF0, s28;
	s30 =	spop (v2sf)  }
0x1d2: {  	[tilespmem:s14], [sflag:$0x4] =	stream.linear.gather [hbm4b:s16+s2], $0x80, $0x38;
	[tilespmem:$0x16400] =	vst v63  }
0x1d3: {  	s18 =	sadd.s32 s3, s18;
	s31 =	sand.u32 $0x1FFFFFF0, s30;
	s20 =	spop (v2sf)  }
0x1d4: {  	(v2sf) =	vpush v0, $0xE;
	[tilespmem:s10], [sflag:$0x4] =	stream.linear.gather [hbm4b:s18+s2], $0x80, $0x38;
	[tilespmem:$0x16400] =	vst v63  }
0x1d5: {  	s25 =	sand.u32 $0x1FFFFFF0, s20;
	s26 =	spop (v2sf);
	s14 =	sadd.s32 s3, s31  }
0x1d6: {  	(v2sf) =	vpush v0, $0xF;
	[tilespmem:s15], [sflag:$0x4] =	stream.linear.gather [hbm4b:s14+s2], $0x80, $0x38;
	[tilespmem:$0x16400] =	vst v63  }
0x1d7: {  	s28 =	sand.u32 $0x1FFFFFF0, s26;
	s10 =	sadd.s32 s3, s25;
	s29 =	spop (v2sf)  }
0x1d8: {  	[tilespmem:s8], [sflag:$0x4] =	stream.linear.gather [hbm4b:s10+s2], $0x80, $0x38;
	[tilespmem:$0x16400] =	vst v63  }
0x1d9: {  	s14 =	sadd.s32 s3, s28;
	s30 =	sand.u32 $0x1FFFFFF0, s29;
	s31 =	spop (v2sf)  }
0x1da: {  	[tilespmem:s12], [sflag:$0x4] =	stream.linear.gather [hbm4b:s14+s2], $0x80, $0x38;
	[tilespmem:$0x16400] =	vst v63  }
0x1db: {  	s10 =	sand.u32 $0x1FFFFFF0, s31;
	s8 =	sadd.s32 s3, s30;
	s14 =	spop (v2sf)  }
0x1dc: {  	[tilespmem:s7], [sflag:$0x4] =	stream.linear.gather [hbm4b:s8+s2], $0x80, $0x38;
	[tilespmem:$0x16400] =	vst v63  }
0x1dd: {  	s10 =	sadd.s32 s3, s10;
	s15 =	sand.u32 $0x1FFFFFF0, s14;
	s16 =	spop (v2sf)  }
0x1de: {  	[tilespmem:s13], [sflag:$0x4] =	stream.linear.gather [hbm4b:s10+s2], $0x80, $0x38;
	[tilespmem:$0x16400] =	vst v63  }
0x1df: {  	s7 =	sadd.s32 s3, s15;
	s8 =	sand.u32 $0x1FFFFFF0, s16;
	s18 =	spop (v2sf)  }
0x1e0: {  	[tilespmem:s5], [sflag:$0x4] =	stream.linear.gather [hbm4b:s7+s2], $0x80, $0x38;
	[tilespmem:$0x16400] =	vst v63  }
0x1e1: {  	s0 =	sadd.s32 $0x12A00, s24;
	s20 =	sand.u32 $0x1FFFFFF0, s18;
	s8 =	sadd.s32 s3, s8  }
0x1e2: {  	[tilespmem:s0], [sflag:$0x4] =	stream.linear.gather [hbm4b:s8+s2], $0x80, $0x38;
	[tilespmem:$0x16400] =	vst v63  }
0x1e3: {  	s1 =	sadd.s32 $0x12A80, s24;
	s25 =	spop (v2sf);
	s5 =	sadd.s32 s3, s20  }
0x1e4: {  	[tilespmem:s1], [sflag:$0x4] =	stream.linear.gather [hbm4b:s5+s2], $0x80, $0x38;
	[tilespmem:$0x16400] =	vst v63  }
.Ltmp11:
0x1e5: {  	s26 =	sand.u32 $0x1FFFFFF0, s25;
	s28 =	spop (v2sf);
	(pc) =	sbr.rel .LBB2_27-.Ltmp11, $4  }
0x1e6: {  	s30 =	sadd.s32 $0x12B00, s24;
	s29 =	sand.u32 $0x1FFFFFF0, s28;
	s0 =	sadd.s32 s3, s26  }
0x1e7: {  	[tilespmem:s30], [sflag:$0x4] =	stream.linear.gather [hbm4b:s0+s2], $0x80, $0x38;
	[tilespmem:$0x16400] =	vst v63  }
0x1e8: {  	s31 =	sadd.s32 $0x12B80, s24;
	s1 =	sadd.s32 s3, s29  }
0x1e9: {  	[tilespmem:s31], [sflag:$0x4] =	stream.linear.gather [hbm4b:s1+s2], $0x80, $0x38;
	[tilespmem:$0x16400] =	vst v63  }
.LBB2_22:
0x1ea: {  	p1 =	seq.s32 s0, $0x2  }
.Ltmp12:
0x1eb: {  	_ = 	snop;
	(pc) =	sbr.rel @!p1 .LBB2_23-.Ltmp12, $3  }
0x1ec: {  	_ =	sdelay $0x1  }
0x1ed: {  	s31 =	sshll.u32 s22, $0xE  }
0x1ee: {  	p0 =	sgt.u32 s22, $0xC4;
	s0 =	sadd.s32 s6, s31  }
.Ltmp13:
0x1ef: {  	(pc) =	sbr.rel @p0 .LBB2_27-.Ltmp13, $4  }
0x1f0: {  	_ =	swait.ge [sflag:s17], $0x4000  }
0x1f1: {  	s0 =	sshrl.u32 s0, $0x3;
	[sflag:s17] =	ssyncset.done $0x0  }
0x1f2: {  	s1 =	simm.s32 $0xE400;
	s0 =	sadd.s32 s4, s0;
	[sflag:s17] =	ssyncadd.s32 $0xFFFFC000  }
0x1f3: {  	[hbm4b:s0+s2] =	stream.linear.scatter [tilespmem:s1], [sflag:$0x7], $0x4000, $0x38;
	[tilespmem:$0x16400] =	vst v63  }
0x1f4: {  	p0 =	seq.s32 s22, $0x0  }
0x1f5: {  	s0 =	simm.s32 @!p0 $0x6  }
0x1f6: {  	_ =	swait.ge @!p0 [sflag:s0], $0x4000  }
0x1f7: {  	[sflag:s0] =	ssyncset.done @!p0 $0x0  }
0x1f8: {  	[sflag:s0] =	ssyncadd.s32 @!p0 $0xFFFFC000  }
0x1f9: {  	v0 =	vld [tilespmem:s23+$0x0];
	_ =	sdelay $0x4  }
0x1fa: {  	v0 =	vshll.u32 v0, $0x4  }
0x1fb: {  	(v2sf) =	vpush v0, $0x0  }
0x1fc: {  	(v2sf) =	vpush v0, $0x1  }
0x1fd: {  	(v2sf) =	vpush v0, $0x2;
	_ =	sdelay $0x1  }
0x1fe: {  	(v2sf) =	vpush v0, $0x4;
	_ =	sdelay $0x1  }
0x1ff: {  	(v2sf) =	vpush v0, $0x3  }
0x200: {  	(v2sf) =	vpush v0, $0x5  }
0x201: {  	s25 =	simm.s32 $0x2000;
	s24 =	simm.s32 $0x0;
	s26 =	smov.u32 s23;
	(v2sf) =	vpush v0, $0x6  }
.LBB2_20:
0x202: {  	p0 =	seq.s32 s25, $0xE000  }
0x203: {  	s10 =	sadd.s32 $0xA480, s24;
	s31 =	sadd.s32 $0xA980, s24;
	s28 =	smov.u32 s25  }
0x204: {  	s25 =	sadd.s32 $0x2000, s25;
	s5 =	sadd.s32 $0xA780, s24;
	s29 =	sadd.s32 $0xAA00, s24;
	(v2sf) =	vpush v0, $0x7  }
0x205: {  	s8 =	sadd.s32 $0xA680, s24;
	s1 =	sadd.s32 $0xA800, s24;
	s30 =	sadd.s32 $0xAA80, s24  }
0x206: {  	s12 =	sadd.s32 $0xA400, s24;
	s13 =	sadd.s32 $0xA600, s24;
	(v2sf) =	vpush v0, $0x8  }
0x207: {  	s14 =	sadd.s32 $0xA700, s24;
	s26 =	sadd.s32 $0x10, s26  }
0x208: {  	s15 =	sadd.s32 $0xA500, s24;
	s0 =	sadd.s32 $0xA900, s24;
	s7 =	spop (v2sf);
	(v2sf) =	vpush v0, $0x9  }
0x209: {  	s16 =	sand.u32 $0x1FFFFFF0, s7;
	s7 =	sadd.s32 $0xA880, s24;
	s18 =	spop (v2sf)  }
0x20a: {  	s16 =	sadd.s32 s3, s16;
	s18 =	sand.u32 $0x1FFFFFF0, s18;
	s20 =	spop (v2sf);
	(v2sf) =	vpush v0, $0xA  }
0x20b: {  	[tilespmem:s12], [sflag:$0x2] =	stream.linear.gather [hbm4b:s16+s2], $0x80, $0x38;
	[tilespmem:$0x16400] =	vst v63  }
0x20c: {  	s12 =	sadd.s32 s3, s18;
	s16 =	sadd.s32 $0xA580, s24;
	s18 =	spop (v2sf);
	(v2sf) =	vpush v0, $0xB  }
0x20d: {  	[tilespmem:s10], [sflag:$0x2] =	stream.linear.gather [hbm4b:s12+s2], $0x80, $0x38;
	[tilespmem:$0x16400] =	vst v63  }
0x20e: {  	s10 =	sand.u32 $0x1FFFFFF0, s20;
	s12 =	sand.u32 $0x1FFFFFF0, s18;
	s18 =	spop (v2sf);
	(v2sf) =	vpush v0, $0xC  }
0x20f: {  	s10 =	sadd.s32 s3, s10;
	s18 =	sand.u32 $0x1FFFFFF0, s18;
	s20 =	spop (v2sf)  }
0x210: {  	[tilespmem:s15], [sflag:$0x2] =	stream.linear.gather [hbm4b:s10+s2], $0x80, $0x38;
	(v2sf) =	vpush v0, $0xD;
	[tilespmem:$0x16400] =	vst v63  }
0x211: {  	s10 =	sadd.s32 s3, s18;
	s15 =	sand.u32 $0x1FFFFFF0, s20;
	s18 =	spop (v2sf)  }
0x212: {  	[tilespmem:s16], [sflag:$0x2] =	stream.linear.gather [hbm4b:s10+s2], $0x80, $0x38;
	(v2sf) =	vpush v0, $0xE;
	[tilespmem:$0x16400] =	vst v63  }
0x213: {  	s10 =	sadd.s32 s3, s12;
	s12 =	sand.u32 $0x1FFFFFF0, s18;
	s16 =	spop (v2sf)  }
0x214: {  	[tilespmem:s13], [sflag:$0x2] =	stream.linear.gather [hbm4b:s10+s2], $0x80, $0x38;
	(v2sf) =	vpush v0, $0xF;
	[tilespmem:$0x16400] =	vst v63  }
0x215: {  	s10 =	sadd.s32 s3, s15;
	s13 =	sand.u32 $0x1FFFFFF0, s16;
	s15 =	spop (v2sf)  }
0x216: {  	[tilespmem:s8], [sflag:$0x2] =	stream.linear.gather [hbm4b:s10+s2], $0x80, $0x38;
	[tilespmem:$0x16400] =	vst v63  }
0x217: {  	s8 =	sadd.s32 s3, s12;
	s10 =	sand.u32 $0x1FFFFFF0, s15;
	s12 =	spop (v2sf)  }
0x218: {  	[tilespmem:s14], [sflag:$0x2] =	stream.linear.gather [hbm4b:s8+s2], $0x80, $0x38;
	[tilespmem:$0x16400] =	vst v63  }
0x219: {  	s8 =	sadd.s32 s3, s13;
	s12 =	sand.u32 $0x1FFFFFF0, s12;
	s13 =	spop (v2sf)  }
0x21a: {  	[tilespmem:s5], [sflag:$0x2] =	stream.linear.gather [hbm4b:s8+s2], $0x80, $0x38;
	[tilespmem:$0x16400] =	vst v63  }
0x21b: {  	s5 =	sadd.s32 s3, s10;
	s8 =	sand.u32 $0x1FFFFFF0, s13;
	s10 =	spop (v2sf)  }
0x21c: {  	[tilespmem:s1], [sflag:$0x2] =	stream.linear.gather [hbm4b:s5+s2], $0x80, $0x38;
	[tilespmem:$0x16400] =	vst v63  }
0x21d: {  	s1 =	sadd.s32 s3, s12;
	s5 =	sand.u32 $0x1FFFFFF0, s10;
	s10 =	spop (v2sf)  }
0x21e: {  	[tilespmem:s7], [sflag:$0x2] =	stream.linear.gather [hbm4b:s1+s2], $0x80, $0x38;
	[tilespmem:$0x16400] =	vst v63  }
0x21f: {  	s1 =	sadd.s32 s3, s8;
	s7 =	sand.u32 $0x1FFFFFF0, s10;
	s8 =	spop (v2sf)  }
0x220: {  	[tilespmem:s0], [sflag:$0x2] =	stream.linear.gather [hbm4b:s1+s2], $0x80, $0x38;
	[tilespmem:$0x16400] =	vst v63  }
0x221: {  	s0 =	sadd.s32 s3, s5;
	s1 =	sand.u32 $0x1FFFFFF0, s8;
	s5 =	spop (v2sf)  }
0x222: {  	[tilespmem:s31], [sflag:$0x2] =	stream.linear.gather [hbm4b:s0+s2], $0x80, $0x38;
	[tilespmem:$0x16400] =	vst v63  }
0x223: {  	s0 =	sadd.s32 s3, s7;
	s5 =	sand.u32 $0x1FFFFFF0, s5;
	s7 =	spop (v2sf)  }
0x224: {  	[tilespmem:s29], [sflag:$0x2] =	stream.linear.gather [hbm4b:s0+s2], $0x80, $0x38;
	[tilespmem:$0x16400] =	vst v63  }
0x225: {  	s0 =	sadd.s32 s3, s1;
	s1 =	sand.u32 $0x1FFFFFF0, s7  }
0x226: {  	[tilespmem:s30], [sflag:$0x2] =	stream.linear.gather [hbm4b:s0+s2], $0x80, $0x38;
	[tilespmem:$0x16400] =	vst v63  }
0x227: {  	s5 =	sadd.s32 s3, s5;
	s0 =	sadd.s32 $0xAB00, s24  }
0x228: {  	[tilespmem:s0], [sflag:$0x2] =	stream.linear.gather [hbm4b:s5+s2], $0x80, $0x38;
	[tilespmem:$0x16400] =	vst v63  }
0x229: {  	s1 =	sadd.s32 s3, s1;
	s0 =	sadd.s32 $0xAB80, s24  }
0x22a: {  	[tilespmem:s0], [sflag:$0x2] =	stream.linear.gather [hbm4b:s1+s2], $0x80, $0x38;
	[tilespmem:$0x16400] =	vst v63  }
0x22b: {  	v0 =	vld [tilespmem:s26+$0x0];
	_ =	sdelay $0x4  }
0x22c: {  	v0 =	vshll.u32 v0, $0x4  }
0x22d: {  	(v2sf) =	vpush v0, $0x0  }
0x22e: {  	(v2sf) =	vpush v0, $0x1  }
0x22f: {  	(v2sf) =	vpush v0, $0x2;
	_ =	sdelay $0x1  }
0x230: {  	(v2sf) =	vpush v0, $0x4  }
.Ltmp14:
0x231: {  	(pc) =	sbr.rel @!p0 .LBB2_20-.Ltmp14, $3  }
0x232: {  	(v2sf) =	vpush v0, $0x3  }
0x233: {  	(v2sf) =	vpush v0, $0x5;
	_ =	sdelay $0x1  }
0x234: {  	s24 =	sshra.s32 s28, $0x2;
	(v2sf) =	vpush v0, $0x6  }
0x235: {  	_ =	sdelay $0x2  }
0x236: {  	s7 =	sadd.s32 $0xA480, s24;
	s5 =	sadd.s32 $0xA980, s24;
	s8 =	sadd.s32 $0xA780, s24;
	(v2sf) =	vpush v0, $0x7  }
0x237: {  	s10 =	sadd.s32 $0xA680, s24;
	s12 =	sadd.s32 $0xA800, s24;
	s13 =	sadd.s32 $0xA400, s24  }
0x238: {  	s14 =	sadd.s32 $0xA600, s24;
	s15 =	sadd.s32 $0xA700, s24;
	(v2sf) =	vpush v0, $0x8;
	s16 =	spop (v2sf)  }
0x239: {  	s18 =	sadd.s32 $0xA500, s24;
	s16 =	sand.u32 $0x1FFFFFF0, s16;
	s20 =	spop (v2sf)  }
0x23a: {  	(v2sf) =	vpush v0, $0x9;
	s16 =	sadd.s32 s3, s16;
	s20 =	sand.u32 $0x1FFFFFF0, s20;
	s25 =	spop (v2sf)  }
0x23b: {  	[tilespmem:s13], [sflag:$0x2] =	stream.linear.gather [hbm4b:s16+s2], $0x80, $0x38;
	[tilespmem:$0x16400] =	vst v63  }
0x23c: {  	(v2sf) =	vpush v0, $0xA;
	s26 =	sadd.s32 s3, s20;
	s29 =	sand.u32 $0x1FFFFFF0, s25;
	s28 =	spop (v2sf)  }
0x23d: {  	[tilespmem:s7], [sflag:$0x2] =	stream.linear.gather [hbm4b:s26+s2], $0x80, $0x38;
	[tilespmem:$0x16400] =	vst v63  }
0x23e: {  	s13 =	sadd.s32 $0xA900, s24;
	(v2sf) =	vpush v0, $0xB;
	s16 =	sadd.s32 s3, s29;
	s30 =	spop (v2sf)  }
0x23f: {  	s7 =	sadd.s32 $0xA880, s24;
	s26 =	sadd.s32 $0xA580, s24;
	s25 =	sand.u32 $0x1FFFFFF0, s30  }
0x240: {  	(v2sf) =	vpush v0, $0xC;
	[tilespmem:s18], [sflag:$0x2] =	stream.linear.gather [hbm4b:s16+s2], $0x80, $0x38;
	[tilespmem:$0x16400] =	vst v63  }
0x241: {  	s31 =	sand.u32 $0x1FFFFFF0, s28;
	s28 =	spop (v2sf);
	s29 =	sadd.s32 s3, s25  }
0x242: {  	(v2sf) =	vpush v0, $0xD;
	[tilespmem:s26], [sflag:$0x2] =	stream.linear.gather [hbm4b:s29+s2], $0x80, $0x38;
	[tilespmem:$0x16400] =	vst v63  }
0x243: {  	s16 =	sadd.s32 s3, s31;
	s18 =	sand.u32 $0x1FFFFFF0, s28;
	s30 =	spop (v2sf)  }
0x244: {  	[tilespmem:s14], [sflag:$0x2] =	stream.linear.gather [hbm4b:s16+s2], $0x80, $0x38;
	[tilespmem:$0x16400] =	vst v63  }
0x245: {  	s18 =	sadd.s32 s3, s18;
	s31 =	sand.u32 $0x1FFFFFF0, s30;
	s20 =	spop (v2sf)  }
0x246: {  	(v2sf) =	vpush v0, $0xE;
	[tilespmem:s10], [sflag:$0x2] =	stream.linear.gather [hbm4b:s18+s2], $0x80, $0x38;
	[tilespmem:$0x16400] =	vst v63  }
0x247: {  	s25 =	sand.u32 $0x1FFFFFF0, s20;
	s26 =	spop (v2sf);
	s14 =	sadd.s32 s3, s31  }
0x248: {  	(v2sf) =	vpush v0, $0xF;
	[tilespmem:s15], [sflag:$0x2] =	stream.linear.gather [hbm4b:s14+s2], $0x80, $0x38;
	[tilespmem:$0x16400] =	vst v63  }
0x249: {  	s28 =	sand.u32 $0x1FFFFFF0, s26;
	s10 =	sadd.s32 s3, s25;
	s29 =	spop (v2sf)  }
0x24a: {  	[tilespmem:s8], [sflag:$0x2] =	stream.linear.gather [hbm4b:s10+s2], $0x80, $0x38;
	[tilespmem:$0x16400] =	vst v63  }
0x24b: {  	s14 =	sadd.s32 s3, s28;
	s30 =	sand.u32 $0x1FFFFFF0, s29;
	s31 =	spop (v2sf)  }
0x24c: {  	[tilespmem:s12], [sflag:$0x2] =	stream.linear.gather [hbm4b:s14+s2], $0x80, $0x38;
	[tilespmem:$0x16400] =	vst v63  }
0x24d: {  	s10 =	sand.u32 $0x1FFFFFF0, s31;
	s8 =	sadd.s32 s3, s30;
	s14 =	spop (v2sf)  }
0x24e: {  	[tilespmem:s7], [sflag:$0x2] =	stream.linear.gather [hbm4b:s8+s2], $0x80, $0x38;
	[tilespmem:$0x16400] =	vst v63  }
0x24f: {  	s10 =	sadd.s32 s3, s10;
	s15 =	sand.u32 $0x1FFFFFF0, s14;
	s16 =	spop (v2sf)  }
0x250: {  	[tilespmem:s13], [sflag:$0x2] =	stream.linear.gather [hbm4b:s10+s2], $0x80, $0x38;
	[tilespmem:$0x16400] =	vst v63  }
0x251: {  	s7 =	sadd.s32 s3, s15;
	s8 =	sand.u32 $0x1FFFFFF0, s16;
	s18 =	spop (v2sf)  }
0x252: {  	[tilespmem:s5], [sflag:$0x2] =	stream.linear.gather [hbm4b:s7+s2], $0x80, $0x38;
	[tilespmem:$0x16400] =	vst v63  }
0x253: {  	s0 =	sadd.s32 $0xAA00, s24;
	s20 =	sand.u32 $0x1FFFFFF0, s18;
	s8 =	sadd.s32 s3, s8  }
0x254: {  	[tilespmem:s0], [sflag:$0x2] =	stream.linear.gather [hbm4b:s8+s2], $0x80, $0x38;
	[tilespmem:$0x16400] =	vst v63  }
0x255: {  	s1 =	sadd.s32 $0xAA80, s24;
	s25 =	spop (v2sf);
	s5 =	sadd.s32 s3, s20  }
0x256: {  	[tilespmem:s1], [sflag:$0x2] =	stream.linear.gather [hbm4b:s5+s2], $0x80, $0x38;
	[tilespmem:$0x16400] =	vst v63  }
.Ltmp15:
0x257: {  	s26 =	sand.u32 $0x1FFFFFF0, s25;
	s28 =	spop (v2sf);
	(pc) =	sbr.rel .LBB2_27-.Ltmp15, $4  }
0x258: {  	s30 =	sadd.s32 $0xAB00, s24;
	s29 =	sand.u32 $0x1FFFFFF0, s28;
	s0 =	sadd.s32 s3, s26  }
0x259: {  	[tilespmem:s30], [sflag:$0x2] =	stream.linear.gather [hbm4b:s0+s2], $0x80, $0x38;
	[tilespmem:$0x16400] =	vst v63  }
0x25a: {  	s31 =	sadd.s32 $0xAB80, s24;
	s1 =	sadd.s32 s3, s29  }
0x25b: {  	[tilespmem:s31], [sflag:$0x2] =	stream.linear.gather [hbm4b:s1+s2], $0x80, $0x38;
	[tilespmem:$0x16400] =	vst v63  }
.LBB2_14:
0x25c: {  	p0 =	sgt.u32 s22, $0xC4  }
.Ltmp16:
0x25d: {  	s0 =	sshll.u32 s22, $0xE;
	(pc) =	sbr.rel @p0 .LBB2_27-.Ltmp16, $4  }
0x25e: {  	_ =	swait.ge [sflag:s11], $0x4000;
	s0 =	sadd.s32 s6, s0  }
0x25f: {  	[sflag:s11] =	ssyncset.done $0x0;
	s0 =	sshrl.u32 s0, $0x3  }
0x260: {  	s1 =	simm.s32 $0xA400;
	[sflag:s11] =	ssyncadd.s32 $0xFFFFC000;
	s0 =	sadd.s32 s4, s0  }
0x261: {  	[hbm4b:s0+s2] =	stream.linear.scatter [tilespmem:s1], [sflag:$0x6], $0x4000, $0x38;
	[tilespmem:$0x16400] =	vst v63  }
0x262: {  	p0 =	seq.s32 s22, $0x0  }
0x263: {  	s0 =	simm.s32 @!p0 $0x5  }
0x264: {  	_ =	swait.ge @!p0 [sflag:s0], $0x4000  }
0x265: {  	[sflag:s0] =	ssyncset.done @!p0 $0x0  }
0x266: {  	[sflag:s0] =	ssyncadd.s32 @!p0 $0xFFFFC000  }
0x267: {  	v0 =	vld [tilespmem:s23+$0x0];
	_ =	sdelay $0x4  }
0x268: {  	v0 =	vshll.u32 v0, $0x4  }
0x269: {  	(v2sf) =	vpush v0, $0x0  }
0x26a: {  	(v2sf) =	vpush v0, $0x1  }
0x26b: {  	(v2sf) =	vpush v0, $0x2;
	_ =	sdelay $0x1  }
0x26c: {  	(v2sf) =	vpush v0, $0x4;
	_ =	sdelay $0x1  }
0x26d: {  	(v2sf) =	vpush v0, $0x3  }
0x26e: {  	(v2sf) =	vpush v0, $0x5  }
0x26f: {  	s25 =	simm.s32 $0x2000;
	s24 =	simm.s32 $0x0;
	s26 =	smov.u32 s23;
	(v2sf) =	vpush v0, $0x6  }
.LBB2_16:
0x270: {  	p0 =	seq.s32 s25, $0xE000  }
0x271: {  	s10 =	sadd.s32 $0x6480, s24;
	s31 =	sadd.s32 $0x6980, s24;
	s28 =	smov.u32 s25  }
0x272: {  	s25 =	sadd.s32 $0x2000, s25;
	s5 =	sadd.s32 $0x6780, s24;
	s29 =	sadd.s32 $0x6A00, s24;
	(v2sf) =	vpush v0, $0x7  }
0x273: {  	s8 =	sadd.s32 $0x6680, s24;
	s1 =	sadd.s32 $0x6800, s24;
	s30 =	sadd.s32 $0x6A80, s24  }
0x274: {  	s12 =	sadd.s32 $0x6400, s24;
	s13 =	sadd.s32 $0x6600, s24;
	(v2sf) =	vpush v0, $0x8  }
0x275: {  	s14 =	sadd.s32 $0x6700, s24;
	s26 =	sadd.s32 $0x10, s26  }
0x276: {  	s15 =	sadd.s32 $0x6500, s24;
	s0 =	sadd.s32 $0x6900, s24;
	s7 =	spop (v2sf);
	(v2sf) =	vpush v0, $0x9  }
0x277: {  	s16 =	sand.u32 $0x1FFFFFF0, s7;
	s7 =	sadd.s32 $0x6880, s24;
	s18 =	spop (v2sf)  }
0x278: {  	s16 =	sadd.s32 s3, s16;
	s18 =	sand.u32 $0x1FFFFFF0, s18;
	s20 =	spop (v2sf);
	(v2sf) =	vpush v0, $0xA  }
0x279: {  	[tilespmem:s12], [sflag:$0x1] =	stream.linear.gather [hbm4b:s16+s2], $0x80, $0x38;
	[tilespmem:$0x16400] =	vst v63  }
0x27a: {  	s12 =	sadd.s32 s3, s18;
	s16 =	sadd.s32 $0x6580, s24;
	s18 =	spop (v2sf);
	(v2sf) =	vpush v0, $0xB  }
0x27b: {  	[tilespmem:s10], [sflag:$0x1] =	stream.linear.gather [hbm4b:s12+s2], $0x80, $0x38;
	[tilespmem:$0x16400] =	vst v63  }
0x27c: {  	s10 =	sand.u32 $0x1FFFFFF0, s20;
	s12 =	sand.u32 $0x1FFFFFF0, s18;
	s18 =	spop (v2sf);
	(v2sf) =	vpush v0, $0xC  }
0x27d: {  	s10 =	sadd.s32 s3, s10;
	s18 =	sand.u32 $0x1FFFFFF0, s18;
	s20 =	spop (v2sf)  }
0x27e: {  	[tilespmem:s15], [sflag:$0x1] =	stream.linear.gather [hbm4b:s10+s2], $0x80, $0x38;
	(v2sf) =	vpush v0, $0xD;
	[tilespmem:$0x16400] =	vst v63  }
0x27f: {  	s10 =	sadd.s32 s3, s18;
	s15 =	sand.u32 $0x1FFFFFF0, s20;
	s18 =	spop (v2sf)  }
0x280: {  	[tilespmem:s16], [sflag:$0x1] =	stream.linear.gather [hbm4b:s10+s2], $0x80, $0x38;
	(v2sf) =	vpush v0, $0xE;
	[tilespmem:$0x16400] =	vst v63  }
0x281: {  	s10 =	sadd.s32 s3, s12;
	s12 =	sand.u32 $0x1FFFFFF0, s18;
	s16 =	spop (v2sf)  }
0x282: {  	[tilespmem:s13], [sflag:$0x1] =	stream.linear.gather [hbm4b:s10+s2], $0x80, $0x38;
	(v2sf) =	vpush v0, $0xF;
	[tilespmem:$0x16400] =	vst v63  }
0x283: {  	s10 =	sadd.s32 s3, s15;
	s13 =	sand.u32 $0x1FFFFFF0, s16;
	s15 =	spop (v2sf)  }
0x284: {  	[tilespmem:s8], [sflag:$0x1] =	stream.linear.gather [hbm4b:s10+s2], $0x80, $0x38;
	[tilespmem:$0x16400] =	vst v63  }
0x285: {  	s8 =	sadd.s32 s3, s12;
	s10 =	sand.u32 $0x1FFFFFF0, s15;
	s12 =	spop (v2sf)  }
0x286: {  	[tilespmem:s14], [sflag:$0x1] =	stream.linear.gather [hbm4b:s8+s2], $0x80, $0x38;
	[tilespmem:$0x16400] =	vst v63  }
0x287: {  	s8 =	sadd.s32 s3, s13;
	s12 =	sand.u32 $0x1FFFFFF0, s12;
	s13 =	spop (v2sf)  }
0x288: {  	[tilespmem:s5], [sflag:$0x1] =	stream.linear.gather [hbm4b:s8+s2], $0x80, $0x38;
	[tilespmem:$0x16400] =	vst v63  }
0x289: {  	s5 =	sadd.s32 s3, s10;
	s8 =	sand.u32 $0x1FFFFFF0, s13;
	s10 =	spop (v2sf)  }
0x28a: {  	[tilespmem:s1], [sflag:$0x1] =	stream.linear.gather [hbm4b:s5+s2], $0x80, $0x38;
	[tilespmem:$0x16400] =	vst v63  }
0x28b: {  	s1 =	sadd.s32 s3, s12;
	s5 =	sand.u32 $0x1FFFFFF0, s10;
	s10 =	spop (v2sf)  }
0x28c: {  	[tilespmem:s7], [sflag:$0x1] =	stream.linear.gather [hbm4b:s1+s2], $0x80, $0x38;
	[tilespmem:$0x16400] =	vst v63  }
0x28d: {  	s1 =	sadd.s32 s3, s8;
	s7 =	sand.u32 $0x1FFFFFF0, s10;
	s8 =	spop (v2sf)  }
0x28e: {  	[tilespmem:s0], [sflag:$0x1] =	stream.linear.gather [hbm4b:s1+s2], $0x80, $0x38;
	[tilespmem:$0x16400] =	vst v63  }
0x28f: {  	s0 =	sadd.s32 s3, s5;
	s1 =	sand.u32 $0x1FFFFFF0, s8;
	s5 =	spop (v2sf)  }
0x290: {  	[tilespmem:s31], [sflag:$0x1] =	stream.linear.gather [hbm4b:s0+s2], $0x80, $0x38;
	[tilespmem:$0x16400] =	vst v63  }
0x291: {  	s0 =	sadd.s32 s3, s7;
	s5 =	sand.u32 $0x1FFFFFF0, s5;
	s7 =	spop (v2sf)  }
0x292: {  	[tilespmem:s29], [sflag:$0x1] =	stream.linear.gather [hbm4b:s0+s2], $0x80, $0x38;
	[tilespmem:$0x16400] =	vst v63  }
0x293: {  	s0 =	sadd.s32 s3, s1;
	s1 =	sand.u32 $0x1FFFFFF0, s7  }
0x294: {  	[tilespmem:s30], [sflag:$0x1] =	stream.linear.gather [hbm4b:s0+s2], $0x80, $0x38;
	[tilespmem:$0x16400] =	vst v63  }
0x295: {  	s5 =	sadd.s32 s3, s5;
	s0 =	sadd.s32 $0x6B00, s24  }
0x296: {  	[tilespmem:s0], [sflag:$0x1] =	stream.linear.gather [hbm4b:s5+s2], $0x80, $0x38;
	[tilespmem:$0x16400] =	vst v63  }
0x297: {  	s1 =	sadd.s32 s3, s1;
	s0 =	sadd.s32 $0x6B80, s24  }
0x298: {  	[tilespmem:s0], [sflag:$0x1] =	stream.linear.gather [hbm4b:s1+s2], $0x80, $0x38;
	[tilespmem:$0x16400] =	vst v63  }
0x299: {  	v0 =	vld [tilespmem:s26+$0x0];
	_ =	sdelay $0x4  }
0x29a: {  	v0 =	vshll.u32 v0, $0x4  }
0x29b: {  	(v2sf) =	vpush v0, $0x0  }
0x29c: {  	(v2sf) =	vpush v0, $0x1  }
0x29d: {  	(v2sf) =	vpush v0, $0x2;
	_ =	sdelay $0x1  }
0x29e: {  	(v2sf) =	vpush v0, $0x4  }
.Ltmp17:
0x29f: {  	(pc) =	sbr.rel @!p0 .LBB2_16-.Ltmp17, $3  }
0x2a0: {  	(v2sf) =	vpush v0, $0x3  }
0x2a1: {  	(v2sf) =	vpush v0, $0x5;
	_ =	sdelay $0x1  }
0x2a2: {  	s24 =	sshra.s32 s28, $0x2;
	(v2sf) =	vpush v0, $0x6  }
0x2a3: {  	_ =	sdelay $0x2  }
0x2a4: {  	s7 =	sadd.s32 $0x6480, s24;
	s5 =	sadd.s32 $0x6980, s24;
	s8 =	sadd.s32 $0x6780, s24;
	(v2sf) =	vpush v0, $0x7  }
0x2a5: {  	s10 =	sadd.s32 $0x6680, s24;
	s12 =	sadd.s32 $0x6800, s24;
	s13 =	sadd.s32 $0x6400, s24  }
0x2a6: {  	s14 =	sadd.s32 $0x6600, s24;
	s15 =	sadd.s32 $0x6700, s24;
	(v2sf) =	vpush v0, $0x8;
	s16 =	spop (v2sf)  }
0x2a7: {  	s18 =	sadd.s32 $0x6500, s24;
	s16 =	sand.u32 $0x1FFFFFF0, s16;
	s20 =	spop (v2sf)  }
0x2a8: {  	(v2sf) =	vpush v0, $0x9;
	s16 =	sadd.s32 s3, s16;
	s20 =	sand.u32 $0x1FFFFFF0, s20;
	s25 =	spop (v2sf)  }
0x2a9: {  	[tilespmem:s13], [sflag:$0x1] =	stream.linear.gather [hbm4b:s16+s2], $0x80, $0x38;
	[tilespmem:$0x16400] =	vst v63  }
0x2aa: {  	(v2sf) =	vpush v0, $0xA;
	s26 =	sadd.s32 s3, s20;
	s29 =	sand.u32 $0x1FFFFFF0, s25;
	s28 =	spop (v2sf)  }
0x2ab: {  	[tilespmem:s7], [sflag:$0x1] =	stream.linear.gather [hbm4b:s26+s2], $0x80, $0x38;
	[tilespmem:$0x16400] =	vst v63  }
0x2ac: {  	s13 =	sadd.s32 $0x6900, s24;
	(v2sf) =	vpush v0, $0xB;
	s16 =	sadd.s32 s3, s29;
	s30 =	spop (v2sf)  }
0x2ad: {  	s7 =	sadd.s32 $0x6880, s24;
	s26 =	sadd.s32 $0x6580, s24;
	s25 =	sand.u32 $0x1FFFFFF0, s30  }
0x2ae: {  	(v2sf) =	vpush v0, $0xC;
	[tilespmem:s18], [sflag:$0x1] =	stream.linear.gather [hbm4b:s16+s2], $0x80, $0x38;
	[tilespmem:$0x16400] =	vst v63  }
0x2af: {  	s31 =	sand.u32 $0x1FFFFFF0, s28;
	s28 =	spop (v2sf);
	s29 =	sadd.s32 s3, s25  }
0x2b0: {  	(v2sf) =	vpush v0, $0xD;
	[tilespmem:s26], [sflag:$0x1] =	stream.linear.gather [hbm4b:s29+s2], $0x80, $0x38;
	[tilespmem:$0x16400] =	vst v63  }
0x2b1: {  	s16 =	sadd.s32 s3, s31;
	s18 =	sand.u32 $0x1FFFFFF0, s28;
	s30 =	spop (v2sf)  }
0x2b2: {  	[tilespmem:s14], [sflag:$0x1] =	stream.linear.gather [hbm4b:s16+s2], $0x80, $0x38;
	[tilespmem:$0x16400] =	vst v63  }
0x2b3: {  	s18 =	sadd.s32 s3, s18;
	s31 =	sand.u32 $0x1FFFFFF0, s30;
	s20 =	spop (v2sf)  }
0x2b4: {  	(v2sf) =	vpush v0, $0xE;
	[tilespmem:s10], [sflag:$0x1] =	stream.linear.gather [hbm4b:s18+s2], $0x80, $0x38;
	[tilespmem:$0x16400] =	vst v63  }
0x2b5: {  	s25 =	sand.u32 $0x1FFFFFF0, s20;
	s26 =	spop (v2sf);
	s14 =	sadd.s32 s3, s31  }
0x2b6: {  	(v2sf) =	vpush v0, $0xF;
	[tilespmem:s15], [sflag:$0x1] =	stream.linear.gather [hbm4b:s14+s2], $0x80, $0x38;
	[tilespmem:$0x16400] =	vst v63  }
0x2b7: {  	s28 =	sand.u32 $0x1FFFFFF0, s26;
	s10 =	sadd.s32 s3, s25;
	s29 =	spop (v2sf)  }
0x2b8: {  	[tilespmem:s8], [sflag:$0x1] =	stream.linear.gather [hbm4b:s10+s2], $0x80, $0x38;
	[tilespmem:$0x16400] =	vst v63  }
0x2b9: {  	s14 =	sadd.s32 s3, s28;
	s30 =	sand.u32 $0x1FFFFFF0, s29;
	s31 =	spop (v2sf)  }
0x2ba: {  	[tilespmem:s12], [sflag:$0x1] =	stream.linear.gather [hbm4b:s14+s2], $0x80, $0x38;
	[tilespmem:$0x16400] =	vst v63  }
0x2bb: {  	s10 =	sand.u32 $0x1FFFFFF0, s31;
	s8 =	sadd.s32 s3, s30;
	s14 =	spop (v2sf)  }
0x2bc: {  	[tilespmem:s7], [sflag:$0x1] =	stream.linear.gather [hbm4b:s8+s2], $0x80, $0x38;
	[tilespmem:$0x16400] =	vst v63  }
0x2bd: {  	s10 =	sadd.s32 s3, s10;
	s15 =	sand.u32 $0x1FFFFFF0, s14;
	s16 =	spop (v2sf)  }
0x2be: {  	[tilespmem:s13], [sflag:$0x1] =	stream.linear.gather [hbm4b:s10+s2], $0x80, $0x38;
	[tilespmem:$0x16400] =	vst v63  }
0x2bf: {  	s7 =	sadd.s32 s3, s15;
	s8 =	sand.u32 $0x1FFFFFF0, s16;
	s18 =	spop (v2sf)  }
0x2c0: {  	[tilespmem:s5], [sflag:$0x1] =	stream.linear.gather [hbm4b:s7+s2], $0x80, $0x38;
	[tilespmem:$0x16400] =	vst v63  }
0x2c1: {  	s0 =	sadd.s32 $0x6A00, s24;
	s20 =	sand.u32 $0x1FFFFFF0, s18;
	s8 =	sadd.s32 s3, s8  }
0x2c2: {  	[tilespmem:s0], [sflag:$0x1] =	stream.linear.gather [hbm4b:s8+s2], $0x80, $0x38;
	[tilespmem:$0x16400] =	vst v63  }
0x2c3: {  	s1 =	sadd.s32 $0x6A80, s24;
	s25 =	spop (v2sf);
	s5 =	sadd.s32 s3, s20  }
0x2c4: {  	[tilespmem:s1], [sflag:$0x1] =	stream.linear.gather [hbm4b:s5+s2], $0x80, $0x38;
	[tilespmem:$0x16400] =	vst v63  }
.Ltmp18:
0x2c5: {  	s26 =	sand.u32 $0x1FFFFFF0, s25;
	s28 =	spop (v2sf);
	(pc) =	sbr.rel .LBB2_27-.Ltmp18, $4  }
0x2c6: {  	s30 =	sadd.s32 $0x6B00, s24;
	s29 =	sand.u32 $0x1FFFFFF0, s28;
	s0 =	sadd.s32 s3, s26  }
0x2c7: {  	[tilespmem:s30], [sflag:$0x1] =	stream.linear.gather [hbm4b:s0+s2], $0x80, $0x38;
	[tilespmem:$0x16400] =	vst v63  }
0x2c8: {  	s31 =	sadd.s32 $0x6B80, s24;
	s1 =	sadd.s32 s3, s29  }
0x2c9: {  	[tilespmem:s31], [sflag:$0x1] =	stream.linear.gather [hbm4b:s1+s2], $0x80, $0x38;
	[tilespmem:$0x16400] =	vst v63  }
.LBB2_23:
.Ltmp19:
0x2ca: {  	(pc) =	sbr.rel @p0 .LBB2_27-.Ltmp19, $4  }
0x2cb: {  	_ =	swait.ge [sflag:s19], $0x4000  }
0x2cc: {  	s0 =	sshrl.u32 s0, $0x3;
	[sflag:s19] =	ssyncset.done $0x0  }
0x2cd: {  	s1 =	simm.s32 $0x12400;
	s0 =	sadd.s32 s4, s0;
	[sflag:s19] =	ssyncadd.s32 $0xFFFFC000  }
0x2ce: {  	[hbm4b:s0+s2] =	stream.linear.scatter [tilespmem:s1], [sflag:$0x8], $0x4000, $0x38;
	[tilespmem:$0x16400] =	vst v63  }
0x2cf: {  	p0 =	seq.s32 s22, $0x0  }
0x2d0: {  	s0 =	simm.s32 @!p0 $0x7  }
0x2d1: {  	_ =	swait.ge @!p0 [sflag:s0], $0x4000  }
0x2d2: {  	[sflag:s0] =	ssyncset.done @!p0 $0x0  }
0x2d3: {  	[sflag:s0] =	ssyncadd.s32 @!p0 $0xFFFFC000  }
0x2d4: {  	v0 =	vld [tilespmem:s23+$0x0];
	_ =	sdelay $0x4  }
0x2d5: {  	v0 =	vshll.u32 v0, $0x4  }
0x2d6: {  	(v2sf) =	vpush v0, $0x0  }
0x2d7: {  	(v2sf) =	vpush v0, $0x1  }
0x2d8: {  	(v2sf) =	vpush v0, $0x2;
	_ =	sdelay $0x1  }
0x2d9: {  	(v2sf) =	vpush v0, $0x4;
	_ =	sdelay $0x1  }
0x2da: {  	(v2sf) =	vpush v0, $0x3  }
0x2db: {  	(v2sf) =	vpush v0, $0x5  }
0x2dc: {  	s25 =	simm.s32 $0x2000;
	s24 =	simm.s32 $0x0;
	s26 =	smov.u32 s23;
	(v2sf) =	vpush v0, $0x6  }
.LBB2_25:
0x2dd: {  	p0 =	seq.s32 s25, $0xE000  }
0x2de: {  	s10 =	sadd.s32 $0xE480, s24;
	s31 =	sadd.s32 $0xE980, s24;
	s28 =	smov.u32 s25  }
0x2df: {  	s25 =	sadd.s32 $0x2000, s25;
	s5 =	sadd.s32 $0xE780, s24;
	s29 =	sadd.s32 $0xEA00, s24;
	(v2sf) =	vpush v0, $0x7  }
0x2e0: {  	s8 =	sadd.s32 $0xE680, s24;
	s1 =	sadd.s32 $0xE800, s24;
	s30 =	sadd.s32 $0xEA80, s24  }
0x2e1: {  	s12 =	sadd.s32 $0xE400, s24;
	s13 =	sadd.s32 $0xE600, s24;
	(v2sf) =	vpush v0, $0x8  }
0x2e2: {  	s14 =	sadd.s32 $0xE700, s24;
	s26 =	sadd.s32 $0x10, s26  }
0x2e3: {  	s15 =	sadd.s32 $0xE500, s24;
	s0 =	sadd.s32 $0xE900, s24;
	s7 =	spop (v2sf);
	(v2sf) =	vpush v0, $0x9  }
0x2e4: {  	s16 =	sand.u32 $0x1FFFFFF0, s7;
	s7 =	sadd.s32 $0xE880, s24;
	s18 =	spop (v2sf)  }
0x2e5: {  	s16 =	sadd.s32 s3, s16;
	s18 =	sand.u32 $0x1FFFFFF0, s18;
	s20 =	spop (v2sf);
	(v2sf) =	vpush v0, $0xA  }
0x2e6: {  	[tilespmem:s12], [sflag:$0x3] =	stream.linear.gather [hbm4b:s16+s2], $0x80, $0x38;
	[tilespmem:$0x16400] =	vst v63  }
0x2e7: {  	s12 =	sadd.s32 s3, s18;
	s16 =	sadd.s32 $0xE580, s24;
	s18 =	spop (v2sf);
	(v2sf) =	vpush v0, $0xB  }
0x2e8: {  	[tilespmem:s10], [sflag:$0x3] =	stream.linear.gather [hbm4b:s12+s2], $0x80, $0x38;
	[tilespmem:$0x16400] =	vst v63  }
0x2e9: {  	s10 =	sand.u32 $0x1FFFFFF0, s20;
	s12 =	sand.u32 $0x1FFFFFF0, s18;
	s18 =	spop (v2sf);
	(v2sf) =	vpush v0, $0xC  }
0x2ea: {  	s10 =	sadd.s32 s3, s10;
	s18 =	sand.u32 $0x1FFFFFF0, s18;
	s20 =	spop (v2sf)  }
0x2eb: {  	[tilespmem:s15], [sflag:$0x3] =	stream.linear.gather [hbm4b:s10+s2], $0x80, $0x38;
	(v2sf) =	vpush v0, $0xD;
	[tilespmem:$0x16400] =	vst v63  }
0x2ec: {  	s10 =	sadd.s32 s3, s18;
	s15 =	sand.u32 $0x1FFFFFF0, s20;
	s18 =	spop (v2sf)  }
0x2ed: {  	[tilespmem:s16], [sflag:$0x3] =	stream.linear.gather [hbm4b:s10+s2], $0x80, $0x38;
	(v2sf) =	vpush v0, $0xE;
	[tilespmem:$0x16400] =	vst v63  }
0x2ee: {  	s10 =	sadd.s32 s3, s12;
	s12 =	sand.u32 $0x1FFFFFF0, s18;
	s16 =	spop (v2sf)  }
0x2ef: {  	[tilespmem:s13], [sflag:$0x3] =	stream.linear.gather [hbm4b:s10+s2], $0x80, $0x38;
	(v2sf) =	vpush v0, $0xF;
	[tilespmem:$0x16400] =	vst v63  }
0x2f0: {  	s10 =	sadd.s32 s3, s15;
	s13 =	sand.u32 $0x1FFFFFF0, s16;
	s15 =	spop (v2sf)  }
0x2f1: {  	[tilespmem:s8], [sflag:$0x3] =	stream.linear.gather [hbm4b:s10+s2], $0x80, $0x38;
	[tilespmem:$0x16400] =	vst v63  }
0x2f2: {  	s8 =	sadd.s32 s3, s12;
	s10 =	sand.u32 $0x1FFFFFF0, s15;
	s12 =	spop (v2sf)  }
0x2f3: {  	[tilespmem:s14], [sflag:$0x3] =	stream.linear.gather [hbm4b:s8+s2], $0x80, $0x38;
	[tilespmem:$0x16400] =	vst v63  }
0x2f4: {  	s8 =	sadd.s32 s3, s13;
	s12 =	sand.u32 $0x1FFFFFF0, s12;
	s13 =	spop (v2sf)  }
0x2f5: {  	[tilespmem:s5], [sflag:$0x3] =	stream.linear.gather [hbm4b:s8+s2], $0x80, $0x38;
	[tilespmem:$0x16400] =	vst v63  }
0x2f6: {  	s5 =	sadd.s32 s3, s10;
	s8 =	sand.u32 $0x1FFFFFF0, s13;
	s10 =	spop (v2sf)  }
0x2f7: {  	[tilespmem:s1], [sflag:$0x3] =	stream.linear.gather [hbm4b:s5+s2], $0x80, $0x38;
	[tilespmem:$0x16400] =	vst v63  }
0x2f8: {  	s1 =	sadd.s32 s3, s12;
	s5 =	sand.u32 $0x1FFFFFF0, s10;
	s10 =	spop (v2sf)  }
0x2f9: {  	[tilespmem:s7], [sflag:$0x3] =	stream.linear.gather [hbm4b:s1+s2], $0x80, $0x38;
	[tilespmem:$0x16400] =	vst v63  }
0x2fa: {  	s1 =	sadd.s32 s3, s8;
	s7 =	sand.u32 $0x1FFFFFF0, s10;
	s8 =	spop (v2sf)  }
0x2fb: {  	[tilespmem:s0], [sflag:$0x3] =	stream.linear.gather [hbm4b:s1+s2], $0x80, $0x38;
	[tilespmem:$0x16400] =	vst v63  }
0x2fc: {  	s0 =	sadd.s32 s3, s5;
	s1 =	sand.u32 $0x1FFFFFF0, s8;
	s5 =	spop (v2sf)  }
0x2fd: {  	[tilespmem:s31], [sflag:$0x3] =	stream.linear.gather [hbm4b:s0+s2], $0x80, $0x38;
	[tilespmem:$0x16400] =	vst v63  }
0x2fe: {  	s0 =	sadd.s32 s3, s7;
	s5 =	sand.u32 $0x1FFFFFF0, s5;
	s7 =	spop (v2sf)  }
0x2ff: {  	[tilespmem:s29], [sflag:$0x3] =	stream.linear.gather [hbm4b:s0+s2], $0x80, $0x38;
	[tilespmem:$0x16400] =	vst v63  }
0x300: {  	s0 =	sadd.s32 s3, s1;
	s1 =	sand.u32 $0x1FFFFFF0, s7  }
0x301: {  	[tilespmem:s30], [sflag:$0x3] =	stream.linear.gather [hbm4b:s0+s2], $0x80, $0x38;
	[tilespmem:$0x16400] =	vst v63  }
0x302: {  	s5 =	sadd.s32 s3, s5;
	s0 =	sadd.s32 $0xEB00, s24  }
0x303: {  	[tilespmem:s0], [sflag:$0x3] =	stream.linear.gather [hbm4b:s5+s2], $0x80, $0x38;
	[tilespmem:$0x16400] =	vst v63  }
0x304: {  	s1 =	sadd.s32 s3, s1;
	s0 =	sadd.s32 $0xEB80, s24  }
0x305: {  	[tilespmem:s0], [sflag:$0x3] =	stream.linear.gather [hbm4b:s1+s2], $0x80, $0x38;
	[tilespmem:$0x16400] =	vst v63  }
0x306: {  	v0 =	vld [tilespmem:s26+$0x0];
	_ =	sdelay $0x4  }
0x307: {  	v0 =	vshll.u32 v0, $0x4  }
0x308: {  	(v2sf) =	vpush v0, $0x0  }
0x309: {  	(v2sf) =	vpush v0, $0x1  }
0x30a: {  	(v2sf) =	vpush v0, $0x2;
	_ =	sdelay $0x1  }
0x30b: {  	(v2sf) =	vpush v0, $0x4  }
.Ltmp20:
0x30c: {  	(pc) =	sbr.rel @!p0 .LBB2_25-.Ltmp20, $3  }
0x30d: {  	(v2sf) =	vpush v0, $0x3  }
0x30e: {  	(v2sf) =	vpush v0, $0x5;
	_ =	sdelay $0x1  }
0x30f: {  	s24 =	sshra.s32 s28, $0x2;
	(v2sf) =	vpush v0, $0x6  }
.Ltmp21:
0x310: {  	_ = 	snop;
	(pc) =	sbr.rel .LBB2_26-.Ltmp21, $1  }
0x311: {  	_ =	sdelay $0x3  }
.LBB2_29:
0x312: {  	_ =	sfence.sel $0x180000  }
0x313: {  	[bflag:$0x0] =	sbarrier.arrive $0xFFFF  }
0x314: {  	_ =	strace $0x90000047  }
0x315: {  	s0 =	stileid.u32;
	[bflag:$0x2] =	sbarrier.arrive $0xFFFF  }
0x316: {  	p0 =	sne.s32 s0, $0x0;
	s0 =	rddreg [dreg:$0x2]  }
0x317: {  	s0 =	sadd.s32 @!p0 $0x100000, s0  }
0x318: {  	[sflag:s0] =	ssyncadd.tile.s32 @!p0 $0x1;
	_ =	shalt  }
.Lfunc_end2:
_tile_overlayer_lowered:
.L_overlay_start_2:
0x319: {  	(tag) =	ssettag $0x2  }
0x31a: {  	s0 =	rddreg [dreg:$0x0];
	s2 =	stileid.u32  }
0x31b: {  	s1 =	rddreg [dreg:$0x1];
	p0 =	sne.s32 s2, $0x0  }
0x31c: {  	s3 =	rddreg [dreg:$0x2];
	[bflag:$0x3] =	sbarrier.arrive $0xFFFF;
	s2 =	simm.s32 @!p0 $0x1C09  }
0x31d: {  	[timem:s3], [sflag:s2] =	dma.local @!p0 [hbm:s0], s1  }
0x31e: {  	s0 =	simm.s32 @!p0 $0x9  }
0x31f: {  	_ =	swait.ge @!p0 [sflag:s0], s1  }
0x320: {  	s1 =	ssub.s32 @!p0 $0x0, s1;
	[sflag:s0] =	ssyncset.done @!p0 $0x0  }
0x321: {  	[sflag:s0] =	ssyncadd.s32 @!p0 s1  }
0x322: {  	[bflag:$0x3] =	sbarrier.arrive $0xFFFF  }
0x323: {  	_ =	shalt  }

</sc_bundles>
